<compile_context>
chip_gen: v7x
topology: tpu7x:2x2x1
jax: 0.10.2.dev20260603
libtpu: 0.0.44.dev20260713+nightly
codegen_flags: <defaults>
</compile_context>

<pallas_src>
import functools

import jax
import jax.numpy as jnp
from jax import lax
from jax.experimental import pallas as pl
from jax.experimental.pallas import tpu as pltpu
from jax.experimental.pallas import tpu_sc as plsc

_N = 10000
_E = 160000
_ANN = 64
_OUT = 128
_N_STEPS = 2
_N_ETYPES = 2
_MAX_SEQ = 4
_NUM_CLS = 10
_B = 64

_NCORES = 2
_NSUB = 16
_NTILES = _NCORES * _NSUB
_CHUNK = 128
_EPT = _E // _NTILES
_NCH = (_EPT + _CHUNK - 1) // _CHUNK
_EPT_PAD = _NCH * _CHUNK
_NPAD = 10240
_DUMP = _N
_ZROWS = _NPAD // _NSUB


_K = 1
_GRP = 2 * _K
_NGRP = _NCH // _GRP


def _sc_body(msg_hbm, gidx_hbm, didx_hbm, zeros_hbm, out_hbm,
             gidx_v, didx_v, rows_a, rows_b, acc_sh,
             sem_ga, sem_gb, sem_sa, sem_sb):
    c = lax.axis_index("c")
    s = lax.axis_index("s")
    wid = c * _NSUB + s
    pltpu.sync_copy(gidx_hbm.at[wid], gidx_v)
    pltpu.sync_copy(didx_hbm.at[wid], didx_v)
    pltpu.sync_copy(zeros_hbm.at[pl.ds(s * _ZROWS, _ZROWS)],
                    acc_sh.at[pl.ds(s * _ZROWS, _ZROWS)])
    plsc.subcore_barrier()

    def grp(i, carry):
        base = i * _GRP
        gath = []
        for p, buf, sem in ((0, rows_a, sem_ga), (1, rows_b, sem_gb)):
            for k in range(_K):
                gath.append(pltpu.async_copy(
                    msg_hbm.at[gidx_v.at[base + p * _K + k]],
                    buf.at[pl.ds(k * _CHUNK, _CHUNK)], sem))
        scat = []
        for p, buf, sem in ((0, rows_a, sem_sa), (1, rows_b, sem_sb)):
            for k in range(_K):
                gath[p * _K + k].wait()
                scat.append(pltpu.async_copy(
                    buf.at[pl.ds(k * _CHUNK, _CHUNK)],
                    acc_sh.at[didx_v.at[base + p * _K + k]], sem, add=True))
        for d in scat:
            d.wait()
        return carry

    lax.fori_loop(0, _NGRP, grp, 0)
    plsc.subcore_barrier()
    pltpu.sync_copy(acc_sh.at[pl.ds(s * _ZROWS, _ZROWS)],
                    out_hbm.at[c, pl.ds(s * _ZROWS, _ZROWS)])


@functools.lru_cache(maxsize=1)
def _sc_scatter_call():
    return pl.kernel(
        _sc_body,
        out_type=jax.ShapeDtypeStruct((_NCORES, _NPAD, _OUT), jnp.float32),
        mesh=plsc.VectorSubcoreMesh(core_axis_name="c", subcore_axis_name="s"),
        scratch_types=[
            pltpu.VMEM((_NCH, _CHUNK), jnp.int32),
            pltpu.VMEM((_NCH, _CHUNK), jnp.int32),
            pltpu.VMEM((_K * _CHUNK, _OUT), jnp.float32),
            pltpu.VMEM((_K * _CHUNK, _OUT), jnp.float32),
            pltpu.VMEM_SHARED((_NPAD, _OUT), jnp.float32),
            pltpu.SemaphoreType.DMA,
            pltpu.SemaphoreType.DMA,
            pltpu.SemaphoreType.DMA,
            pltpu.SemaphoreType.DMA,
        ],
    )


_BLK = 1000
_NB = _N // _BLK


def _msg_body(h_ref, w_ref, b_ref, o_ref):
    o_ref[...] = (
        jnp.dot(h_ref[...], w_ref[...], preferred_element_type=jnp.float32)
        + b_ref[...]
    )


def _make_msg_call(h_width):
    return pl.pallas_call(
        _msg_body,
        grid=(_NB,),
        in_specs=[
            pl.BlockSpec((_BLK, h_width), lambda i: (i, 0)),
            pl.BlockSpec((h_width, 2 * _OUT), lambda i: (0, 0)),
            pl.BlockSpec((1, 2 * _OUT), lambda i: (0, 0)),
        ],
        out_specs=pl.BlockSpec((_BLK, 2 * _OUT), lambda i: (i, 0)),
        out_shape=jax.ShapeDtypeStruct((_N, 2 * _OUT), jnp.float32),
    )


_msg_call = _make_msg_call(_OUT)


def _gru_core(a, h, gh, wih_ref, bih_ref, bhh_ref):
    gi = jnp.dot(a, wih_ref[...], preferred_element_type=jnp.float32) + bih_ref[...]
    gh = gh + bhh_ref[...]
    r = jax.nn.sigmoid(gi[:, :_OUT] + gh[:, :_OUT])
    z = jax.nn.sigmoid(gi[:, _OUT:2 * _OUT] + gh[:, _OUT:2 * _OUT])
    n = jnp.tanh(gi[:, 2 * _OUT:] + r * gh[:, 2 * _OUT:])
    return (1.0 - z) * n + z * h


def _gru_body(a0_ref, a1_ref, h_ref, wih_ref, whh_ref, bih_ref, bhh_ref,
              o_ref):
    a = a0_ref[0] + a1_ref[0]
    h = h_ref[...]
    gh = jnp.dot(h, whh_ref[...], preferred_element_type=jnp.float32)
    o_ref[...] = _gru_core(a, h, gh, wih_ref, bih_ref, bhh_ref)


def _make_gru_call(body, h_width, whh_rows):
    return pl.pallas_call(
        body,
        grid=(_NB,),
        in_specs=[
            pl.BlockSpec((1, _BLK, _OUT), lambda i: (0, i, 0)),
            pl.BlockSpec((1, _BLK, _OUT), lambda i: (1, i, 0)),
            pl.BlockSpec((_BLK, h_width), lambda i: (i, 0)),
            pl.BlockSpec((_OUT, 3 * _OUT), lambda i: (0, 0)),
            pl.BlockSpec((whh_rows, 3 * _OUT), lambda i: (0, 0)),
            pl.BlockSpec((1, 3 * _OUT), lambda i: (0, 0)),
            pl.BlockSpec((1, 3 * _OUT), lambda i: (0, 0)),
        ],
        out_specs=pl.BlockSpec((_BLK, _OUT), lambda i: (i, 0)),
        out_shape=jax.ShapeDtypeStruct((_N, _OUT), jnp.float32),
    )


_gru_call = _make_gru_call(_gru_body, _OUT, _OUT)


_NEG = -1e30


def _gmax_body(h_ref, a_ref, m_ref, wgh_ref, wga_ref, gmax_ref, acc):
    j = pl.program_id(0)
    gate = (
        jnp.dot(h_ref[...], wgh_ref[...], preferred_element_type=jnp.float32)
        + jnp.dot(a_ref[...], wga_ref[...], preferred_element_type=jnp.float32)
    )
    m = m_ref[...]
    contrib = jnp.max(jnp.where(m > 0.0, gate, _NEG), axis=0, keepdims=True)

    @pl.when(j == 0)
    def _():
        acc[...] = jnp.full_like(acc[...], _NEG)

    acc[...] = jnp.maximum(acc[...], contrib)

    @pl.when(j == pl.num_programs(0) - 1)
    def _():
        gmax_ref[...] = acc[...]


_gmax_call = pl.pallas_call(
    _gmax_body,
    grid=(_NB,),
    in_specs=[
        pl.BlockSpec((_BLK, _OUT), lambda i: (i, 0)),
        pl.BlockSpec((_BLK, _ANN), lambda i: (i, 0)),
        pl.BlockSpec((_BLK, _B), lambda i: (i, 0)),
        pl.BlockSpec((_OUT, 1), lambda i: (0, 0)),
        pl.BlockSpec((_ANN, 1), lambda i: (0, 0)),
    ],
    out_specs=pl.BlockSpec((1, _B), lambda i: (0, 0)),
    out_shape=jax.ShapeDtypeStruct((1, _B), jnp.float32),
    scratch_shapes=[pltpu.VMEM((1, _B), jnp.float32)],
)


def _pool_body(h_ref, a_ref, m_ref, gmax_ref, wgh_ref, wga_ref,
               wannh_ref, wanna_ref, bann_ref, wouth_ref, wouta_ref,
               bout_ref, ann_ref, logits_ref, ph, pa, dh, da):
    j = pl.program_id(0)
    h = h_ref[...]
    a = a_ref[...]
    m = m_ref[...]
    gate = (
        jnp.dot(h, wgh_ref[...], preferred_element_type=jnp.float32)
        + jnp.dot(a, wga_ref[...], preferred_element_type=jnp.float32)
    )
    node_gmax = jnp.dot(
        m, gmax_ref[...].reshape(_B, 1), preferred_element_type=jnp.float32
    )
    e = jnp.exp(gate - node_gmax)

    @pl.when(j == 0)
    def _():
        ph[...] = jnp.zeros_like(ph[...])
        pa[...] = jnp.zeros_like(pa[...])
        dh[...] = jnp.zeros_like(dh[...])
        da[...] = jnp.zeros_like(da[...])

    dims = (((0,), (0,)), ((), ()))
    ph[...] += lax.dot_general(m, h * e, dims,
                               preferred_element_type=jnp.float32)
    pa[...] += lax.dot_general(m, a * e, dims,
                               preferred_element_type=jnp.float32)
    dh[...] += lax.dot_general(m, jnp.broadcast_to(e, (_BLK, _OUT)), dims,
                               preferred_element_type=jnp.float32)
    da[...] += lax.dot_general(m, jnp.broadcast_to(e, (_BLK, _ANN)), dims,
                               preferred_element_type=jnp.float32)

    t = (
        jnp.dot(h, wannh_ref[...], preferred_element_type=jnp.float32)
        + jnp.dot(a, wanna_ref[...], preferred_element_type=jnp.float32)
        + bann_ref[...]
    )
    t = t - jnp.max(t, axis=1, keepdims=True)
    et = jnp.exp(t)
    ann_ref[...] = et / jnp.sum(et, axis=1, keepdims=True)

    @pl.when(j == pl.num_programs(0) - 1)
    def _():
        gh = ph[...] / dh[...]
        ga = pa[...] / da[...]
        logits_ref[...] = (
            jnp.dot(gh, wouth_ref[...], preferred_element_type=jnp.float32)
            + jnp.dot(ga, wouta_ref[...], preferred_element_type=jnp.float32)
            + bout_ref[...]
        )


_pool_call = pl.pallas_call(
    _pool_body,
    grid=(_NB,),
    in_specs=[
        pl.BlockSpec((_BLK, _OUT), lambda i: (i, 0)),
        pl.BlockSpec((_BLK, _ANN), lambda i: (i, 0)),
        pl.BlockSpec((_BLK, _B), lambda i: (i, 0)),
        pl.BlockSpec((1, _B), lambda i: (0, 0)),
        pl.BlockSpec((_OUT, 1), lambda i: (0, 0)),
        pl.BlockSpec((_ANN, 1), lambda i: (0, 0)),
        pl.BlockSpec((_OUT, _ANN), lambda i: (0, 0)),
        pl.BlockSpec((_ANN, _ANN), lambda i: (0, 0)),
        pl.BlockSpec((1, _ANN), lambda i: (0, 0)),
        pl.BlockSpec((_OUT, _NUM_CLS), lambda i: (0, 0)),
        pl.BlockSpec((_ANN, _NUM_CLS), lambda i: (0, 0)),
        pl.BlockSpec((1, _NUM_CLS), lambda i: (0, 0)),
    ],
    out_specs=[
        pl.BlockSpec((_BLK, _ANN), lambda i: (i, 0)),
        pl.BlockSpec((_B, _NUM_CLS), lambda i: (0, 0)),
    ],
    out_shape=[
        jax.ShapeDtypeStruct((_N, _ANN), jnp.float32),
        jax.ShapeDtypeStruct((_B, _NUM_CLS), jnp.float32),
    ],
    scratch_shapes=[
        pltpu.VMEM((_B, _OUT), jnp.float32),
        pltpu.VMEM((_B, _ANN), jnp.float32),
        pltpu.VMEM((_B, _OUT), jnp.float32),
        pltpu.VMEM((_B, _ANN), jnp.float32),
    ],
)


def kernel(annotation, edge_index, etypes, node2graph, seq_lengths,
           ground_truth, W_edge, b_edge, W_ih, W_hh, b_ih, b_hh, W_ann,
           b_ann, W_gate, b_gate, W_out, b_out):
    f32 = jnp.float32
    src = edge_index[0].astype(jnp.int32)
    dst = edge_index[1].astype(jnp.int32)
    et = etypes.astype(jnp.int32)

    gidx = (2 * src + et).reshape(_NTILES, _EPT)
    gidx = jnp.concatenate(
        [gidx, jnp.zeros((_NTILES, _EPT_PAD - _EPT), jnp.int32)], axis=1
    ).reshape(_NTILES, _NCH, _CHUNK)
    didx = dst.reshape(_NTILES, _EPT)
    didx = jnp.concatenate(
        [didx, jnp.full((_NTILES, _EPT_PAD - _EPT), _DUMP, jnp.int32)], axis=1
    ).reshape(_NTILES, _NCH, _CHUNK)
    zeros_acc = jnp.zeros((_NPAD, _OUT), f32)

    w_msg = jnp.concatenate([W_edge[0].T, W_edge[1].T], axis=1)
    b_msg = jnp.concatenate([b_edge[0], b_edge[1]]).reshape(1, 2 * _OUT)
    wih_t = W_ih.T
    whh_t = W_hh.T
    bih = b_ih.reshape(1, 3 * _OUT)
    bhh = b_hh.reshape(1, 3 * _OUT)
    wg = W_gate[0]
    wgh = wg[:_OUT].reshape(_OUT, 1)
    wga = wg[_OUT:].reshape(_ANN, 1)
    wann_t = W_ann.T
    wannh = wann_t[:_OUT]
    wanna = wann_t[_OUT:]
    bann = b_ann.reshape(1, _ANN)
    wout_t = W_out.T
    wouth = wout_t[:_OUT]
    wouta = wout_t[_OUT:]
    bout = b_out.reshape(1, _NUM_CLS)

    memb = jax.nn.one_hot(node2graph, _B, dtype=f32)

    sc = _sc_scatter_call()

    ann = annotation
    logits_steps = []
    for _ in range(_MAX_SEQ):
        h = jnp.concatenate([ann, jnp.zeros((_N, _OUT - _ANN), f32)], axis=1)
        for _ in range(_N_STEPS):
            msg = _msg_call(h, w_msg, b_msg)
            part = sc(msg.reshape(2 * _N, _OUT), gidx, didx, zeros_acc)
            h = _gru_call(part, part, h, wih_t, whh_t, bih, bhh)
        gmax = _gmax_call(h, ann, memb, wgh, wga)
        ann, logits = _pool_call(h, ann, memb, gmax, wgh, wga,
                                 wannh, wanna, bann, wouth, wouta, bout)
        logits_steps.append(logits)

    all_logits = jnp.stack(logits_steps, axis=1)
    preds = jnp.argmax(all_logits, axis=-1)
    logp = jax.nn.log_softmax(all_logits, axis=-1)
    nll = -jnp.take_along_axis(logp, ground_truth[..., None], axis=-1)[..., 0]
    mask = (jnp.arange(_MAX_SEQ)[None, :] < seq_lengths[:, None]).astype(f32)
    loss = ((nll * mask).sum(-1) / seq_lengths.astype(f32)).mean()
    return (loss, preds)

# --- scband reference (transcript-rebuilt; emitter-appended) ---
"""Pipeline reference for scband-ggsnn-60215441490025 (READ-ONLY COPY).

The authoritative reference and input builder live on the scoring server;
editing this copy changes nothing except your own understanding.
"""

import jax, jax.numpy as jnp
import numpy as np

N = 10000
E = 160000
ANN = 64
OUT = 128
N_STEPS = 2
N_ETYPES = 2
MAX_SEQ = 4
NUM_CLS = 10
B = 64


def setup_inputs(seed: int = 0) -> dict:
    key = jax.random.key(seed)
    ks = jax.random.split(key, 20)
    s = 0.05
    annotation = jax.random.normal(ks[0], (N, ANN), dtype=jnp.float32)
    edge_index = jax.random.randint(ks[1], (2, E), 0, N)
    etypes = jax.random.randint(ks[2], (E,), 0, N_ETYPES)
    node2graph = jnp.sort(jax.random.randint(ks[3], (N,), 0, B))
    seq_lengths = jnp.ones((B,), dtype=jnp.int32)
    ground_truth = jax.random.randint(ks[4], (B, MAX_SEQ), 0, NUM_CLS)
    W_edge = jax.random.normal(ks[5], (N_ETYPES, OUT, OUT), dtype=jnp.float32) * s
    b_edge = jax.random.normal(ks[6], (N_ETYPES, OUT), dtype=jnp.float32) * s
    W_ih = jax.random.normal(ks[7], (3 * OUT, OUT), dtype=jnp.float32) * s
    W_hh = jax.random.normal(ks[8], (3 * OUT, OUT), dtype=jnp.float32) * s
    b_ih = jax.random.normal(ks[9], (3 * OUT,), dtype=jnp.float32) * s
    b_hh = jax.random.normal(ks[10], (3 * OUT,), dtype=jnp.float32) * s
    W_ann = jax.random.normal(ks[11], (ANN, ANN + OUT), dtype=jnp.float32) * s
    b_ann = jax.random.normal(ks[12], (ANN,), dtype=jnp.float32) * s
    W_gate = jax.random.normal(ks[13], (1, ANN + OUT), dtype=jnp.float32) * s
    b_gate = jax.random.normal(ks[14], (1,), dtype=jnp.float32) * s
    W_out = jax.random.normal(ks[15], (NUM_CLS, ANN + OUT), dtype=jnp.float32) * s
    b_out = jax.random.normal(ks[16], (NUM_CLS,), dtype=jnp.float32) * s
    return {"annotation": annotation, "edge_index": edge_index, "etypes": etypes,
            "node2graph": node2graph, "seq_lengths": seq_lengths, "ground_truth": ground_truth,
            "W_edge": W_edge, "b_edge": b_edge, "W_ih": W_ih, "W_hh": W_hh,
            "b_ih": b_ih, "b_hh": b_hh, "W_ann": W_ann, "b_ann": b_ann,
            "W_gate": W_gate, "b_gate": b_gate, "W_out": W_out, "b_out": b_out}


def _gru_cell(a, h, W_ih, W_hh, b_ih, b_hh):
    gi = a @ W_ih.T + b_ih
    gh = h @ W_hh.T + b_hh
    i_r, i_z, i_n = jnp.split(gi, 3, axis=-1)
    h_r, h_z, h_n = jnp.split(gh, 3, axis=-1)
    r = jax.nn.sigmoid(i_r + h_r)
    z = jax.nn.sigmoid(i_z + h_z)
    n = jnp.tanh(i_n + r * h_n)
    return (1.0 - z) * n + z * h


def reference(annotation, edge_index, etypes, node2graph, seq_lengths, ground_truth,
              W_edge, b_edge, W_ih, W_hh, b_ih, b_hh, W_ann, b_ann,
              W_gate, b_gate, W_out, b_out):
    src = edge_index[0]
    dst = edge_index[1]

    def ggnn(h):
        for _ in range(N_STEPS):
            a = jnp.zeros((N, OUT), dtype=h.dtype)
            for t in range(N_ETYPES):
                msg = h @ W_edge[t].T + b_edge[t]
                m = msg[src] * (etypes == t).astype(h.dtype)[:, None]
                a = a + jax.ops.segment_sum(m, dst, num_segments=N)
            h = _gru_cell(a, h, W_ih, W_hh, b_ih, b_hh)
        return h

    def global_attn_pool(feat):
        gate = feat @ W_gate.T + b_gate
        gmax = jax.ops.segment_max(gate, node2graph, num_segments=B)
        gate = jnp.exp(gate - gmax[node2graph])
        denom = jax.ops.segment_sum(gate, node2graph, num_segments=B)
        gate = gate / denom[node2graph]
        return jax.ops.segment_sum(feat * gate, node2graph, num_segments=B)

    ann = annotation
    all_logits = []
    for _ in range(MAX_SEQ):
        zero_pad = jnp.zeros((N, OUT - ANN), dtype=ann.dtype)
        h1 = jnp.concatenate([jax.lax.stop_gradient(ann), zero_pad], axis=-1)
        out = ggnn(h1)
        out = jnp.concatenate([out, ann], axis=-1)
        logits = global_attn_pool(out) @ W_out.T + b_out
        all_logits.append(logits)
        ann = jax.nn.softmax(out @ W_ann.T + b_ann, axis=-1)
    all_logits = jnp.stack(all_logits, axis=1)
    preds = jnp.argmax(all_logits, axis=-1)
    logp = jax.nn.log_softmax(all_logits, axis=-1)
    nll = -jnp.take_along_axis(logp, ground_truth[..., None], axis=-1)[..., 0]
    mask = (jnp.arange(MAX_SEQ)[None, :] < seq_lengths[:, None]).astype(jnp.float32)
    loss = ((nll * mask).sum(-1) / seq_lengths.astype(jnp.float32)).mean()
    return (loss, preds)

if __name__ == "__main__":
    import jax
    _d = setup_inputs()
    print(jax.jit(kernel)(*tuple(_d.values())))

</pallas_src>

<mosaic_0001>
#map = affine_map<(d0, d1) -> (0, 0)>
#map1 = affine_map<(d0, d1) -> (0, 0, 0)>
module attributes {stable_mosaic.version = 14 : i64} {
  func.func @_sc_body(%arg0: i32, %arg1: i32, %arg2: memref<20000x128xf32, #tpu.memory_space<hbm>>, %arg3: memref<32x40x128xi32, #tpu.memory_space<hbm>>, %arg4: memref<32x40x128xi32, #tpu.memory_space<hbm>>, %arg5: memref<10240x128xf32, #tpu.memory_space<hbm>>, %arg6: memref<2x10240x128xf32, #tpu.memory_space<hbm>>, %arg7: memref<40x128xi32, #tpu.memory_space<vmem>>, %arg8: memref<40x128xi32, #tpu.memory_space<vmem>>, %arg9: memref<128x128xf32, #tpu.memory_space<vmem>>, %arg10: memref<128x128xf32, #tpu.memory_space<vmem>>, %arg11: memref<10240x128xf32, #tpu.memory_space<vmem_shared>>, %arg12: memref<!tpu.dma_semaphore, #tpu.memory_space<semaphore_mem>>, %arg13: memref<!tpu.dma_semaphore, #tpu.memory_space<semaphore_mem>>, %arg14: memref<!tpu.dma_semaphore, #tpu.memory_space<semaphore_mem>>, %arg15: memref<!tpu.dma_semaphore, #tpu.memory_space<semaphore_mem>>) attributes {dimension_semantics = [#tpu.dimension_semantics<core_parallel>, #tpu.dimension_semantics<subcore_parallel>], iteration_bounds = array<i64: 2, 16>, scalar_prefetch = 0 : i64, scratch_operands = 9 : i64, tpu.core_type = #tpu.core_type<sc_vector_subcore>, window_params = [{transform_indices = #map}, {transform_indices = #map1}, {transform_indices = #map1}, {transform_indices = #map}, {transform_indices = #map1}]} {
    %mul3A = arith.constant 16 : i32
    %mul3A_0 = arith.muli %arg0, %mul3A : i32
    %add3A = arith.addi %mul3A_0, %arg1 : i32
    "tpu.region"() ({
      %run_scoped3A = tpu.sem_alloc : memref<!tpu.dma_semaphore, #tpu.memory_space<semaphore_mem>>
      %dma_start3A = arith.constant 0 : i32
      %dma_start3A_15 = arith.constant 0 : i32
      %dma_start3A_16 = tpu.memref_slice %arg3[%add3A, %dma_start3A, %dma_start3A_15] : memref<32x40x128xi32, #tpu.memory_space<hbm>> -> memref<1x40x128xi32, #tpu.memory_space<hbm>>
      %dma_start3A_17 = tpu.memref_squeeze %dma_start3A_16 : memref<1x40x128xi32, #tpu.memory_space<hbm>> -> memref<40x128xi32, #tpu.memory_space<hbm>>
      %dma_start3A_18 = arith.constant 0 : i32
      %dma_start3A_19 = arith.constant 0 : i32
      %dma_start3A_20 = tpu.memref_slice %arg3[%add3A, %dma_start3A_18, %dma_start3A_19] : memref<32x40x128xi32, #tpu.memory_space<hbm>> -> memref<1x40x128xi32, #tpu.memory_space<hbm>>
      %dma_start3A_21 = tpu.memref_squeeze %dma_start3A_20 : memref<1x40x128xi32, #tpu.memory_space<hbm>> -> memref<40x128xi32, #tpu.memory_space<hbm>>
      tpu.enqueue_dma source(%dma_start3A_21 : memref<40x128xi32, #tpu.memory_space<hbm>>) target(%arg7 : memref<40x128xi32, #tpu.memory_space<vmem>>) target_semaphore(%run_scoped3A : memref<!tpu.dma_semaphore, #tpu.memory_space<semaphore_mem>>)
      %dma_wait3A = arith.constant 0 : i32
      %dma_wait3A_22 = arith.constant 0 : i32
      %dma_wait3A_23 = tpu.memref_slice %arg3[%add3A, %dma_wait3A, %dma_wait3A_22] : memref<32x40x128xi32, #tpu.memory_space<hbm>> -> memref<1x40x128xi32, #tpu.memory_space<hbm>>
      %dma_wait3A_24 = tpu.memref_squeeze %dma_wait3A_23 : memref<1x40x128xi32, #tpu.memory_space<hbm>> -> memref<40x128xi32, #tpu.memory_space<hbm>>
      %dma_wait3A_25 = arith.constant 0 : i32
      %dma_wait3A_26 = arith.constant 0 : i32
      %dma_wait3A_27 = tpu.memref_slice %arg3[%add3A, %dma_wait3A_25, %dma_wait3A_26] : memref<32x40x128xi32, #tpu.memory_space<hbm>> -> memref<1x40x128xi32, #tpu.memory_space<hbm>>
      %dma_wait3A_28 = tpu.memref_squeeze %dma_wait3A_27 : memref<1x40x128xi32, #tpu.memory_space<hbm>> -> memref<40x128xi32, #tpu.memory_space<hbm>>
      tpu.wait_dma2 semaphore(%run_scoped3A : memref<!tpu.dma_semaphore, #tpu.memory_space<semaphore_mem>>) src(%dma_wait3A_28 : memref<40x128xi32, #tpu.memory_space<hbm>>) dst(%arg7 : memref<40x128xi32, #tpu.memory_space<vmem>>)
      tpu.yield
    }) : () -> ()
    "tpu.region"() ({
      %run_scoped3A = tpu.sem_alloc : memref<!tpu.dma_semaphore, #tpu.memory_space<semaphore_mem>>
      %dma_start3A = arith.constant 0 : i32
      %dma_start3A_15 = arith.constant 0 : i32
      %dma_start3A_16 = tpu.memref_slice %arg4[%add3A, %dma_start3A, %dma_start3A_15] : memref<32x40x128xi32, #tpu.memory_space<hbm>> -> memref<1x40x128xi32, #tpu.memory_space<hbm>>
      %dma_start3A_17 = tpu.memref_squeeze %dma_start3A_16 : memref<1x40x128xi32, #tpu.memory_space<hbm>> -> memref<40x128xi32, #tpu.memory_space<hbm>>
      %dma_start3A_18 = arith.constant 0 : i32
      %dma_start3A_19 = arith.constant 0 : i32
      %dma_start3A_20 = tpu.memref_slice %arg4[%add3A, %dma_start3A_18, %dma_start3A_19] : memref<32x40x128xi32, #tpu.memory_space<hbm>> -> memref<1x40x128xi32, #tpu.memory_space<hbm>>
      %dma_start3A_21 = tpu.memref_squeeze %dma_start3A_20 : memref<1x40x128xi32, #tpu.memory_space<hbm>> -> memref<40x128xi32, #tpu.memory_space<hbm>>
      tpu.enqueue_dma source(%dma_start3A_21 : memref<40x128xi32, #tpu.memory_space<hbm>>) target(%arg8 : memref<40x128xi32, #tpu.memory_space<vmem>>) target_semaphore(%run_scoped3A : memref<!tpu.dma_semaphore, #tpu.memory_space<semaphore_mem>>)
      %dma_wait3A = arith.constant 0 : i32
      %dma_wait3A_22 = arith.constant 0 : i32
      %dma_wait3A_23 = tpu.memref_slice %arg4[%add3A, %dma_wait3A, %dma_wait3A_22] : memref<32x40x128xi32, #tpu.memory_space<hbm>> -> memref<1x40x128xi32, #tpu.memory_space<hbm>>
      %dma_wait3A_24 = tpu.memref_squeeze %dma_wait3A_23 : memref<1x40x128xi32, #tpu.memory_space<hbm>> -> memref<40x128xi32, #tpu.memory_space<hbm>>
      %dma_wait3A_25 = arith.constant 0 : i32
      %dma_wait3A_26 = arith.constant 0 : i32
      %dma_wait3A_27 = tpu.memref_slice %arg4[%add3A, %dma_wait3A_25, %dma_wait3A_26] : memref<32x40x128xi32, #tpu.memory_space<hbm>> -> memref<1x40x128xi32, #tpu.memory_space<hbm>>
      %dma_wait3A_28 = tpu.memref_squeeze %dma_wait3A_27 : memref<1x40x128xi32, #tpu.memory_space<hbm>> -> memref<40x128xi32, #tpu.memory_space<hbm>>
      tpu.wait_dma2 semaphore(%run_scoped3A : memref<!tpu.dma_semaphore, #tpu.memory_space<semaphore_mem>>) src(%dma_wait3A_28 : memref<40x128xi32, #tpu.memory_space<hbm>>) dst(%arg8 : memref<40x128xi32, #tpu.memory_space<vmem>>)
      tpu.yield
    }) : () -> ()
    %mul3A_1 = arith.constant 640 : i32
    %mul3A_2 = arith.muli %arg1, %mul3A_1 : i32
    %mul3A_3 = arith.constant 640 : i32
    %mul3A_4 = arith.muli %arg1, %mul3A_3 : i32
    "tpu.region"() ({
      %run_scoped3A = tpu.sem_alloc : memref<!tpu.dma_semaphore, #tpu.memory_space<semaphore_mem>>
      %dma_start3A = arith.constant 0 : i32
      %dma_start3A_15 = tpu.memref_slice %arg11[%mul3A_4, %dma_start3A] : memref<10240x128xf32, #tpu.memory_space<vmem_shared>> -> memref<640x128xf32, #tpu.memory_space<vmem_shared>>
      %dma_start3A_16 = arith.constant 0 : i32
      %dma_start3A_17 = tpu.memref_slice %arg5[%mul3A_2, %dma_start3A_16] : memref<10240x128xf32, #tpu.memory_space<hbm>> -> memref<640x128xf32, #tpu.memory_space<hbm>>
      tpu.enqueue_dma source(%dma_start3A_17 : memref<640x128xf32, #tpu.memory_space<hbm>>) target(%dma_start3A_15 : memref<640x128xf32, #tpu.memory_space<vmem_shared>>) target_semaphore(%run_scoped3A : memref<!tpu.dma_semaphore, #tpu.memory_space<semaphore_mem>>)
      %dma_wait3A = arith.constant 0 : i32
      %dma_wait3A_18 = tpu.memref_slice %arg11[%mul3A_4, %dma_wait3A] : memref<10240x128xf32, #tpu.memory_space<vmem_shared>> -> memref<640x128xf32, #tpu.memory_space<vmem_shared>>
      %dma_wait3A_19 = arith.constant 0 : i32
      %dma_wait3A_20 = tpu.memref_slice %arg5[%mul3A_2, %dma_wait3A_19] : memref<10240x128xf32, #tpu.memory_space<hbm>> -> memref<640x128xf32, #tpu.memory_space<hbm>>
      tpu.wait_dma2 semaphore(%run_scoped3A : memref<!tpu.dma_semaphore, #tpu.memory_space<semaphore_mem>>) src(%dma_wait3A_20 : memref<640x128xf32, #tpu.memory_space<hbm>>) dst(%dma_wait3A_18 : memref<640x128xf32, #tpu.memory_space<vmem_shared>>)
      tpu.yield
    }) : () -> ()
    %barrier3A = arith.constant 0 : index
    tpu.barrier barrier_id(%barrier3A)
    %scan3A = arith.constant 0 : i32
    %scan3A_5 = arith.constant 0 : i32
    %scan3A_6 = arith.constant 20 : i32
    %scan3A_7 = arith.addi %scan3A_5, %scan3A_6 : i32
    %scan3A_8 = arith.constant 1 : i32
    scf.for %scan3A_15 = %scan3A_5 to %scan3A_7 step %scan3A_8  : i32 {
      %mul3A_16 = arith.constant 2 : i32
      %mul3A_17 = arith.muli %scan3A_15, %mul3A_16 : i32
      %add3A_18 = arith.constant 0 : i32
      %add3A_19 = arith.addi %mul3A_17, %add3A_18 : i32
      %add3A_20 = arith.constant 0 : i32
      %add3A_21 = arith.addi %add3A_19, %add3A_20 : i32
      %dma_start3A = arith.constant 0 : i32
      %dma_start3A_22 = arith.constant 0 : i32
      %dma_start3A_23 = tpu.memref_slice %arg9[%dma_start3A, %dma_start3A_22] : memref<128x128xf32, #tpu.memory_space<vmem>> -> memref<128x128xf32, #tpu.memory_space<vmem>>
      %dma_start3A_24 = arith.constant 0 : i32
      %dma_start3A_25 = tpu.memref_slice %arg7[%add3A_21, %dma_start3A_24] : memref<40x128xi32, #tpu.memory_space<vmem>> -> memref<1x128xi32, #tpu.memory_space<vmem>>
      %dma_start3A_26 = tpu.memref_squeeze %dma_start3A_25 : memref<1x128xi32, #tpu.memory_space<vmem>> -> memref<128xi32, #tpu.memory_space<vmem>>
      %dma_start3A_27 = arith.constant 0 : i32
      %dma_start3A_28 = arith.constant 0 : i32
      %dma_start3A_29 = tpu.memref_slice %arg2[%dma_start3A_27, %dma_start3A_28] : memref<20000x128xf32, #tpu.memory_space<hbm>> -> memref<20000x128xf32, #tpu.memory_space<hbm>>
      tpu.enqueue_indirect_dma source(%dma_start3A_29 : memref<20000x128xf32, #tpu.memory_space<hbm>>) target(%dma_start3A_23 : memref<128x128xf32, #tpu.memory_space<vmem>>) offsets(%dma_start3A_26 : memref<128xi32, #tpu.memory_space<vmem>>) semaphore(%arg12 : memref<!tpu.dma_semaphore, #tpu.memory_space<semaphore_mem>>)
      %add3A_30 = arith.constant 1 : i32
      %add3A_31 = arith.addi %mul3A_17, %add3A_30 : i32
      %add3A_32 = arith.constant 0 : i32
      %add3A_33 = arith.addi %add3A_31, %add3A_32 : i32
      %dma_start3A_34 = arith.constant 0 : i32
      %dma_start3A_35 = arith.constant 0 : i32
      %dma_start3A_36 = tpu.memref_slice %arg10[%dma_start3A_34, %dma_start3A_35] : memref<128x128xf32, #tpu.memory_space<vmem>> -> memref<128x128xf32, #tpu.memory_space<vmem>>
      %dma_start3A_37 = arith.constant 0 : i32
      %dma_start3A_38 = tpu.memref_slice %arg7[%add3A_33, %dma_start3A_37] : memref<40x128xi32, #tpu.memory_space<vmem>> -> memref<1x128xi32, #tpu.memory_space<vmem>>
      %dma_start3A_39 = tpu.memref_squeeze %dma_start3A_38 : memref<1x128xi32, #tpu.memory_space<vmem>> -> memref<128xi32, #tpu.memory_space<vmem>>
      %dma_start3A_40 = arith.constant 0 : i32
      %dma_start3A_41 = arith.constant 0 : i32
      %dma_start3A_42 = tpu.memref_slice %arg2[%dma_start3A_40, %dma_start3A_41] : memref<20000x128xf32, #tpu.memory_space<hbm>> -> memref<20000x128xf32, #tpu.memory_space<hbm>>
      tpu.enqueue_indirect_dma source(%dma_start3A_42 : memref<20000x128xf32, #tpu.memory_space<hbm>>) target(%dma_start3A_36 : memref<128x128xf32, #tpu.memory_space<vmem>>) offsets(%dma_start3A_39 : memref<128xi32, #tpu.memory_space<vmem>>) semaphore(%arg13 : memref<!tpu.dma_semaphore, #tpu.memory_space<semaphore_mem>>)
      %dma_wait3A = arith.constant 0 : i32
      %dma_wait3A_43 = arith.constant 0 : i32
      %dma_wait3A_44 = tpu.memref_slice %arg9[%dma_wait3A, %dma_wait3A_43] : memref<128x128xf32, #tpu.memory_space<vmem>> -> memref<128x128xf32, #tpu.memory_space<vmem>>
      %dma_wait3A_45 = arith.constant 0 : i32
      %dma_wait3A_46 = tpu.memref_slice %arg7[%add3A_21, %dma_wait3A_45] : memref<40x128xi32, #tpu.memory_space<vmem>> -> memref<1x128xi32, #tpu.memory_space<vmem>>
      %dma_wait3A_47 = tpu.memref_squeeze %dma_wait3A_46 : memref<1x128xi32, #tpu.memory_space<vmem>> -> memref<128xi32, #tpu.memory_space<vmem>>
      %dma_wait3A_48 = arith.constant 0 : i32
      %dma_wait3A_49 = arith.constant 0 : i32
      %dma_wait3A_50 = tpu.memref_slice %arg2[%dma_wait3A_48, %dma_wait3A_49] : memref<20000x128xf32, #tpu.memory_space<hbm>> -> memref<20000x128xf32, #tpu.memory_space<hbm>>
      tpu.wait_indirect_dma semaphore(%arg12 : memref<!tpu.dma_semaphore, #tpu.memory_space<semaphore_mem>>) src(%dma_wait3A_50 : memref<20000x128xf32, #tpu.memory_space<hbm>>) dst(%dma_wait3A_44 : memref<128x128xf32, #tpu.memory_space<vmem>>)
      %add3A_51 = arith.constant 0 : i32
      %add3A_52 = arith.addi %mul3A_17, %add3A_51 : i32
      %add3A_53 = arith.constant 0 : i32
      %add3A_54 = arith.addi %add3A_52, %add3A_53 : i32
      %dma_start3A_55 = arith.constant 0 : i32
      %dma_start3A_56 = arith.constant 0 : i32
      %dma_start3A_57 = tpu.memref_slice %arg9[%dma_start3A_55, %dma_start3A_56] : memref<128x128xf32, #tpu.memory_space<vmem>> -> memref<128x128xf32, #tpu.memory_space<vmem>>
      %dma_start3A_58 = arith.constant 0 : i32
      %dma_start3A_59 = tpu.memref_slice %arg8[%add3A_54, %dma_start3A_58] : memref<40x128xi32, #tpu.memory_space<vmem>> -> memref<1x128xi32, #tpu.memory_space<vmem>>
      %dma_start3A_60 = tpu.memref_squeeze %dma_start3A_59 : memref<1x128xi32, #tpu.memory_space<vmem>> -> memref<128xi32, #tpu.memory_space<vmem>>
      %dma_start3A_61 = arith.constant 0 : i32
      %dma_start3A_62 = arith.constant 0 : i32
      %dma_start3A_63 = tpu.memref_slice %arg11[%dma_start3A_61, %dma_start3A_62] : memref<10240x128xf32, #tpu.memory_space<vmem_shared>> -> memref<10240x128xf32, #tpu.memory_space<vmem_shared>>
      tpu.enqueue_indirect_dma source(%dma_start3A_57 : memref<128x128xf32, #tpu.memory_space<vmem>>) target(%dma_start3A_63 : memref<10240x128xf32, #tpu.memory_space<vmem_shared>>) offsets(%dma_start3A_60 : memref<128xi32, #tpu.memory_space<vmem>>) semaphore(%arg14 : memref<!tpu.dma_semaphore, #tpu.memory_space<semaphore_mem>>) {add = true}
      %dma_wait3A_64 = arith.constant 0 : i32
      %dma_wait3A_65 = arith.constant 0 : i32
      %dma_wait3A_66 = tpu.memref_slice %arg10[%dma_wait3A_64, %dma_wait3A_65] : memref<128x128xf32, #tpu.memory_space<vmem>> -> memref<128x128xf32, #tpu.memory_space<vmem>>
      %dma_wait3A_67 = arith.constant 0 : i32
      %dma_wait3A_68 = tpu.memref_slice %arg7[%add3A_33, %dma_wait3A_67] : memref<40x128xi32, #tpu.memory_space<vmem>> -> memref<1x128xi32, #tpu.memory_space<vmem>>
      %dma_wait3A_69 = tpu.memref_squeeze %dma_wait3A_68 : memref<1x128xi32, #tpu.memory_space<vmem>> -> memref<128xi32, #tpu.memory_space<vmem>>
      %dma_wait3A_70 = arith.constant 0 : i32
      %dma_wait3A_71 = arith.constant 0 : i32
      %dma_wait3A_72 = tpu.memref_slice %arg2[%dma_wait3A_70, %dma_wait3A_71] : memref<20000x128xf32, #tpu.memory_space<hbm>> -> memref<20000x128xf32, #tpu.memory_space<hbm>>
      tpu.wait_indirect_dma semaphore(%arg13 : memref<!tpu.dma_semaphore, #tpu.memory_space<semaphore_mem>>) src(%dma_wait3A_72 : memref<20000x128xf32, #tpu.memory_space<hbm>>) dst(%dma_wait3A_66 : memref<128x128xf32, #tpu.memory_space<vmem>>)
      %add3A_73 = arith.constant 1 : i32
      %add3A_74 = arith.addi %mul3A_17, %add3A_73 : i32
      %add3A_75 = arith.constant 0 : i32
      %add3A_76 = arith.addi %add3A_74, %add3A_75 : i32
      %dma_start3A_77 = arith.constant 0 : i32
      %dma_start3A_78 = arith.constant 0 : i32
      %dma_start3A_79 = tpu.memref_slice %arg10[%dma_start3A_77, %dma_start3A_78] : memref<128x128xf32, #tpu.memory_space<vmem>> -> memref<128x128xf32, #tpu.memory_space<vmem>>
      %dma_start3A_80 = arith.constant 0 : i32
      %dma_start3A_81 = tpu.memref_slice %arg8[%add3A_76, %dma_start3A_80] : memref<40x128xi32, #tpu.memory_space<vmem>> -> memref<1x128xi32, #tpu.memory_space<vmem>>
      %dma_start3A_82 = tpu.memref_squeeze %dma_start3A_81 : memref<1x128xi32, #tpu.memory_space<vmem>> -> memref<128xi32, #tpu.memory_space<vmem>>
      %dma_start3A_83 = arith.constant 0 : i32
      %dma_start3A_84 = arith.constant 0 : i32
      %dma_start3A_85 = tpu.memref_slice %arg11[%dma_start3A_83, %dma_start3A_84] : memref<10240x128xf32, #tpu.memory_space<vmem_shared>> -> memref<10240x128xf32, #tpu.memory_space<vmem_shared>>
      tpu.enqueue_indirect_dma source(%dma_start3A_79 : memref<128x128xf32, #tpu.memory_space<vmem>>) target(%dma_start3A_85 : memref<10240x128xf32, #tpu.memory_space<vmem_shared>>) offsets(%dma_start3A_82 : memref<128xi32, #tpu.memory_space<vmem>>) semaphore(%arg15 : memref<!tpu.dma_semaphore, #tpu.memory_space<semaphore_mem>>) {add = true}
      %dma_wait3A_86 = arith.constant 0 : i32
      %dma_wait3A_87 = arith.constant 0 : i32
      %dma_wait3A_88 = tpu.memref_slice %arg9[%dma_wait3A_86, %dma_wait3A_87] : memref<128x128xf32, #tpu.memory_space<vmem>> -> memref<128x128xf32, #tpu.memory_space<vmem>>
      %dma_wait3A_89 = arith.constant 0 : i32
      %dma_wait3A_90 = tpu.memref_slice %arg8[%add3A_54, %dma_wait3A_89] : memref<40x128xi32, #tpu.memory_space<vmem>> -> memref<1x128xi32, #tpu.memory_space<vmem>>
      %dma_wait3A_91 = tpu.memref_squeeze %dma_wait3A_90 : memref<1x128xi32, #tpu.memory_space<vmem>> -> memref<128xi32, #tpu.memory_space<vmem>>
      %dma_wait3A_92 = arith.constant 0 : i32
      %dma_wait3A_93 = arith.constant 0 : i32
      %dma_wait3A_94 = tpu.memref_slice %arg11[%dma_wait3A_92, %dma_wait3A_93] : memref<10240x128xf32, #tpu.memory_space<vmem_shared>> -> memref<10240x128xf32, #tpu.memory_space<vmem_shared>>
      tpu.wait_indirect_dma semaphore(%arg14 : memref<!tpu.dma_semaphore, #tpu.memory_space<semaphore_mem>>) src(%dma_wait3A_88 : memref<128x128xf32, #tpu.memory_space<vmem>>) dst(%dma_wait3A_94 : memref<10240x128xf32, #tpu.memory_space<vmem_shared>>)
      %dma_wait3A_95 = arith.constant 0 : i32
      %dma_wait3A_96 = arith.constant 0 : i32
      %dma_wait3A_97 = tpu.memref_slice %arg10[%dma_wait3A_95, %dma_wait3A_96] : memref<128x128xf32, #tpu.memory_space<vmem>> -> memref<128x128xf32, #tpu.memory_space<vmem>>
      %dma_wait3A_98 = arith.constant 0 : i32
      %dma_wait3A_99 = tpu.memref_slice %arg8[%add3A_76, %dma_wait3A_98] : memref<40x128xi32, #tpu.memory_space<vmem>> -> memref<1x128xi32, #tpu.memory_space<vmem>>
      %dma_wait3A_100 = tpu.memref_squeeze %dma_wait3A_99 : memref<1x128xi32, #tpu.memory_space<vmem>> -> memref<128xi32, #tpu.memory_space<vmem>>
      %dma_wait3A_101 = arith.constant 0 : i32
      %dma_wait3A_102 = arith.constant 0 : i32
      %dma_wait3A_103 = tpu.memref_slice %arg11[%dma_wait3A_101, %dma_wait3A_102] : memref<10240x128xf32, #tpu.memory_space<vmem_shared>> -> memref<10240x128xf32, #tpu.memory_space<vmem_shared>>
      tpu.wait_indirect_dma semaphore(%arg15 : memref<!tpu.dma_semaphore, #tpu.memory_space<semaphore_mem>>) src(%dma_wait3A_97 : memref<128x128xf32, #tpu.memory_space<vmem>>) dst(%dma_wait3A_103 : memref<10240x128xf32, #tpu.memory_space<vmem_shared>>)
    }
    %scan3A_9 = arith.constant 20 : i32
    %barrier3A_10 = arith.constant 0 : index
    tpu.barrier barrier_id(%barrier3A_10)
    %mul3A_11 = arith.constant 640 : i32
    %mul3A_12 = arith.muli %arg1, %mul3A_11 : i32
    %mul3A_13 = arith.constant 640 : i32
    %mul3A_14 = arith.muli %arg1, %mul3A_13 : i32
    "tpu.region"() ({
      %run_scoped3A = tpu.sem_alloc : memref<!tpu.dma_semaphore, #tpu.memory_space<semaphore_mem>>
      %dma_start3A = arith.constant 0 : i32
      %dma_start3A_15 = tpu.memref_slice %arg6[%arg0, %mul3A_14, %dma_start3A] : memref<2x10240x128xf32, #tpu.memory_space<hbm>> -> memref<1x640x128xf32, #tpu.memory_space<hbm>>
      %dma_start3A_16 = tpu.memref_squeeze %dma_start3A_15 : memref<1x640x128xf32, #tpu.memory_space<hbm>> -> memref<640x128xf32, #tpu.memory_space<hbm>>
      %dma_start3A_17 = arith.constant 0 : i32
      %dma_start3A_18 = tpu.memref_slice %arg11[%mul3A_12, %dma_start3A_17] : memref<10240x128xf32, #tpu.memory_space<vmem_shared>> -> memref<640x128xf32, #tpu.memory_space<vmem_shared>>
      tpu.enqueue_dma source(%dma_start3A_18 : memref<640x128xf32, #tpu.memory_space<vmem_shared>>) target(%dma_start3A_16 : memref<640x128xf32, #tpu.memory_space<hbm>>) target_semaphore(%run_scoped3A : memref<!tpu.dma_semaphore, #tpu.memory_space<semaphore_mem>>)
      %dma_wait3A = arith.constant 0 : i32
      %dma_wait3A_19 = tpu.memref_slice %arg6[%arg0, %mul3A_14, %dma_wait3A] : memref<2x10240x128xf32, #tpu.memory_space<hbm>> -> memref<1x640x128xf32, #tpu.memory_space<hbm>>
      %dma_wait3A_20 = tpu.memref_squeeze %dma_wait3A_19 : memref<1x640x128xf32, #tpu.memory_space<hbm>> -> memref<640x128xf32, #tpu.memory_space<hbm>>
      %dma_wait3A_21 = arith.constant 0 : i32
      %dma_wait3A_22 = tpu.memref_slice %arg11[%mul3A_12, %dma_wait3A_21] : memref<10240x128xf32, #tpu.memory_space<vmem_shared>> -> memref<640x128xf32, #tpu.memory_space<vmem_shared>>
      tpu.wait_dma2 semaphore(%run_scoped3A : memref<!tpu.dma_semaphore, #tpu.memory_space<semaphore_mem>>) src(%dma_wait3A_22 : memref<640x128xf32, #tpu.memory_space<vmem_shared>>) dst(%dma_wait3A_20 : memref<640x128xf32, #tpu.memory_space<hbm>>)
      tpu.yield
    }) : () -> ()
    return
  }
}

#map = affine_map<(d0, d1) -> (0, 0)>
#map1 = affine_map<(d0, d1) -> (0, 0, 0)>
module attributes {stable_mosaic.version = 14 : i64} {
  func.func @_sc_body(%arg0: i32, %arg1: i32, %arg2: memref<20000x128xf32, #tpu.memory_space<hbm>>, %arg3: memref<32x40x128xi32, #tpu.memory_space<hbm>>, %arg4: memref<32x40x128xi32, #tpu.memory_space<hbm>>, %arg5: memref<10240x128xf32, #tpu.memory_space<hbm>>, %arg6: memref<2x10240x128xf32, #tpu.memory_space<hbm>>, %arg7: memref<40x128xi32, #tpu.memory_space<vmem>>, %arg8: memref<40x128xi32, #tpu.memory_space<vmem>>, %arg9: memref<128x128xf32, #tpu.memory_space<vmem>>, %arg10: memref<128x128xf32, #tpu.memory_space<vmem>>, %arg11: memref<10240x128xf32, #tpu.memory_space<vmem_shared>>, %arg12: memref<!tpu.dma_semaphore, #tpu.memory_space<semaphore_mem>>, %arg13: memref<!tpu.dma_semaphore, #tpu.memory_space<semaphore_mem>>, %arg14: memref<!tpu.dma_semaphore, #tpu.memory_space<semaphore_mem>>, %arg15: memref<!tpu.dma_semaphore, #tpu.memory_space<semaphore_mem>>) attributes {dimension_semantics = [#tpu.dimension_semantics<core_parallel>, #tpu.dimension_semantics<subcore_parallel>], iteration_bounds = array<i64: 2, 16>, scalar_prefetch = 0 : i64, scratch_operands = 9 : i64, tpu.core_type = #tpu.core_type<sc_vector_subcore>, window_params = [{transform_indices = #map}, {transform_indices = #map1}, {transform_indices = #map1}, {transform_indices = #map}, {transform_indices = #map1}]} {
    %mul3A = arith.constant 16 : i32
    %mul3A_0 = arith.muli %arg0, %mul3A : i32
    %add3A = arith.addi %mul3A_0, %arg1 : i32
    "tpu.region"() ({
      %run_scoped3A = tpu.sem_alloc : memref<!tpu.dma_semaphore, #tpu.memory_space<semaphore_mem>>
      %dma_start3A = arith.constant 0 : i32
      %dma_start3A_15 = arith.constant 0 : i32
      %dma_start3A_16 = tpu.memref_slice %arg3[%add3A, %dma_start3A, %dma_start3A_15] : memref<32x40x128xi32, #tpu.memory_space<hbm>> -> memref<1x40x128xi32, #tpu.memory_space<hbm>>
      %dma_start3A_17 = tpu.memref_squeeze %dma_start3A_16 : memref<1x40x128xi32, #tpu.memory_space<hbm>> -> memref<40x128xi32, #tpu.memory_space<hbm>>
      %dma_start3A_18 = arith.constant 0 : i32
      %dma_start3A_19 = arith.constant 0 : i32
      %dma_start3A_20 = tpu.memref_slice %arg3[%add3A, %dma_start3A_18, %dma_start3A_19] : memref<32x40x128xi32, #tpu.memory_space<hbm>> -> memref<1x40x128xi32, #tpu.memory_space<hbm>>
      %dma_start3A_21 = tpu.memref_squeeze %dma_start3A_20 : memref<1x40x128xi32, #tpu.memory_space<hbm>> -> memref<40x128xi32, #tpu.memory_space<hbm>>
      tpu.enqueue_dma source(%dma_start3A_21 : memref<40x128xi32, #tpu.memory_space<hbm>>) target(%arg7 : memref<40x128xi32, #tpu.memory_space<vmem>>) target_semaphore(%run_scoped3A : memref<!tpu.dma_semaphore, #tpu.memory_space<semaphore_mem>>)
      %dma_wait3A = arith.constant 0 : i32
      %dma_wait3A_22 = arith.constant 0 : i32
      %dma_wait3A_23 = tpu.memref_slice %arg3[%add3A, %dma_wait3A, %dma_wait3A_22] : memref<32x40x128xi32, #tpu.memory_space<hbm>> -> memref<1x40x128xi32, #tpu.memory_space<hbm>>
      %dma_wait3A_24 = tpu.memref_squeeze %dma_wait3A_23 : memref<1x40x128xi32, #tpu.memory_space<hbm>> -> memref<40x128xi32, #tpu.memory_space<hbm>>
      %dma_wait3A_25 = arith.constant 0 : i32
      %dma_wait3A_26 = arith.constant 0 : i32
      %dma_wait3A_27 = tpu.memref_slice %arg3[%add3A, %dma_wait3A_25, %dma_wait3A_26] : memref<32x40x128xi32, #tpu.memory_space<hbm>> -> memref<1x40x128xi32, #tpu.memory_space<hbm>>
      %dma_wait3A_28 = tpu.memref_squeeze %dma_wait3A_27 : memref<1x40x128xi32, #tpu.memory_space<hbm>> -> memref<40x128xi32, #tpu.memory_space<hbm>>
      tpu.wait_dma2 semaphore(%run_scoped3A : memref<!tpu.dma_semaphore, #tpu.memory_space<semaphore_mem>>) src(%dma_wait3A_28 : memref<40x128xi32, #tpu.memory_space<hbm>>) dst(%arg7 : memref<40x128xi32, #tpu.memory_space<vmem>>)
      tpu.yield
    }) : () -> ()
    "tpu.region"() ({
      %run_scoped3A = tpu.sem_alloc : memref<!tpu.dma_semaphore, #tpu.memory_space<semaphore_mem>>
      %dma_start3A = arith.constant 0 : i32
      %dma_start3A_15 = arith.constant 0 : i32
      %dma_start3A_16 = tpu.memref_slice %arg4[%add3A, %dma_start3A, %dma_start3A_15] : memref<32x40x128xi32, #tpu.memory_space<hbm>> -> memref<1x40x128xi32, #tpu.memory_space<hbm>>
      %dma_start3A_17 = tpu.memref_squeeze %dma_start3A_16 : memref<1x40x128xi32, #tpu.memory_space<hbm>> -> memref<40x128xi32, #tpu.memory_space<hbm>>
      %dma_start3A_18 = arith.constant 0 : i32
      %dma_start3A_19 = arith.constant 0 : i32
      %dma_start3A_20 = tpu.memref_slice %arg4[%add3A, %dma_start3A_18, %dma_start3A_19] : memref<32x40x128xi32, #tpu.memory_space<hbm>> -> memref<1x40x128xi32, #tpu.memory_space<hbm>>
      %dma_start3A_21 = tpu.memref_squeeze %dma_start3A_20 : memref<1x40x128xi32, #tpu.memory_space<hbm>> -> memref<40x128xi32, #tpu.memory_space<hbm>>
      tpu.enqueue_dma source(%dma_start3A_21 : memref<40x128xi32, #tpu.memory_space<hbm>>) target(%arg8 : memref<40x128xi32, #tpu.memory_space<vmem>>) target_semaphore(%run_scoped3A : memref<!tpu.dma_semaphore, #tpu.memory_space<semaphore_mem>>)
      %dma_wait3A = arith.constant 0 : i32
      %dma_wait3A_22 = arith.constant 0 : i32
      %dma_wait3A_23 = tpu.memref_slice %arg4[%add3A, %dma_wait3A, %dma_wait3A_22] : memref<32x40x128xi32, #tpu.memory_space<hbm>> -> memref<1x40x128xi32, #tpu.memory_space<hbm>>
      %dma_wait3A_24 = tpu.memref_squeeze %dma_wait3A_23 : memref<1x40x128xi32, #tpu.memory_space<hbm>> -> memref<40x128xi32, #tpu.memory_space<hbm>>
      %dma_wait3A_25 = arith.constant 0 : i32
      %dma_wait3A_26 = arith.constant 0 : i32
      %dma_wait3A_27 = tpu.memref_slice %arg4[%add3A, %dma_wait3A_25, %dma_wait3A_26] : memref<32x40x128xi32, #tpu.memory_space<hbm>> -> memref<1x40x128xi32, #tpu.memory_space<hbm>>
      %dma_wait3A_28 = tpu.memref_squeeze %dma_wait3A_27 : memref<1x40x128xi32, #tpu.memory_space<hbm>> -> memref<40x128xi32, #tpu.memory_space<hbm>>
      tpu.wait_dma2 semaphore(%run_scoped3A : memref<!tpu.dma_semaphore, #tpu.memory_space<semaphore_mem>>) src(%dma_wait3A_28 : memref<40x128xi32, #tpu.memory_space<hbm>>) dst(%arg8 : memref<40x128xi32, #tpu.memory_space<vmem>>)
      tpu.yield
    }) : () -> ()
    %mul3A_1 = arith.constant 640 : i32
    %mul3A_2 = arith.muli %arg1, %mul3A_1 : i32
    %mul3A_3 = arith.constant 640 : i32
    %mul3A_4 = arith.muli %arg1, %mul3A_3 : i32
    "tpu.region"() ({
      %run_scoped3A = tpu.sem_alloc : memref<!tpu.dma_semaphore, #tpu.memory_space<semaphore_mem>>
      %dma_start3A = arith.constant 0 : i32
      %dma_start3A_15 = tpu.memref_slice %arg11[%mul3A_4, %dma_start3A] : memref<10240x128xf32, #tpu.memory_space<vmem_shared>> -> memref<640x128xf32, #tpu.memory_space<vmem_shared>>
      %dma_start3A_16 = arith.constant 0 : i32
      %dma_start3A_17 = tpu.memref_slice %arg5[%mul3A_2, %dma_start3A_16] : memref<10240x128xf32, #tpu.memory_space<hbm>> -> memref<640x128xf32, #tpu.memory_space<hbm>>
      tpu.enqueue_dma source(%dma_start3A_17 : memref<640x128xf32, #tpu.memory_space<hbm>>) target(%dma_start3A_15 : memref<640x128xf32, #tpu.memory_space<vmem_shared>>) target_semaphore(%run_scoped3A : memref<!tpu.dma_semaphore, #tpu.memory_space<semaphore_mem>>)
      %dma_wait3A = arith.constant 0 : i32
      %dma_wait3A_18 = tpu.memref_slice %arg11[%mul3A_4, %dma_wait3A] : memref<10240x128xf32, #tpu.memory_space<vmem_shared>> -> memref<640x128xf32, #tpu.memory_space<vmem_shared>>
      %dma_wait3A_19 = arith.constant 0 : i32
      %dma_wait3A_20 = tpu.memref_slice %arg5[%mul3A_2, %dma_wait3A_19] : memref<10240x128xf32, #tpu.memory_space<hbm>> -> memref<640x128xf32, #tpu.memory_space<hbm>>
      tpu.wait_dma2 semaphore(%run_scoped3A : memref<!tpu.dma_semaphore, #tpu.memory_space<semaphore_mem>>) src(%dma_wait3A_20 : memref<640x128xf32, #tpu.memory_space<hbm>>) dst(%dma_wait3A_18 : memref<640x128xf32, #tpu.memory_space<vmem_shared>>)
      tpu.yield
    }) : () -> ()
    %barrier3A = arith.constant 0 : index
    tpu.barrier barrier_id(%barrier3A)
    %scan3A = arith.constant 0 : i32
    %scan3A_5 = arith.constant 0 : i32
    %scan3A_6 = arith.constant 20 : i32
    %scan3A_7 = arith.addi %scan3A_5, %scan3A_6 : i32
    %scan3A_8 = arith.constant 1 : i32
    scf.for %scan3A_15 = %scan3A_5 to %scan3A_7 step %scan3A_8  : i32 {
      %mul3A_16 = arith.constant 2 : i32
      %mul3A_17 = arith.muli %scan3A_15, %mul3A_16 : i32
      %add3A_18 = arith.constant 0 : i32
      %add3A_19 = arith.addi %mul3A_17, %add3A_18 : i32
      %add3A_20 = arith.constant 0 : i32
      %add3A_21 = arith.addi %add3A_19, %add3A_20 : i32
      %dma_start3A = arith.constant 0 : i32
      %dma_start3A_22 = arith.constant 0 : i32
      %dma_start3A_23 = tpu.memref_slice %arg9[%dma_start3A, %dma_start3A_22] : memref<128x128xf32, #tpu.memory_space<vmem>> -> memref<128x128xf32, #tpu.memory_space<vmem>>
      %dma_start3A_24 = arith.constant 0 : i32
      %dma_start3A_25 = tpu.memref_slice %arg7[%add3A_21, %dma_start3A_24] : memref<40x128xi32, #tpu.memory_space<vmem>> -> memref<1x128xi32, #tpu.memory_space<vmem>>
      %dma_start3A_26 = tpu.memref_squeeze %dma_start3A_25 : memref<1x128xi32, #tpu.memory_space<vmem>> -> memref<128xi32, #tpu.memory_space<vmem>>
      %dma_start3A_27 = arith.constant 0 : i32
      %dma_start3A_28 = arith.constant 0 : i32
      %dma_start3A_29 = tpu.memref_slice %arg2[%dma_start3A_27, %dma_start3A_28] : memref<20000x128xf32, #tpu.memory_space<hbm>> -> memref<20000x128xf32, #tpu.memory_space<hbm>>
      tpu.enqueue_indirect_dma source(%dma_start3A_29 : memref<20000x128xf32, #tpu.memory_space<hbm>>) target(%dma_start3A_23 : memref<128x128xf32, #tpu.memory_space<vmem>>) offsets(%dma_start3A_26 : memref<128xi32, #tpu.memory_space<vmem>>) semaphore(%arg12 : memref<!tpu.dma_semaphore, #tpu.memory_space<semaphore_mem>>)
      %add3A_30 = arith.constant 1 : i32
      %add3A_31 = arith.addi %mul3A_17, %add3A_30 : i32
      %add3A_32 = arith.constant 0 : i32
      %add3A_33 = arith.addi %add3A_31, %add3A_32 : i32
      %dma_start3A_34 = arith.constant 0 : i32
      %dma_start3A_35 = arith.constant 0 : i32
      %dma_start3A_36 = tpu.memref_slice %arg10[%dma_start3A_34, %dma_start3A_35] : memref<128x128xf32, #tpu.memory_space<vmem>> -> memref<128x128xf32, #tpu.memory_space<vmem>>
      %dma_start3A_37 = arith.constant 0 : i32
      %dma_start3A_38 = tpu.memref_slice %arg7[%add3A_33, %dma_start3A_37] : memref<40x128xi32, #tpu.memory_space<vmem>> -> memref<1x128xi32, #tpu.memory_space<vmem>>
      %dma_start3A_39 = tpu.memref_squeeze %dma_start3A_38 : memref<1x128xi32, #tpu.memory_space<vmem>> -> memref<128xi32, #tpu.memory_space<vmem>>
      %dma_start3A_40 = arith.constant 0 : i32
      %dma_start3A_41 = arith.constant 0 : i32
      %dma_start3A_42 = tpu.memref_slice %arg2[%dma_start3A_40, %dma_start3A_41] : memref<20000x128xf32, #tpu.memory_space<hbm>> -> memref<20000x128xf32, #tpu.memory_space<hbm>>
      tpu.enqueue_indirect_dma source(%dma_start3A_42 : memref<20000x128xf32, #tpu.memory_space<hbm>>) target(%dma_start3A_36 : memref<128x128xf32, #tpu.memory_space<vmem>>) offsets(%dma_start3A_39 : memref<128xi32, #tpu.memory_space<vmem>>) semaphore(%arg13 : memref<!tpu.dma_semaphore, #tpu.memory_space<semaphore_mem>>)
      %dma_wait3A = arith.constant 0 : i32
      %dma_wait3A_43 = arith.constant 0 : i32
      %dma_wait3A_44 = tpu.memref_slice %arg9[%dma_wait3A, %dma_wait3A_43] : memref<128x128xf32, #tpu.memory_space<vmem>> -> memref<128x128xf32, #tpu.memory_space<vmem>>
      %dma_wait3A_45 = arith.constant 0 : i32
      %dma_wait3A_46 = tpu.memref_slice %arg7[%add3A_21, %dma_wait3A_45] : memref<40x128xi32, #tpu.memory_space<vmem>> -> memref<1x128xi32, #tpu.memory_space<vmem>>
      %dma_wait3A_47 = tpu.memref_squeeze %dma_wait3A_46 : memref<1x128xi32, #tpu.memory_space<vmem>> -> memref<128xi32, #tpu.memory_space<vmem>>
      %dma_wait3A_48 = arith.constant 0 : i32
      %dma_wait3A_49 = arith.constant 0 : i32
      %dma_wait3A_50 = tpu.memref_slice %arg2[%dma_wait3A_48, %dma_wait3A_49] : memref<20000x128xf32, #tpu.memory_space<hbm>> -> memref<20000x128xf32, #tpu.memory_space<hbm>>
      tpu.wait_indirect_dma semaphore(%arg12 : memref<!tpu.dma_semaphore, #tpu.memory_space<semaphore_mem>>) src(%dma_wait3A_50 : memref<20000x128xf32, #tpu.memory_space<hbm>>) dst(%dma_wait3A_44 : memref<128x128xf32, #tpu.memory_space<vmem>>)
      %add3A_51 = arith.constant 0 : i32
      %add3A_52 = arith.addi %mul3A_17, %add3A_51 : i32
      %add3A_53 = arith.constant 0 : i32
      %add3A_54 = arith.addi %add3A_52, %add3A_53 : i32
      %dma_start3A_55 = arith.constant 0 : i32
      %dma_start3A_56 = arith.constant 0 : i32
      %dma_start3A_57 = tpu.memref_slice %arg9[%dma_start3A_55, %dma_start3A_56] : memref<128x128xf32, #tpu.memory_space<vmem>> -> memref<128x128xf32, #tpu.memory_space<vmem>>
      %dma_start3A_58 = arith.constant 0 : i32
      %dma_start3A_59 = tpu.memref_slice %arg8[%add3A_54, %dma_start3A_58] : memref<40x128xi32, #tpu.memory_space<vmem>> -> memref<1x128xi32, #tpu.memory_space<vmem>>
      %dma_start3A_60 = tpu.memref_squeeze %dma_start3A_59 : memref<1x128xi32, #tpu.memory_space<vmem>> -> memref<128xi32, #tpu.memory_space<vmem>>
      %dma_start3A_61 = arith.constant 0 : i32
      %dma_start3A_62 = arith.constant 0 : i32
      %dma_start3A_63 = tpu.memref_slice %arg11[%dma_start3A_61, %dma_start3A_62] : memref<10240x128xf32, #tpu.memory_space<vmem_shared>> -> memref<10240x128xf32, #tpu.memory_space<vmem_shared>>
      tpu.enqueue_indirect_dma source(%dma_start3A_57 : memref<128x128xf32, #tpu.memory_space<vmem>>) target(%dma_start3A_63 : memref<10240x128xf32, #tpu.memory_space<vmem_shared>>) offsets(%dma_start3A_60 : memref<128xi32, #tpu.memory_space<vmem>>) semaphore(%arg14 : memref<!tpu.dma_semaphore, #tpu.memory_space<semaphore_mem>>) {add = true}
      %dma_wait3A_64 = arith.constant 0 : i32
      %dma_wait3A_65 = arith.constant 0 : i32
      %dma_wait3A_66 = tpu.memref_slice %arg10[%dma_wait3A_64, %dma_wait3A_65] : memref<128x128xf32, #tpu.memory_space<vmem>> -> memref<128x128xf32, #tpu.memory_space<vmem>>
      %dma_wait3A_67 = arith.constant 0 : i32
      %dma_wait3A_68 = tpu.memref_slice %arg7[%add3A_33, %dma_wait3A_67] : memref<40x128xi32, #tpu.memory_space<vmem>> -> memref<1x128xi32, #tpu.memory_space<vmem>>
      %dma_wait3A_69 = tpu.memref_squeeze %dma_wait3A_68 : memref<1x128xi32, #tpu.memory_space<vmem>> -> memref<128xi32, #tpu.memory_space<vmem>>
      %dma_wait3A_70 = arith.constant 0 : i32
      %dma_wait3A_71 = arith.constant 0 : i32
      %dma_wait3A_72 = tpu.memref_slice %arg2[%dma_wait3A_70, %dma_wait3A_71] : memref<20000x128xf32, #tpu.memory_space<hbm>> -> memref<20000x128xf32, #tpu.memory_space<hbm>>
      tpu.wait_indirect_dma semaphore(%arg13 : memref<!tpu.dma_semaphore, #tpu.memory_space<semaphore_mem>>) src(%dma_wait3A_72 : memref<20000x128xf32, #tpu.memory_space<hbm>>) dst(%dma_wait3A_66 : memref<128x128xf32, #tpu.memory_space<vmem>>)
      %add3A_73 = arith.constant 1 : i32
      %add3A_74 = arith.addi %mul3A_17, %add3A_73 : i32
      %add3A_75 = arith.constant 0 : i32
      %add3A_76 = arith.addi %add3A_74, %add3A_75 : i32
      %dma_start3A_77 = arith.constant 0 : i32
      %dma_start3A_78 = arith.constant 0 : i32
      %dma_start3A_79 = tpu.memref_slice %arg10[%dma_start3A_77, %dma_start3A_78] : memref<128x128xf32, #tpu.memory_space<vmem>> -> memref<128x128xf32, #tpu.memory_space<vmem>>
      %dma_start3A_80 = arith.constant 0 : i32
      %dma_start3A_81 = tpu.memref_slice %arg8[%add3A_76, %dma_start3A_80] : memref<40x128xi32, #tpu.memory_space<vmem>> -> memref<1x128xi32, #tpu.memory_space<vmem>>
      %dma_start3A_82 = tpu.memref_squeeze %dma_start3A_81 : memref<1x128xi32, #tpu.memory_space<vmem>> -> memref<128xi32, #tpu.memory_space<vmem>>
      %dma_start3A_83 = arith.constant 0 : i32
      %dma_start3A_84 = arith.constant 0 : i32
      %dma_start3A_85 = tpu.memref_slice %arg11[%dma_start3A_83, %dma_start3A_84] : memref<10240x128xf32, #tpu.memory_space<vmem_shared>> -> memref<10240x128xf32, #tpu.memory_space<vmem_shared>>
      tpu.enqueue_indirect_dma source(%dma_start3A_79 : memref<128x128xf32, #tpu.memory_space<vmem>>) target(%dma_start3A_85 : memref<10240x128xf32, #tpu.memory_space<vmem_shared>>) offsets(%dma_start3A_82 : memref<128xi32, #tpu.memory_space<vmem>>) semaphore(%arg15 : memref<!tpu.dma_semaphore, #tpu.memory_space<semaphore_mem>>) {add = true}
      %dma_wait3A_86 = arith.constant 0 : i32
      %dma_wait3A_87 = arith.constant 0 : i32
      %dma_wait3A_88 = tpu.memref_slice %arg9[%dma_wait3A_86, %dma_wait3A_87] : memref<128x128xf32, #tpu.memory_space<vmem>> -> memref<128x128xf32, #tpu.memory_space<vmem>>
      %dma_wait3A_89 = arith.constant 0 : i32
      %dma_wait3A_90 = tpu.memref_slice %arg8[%add3A_54, %dma_wait3A_89] : memref<40x128xi32, #tpu.memory_space<vmem>> -> memref<1x128xi32, #tpu.memory_space<vmem>>
      %dma_wait3A_91 = tpu.memref_squeeze %dma_wait3A_90 : memref<1x128xi32, #tpu.memory_space<vmem>> -> memref<128xi32, #tpu.memory_space<vmem>>
      %dma_wait3A_92 = arith.constant 0 : i32
      %dma_wait3A_93 = arith.constant 0 : i32
      %dma_wait3A_94 = tpu.memref_slice %arg11[%dma_wait3A_92, %dma_wait3A_93] : memref<10240x128xf32, #tpu.memory_space<vmem_shared>> -> memref<10240x128xf32, #tpu.memory_space<vmem_shared>>
      tpu.wait_indirect_dma semaphore(%arg14 : memref<!tpu.dma_semaphore, #tpu.memory_space<semaphore_mem>>) src(%dma_wait3A_88 : memref<128x128xf32, #tpu.memory_space<vmem>>) dst(%dma_wait3A_94 : memref<10240x128xf32, #tpu.memory_space<vmem_shared>>)
      %dma_wait3A_95 = arith.constant 0 : i32
      %dma_wait3A_96 = arith.constant 0 : i32
      %dma_wait3A_97 = tpu.memref_slice %arg10[%dma_wait3A_95, %dma_wait3A_96] : memref<128x128xf32, #tpu.memory_space<vmem>> -> memref<128x128xf32, #tpu.memory_space<vmem>>
      %dma_wait3A_98 = arith.constant 0 : i32
      %dma_wait3A_99 = tpu.memref_slice %arg8[%add3A_76, %dma_wait3A_98] : memref<40x128xi32, #tpu.memory_space<vmem>> -> memref<1x128xi32, #tpu.memory_space<vmem>>
      %dma_wait3A_100 = tpu.memref_squeeze %dma_wait3A_99 : memref<1x128xi32, #tpu.memory_space<vmem>> -> memref<128xi32, #tpu.memory_space<vmem>>
      %dma_wait3A_101 = arith.constant 0 : i32
      %dma_wait3A_102 = arith.constant 0 : i32
      %dma_wait3A_103 = tpu.memref_slice %arg11[%dma_wait3A_101, %dma_wait3A_102] : memref<10240x128xf32, #tpu.memory_space<vmem_shared>> -> memref<10240x128xf32, #tpu.memory_space<vmem_shared>>
      tpu.wait_indirect_dma semaphore(%arg15 : memref<!tpu.dma_semaphore, #tpu.memory_space<semaphore_mem>>) src(%dma_wait3A_97 : memref<128x128xf32, #tpu.memory_space<vmem>>) dst(%dma_wait3A_103 : memref<10240x128xf32, #tpu.memory_space<vmem_shared>>)
    }
    %scan3A_9 = arith.constant 20 : i32
    %barrier3A_10 = arith.constant 0 : index
    tpu.barrier barrier_id(%barrier3A_10)
    %mul3A_11 = arith.constant 640 : i32
    %mul3A_12 = arith.muli %arg1, %mul3A_11 : i32
    %mul3A_13 = arith.constant 640 : i32
    %mul3A_14 = arith.muli %arg1, %mul3A_13 : i32
    "tpu.region"() ({
      %run_scoped3A = tpu.sem_alloc : memref<!tpu.dma_semaphore, #tpu.memory_space<semaphore_mem>>
      %dma_start3A = arith.constant 0 : i32
      %dma_start3A_15 = tpu.memref_slice %arg6[%arg0, %mul3A_14, %dma_start3A] : memref<2x10240x128xf32, #tpu.memory_space<hbm>> -> memref<1x640x128xf32, #tpu.memory_space<hbm>>
      %dma_start3A_16 = tpu.memref_squeeze %dma_start3A_15 : memref<1x640x128xf32, #tpu.memory_space<hbm>> -> memref<640x128xf32, #tpu.memory_space<hbm>>
      %dma_start3A_17 = arith.constant 0 : i32
      %dma_start3A_18 = tpu.memref_slice %arg11[%mul3A_12, %dma_start3A_17] : memref<10240x128xf32, #tpu.memory_space<vmem_shared>> -> memref<640x128xf32, #tpu.memory_space<vmem_shared>>
      tpu.enqueue_dma source(%dma_start3A_18 : memref<640x128xf32, #tpu.memory_space<vmem_shared>>) target(%dma_start3A_16 : memref<640x128xf32, #tpu.memory_space<hbm>>) target_semaphore(%run_scoped3A : memref<!tpu.dma_semaphore, #tpu.memory_space<semaphore_mem>>)
      %dma_wait3A = arith.constant 0 : i32
      %dma_wait3A_19 = tpu.memref_slice %arg6[%arg0, %mul3A_14, %dma_wait3A] : memref<2x10240x128xf32, #tpu.memory_space<hbm>> -> memref<1x640x128xf32, #tpu.memory_space<hbm>>
      %dma_wait3A_20 = tpu.memref_squeeze %dma_wait3A_19 : memref<1x640x128xf32, #tpu.memory_space<hbm>> -> memref<640x128xf32, #tpu.memory_space<hbm>>
      %dma_wait3A_21 = arith.constant 0 : i32
      %dma_wait3A_22 = tpu.memref_slice %arg11[%mul3A_12, %dma_wait3A_21] : memref<10240x128xf32, #tpu.memory_space<vmem_shared>> -> memref<640x128xf32, #tpu.memory_space<vmem_shared>>
      tpu.wait_dma2 semaphore(%run_scoped3A : memref<!tpu.dma_semaphore, #tpu.memory_space<semaphore_mem>>) src(%dma_wait3A_22 : memref<640x128xf32, #tpu.memory_space<vmem_shared>>) dst(%dma_wait3A_20 : memref<640x128xf32, #tpu.memory_space<hbm>>)
      tpu.yield
    }) : () -> ()
    return
  }
}

#map = affine_map<(d0, d1) -> (0, 0)>
#map1 = affine_map<(d0, d1) -> (0, 0, 0)>
module attributes {stable_mosaic.version = 14 : i64} {
  func.func @_sc_body(%arg0: i32, %arg1: i32, %arg2: memref<20000x128xf32, #tpu.memory_space<hbm>>, %arg3: memref<32x40x128xi32, #tpu.memory_space<hbm>>, %arg4: memref<32x40x128xi32, #tpu.memory_space<hbm>>, %arg5: memref<10240x128xf32, #tpu.memory_space<hbm>>, %arg6: memref<2x10240x128xf32, #tpu.memory_space<hbm>>, %arg7: memref<40x128xi32, #tpu.memory_space<vmem>>, %arg8: memref<40x128xi32, #tpu.memory_space<vmem>>, %arg9: memref<128x128xf32, #tpu.memory_space<vmem>>, %arg10: memref<128x128xf32, #tpu.memory_space<vmem>>, %arg11: memref<10240x128xf32, #tpu.memory_space<vmem_shared>>, %arg12: memref<!tpu.dma_semaphore, #tpu.memory_space<semaphore_mem>>, %arg13: memref<!tpu.dma_semaphore, #tpu.memory_space<semaphore_mem>>, %arg14: memref<!tpu.dma_semaphore, #tpu.memory_space<semaphore_mem>>, %arg15: memref<!tpu.dma_semaphore, #tpu.memory_space<semaphore_mem>>) attributes {dimension_semantics = [#tpu.dimension_semantics<core_parallel>, #tpu.dimension_semantics<subcore_parallel>], iteration_bounds = array<i64: 2, 16>, scalar_prefetch = 0 : i64, scratch_operands = 9 : i64, tpu.core_type = #tpu.core_type<sc_vector_subcore>, window_params = [{transform_indices = #map}, {transform_indices = #map1}, {transform_indices = #map1}, {transform_indices = #map}, {transform_indices = #map1}]} {
    %mul3A = arith.constant 16 : i32
    %mul3A_0 = arith.muli %arg0, %mul3A : i32
    %add3A = arith.addi %mul3A_0, %arg1 : i32
    "tpu.region"() ({
      %run_scoped3A = tpu.sem_alloc : memref<!tpu.dma_semaphore, #tpu.memory_space<semaphore_mem>>
      %dma_start3A = arith.constant 0 : i32
      %dma_start3A_15 = arith.constant 0 : i32
      %dma_start3A_16 = tpu.memref_slice %arg3[%add3A, %dma_start3A, %dma_start3A_15] : memref<32x40x128xi32, #tpu.memory_space<hbm>> -> memref<1x40x128xi32, #tpu.memory_space<hbm>>
      %dma_start3A_17 = tpu.memref_squeeze %dma_start3A_16 : memref<1x40x128xi32, #tpu.memory_space<hbm>> -> memref<40x128xi32, #tpu.memory_space<hbm>>
      %dma_start3A_18 = arith.constant 0 : i32
      %dma_start3A_19 = arith.constant 0 : i32
      %dma_start3A_20 = tpu.memref_slice %arg3[%add3A, %dma_start3A_18, %dma_start3A_19] : memref<32x40x128xi32, #tpu.memory_space<hbm>> -> memref<1x40x128xi32, #tpu.memory_space<hbm>>
      %dma_start3A_21 = tpu.memref_squeeze %dma_start3A_20 : memref<1x40x128xi32, #tpu.memory_space<hbm>> -> memref<40x128xi32, #tpu.memory_space<hbm>>
      tpu.enqueue_dma source(%dma_start3A_21 : memref<40x128xi32, #tpu.memory_space<hbm>>) target(%arg7 : memref<40x128xi32, #tpu.memory_space<vmem>>) target_semaphore(%run_scoped3A : memref<!tpu.dma_semaphore, #tpu.memory_space<semaphore_mem>>)
      %dma_wait3A = arith.constant 0 : i32
      %dma_wait3A_22 = arith.constant 0 : i32
      %dma_wait3A_23 = tpu.memref_slice %arg3[%add3A, %dma_wait3A, %dma_wait3A_22] : memref<32x40x128xi32, #tpu.memory_space<hbm>> -> memref<1x40x128xi32, #tpu.memory_space<hbm>>
      %dma_wait3A_24 = tpu.memref_squeeze %dma_wait3A_23 : memref<1x40x128xi32, #tpu.memory_space<hbm>> -> memref<40x128xi32, #tpu.memory_space<hbm>>
      %dma_wait3A_25 = arith.constant 0 : i32
      %dma_wait3A_26 = arith.constant 0 : i32
      %dma_wait3A_27 = tpu.memref_slice %arg3[%add3A, %dma_wait3A_25, %dma_wait3A_26] : memref<32x40x128xi32, #tpu.memory_space<hbm>> -> memref<1x40x128xi32, #tpu.memory_space<hbm>>
      %dma_wait3A_28 = tpu.memref_squeeze %dma_wait3A_27 : memref<1x40x128xi32, #tpu.memory_space<hbm>> -> memref<40x128xi32, #tpu.memory_space<hbm>>
      tpu.wait_dma2 semaphore(%run_scoped3A : memref<!tpu.dma_semaphore, #tpu.memory_space<semaphore_mem>>) src(%dma_wait3A_28 : memref<40x128xi32, #tpu.memory_space<hbm>>) dst(%arg7 : memref<40x128xi32, #tpu.memory_space<vmem>>)
      tpu.yield
    }) : () -> ()
    "tpu.region"() ({
      %run_scoped3A = tpu.sem_alloc : memref<!tpu.dma_semaphore, #tpu.memory_space<semaphore_mem>>
      %dma_start3A = arith.constant 0 : i32
      %dma_start3A_15 = arith.constant 0 : i32
      %dma_start3A_16 = tpu.memref_slice %arg4[%add3A, %dma_start3A, %dma_start3A_15] : memref<32x40x128xi32, #tpu.memory_space<hbm>> -> memref<1x40x128xi32, #tpu.memory_space<hbm>>
      %dma_start3A_17 = tpu.memref_squeeze %dma_start3A_16 : memref<1x40x128xi32, #tpu.memory_space<hbm>> -> memref<40x128xi32, #tpu.memory_space<hbm>>
      %dma_start3A_18 = arith.constant 0 : i32
      %dma_start3A_19 = arith.constant 0 : i32
      %dma_start3A_20 = tpu.memref_slice %arg4[%add3A, %dma_start3A_18, %dma_start3A_19] : memref<32x40x128xi32, #tpu.memory_space<hbm>> -> memref<1x40x128xi32, #tpu.memory_space<hbm>>
      %dma_start3A_21 = tpu.memref_squeeze %dma_start3A_20 : memref<1x40x128xi32, #tpu.memory_space<hbm>> -> memref<40x128xi32, #tpu.memory_space<hbm>>
      tpu.enqueue_dma source(%dma_start3A_21 : memref<40x128xi32, #tpu.memory_space<hbm>>) target(%arg8 : memref<40x128xi32, #tpu.memory_space<vmem>>) target_semaphore(%run_scoped3A : memref<!tpu.dma_semaphore, #tpu.memory_space<semaphore_mem>>)
      %dma_wait3A = arith.constant 0 : i32
      %dma_wait3A_22 = arith.constant 0 : i32
      %dma_wait3A_23 = tpu.memref_slice %arg4[%add3A, %dma_wait3A, %dma_wait3A_22] : memref<32x40x128xi32, #tpu.memory_space<hbm>> -> memref<1x40x128xi32, #tpu.memory_space<hbm>>
      %dma_wait3A_24 = tpu.memref_squeeze %dma_wait3A_23 : memref<1x40x128xi32, #tpu.memory_space<hbm>> -> memref<40x128xi32, #tpu.memory_space<hbm>>
      %dma_wait3A_25 = arith.constant 0 : i32
      %dma_wait3A_26 = arith.constant 0 : i32
      %dma_wait3A_27 = tpu.memref_slice %arg4[%add3A, %dma_wait3A_25, %dma_wait3A_26] : memref<32x40x128xi32, #tpu.memory_space<hbm>> -> memref<1x40x128xi32, #tpu.memory_space<hbm>>
      %dma_wait3A_28 = tpu.memref_squeeze %dma_wait3A_27 : memref<1x40x128xi32, #tpu.memory_space<hbm>> -> memref<40x128xi32, #tpu.memory_space<hbm>>
      tpu.wait_dma2 semaphore(%run_scoped3A : memref<!tpu.dma_semaphore, #tpu.memory_space<semaphore_mem>>) src(%dma_wait3A_28 : memref<40x128xi32, #tpu.memory_space<hbm>>) dst(%arg8 : memref<40x128xi32, #tpu.memory_space<vmem>>)
      tpu.yield
    }) : () -> ()
    %mul3A_1 = arith.constant 640 : i32
    %mul3A_2 = arith.muli %arg1, %mul3A_1 : i32
    %mul3A_3 = arith.constant 640 : i32
    %mul3A_4 = arith.muli %arg1, %mul3A_3 : i32
    "tpu.region"() ({
      %run_scoped3A = tpu.sem_alloc : memref<!tpu.dma_semaphore, #tpu.memory_space<semaphore_mem>>
      %dma_start3A = arith.constant 0 : i32
      %dma_start3A_15 = tpu.memref_slice %arg11[%mul3A_4, %dma_start3A] : memref<10240x128xf32, #tpu.memory_space<vmem_shared>> -> memref<640x128xf32, #tpu.memory_space<vmem_shared>>
      %dma_start3A_16 = arith.constant 0 : i32
      %dma_start3A_17 = tpu.memref_slice %arg5[%mul3A_2, %dma_start3A_16] : memref<10240x128xf32, #tpu.memory_space<hbm>> -> memref<640x128xf32, #tpu.memory_space<hbm>>
      tpu.enqueue_dma source(%dma_start3A_17 : memref<640x128xf32, #tpu.memory_space<hbm>>) target(%dma_start3A_15 : memref<640x128xf32, #tpu.memory_space<vmem_shared>>) target_semaphore(%run_scoped3A : memref<!tpu.dma_semaphore, #tpu.memory_space<semaphore_mem>>)
      %dma_wait3A = arith.constant 0 : i32
      %dma_wait3A_18 = tpu.memref_slice %arg11[%mul3A_4, %dma_wait3A] : memref<10240x128xf32, #tpu.memory_space<vmem_shared>> -> memref<640x128xf32, #tpu.memory_space<vmem_shared>>
      %dma_wait3A_19 = arith.constant 0 : i32
      %dma_wait3A_20 = tpu.memref_slice %arg5[%mul3A_2, %dma_wait3A_19] : memref<10240x128xf32, #tpu.memory_space<hbm>> -> memref<640x128xf32, #tpu.memory_space<hbm>>
      tpu.wait_dma2 semaphore(%run_scoped3A : memref<!tpu.dma_semaphore, #tpu.memory_space<semaphore_mem>>) src(%dma_wait3A_20 : memref<640x128xf32, #tpu.memory_space<hbm>>) dst(%dma_wait3A_18 : memref<640x128xf32, #tpu.memory_space<vmem_shared>>)
      tpu.yield
    }) : () -> ()
    %barrier3A = arith.constant 0 : index
    tpu.barrier barrier_id(%barrier3A)
    %scan3A = arith.constant 0 : i32
    %scan3A_5 = arith.constant 0 : i32
    %scan3A_6 = arith.constant 20 : i32
    %scan3A_7 = arith.addi %scan3A_5, %scan3A_6 : i32
    %scan3A_8 = arith.constant 1 : i32
    scf.for %scan3A_15 = %scan3A_5 to %scan3A_7 step %scan3A_8  : i32 {
      %mul3A_16 = arith.constant 2 : i32
      %mul3A_17 = arith.muli %scan3A_15, %mul3A_16 : i32
      %add3A_18 = arith.constant 0 : i32
      %add3A_19 = arith.addi %mul3A_17, %add3A_18 : i32
      %add3A_20 = arith.constant 0 : i32
      %add3A_21 = arith.addi %add3A_19, %add3A_20 : i32
      %dma_start3A = arith.constant 0 : i32
      %dma_start3A_22 = arith.constant 0 : i32
      %dma_start3A_23 = tpu.memref_slice %arg9[%dma_start3A, %dma_start3A_22] : memref<128x128xf32, #tpu.memory_space<vmem>> -> memref<128x128xf32, #tpu.memory_space<vmem>>
      %dma_start3A_24 = arith.constant 0 : i32
      %dma_start3A_25 = tpu.memref_slice %arg7[%add3A_21, %dma_start3A_24] : memref<40x128xi32, #tpu.memory_space<vmem>> -> memref<1x128xi32, #tpu.memory_space<vmem>>
      %dma_start3A_26 = tpu.memref_squeeze %dma_start3A_25 : memref<1x128xi32, #tpu.memory_space<vmem>> -> memref<128xi32, #tpu.memory_space<vmem>>
      %dma_start3A_27 = arith.constant 0 : i32
      %dma_start3A_28 = arith.constant 0 : i32
      %dma_start3A_29 = tpu.memref_slice %arg2[%dma_start3A_27, %dma_start3A_28] : memref<20000x128xf32, #tpu.memory_space<hbm>> -> memref<20000x128xf32, #tpu.memory_space<hbm>>
      tpu.enqueue_indirect_dma source(%dma_start3A_29 : memref<20000x128xf32, #tpu.memory_space<hbm>>) target(%dma_start3A_23 : memref<128x128xf32, #tpu.memory_space<vmem>>) offsets(%dma_start3A_26 : memref<128xi32, #tpu.memory_space<vmem>>) semaphore(%arg12 : memref<!tpu.dma_semaphore, #tpu.memory_space<semaphore_mem>>)
      %add3A_30 = arith.constant 1 : i32
      %add3A_31 = arith.addi %mul3A_17, %add3A_30 : i32
      %add3A_32 = arith.constant 0 : i32
      %add3A_33 = arith.addi %add3A_31, %add3A_32 : i32
      %dma_start3A_34 = arith.constant 0 : i32
      %dma_start3A_35 = arith.constant 0 : i32
      %dma_start3A_36 = tpu.memref_slice %arg10[%dma_start3A_34, %dma_start3A_35] : memref<128x128xf32, #tpu.memory_space<vmem>> -> memref<128x128xf32, #tpu.memory_space<vmem>>
      %dma_start3A_37 = arith.constant 0 : i32
      %dma_start3A_38 = tpu.memref_slice %arg7[%add3A_33, %dma_start3A_37] : memref<40x128xi32, #tpu.memory_space<vmem>> -> memref<1x128xi32, #tpu.memory_space<vmem>>
      %dma_start3A_39 = tpu.memref_squeeze %dma_start3A_38 : memref<1x128xi32, #tpu.memory_space<vmem>> -> memref<128xi32, #tpu.memory_space<vmem>>
      %dma_start3A_40 = arith.constant 0 : i32
      %dma_start3A_41 = arith.constant 0 : i32
      %dma_start3A_42 = tpu.memref_slice %arg2[%dma_start3A_40, %dma_start3A_41] : memref<20000x128xf32, #tpu.memory_space<hbm>> -> memref<20000x128xf32, #tpu.memory_space<hbm>>
      tpu.enqueue_indirect_dma source(%dma_start3A_42 : memref<20000x128xf32, #tpu.memory_space<hbm>>) target(%dma_start3A_36 : memref<128x128xf32, #tpu.memory_space<vmem>>) offsets(%dma_start3A_39 : memref<128xi32, #tpu.memory_space<vmem>>) semaphore(%arg13 : memref<!tpu.dma_semaphore, #tpu.memory_space<semaphore_mem>>)
      %dma_wait3A = arith.constant 0 : i32
      %dma_wait3A_43 = arith.constant 0 : i32
      %dma_wait3A_44 = tpu.memref_slice %arg9[%dma_wait3A, %dma_wait3A_43] : memref<128x128xf32, #tpu.memory_space<vmem>> -> memref<128x128xf32, #tpu.memory_space<vmem>>
      %dma_wait3A_45 = arith.constant 0 : i32
      %dma_wait3A_46 = tpu.memref_slice %arg7[%add3A_21, %dma_wait3A_45] : memref<40x128xi32, #tpu.memory_space<vmem>> -> memref<1x128xi32, #tpu.memory_space<vmem>>
      %dma_wait3A_47 = tpu.memref_squeeze %dma_wait3A_46 : memref<1x128xi32, #tpu.memory_space<vmem>> -> memref<128xi32, #tpu.memory_space<vmem>>
      %dma_wait3A_48 = arith.constant 0 : i32
      %dma_wait3A_49 = arith.constant 0 : i32
      %dma_wait3A_50 = tpu.memref_slice %arg2[%dma_wait3A_48, %dma_wait3A_49] : memref<20000x128xf32, #tpu.memory_space<hbm>> -> memref<20000x128xf32, #tpu.memory_space<hbm>>
      tpu.wait_indirect_dma semaphore(%arg12 : memref<!tpu.dma_semaphore, #tpu.memory_space<semaphore_mem>>) src(%dma_wait3A_50 : memref<20000x128xf32, #tpu.memory_space<hbm>>) dst(%dma_wait3A_44 : memref<128x128xf32, #tpu.memory_space<vmem>>)
      %add3A_51 = arith.constant 0 : i32
      %add3A_52 = arith.addi %mul3A_17, %add3A_51 : i32
      %add3A_53 = arith.constant 0 : i32
      %add3A_54 = arith.addi %add3A_52, %add3A_53 : i32
      %dma_start3A_55 = arith.constant 0 : i32
      %dma_start3A_56 = arith.constant 0 : i32
      %dma_start3A_57 = tpu.memref_slice %arg9[%dma_start3A_55, %dma_start3A_56] : memref<128x128xf32, #tpu.memory_space<vmem>> -> memref<128x128xf32, #tpu.memory_space<vmem>>
      %dma_start3A_58 = arith.constant 0 : i32
      %dma_start3A_59 = tpu.memref_slice %arg8[%add3A_54, %dma_start3A_58] : memref<40x128xi32, #tpu.memory_space<vmem>> -> memref<1x128xi32, #tpu.memory_space<vmem>>
      %dma_start3A_60 = tpu.memref_squeeze %dma_start3A_59 : memref<1x128xi32, #tpu.memory_space<vmem>> -> memref<128xi32, #tpu.memory_space<vmem>>
      %dma_start3A_61 = arith.constant 0 : i32
      %dma_start3A_62 = arith.constant 0 : i32
      %dma_start3A_63 = tpu.memref_slice %arg11[%dma_start3A_61, %dma_start3A_62] : memref<10240x128xf32, #tpu.memory_space<vmem_shared>> -> memref<10240x128xf32, #tpu.memory_space<vmem_shared>>
      tpu.enqueue_indirect_dma source(%dma_start3A_57 : memref<128x128xf32, #tpu.memory_space<vmem>>) target(%dma_start3A_63 : memref<10240x128xf32, #tpu.memory_space<vmem_shared>>) offsets(%dma_start3A_60 : memref<128xi32, #tpu.memory_space<vmem>>) semaphore(%arg14 : memref<!tpu.dma_semaphore, #tpu.memory_space<semaphore_mem>>) {add = true}
      %dma_wait3A_64 = arith.constant 0 : i32
      %dma_wait3A_65 = arith.constant 0 : i32
      %dma_wait3A_66 = tpu.memref_slice %arg10[%dma_wait3A_64, %dma_wait3A_65] : memref<128x128xf32, #tpu.memory_space<vmem>> -> memref<128x128xf32, #tpu.memory_space<vmem>>
      %dma_wait3A_67 = arith.constant 0 : i32
      %dma_wait3A_68 = tpu.memref_slice %arg7[%add3A_33, %dma_wait3A_67] : memref<40x128xi32, #tpu.memory_space<vmem>> -> memref<1x128xi32, #tpu.memory_space<vmem>>
      %dma_wait3A_69 = tpu.memref_squeeze %dma_wait3A_68 : memref<1x128xi32, #tpu.memory_space<vmem>> -> memref<128xi32, #tpu.memory_space<vmem>>
      %dma_wait3A_70 = arith.constant 0 : i32
      %dma_wait3A_71 = arith.constant 0 : i32
      %dma_wait3A_72 = tpu.memref_slice %arg2[%dma_wait3A_70, %dma_wait3A_71] : memref<20000x128xf32, #tpu.memory_space<hbm>> -> memref<20000x128xf32, #tpu.memory_space<hbm>>
      tpu.wait_indirect_dma semaphore(%arg13 : memref<!tpu.dma_semaphore, #tpu.memory_space<semaphore_mem>>) src(%dma_wait3A_72 : memref<20000x128xf32, #tpu.memory_space<hbm>>) dst(%dma_wait3A_66 : memref<128x128xf32, #tpu.memory_space<vmem>>)
      %add3A_73 = arith.constant 1 : i32
      %add3A_74 = arith.addi %mul3A_17, %add3A_73 : i32
      %add3A_75 = arith.constant 0 : i32
      %add3A_76 = arith.addi %add3A_74, %add3A_75 : i32
      %dma_start3A_77 = arith.constant 0 : i32
      %dma_start3A_78 = arith.constant 0 : i32
      %dma_start3A_79 = tpu.memref_slice %arg10[%dma_start3A_77, %dma_start3A_78] : memref<128x128xf32, #tpu.memory_space<vmem>> -> memref<128x128xf32, #tpu.memory_space<vmem>>
      %dma_start3A_80 = arith.constant 0 : i32
      %dma_start3A_81 = tpu.memref_slice %arg8[%add3A_76, %dma_start3A_80] : memref<40x128xi32, #tpu.memory_space<vmem>> -> memref<1x128xi32, #tpu.memory_space<vmem>>
      %dma_start3A_82 = tpu.memref_squeeze %dma_start3A_81 : memref<1x128xi32, #tpu.memory_space<vmem>> -> memref<128xi32, #tpu.memory_space<vmem>>
      %dma_start3A_83 = arith.constant 0 : i32
      %dma_start3A_84 = arith.constant 0 : i32
      %dma_start3A_85 = tpu.memref_slice %arg11[%dma_start3A_83, %dma_start3A_84] : memref<10240x128xf32, #tpu.memory_space<vmem_shared>> -> memref<10240x128xf32, #tpu.memory_space<vmem_shared>>
      tpu.enqueue_indirect_dma source(%dma_start3A_79 : memref<128x128xf32, #tpu.memory_space<vmem>>) target(%dma_start3A_85 : memref<10240x128xf32, #tpu.memory_space<vmem_shared>>) offsets(%dma_start3A_82 : memref<128xi32, #tpu.memory_space<vmem>>) semaphore(%arg15 : memref<!tpu.dma_semaphore, #tpu.memory_space<semaphore_mem>>) {add = true}
      %dma_wait3A_86 = arith.constant 0 : i32
      %dma_wait3A_87 = arith.constant 0 : i32
      %dma_wait3A_88 = tpu.memref_slice %arg9[%dma_wait3A_86, %dma_wait3A_87] : memref<128x128xf32, #tpu.memory_space<vmem>> -> memref<128x128xf32, #tpu.memory_space<vmem>>
      %dma_wait3A_89 = arith.constant 0 : i32
      %dma_wait3A_90 = tpu.memref_slice %arg8[%add3A_54, %dma_wait3A_89] : memref<40x128xi32, #tpu.memory_space<vmem>> -> memref<1x128xi32, #tpu.memory_space<vmem>>
      %dma_wait3A_91 = tpu.memref_squeeze %dma_wait3A_90 : memref<1x128xi32, #tpu.memory_space<vmem>> -> memref<128xi32, #tpu.memory_space<vmem>>
      %dma_wait3A_92 = arith.constant 0 : i32
      %dma_wait3A_93 = arith.constant 0 : i32
      %dma_wait3A_94 = tpu.memref_slice %arg11[%dma_wait3A_92, %dma_wait3A_93] : memref<10240x128xf32, #tpu.memory_space<vmem_shared>> -> memref<10240x128xf32, #tpu.memory_space<vmem_shared>>
      tpu.wait_indirect_dma semaphore(%arg14 : memref<!tpu.dma_semaphore, #tpu.memory_space<semaphore_mem>>) src(%dma_wait3A_88 : memref<128x128xf32, #tpu.memory_space<vmem>>) dst(%dma_wait3A_94 : memref<10240x128xf32, #tpu.memory_space<vmem_shared>>)
      %dma_wait3A_95 = arith.constant 0 : i32
      %dma_wait3A_96 = arith.constant 0 : i32
      %dma_wait3A_97 = tpu.memref_slice %arg10[%dma_wait3A_95, %dma_wait3A_96] : memref<128x128xf32, #tpu.memory_space<vmem>> -> memref<128x128xf32, #tpu.memory_space<vmem>>
      %dma_wait3A_98 = arith.constant 0 : i32
      %dma_wait3A_99 = tpu.memref_slice %arg8[%add3A_76, %dma_wait3A_98] : memref<40x128xi32, #tpu.memory_space<vmem>> -> memref<1x128xi32, #tpu.memory_space<vmem>>
      %dma_wait3A_100 = tpu.memref_squeeze %dma_wait3A_99 : memref<1x128xi32, #tpu.memory_space<vmem>> -> memref<128xi32, #tpu.memory_space<vmem>>
      %dma_wait3A_101 = arith.constant 0 : i32
      %dma_wait3A_102 = arith.constant 0 : i32
      %dma_wait3A_103 = tpu.memref_slice %arg11[%dma_wait3A_101, %dma_wait3A_102] : memref<10240x128xf32, #tpu.memory_space<vmem_shared>> -> memref<10240x128xf32, #tpu.memory_space<vmem_shared>>
      tpu.wait_indirect_dma semaphore(%arg15 : memref<!tpu.dma_semaphore, #tpu.memory_space<semaphore_mem>>) src(%dma_wait3A_97 : memref<128x128xf32, #tpu.memory_space<vmem>>) dst(%dma_wait3A_103 : memref<10240x128xf32, #tpu.memory_space<vmem_shared>>)
    }
    %scan3A_9 = arith.constant 20 : i32
    %barrier3A_10 = arith.constant 0 : index
    tpu.barrier barrier_id(%barrier3A_10)
    %mul3A_11 = arith.constant 640 : i32
    %mul3A_12 = arith.muli %arg1, %mul3A_11 : i32
    %mul3A_13 = arith.constant 640 : i32
    %mul3A_14 = arith.muli %arg1, %mul3A_13 : i32
    "tpu.region"() ({
      %run_scoped3A = tpu.sem_alloc : memref<!tpu.dma_semaphore, #tpu.memory_space<semaphore_mem>>
      %dma_start3A = arith.constant 0 : i32
      %dma_start3A_15 = tpu.memref_slice %arg6[%arg0, %mul3A_14, %dma_start3A] : memref<2x10240x128xf32, #tpu.memory_space<hbm>> -> memref<1x640x128xf32, #tpu.memory_space<hbm>>
      %dma_start3A_16 = tpu.memref_squeeze %dma_start3A_15 : memref<1x640x128xf32, #tpu.memory_space<hbm>> -> memref<640x128xf32, #tpu.memory_space<hbm>>
      %dma_start3A_17 = arith.constant 0 : i32
      %dma_start3A_18 = tpu.memref_slice %arg11[%mul3A_12, %dma_start3A_17] : memref<10240x128xf32, #tpu.memory_space<vmem_shared>> -> memref<640x128xf32, #tpu.memory_space<vmem_shared>>
      tpu.enqueue_dma source(%dma_start3A_18 : memref<640x128xf32, #tpu.memory_space<vmem_shared>>) target(%dma_start3A_16 : memref<640x128xf32, #tpu.memory_space<hbm>>) target_semaphore(%run_scoped3A : memref<!tpu.dma_semaphore, #tpu.memory_space<semaphore_mem>>)
      %dma_wait3A = arith.constant 0 : i32
      %dma_wait3A_19 = tpu.memref_slice %arg6[%arg0, %mul3A_14, %dma_wait3A] : memref<2x10240x128xf32, #tpu.memory_space<hbm>> -> memref<1x640x128xf32, #tpu.memory_space<hbm>>
      %dma_wait3A_20 = tpu.memref_squeeze %dma_wait3A_19 : memref<1x640x128xf32, #tpu.memory_space<hbm>> -> memref<640x128xf32, #tpu.memory_space<hbm>>
      %dma_wait3A_21 = arith.constant 0 : i32
      %dma_wait3A_22 = tpu.memref_slice %arg11[%mul3A_12, %dma_wait3A_21] : memref<10240x128xf32, #tpu.memory_space<vmem_shared>> -> memref<640x128xf32, #tpu.memory_space<vmem_shared>>
      tpu.wait_dma2 semaphore(%run_scoped3A : memref<!tpu.dma_semaphore, #tpu.memory_space<semaphore_mem>>) src(%dma_wait3A_22 : memref<640x128xf32, #tpu.memory_space<vmem_shared>>) dst(%dma_wait3A_20 : memref<640x128xf32, #tpu.memory_space<hbm>>)
      tpu.yield
    }) : () -> ()
    return
  }
}

#map = affine_map<(d0, d1) -> (0, 0)>
#map1 = affine_map<(d0, d1) -> (0, 0, 0)>
module attributes {stable_mosaic.version = 14 : i64} {
  func.func @_sc_body(%arg0: i32, %arg1: i32, %arg2: memref<20000x128xf32, #tpu.memory_space<hbm>>, %arg3: memref<32x40x128xi32, #tpu.memory_space<hbm>>, %arg4: memref<32x40x128xi32, #tpu.memory_space<hbm>>, %arg5: memref<10240x128xf32, #tpu.memory_space<hbm>>, %arg6: memref<2x10240x128xf32, #tpu.memory_space<hbm>>, %arg7: memref<40x128xi32, #tpu.memory_space<vmem>>, %arg8: memref<40x128xi32, #tpu.memory_space<vmem>>, %arg9: memref<128x128xf32, #tpu.memory_space<vmem>>, %arg10: memref<128x128xf32, #tpu.memory_space<vmem>>, %arg11: memref<10240x128xf32, #tpu.memory_space<vmem_shared>>, %arg12: memref<!tpu.dma_semaphore, #tpu.memory_space<semaphore_mem>>, %arg13: memref<!tpu.dma_semaphore, #tpu.memory_space<semaphore_mem>>, %arg14: memref<!tpu.dma_semaphore, #tpu.memory_space<semaphore_mem>>, %arg15: memref<!tpu.dma_semaphore, #tpu.memory_space<semaphore_mem>>) attributes {dimension_semantics = [#tpu.dimension_semantics<core_parallel>, #tpu.dimension_semantics<subcore_parallel>], iteration_bounds = array<i64: 2, 16>, scalar_prefetch = 0 : i64, scratch_operands = 9 : i64, tpu.core_type = #tpu.core_type<sc_vector_subcore>, window_params = [{transform_indices = #map}, {transform_indices = #map1}, {transform_indices = #map1}, {transform_indices = #map}, {transform_indices = #map1}]} {
    %mul3A = arith.constant 16 : i32
    %mul3A_0 = arith.muli %arg0, %mul3A : i32
    %add3A = arith.addi %mul3A_0, %arg1 : i32
    "tpu.region"() ({
      %run_scoped3A = tpu.sem_alloc : memref<!tpu.dma_semaphore, #tpu.memory_space<semaphore_mem>>
      %dma_start3A = arith.constant 0 : i32
      %dma_start3A_15 = arith.constant 0 : i32
      %dma_start3A_16 = tpu.memref_slice %arg3[%add3A, %dma_start3A, %dma_start3A_15] : memref<32x40x128xi32, #tpu.memory_space<hbm>> -> memref<1x40x128xi32, #tpu.memory_space<hbm>>
      %dma_start3A_17 = tpu.memref_squeeze %dma_start3A_16 : memref<1x40x128xi32, #tpu.memory_space<hbm>> -> memref<40x128xi32, #tpu.memory_space<hbm>>
      %dma_start3A_18 = arith.constant 0 : i32
      %dma_start3A_19 = arith.constant 0 : i32
      %dma_start3A_20 = tpu.memref_slice %arg3[%add3A, %dma_start3A_18, %dma_start3A_19] : memref<32x40x128xi32, #tpu.memory_space<hbm>> -> memref<1x40x128xi32, #tpu.memory_space<hbm>>
      %dma_start3A_21 = tpu.memref_squeeze %dma_start3A_20 : memref<1x40x128xi32, #tpu.memory_space<hbm>> -> memref<40x128xi32, #tpu.memory_space<hbm>>
      tpu.enqueue_dma source(%dma_start3A_21 : memref<40x128xi32, #tpu.memory_space<hbm>>) target(%arg7 : memref<40x128xi32, #tpu.memory_space<vmem>>) target_semaphore(%run_scoped3A : memref<!tpu.dma_semaphore, #tpu.memory_space<semaphore_mem>>)
      %dma_wait3A = arith.constant 0 : i32
      %dma_wait3A_22 = arith.constant 0 : i32
      %dma_wait3A_23 = tpu.memref_slice %arg3[%add3A, %dma_wait3A, %dma_wait3A_22] : memref<32x40x128xi32, #tpu.memory_space<hbm>> -> memref<1x40x128xi32, #tpu.memory_space<hbm>>
      %dma_wait3A_24 = tpu.memref_squeeze %dma_wait3A_23 : memref<1x40x128xi32, #tpu.memory_space<hbm>> -> memref<40x128xi32, #tpu.memory_space<hbm>>
      %dma_wait3A_25 = arith.constant 0 : i32
      %dma_wait3A_26 = arith.constant 0 : i32
      %dma_wait3A_27 = tpu.memref_slice %arg3[%add3A, %dma_wait3A_25, %dma_wait3A_26] : memref<32x40x128xi32, #tpu.memory_space<hbm>> -> memref<1x40x128xi32, #tpu.memory_space<hbm>>
      %dma_wait3A_28 = tpu.memref_squeeze %dma_wait3A_27 : memref<1x40x128xi32, #tpu.memory_space<hbm>> -> memref<40x128xi32, #tpu.memory_space<hbm>>
      tpu.wait_dma2 semaphore(%run_scoped3A : memref<!tpu.dma_semaphore, #tpu.memory_space<semaphore_mem>>) src(%dma_wait3A_28 : memref<40x128xi32, #tpu.memory_space<hbm>>) dst(%arg7 : memref<40x128xi32, #tpu.memory_space<vmem>>)
      tpu.yield
    }) : () -> ()
    "tpu.region"() ({
      %run_scoped3A = tpu.sem_alloc : memref<!tpu.dma_semaphore, #tpu.memory_space<semaphore_mem>>
      %dma_start3A = arith.constant 0 : i32
      %dma_start3A_15 = arith.constant 0 : i32
      %dma_start3A_16 = tpu.memref_slice %arg4[%add3A, %dma_start3A, %dma_start3A_15] : memref<32x40x128xi32, #tpu.memory_space<hbm>> -> memref<1x40x128xi32, #tpu.memory_space<hbm>>
      %dma_start3A_17 = tpu.memref_squeeze %dma_start3A_16 : memref<1x40x128xi32, #tpu.memory_space<hbm>> -> memref<40x128xi32, #tpu.memory_space<hbm>>
      %dma_start3A_18 = arith.constant 0 : i32
      %dma_start3A_19 = arith.constant 0 : i32
      %dma_start3A_20 = tpu.memref_slice %arg4[%add3A, %dma_start3A_18, %dma_start3A_19] : memref<32x40x128xi32, #tpu.memory_space<hbm>> -> memref<1x40x128xi32, #tpu.memory_space<hbm>>
      %dma_start3A_21 = tpu.memref_squeeze %dma_start3A_20 : memref<1x40x128xi32, #tpu.memory_space<hbm>> -> memref<40x128xi32, #tpu.memory_space<hbm>>
      tpu.enqueue_dma source(%dma_start3A_21 : memref<40x128xi32, #tpu.memory_space<hbm>>) target(%arg8 : memref<40x128xi32, #tpu.memory_space<vmem>>) target_semaphore(%run_scoped3A : memref<!tpu.dma_semaphore, #tpu.memory_space<semaphore_mem>>)
      %dma_wait3A = arith.constant 0 : i32
      %dma_wait3A_22 = arith.constant 0 : i32
      %dma_wait3A_23 = tpu.memref_slice %arg4[%add3A, %dma_wait3A, %dma_wait3A_22] : memref<32x40x128xi32, #tpu.memory_space<hbm>> -> memref<1x40x128xi32, #tpu.memory_space<hbm>>
      %dma_wait3A_24 = tpu.memref_squeeze %dma_wait3A_23 : memref<1x40x128xi32, #tpu.memory_space<hbm>> -> memref<40x128xi32, #tpu.memory_space<hbm>>
      %dma_wait3A_25 = arith.constant 0 : i32
      %dma_wait3A_26 = arith.constant 0 : i32
      %dma_wait3A_27 = tpu.memref_slice %arg4[%add3A, %dma_wait3A_25, %dma_wait3A_26] : memref<32x40x128xi32, #tpu.memory_space<hbm>> -> memref<1x40x128xi32, #tpu.memory_space<hbm>>
      %dma_wait3A_28 = tpu.memref_squeeze %dma_wait3A_27 : memref<1x40x128xi32, #tpu.memory_space<hbm>> -> memref<40x128xi32, #tpu.memory_space<hbm>>
      tpu.wait_dma2 semaphore(%run_scoped3A : memref<!tpu.dma_semaphore, #tpu.memory_space<semaphore_mem>>) src(%dma_wait3A_28 : memref<40x128xi32, #tpu.memory_space<hbm>>) dst(%arg8 : memref<40x128xi32, #tpu.memory_space<vmem>>)
      tpu.yield
    }) : () -> ()
    %mul3A_1 = arith.constant 640 : i32
    %mul3A_2 = arith.muli %arg1, %mul3A_1 : i32
    %mul3A_3 = arith.constant 640 : i32
    %mul3A_4 = arith.muli %arg1, %mul3A_3 : i32
    "tpu.region"() ({
      %run_scoped3A = tpu.sem_alloc : memref<!tpu.dma_semaphore, #tpu.memory_space<semaphore_mem>>
      %dma_start3A = arith.constant 0 : i32
      %dma_start3A_15 = tpu.memref_slice %arg11[%mul3A_4, %dma_start3A] : memref<10240x128xf32, #tpu.memory_space<vmem_shared>> -> memref<640x128xf32, #tpu.memory_space<vmem_shared>>
      %dma_start3A_16 = arith.constant 0 : i32
      %dma_start3A_17 = tpu.memref_slice %arg5[%mul3A_2, %dma_start3A_16] : memref<10240x128xf32, #tpu.memory_space<hbm>> -> memref<640x128xf32, #tpu.memory_space<hbm>>
      tpu.enqueue_dma source(%dma_start3A_17 : memref<640x128xf32, #tpu.memory_space<hbm>>) target(%dma_start3A_15 : memref<640x128xf32, #tpu.memory_space<vmem_shared>>) target_semaphore(%run_scoped3A : memref<!tpu.dma_semaphore, #tpu.memory_space<semaphore_mem>>)
      %dma_wait3A = arith.constant 0 : i32
      %dma_wait3A_18 = tpu.memref_slice %arg11[%mul3A_4, %dma_wait3A] : memref<10240x128xf32, #tpu.memory_space<vmem_shared>> -> memref<640x128xf32, #tpu.memory_space<vmem_shared>>
      %dma_wait3A_19 = arith.constant 0 : i32
      %dma_wait3A_20 = tpu.memref_slice %arg5[%mul3A_2, %dma_wait3A_19] : memref<10240x128xf32, #tpu.memory_space<hbm>> -> memref<640x128xf32, #tpu.memory_space<hbm>>
      tpu.wait_dma2 semaphore(%run_scoped3A : memref<!tpu.dma_semaphore, #tpu.memory_space<semaphore_mem>>) src(%dma_wait3A_20 : memref<640x128xf32, #tpu.memory_space<hbm>>) dst(%dma_wait3A_18 : memref<640x128xf32, #tpu.memory_space<vmem_shared>>)
      tpu.yield
    }) : () -> ()
    %barrier3A = arith.constant 0 : index
    tpu.barrier barrier_id(%barrier3A)
    %scan3A = arith.constant 0 : i32
    %scan3A_5 = arith.constant 0 : i32
    %scan3A_6 = arith.constant 20 : i32
    %scan3A_7 = arith.addi %scan3A_5, %scan3A_6 : i32
    %scan3A_8 = arith.constant 1 : i32
    scf.for %scan3A_15 = %scan3A_5 to %scan3A_7 step %scan3A_8  : i32 {
      %mul3A_16 = arith.constant 2 : i32
      %mul3A_17 = arith.muli %scan3A_15, %mul3A_16 : i32
      %add3A_18 = arith.constant 0 : i32
      %add3A_19 = arith.addi %mul3A_17, %add3A_18 : i32
      %add3A_20 = arith.constant 0 : i32
      %add3A_21 = arith.addi %add3A_19, %add3A_20 : i32
      %dma_start3A = arith.constant 0 : i32
      %dma_start3A_22 = arith.constant 0 : i32
      %dma_start3A_23 = tpu.memref_slice %arg9[%dma_start3A, %dma_start3A_22] : memref<128x128xf32, #tpu.memory_space<vmem>> -> memref<128x128xf32, #tpu.memory_space<vmem>>
      %dma_start3A_24 = arith.constant 0 : i32
      %dma_start3A_25 = tpu.memref_slice %arg7[%add3A_21, %dma_start3A_24] : memref<40x128xi32, #tpu.memory_space<vmem>> -> memref<1x128xi32, #tpu.memory_space<vmem>>
      %dma_start3A_26 = tpu.memref_squeeze %dma_start3A_25 : memref<1x128xi32, #tpu.memory_space<vmem>> -> memref<128xi32, #tpu.memory_space<vmem>>
      %dma_start3A_27 = arith.constant 0 : i32
      %dma_start3A_28 = arith.constant 0 : i32
      %dma_start3A_29 = tpu.memref_slice %arg2[%dma_start3A_27, %dma_start3A_28] : memref<20000x128xf32, #tpu.memory_space<hbm>> -> memref<20000x128xf32, #tpu.memory_space<hbm>>
      tpu.enqueue_indirect_dma source(%dma_start3A_29 : memref<20000x128xf32, #tpu.memory_space<hbm>>) target(%dma_start3A_23 : memref<128x128xf32, #tpu.memory_space<vmem>>) offsets(%dma_start3A_26 : memref<128xi32, #tpu.memory_space<vmem>>) semaphore(%arg12 : memref<!tpu.dma_semaphore, #tpu.memory_space<semaphore_mem>>)
      %add3A_30 = arith.constant 1 : i32
      %add3A_31 = arith.addi %mul3A_17, %add3A_30 : i32
      %add3A_32 = arith.constant 0 : i32
      %add3A_33 = arith.addi %add3A_31, %add3A_32 : i32
      %dma_start3A_34 = arith.constant 0 : i32
      %dma_start3A_35 = arith.constant 0 : i32
      %dma_start3A_36 = tpu.memref_slice %arg10[%dma_start3A_34, %dma_start3A_35] : memref<128x128xf32, #tpu.memory_space<vmem>> -> memref<128x128xf32, #tpu.memory_space<vmem>>
      %dma_start3A_37 = arith.constant 0 : i32
      %dma_start3A_38 = tpu.memref_slice %arg7[%add3A_33, %dma_start3A_37] : memref<40x128xi32, #tpu.memory_space<vmem>> -> memref<1x128xi32, #tpu.memory_space<vmem>>
      %dma_start3A_39 = tpu.memref_squeeze %dma_start3A_38 : memref<1x128xi32, #tpu.memory_space<vmem>> -> memref<128xi32, #tpu.memory_space<vmem>>
      %dma_start3A_40 = arith.constant 0 : i32
      %dma_start3A_41 = arith.constant 0 : i32
      %dma_start3A_42 = tpu.memref_slice %arg2[%dma_start3A_40, %dma_start3A_41] : memref<20000x128xf32, #tpu.memory_space<hbm>> -> memref<20000x128xf32, #tpu.memory_space<hbm>>
      tpu.enqueue_indirect_dma source(%dma_start3A_42 : memref<20000x128xf32, #tpu.memory_space<hbm>>) target(%dma_start3A_36 : memref<128x128xf32, #tpu.memory_space<vmem>>) offsets(%dma_start3A_39 : memref<128xi32, #tpu.memory_space<vmem>>) semaphore(%arg13 : memref<!tpu.dma_semaphore, #tpu.memory_space<semaphore_mem>>)
      %dma_wait3A = arith.constant 0 : i32
      %dma_wait3A_43 = arith.constant 0 : i32
      %dma_wait3A_44 = tpu.memref_slice %arg9[%dma_wait3A, %dma_wait3A_43] : memref<128x128xf32, #tpu.memory_space<vmem>> -> memref<128x128xf32, #tpu.memory_space<vmem>>
      %dma_wait3A_45 = arith.constant 0 : i32
      %dma_wait3A_46 = tpu.memref_slice %arg7[%add3A_21, %dma_wait3A_45] : memref<40x128xi32, #tpu.memory_space<vmem>> -> memref<1x128xi32, #tpu.memory_space<vmem>>
      %dma_wait3A_47 = tpu.memref_squeeze %dma_wait3A_46 : memref<1x128xi32, #tpu.memory_space<vmem>> -> memref<128xi32, #tpu.memory_space<vmem>>
      %dma_wait3A_48 = arith.constant 0 : i32
      %dma_wait3A_49 = arith.constant 0 : i32
      %dma_wait3A_50 = tpu.memref_slice %arg2[%dma_wait3A_48, %dma_wait3A_49] : memref<20000x128xf32, #tpu.memory_space<hbm>> -> memref<20000x128xf32, #tpu.memory_space<hbm>>
      tpu.wait_indirect_dma semaphore(%arg12 : memref<!tpu.dma_semaphore, #tpu.memory_space<semaphore_mem>>) src(%dma_wait3A_50 : memref<20000x128xf32, #tpu.memory_space<hbm>>) dst(%dma_wait3A_44 : memref<128x128xf32, #tpu.memory_space<vmem>>)
      %add3A_51 = arith.constant 0 : i32
      %add3A_52 = arith.addi %mul3A_17, %add3A_51 : i32
      %add3A_53 = arith.constant 0 : i32
      %add3A_54 = arith.addi %add3A_52, %add3A_53 : i32
      %dma_start3A_55 = arith.constant 0 : i32
      %dma_start3A_56 = arith.constant 0 : i32
      %dma_start3A_57 = tpu.memref_slice %arg9[%dma_start3A_55, %dma_start3A_56] : memref<128x128xf32, #tpu.memory_space<vmem>> -> memref<128x128xf32, #tpu.memory_space<vmem>>
      %dma_start3A_58 = arith.constant 0 : i32
      %dma_start3A_59 = tpu.memref_slice %arg8[%add3A_54, %dma_start3A_58] : memref<40x128xi32, #tpu.memory_space<vmem>> -> memref<1x128xi32, #tpu.memory_space<vmem>>
      %dma_start3A_60 = tpu.memref_squeeze %dma_start3A_59 : memref<1x128xi32, #tpu.memory_space<vmem>> -> memref<128xi32, #tpu.memory_space<vmem>>
      %dma_start3A_61 = arith.constant 0 : i32
      %dma_start3A_62 = arith.constant 0 : i32
      %dma_start3A_63 = tpu.memref_slice %arg11[%dma_start3A_61, %dma_start3A_62] : memref<10240x128xf32, #tpu.memory_space<vmem_shared>> -> memref<10240x128xf32, #tpu.memory_space<vmem_shared>>
      tpu.enqueue_indirect_dma source(%dma_start3A_57 : memref<128x128xf32, #tpu.memory_space<vmem>>) target(%dma_start3A_63 : memref<10240x128xf32, #tpu.memory_space<vmem_shared>>) offsets(%dma_start3A_60 : memref<128xi32, #tpu.memory_space<vmem>>) semaphore(%arg14 : memref<!tpu.dma_semaphore, #tpu.memory_space<semaphore_mem>>) {add = true}
      %dma_wait3A_64 = arith.constant 0 : i32
      %dma_wait3A_65 = arith.constant 0 : i32
      %dma_wait3A_66 = tpu.memref_slice %arg10[%dma_wait3A_64, %dma_wait3A_65] : memref<128x128xf32, #tpu.memory_space<vmem>> -> memref<128x128xf32, #tpu.memory_space<vmem>>
      %dma_wait3A_67 = arith.constant 0 : i32
      %dma_wait3A_68 = tpu.memref_slice %arg7[%add3A_33, %dma_wait3A_67] : memref<40x128xi32, #tpu.memory_space<vmem>> -> memref<1x128xi32, #tpu.memory_space<vmem>>
      %dma_wait3A_69 = tpu.memref_squeeze %dma_wait3A_68 : memref<1x128xi32, #tpu.memory_space<vmem>> -> memref<128xi32, #tpu.memory_space<vmem>>
      %dma_wait3A_70 = arith.constant 0 : i32
      %dma_wait3A_71 = arith.constant 0 : i32
      %dma_wait3A_72 = tpu.memref_slice %arg2[%dma_wait3A_70, %dma_wait3A_71] : memref<20000x128xf32, #tpu.memory_space<hbm>> -> memref<20000x128xf32, #tpu.memory_space<hbm>>
      tpu.wait_indirect_dma semaphore(%arg13 : memref<!tpu.dma_semaphore, #tpu.memory_space<semaphore_mem>>) src(%dma_wait3A_72 : memref<20000x128xf32, #tpu.memory_space<hbm>>) dst(%dma_wait3A_66 : memref<128x128xf32, #tpu.memory_space<vmem>>)
      %add3A_73 = arith.constant 1 : i32
      %add3A_74 = arith.addi %mul3A_17, %add3A_73 : i32
      %add3A_75 = arith.constant 0 : i32
      %add3A_76 = arith.addi %add3A_74, %add3A_75 : i32
      %dma_start3A_77 = arith.constant 0 : i32
      %dma_start3A_78 = arith.constant 0 : i32
      %dma_start3A_79 = tpu.memref_slice %arg10[%dma_start3A_77, %dma_start3A_78] : memref<128x128xf32, #tpu.memory_space<vmem>> -> memref<128x128xf32, #tpu.memory_space<vmem>>
      %dma_start3A_80 = arith.constant 0 : i32
      %dma_start3A_81 = tpu.memref_slice %arg8[%add3A_76, %dma_start3A_80] : memref<40x128xi32, #tpu.memory_space<vmem>> -> memref<1x128xi32, #tpu.memory_space<vmem>>
      %dma_start3A_82 = tpu.memref_squeeze %dma_start3A_81 : memref<1x128xi32, #tpu.memory_space<vmem>> -> memref<128xi32, #tpu.memory_space<vmem>>
      %dma_start3A_83 = arith.constant 0 : i32
      %dma_start3A_84 = arith.constant 0 : i32
      %dma_start3A_85 = tpu.memref_slice %arg11[%dma_start3A_83, %dma_start3A_84] : memref<10240x128xf32, #tpu.memory_space<vmem_shared>> -> memref<10240x128xf32, #tpu.memory_space<vmem_shared>>
      tpu.enqueue_indirect_dma source(%dma_start3A_79 : memref<128x128xf32, #tpu.memory_space<vmem>>) target(%dma_start3A_85 : memref<10240x128xf32, #tpu.memory_space<vmem_shared>>) offsets(%dma_start3A_82 : memref<128xi32, #tpu.memory_space<vmem>>) semaphore(%arg15 : memref<!tpu.dma_semaphore, #tpu.memory_space<semaphore_mem>>) {add = true}
      %dma_wait3A_86 = arith.constant 0 : i32
      %dma_wait3A_87 = arith.constant 0 : i32
      %dma_wait3A_88 = tpu.memref_slice %arg9[%dma_wait3A_86, %dma_wait3A_87] : memref<128x128xf32, #tpu.memory_space<vmem>> -> memref<128x128xf32, #tpu.memory_space<vmem>>
      %dma_wait3A_89 = arith.constant 0 : i32
      %dma_wait3A_90 = tpu.memref_slice %arg8[%add3A_54, %dma_wait3A_89] : memref<40x128xi32, #tpu.memory_space<vmem>> -> memref<1x128xi32, #tpu.memory_space<vmem>>
      %dma_wait3A_91 = tpu.memref_squeeze %dma_wait3A_90 : memref<1x128xi32, #tpu.memory_space<vmem>> -> memref<128xi32, #tpu.memory_space<vmem>>
      %dma_wait3A_92 = arith.constant 0 : i32
      %dma_wait3A_93 = arith.constant 0 : i32
      %dma_wait3A_94 = tpu.memref_slice %arg11[%dma_wait3A_92, %dma_wait3A_93] : memref<10240x128xf32, #tpu.memory_space<vmem_shared>> -> memref<10240x128xf32, #tpu.memory_space<vmem_shared>>
      tpu.wait_indirect_dma semaphore(%arg14 : memref<!tpu.dma_semaphore, #tpu.memory_space<semaphore_mem>>) src(%dma_wait3A_88 : memref<128x128xf32, #tpu.memory_space<vmem>>) dst(%dma_wait3A_94 : memref<10240x128xf32, #tpu.memory_space<vmem_shared>>)
      %dma_wait3A_95 = arith.constant 0 : i32
      %dma_wait3A_96 = arith.constant 0 : i32
      %dma_wait3A_97 = tpu.memref_slice %arg10[%dma_wait3A_95, %dma_wait3A_96] : memref<128x128xf32, #tpu.memory_space<vmem>> -> memref<128x128xf32, #tpu.memory_space<vmem>>
      %dma_wait3A_98 = arith.constant 0 : i32
      %dma_wait3A_99 = tpu.memref_slice %arg8[%add3A_76, %dma_wait3A_98] : memref<40x128xi32, #tpu.memory_space<vmem>> -> memref<1x128xi32, #tpu.memory_space<vmem>>
      %dma_wait3A_100 = tpu.memref_squeeze %dma_wait3A_99 : memref<1x128xi32, #tpu.memory_space<vmem>> -> memref<128xi32, #tpu.memory_space<vmem>>
      %dma_wait3A_101 = arith.constant 0 : i32
      %dma_wait3A_102 = arith.constant 0 : i32
      %dma_wait3A_103 = tpu.memref_slice %arg11[%dma_wait3A_101, %dma_wait3A_102] : memref<10240x128xf32, #tpu.memory_space<vmem_shared>> -> memref<10240x128xf32, #tpu.memory_space<vmem_shared>>
      tpu.wait_indirect_dma semaphore(%arg15 : memref<!tpu.dma_semaphore, #tpu.memory_space<semaphore_mem>>) src(%dma_wait3A_97 : memref<128x128xf32, #tpu.memory_space<vmem>>) dst(%dma_wait3A_103 : memref<10240x128xf32, #tpu.memory_space<vmem_shared>>)
    }
    %scan3A_9 = arith.constant 20 : i32
    %barrier3A_10 = arith.constant 0 : index
    tpu.barrier barrier_id(%barrier3A_10)
    %mul3A_11 = arith.constant 640 : i32
    %mul3A_12 = arith.muli %arg1, %mul3A_11 : i32
    %mul3A_13 = arith.constant 640 : i32
    %mul3A_14 = arith.muli %arg1, %mul3A_13 : i32
    "tpu.region"() ({
      %run_scoped3A = tpu.sem_alloc : memref<!tpu.dma_semaphore, #tpu.memory_space<semaphore_mem>>
      %dma_start3A = arith.constant 0 : i32
      %dma_start3A_15 = tpu.memref_slice %arg6[%arg0, %mul3A_14, %dma_start3A] : memref<2x10240x128xf32, #tpu.memory_space<hbm>> -> memref<1x640x128xf32, #tpu.memory_space<hbm>>
      %dma_start3A_16 = tpu.memref_squeeze %dma_start3A_15 : memref<1x640x128xf32, #tpu.memory_space<hbm>> -> memref<640x128xf32, #tpu.memory_space<hbm>>
      %dma_start3A_17 = arith.constant 0 : i32
      %dma_start3A_18 = tpu.memref_slice %arg11[%mul3A_12, %dma_start3A_17] : memref<10240x128xf32, #tpu.memory_space<vmem_shared>> -> memref<640x128xf32, #tpu.memory_space<vmem_shared>>
      tpu.enqueue_dma source(%dma_start3A_18 : memref<640x128xf32, #tpu.memory_space<vmem_shared>>) target(%dma_start3A_16 : memref<640x128xf32, #tpu.memory_space<hbm>>) target_semaphore(%run_scoped3A : memref<!tpu.dma_semaphore, #tpu.memory_space<semaphore_mem>>)
      %dma_wait3A = arith.constant 0 : i32
      %dma_wait3A_19 = tpu.memref_slice %arg6[%arg0, %mul3A_14, %dma_wait3A] : memref<2x10240x128xf32, #tpu.memory_space<hbm>> -> memref<1x640x128xf32, #tpu.memory_space<hbm>>
      %dma_wait3A_20 = tpu.memref_squeeze %dma_wait3A_19 : memref<1x640x128xf32, #tpu.memory_space<hbm>> -> memref<640x128xf32, #tpu.memory_space<hbm>>
      %dma_wait3A_21 = arith.constant 0 : i32
      %dma_wait3A_22 = tpu.memref_slice %arg11[%mul3A_12, %dma_wait3A_21] : memref<10240x128xf32, #tpu.memory_space<vmem_shared>> -> memref<640x128xf32, #tpu.memory_space<vmem_shared>>
      tpu.wait_dma2 semaphore(%run_scoped3A : memref<!tpu.dma_semaphore, #tpu.memory_space<semaphore_mem>>) src(%dma_wait3A_22 : memref<640x128xf32, #tpu.memory_space<vmem_shared>>) dst(%dma_wait3A_20 : memref<640x128xf32, #tpu.memory_space<hbm>>)
      tpu.yield
    }) : () -> ()
    return
  }
}

#map = affine_map<(d0, d1) -> (0, 0)>
#map1 = affine_map<(d0, d1) -> (0, 0, 0)>
module attributes {stable_mosaic.version = 14 : i64} {
  func.func @_sc_body(%arg0: i32, %arg1: i32, %arg2: memref<20000x128xf32, #tpu.memory_space<hbm>>, %arg3: memref<32x40x128xi32, #tpu.memory_space<hbm>>, %arg4: memref<32x40x128xi32, #tpu.memory_space<hbm>>, %arg5: memref<10240x128xf32, #tpu.memory_space<hbm>>, %arg6: memref<2x10240x128xf32, #tpu.memory_space<hbm>>, %arg7: memref<40x128xi32, #tpu.memory_space<vmem>>, %arg8: memref<40x128xi32, #tpu.memory_space<vmem>>, %arg9: memref<128x128xf32, #tpu.memory_space<vmem>>, %arg10: memref<128x128xf32, #tpu.memory_space<vmem>>, %arg11: memref<10240x128xf32, #tpu.memory_space<vmem_shared>>, %arg12: memref<!tpu.dma_semaphore, #tpu.memory_space<semaphore_mem>>, %arg13: memref<!tpu.dma_semaphore, #tpu.memory_space<semaphore_mem>>, %arg14: memref<!tpu.dma_semaphore, #tpu.memory_space<semaphore_mem>>, %arg15: memref<!tpu.dma_semaphore, #tpu.memory_space<semaphore_mem>>) attributes {dimension_semantics = [#tpu.dimension_semantics<core_parallel>, #tpu.dimension_semantics<subcore_parallel>], iteration_bounds = array<i64: 2, 16>, scalar_prefetch = 0 : i64, scratch_operands = 9 : i64, tpu.core_type = #tpu.core_type<sc_vector_subcore>, window_params = [{transform_indices = #map}, {transform_indices = #map1}, {transform_indices = #map1}, {transform_indices = #map}, {transform_indices = #map1}]} {
    %mul3A = arith.constant 16 : i32
    %mul3A_0 = arith.muli %arg0, %mul3A : i32
    %add3A = arith.addi %mul3A_0, %arg1 : i32
    "tpu.region"() ({
      %run_scoped3A = tpu.sem_alloc : memref<!tpu.dma_semaphore, #tpu.memory_space<semaphore_mem>>
      %dma_start3A = arith.constant 0 : i32
      %dma_start3A_15 = arith.constant 0 : i32
      %dma_start3A_16 = tpu.memref_slice %arg3[%add3A, %dma_start3A, %dma_start3A_15] : memref<32x40x128xi32, #tpu.memory_space<hbm>> -> memref<1x40x128xi32, #tpu.memory_space<hbm>>
      %dma_start3A_17 = tpu.memref_squeeze %dma_start3A_16 : memref<1x40x128xi32, #tpu.memory_space<hbm>> -> memref<40x128xi32, #tpu.memory_space<hbm>>
      %dma_start3A_18 = arith.constant 0 : i32
      %dma_start3A_19 = arith.constant 0 : i32
      %dma_start3A_20 = tpu.memref_slice %arg3[%add3A, %dma_start3A_18, %dma_start3A_19] : memref<32x40x128xi32, #tpu.memory_space<hbm>> -> memref<1x40x128xi32, #tpu.memory_space<hbm>>
      %dma_start3A_21 = tpu.memref_squeeze %dma_start3A_20 : memref<1x40x128xi32, #tpu.memory_space<hbm>> -> memref<40x128xi32, #tpu.memory_space<hbm>>
      tpu.enqueue_dma source(%dma_start3A_21 : memref<40x128xi32, #tpu.memory_space<hbm>>) target(%arg7 : memref<40x128xi32, #tpu.memory_space<vmem>>) target_semaphore(%run_scoped3A : memref<!tpu.dma_semaphore, #tpu.memory_space<semaphore_mem>>)
      %dma_wait3A = arith.constant 0 : i32
      %dma_wait3A_22 = arith.constant 0 : i32
      %dma_wait3A_23 = tpu.memref_slice %arg3[%add3A, %dma_wait3A, %dma_wait3A_22] : memref<32x40x128xi32, #tpu.memory_space<hbm>> -> memref<1x40x128xi32, #tpu.memory_space<hbm>>
      %dma_wait3A_24 = tpu.memref_squeeze %dma_wait3A_23 : memref<1x40x128xi32, #tpu.memory_space<hbm>> -> memref<40x128xi32, #tpu.memory_space<hbm>>
      %dma_wait3A_25 = arith.constant 0 : i32
      %dma_wait3A_26 = arith.constant 0 : i32
      %dma_wait3A_27 = tpu.memref_slice %arg3[%add3A, %dma_wait3A_25, %dma_wait3A_26] : memref<32x40x128xi32, #tpu.memory_space<hbm>> -> memref<1x40x128xi32, #tpu.memory_space<hbm>>
      %dma_wait3A_28 = tpu.memref_squeeze %dma_wait3A_27 : memref<1x40x128xi32, #tpu.memory_space<hbm>> -> memref<40x128xi32, #tpu.memory_space<hbm>>
      tpu.wait_dma2 semaphore(%run_scoped3A : memref<!tpu.dma_semaphore, #tpu.memory_space<semaphore_mem>>) src(%dma_wait3A_28 : memref<40x128xi32, #tpu.memory_space<hbm>>) dst(%arg7 : memref<40x128xi32, #tpu.memory_space<vmem>>)
      tpu.yield
    }) : () -> ()
    "tpu.region"() ({
      %run_scoped3A = tpu.sem_alloc : memref<!tpu.dma_semaphore, #tpu.memory_space<semaphore_mem>>
      %dma_start3A = arith.constant 0 : i32
      %dma_start3A_15 = arith.constant 0 : i32
      %dma_start3A_16 = tpu.memref_slice %arg4[%add3A, %dma_start3A, %dma_start3A_15] : memref<32x40x128xi32, #tpu.memory_space<hbm>> -> memref<1x40x128xi32, #tpu.memory_space<hbm>>
      %dma_start3A_17 = tpu.memref_squeeze %dma_start3A_16 : memref<1x40x128xi32, #tpu.memory_space<hbm>> -> memref<40x128xi32, #tpu.memory_space<hbm>>
      %dma_start3A_18 = arith.constant 0 : i32
      %dma_start3A_19 = arith.constant 0 : i32
      %dma_start3A_20 = tpu.memref_slice %arg4[%add3A, %dma_start3A_18, %dma_start3A_19] : memref<32x40x128xi32, #tpu.memory_space<hbm>> -> memref<1x40x128xi32, #tpu.memory_space<hbm>>
      %dma_start3A_21 = tpu.memref_squeeze %dma_start3A_20 : memref<1x40x128xi32, #tpu.memory_space<hbm>> -> memref<40x128xi32, #tpu.memory_space<hbm>>
      tpu.enqueue_dma source(%dma_start3A_21 : memref<40x128xi32, #tpu.memory_space<hbm>>) target(%arg8 : memref<40x128xi32, #tpu.memory_space<vmem>>) target_semaphore(%run_scoped3A : memref<!tpu.dma_semaphore, #tpu.memory_space<semaphore_mem>>)
      %dma_wait3A = arith.constant 0 : i32
      %dma_wait3A_22 = arith.constant 0 : i32
      %dma_wait3A_23 = tpu.memref_slice %arg4[%add3A, %dma_wait3A, %dma_wait3A_22] : memref<32x40x128xi32, #tpu.memory_space<hbm>> -> memref<1x40x128xi32, #tpu.memory_space<hbm>>
      %dma_wait3A_24 = tpu.memref_squeeze %dma_wait3A_23 : memref<1x40x128xi32, #tpu.memory_space<hbm>> -> memref<40x128xi32, #tpu.memory_space<hbm>>
      %dma_wait3A_25 = arith.constant 0 : i32
      %dma_wait3A_26 = arith.constant 0 : i32
      %dma_wait3A_27 = tpu.memref_slice %arg4[%add3A, %dma_wait3A_25, %dma_wait3A_26] : memref<32x40x128xi32, #tpu.memory_space<hbm>> -> memref<1x40x128xi32, #tpu.memory_space<hbm>>
      %dma_wait3A_28 = tpu.memref_squeeze %dma_wait3A_27 : memref<1x40x128xi32, #tpu.memory_space<hbm>> -> memref<40x128xi32, #tpu.memory_space<hbm>>
      tpu.wait_dma2 semaphore(%run_scoped3A : memref<!tpu.dma_semaphore, #tpu.memory_space<semaphore_mem>>) src(%dma_wait3A_28 : memref<40x128xi32, #tpu.memory_space<hbm>>) dst(%arg8 : memref<40x128xi32, #tpu.memory_space<vmem>>)
      tpu.yield
    }) : () -> ()
    %mul3A_1 = arith.constant 640 : i32
    %mul3A_2 = arith.muli %arg1, %mul3A_1 : i32
    %mul3A_3 = arith.constant 640 : i32
    %mul3A_4 = arith.muli %arg1, %mul3A_3 : i32
    "tpu.region"() ({
      %run_scoped3A = tpu.sem_alloc : memref<!tpu.dma_semaphore, #tpu.memory_space<semaphore_mem>>
      %dma_start3A = arith.constant 0 : i32
      %dma_start3A_15 = tpu.memref_slice %arg11[%mul3A_4, %dma_start3A] : memref<10240x128xf32, #tpu.memory_space<vmem_shared>> -> memref<640x128xf32, #tpu.memory_space<vmem_shared>>
      %dma_start3A_16 = arith.constant 0 : i32
      %dma_start3A_17 = tpu.memref_slice %arg5[%mul3A_2, %dma_start3A_16] : memref<10240x128xf32, #tpu.memory_space<hbm>> -> memref<640x128xf32, #tpu.memory_space<hbm>>
      tpu.enqueue_dma source(%dma_start3A_17 : memref<640x128xf32, #tpu.memory_space<hbm>>) target(%dma_start3A_15 : memref<640x128xf32, #tpu.memory_space<vmem_shared>>) target_semaphore(%run_scoped3A : memref<!tpu.dma_semaphore, #tpu.memory_space<semaphore_mem>>)
      %dma_wait3A = arith.constant 0 : i32
      %dma_wait3A_18 = tpu.memref_slice %arg11[%mul3A_4, %dma_wait3A] : memref<10240x128xf32, #tpu.memory_space<vmem_shared>> -> memref<640x128xf32, #tpu.memory_space<vmem_shared>>
      %dma_wait3A_19 = arith.constant 0 : i32
      %dma_wait3A_20 = tpu.memref_slice %arg5[%mul3A_2, %dma_wait3A_19] : memref<10240x128xf32, #tpu.memory_space<hbm>> -> memref<640x128xf32, #tpu.memory_space<hbm>>
      tpu.wait_dma2 semaphore(%run_scoped3A : memref<!tpu.dma_semaphore, #tpu.memory_space<semaphore_mem>>) src(%dma_wait3A_20 : memref<640x128xf32, #tpu.memory_space<hbm>>) dst(%dma_wait3A_18 : memref<640x128xf32, #tpu.memory_space<vmem_shared>>)
      tpu.yield
    }) : () -> ()
    %barrier3A = arith.constant 0 : index
    tpu.barrier barrier_id(%barrier3A)
    %scan3A = arith.constant 0 : i32
    %scan3A_5 = arith.constant 0 : i32
    %scan3A_6 = arith.constant 20 : i32
    %scan3A_7 = arith.addi %scan3A_5, %scan3A_6 : i32
    %scan3A_8 = arith.constant 1 : i32
    scf.for %scan3A_15 = %scan3A_5 to %scan3A_7 step %scan3A_8  : i32 {
      %mul3A_16 = arith.constant 2 : i32
      %mul3A_17 = arith.muli %scan3A_15, %mul3A_16 : i32
      %add3A_18 = arith.constant 0 : i32
      %add3A_19 = arith.addi %mul3A_17, %add3A_18 : i32
      %add3A_20 = arith.constant 0 : i32
      %add3A_21 = arith.addi %add3A_19, %add3A_20 : i32
      %dma_start3A = arith.constant 0 : i32
      %dma_start3A_22 = arith.constant 0 : i32
      %dma_start3A_23 = tpu.memref_slice %arg9[%dma_start3A, %dma_start3A_22] : memref<128x128xf32, #tpu.memory_space<vmem>> -> memref<128x128xf32, #tpu.memory_space<vmem>>
      %dma_start3A_24 = arith.constant 0 : i32
      %dma_start3A_25 = tpu.memref_slice %arg7[%add3A_21, %dma_start3A_24] : memref<40x128xi32, #tpu.memory_space<vmem>> -> memref<1x128xi32, #tpu.memory_space<vmem>>
      %dma_start3A_26 = tpu.memref_squeeze %dma_start3A_25 : memref<1x128xi32, #tpu.memory_space<vmem>> -> memref<128xi32, #tpu.memory_space<vmem>>
      %dma_start3A_27 = arith.constant 0 : i32
      %dma_start3A_28 = arith.constant 0 : i32
      %dma_start3A_29 = tpu.memref_slice %arg2[%dma_start3A_27, %dma_start3A_28] : memref<20000x128xf32, #tpu.memory_space<hbm>> -> memref<20000x128xf32, #tpu.memory_space<hbm>>
      tpu.enqueue_indirect_dma source(%dma_start3A_29 : memref<20000x128xf32, #tpu.memory_space<hbm>>) target(%dma_start3A_23 : memref<128x128xf32, #tpu.memory_space<vmem>>) offsets(%dma_start3A_26 : memref<128xi32, #tpu.memory_space<vmem>>) semaphore(%arg12 : memref<!tpu.dma_semaphore, #tpu.memory_space<semaphore_mem>>)
      %add3A_30 = arith.constant 1 : i32
      %add3A_31 = arith.addi %mul3A_17, %add3A_30 : i32
      %add3A_32 = arith.constant 0 : i32
      %add3A_33 = arith.addi %add3A_31, %add3A_32 : i32
      %dma_start3A_34 = arith.constant 0 : i32
      %dma_start3A_35 = arith.constant 0 : i32
      %dma_start3A_36 = tpu.memref_slice %arg10[%dma_start3A_34, %dma_start3A_35] : memref<128x128xf32, #tpu.memory_space<vmem>> -> memref<128x128xf32, #tpu.memory_space<vmem>>
      %dma_start3A_37 = arith.constant 0 : i32
      %dma_start3A_38 = tpu.memref_slice %arg7[%add3A_33, %dma_start3A_37] : memref<40x128xi32, #tpu.memory_space<vmem>> -> memref<1x128xi32, #tpu.memory_space<vmem>>
      %dma_start3A_39 = tpu.memref_squeeze %dma_start3A_38 : memref<1x128xi32, #tpu.memory_space<vmem>> -> memref<128xi32, #tpu.memory_space<vmem>>
      %dma_start3A_40 = arith.constant 0 : i32
      %dma_start3A_41 = arith.constant 0 : i32
      %dma_start3A_42 = tpu.memref_slice %arg2[%dma_start3A_40, %dma_start3A_41] : memref<20000x128xf32, #tpu.memory_space<hbm>> -> memref<20000x128xf32, #tpu.memory_space<hbm>>
      tpu.enqueue_indirect_dma source(%dma_start3A_42 : memref<20000x128xf32, #tpu.memory_space<hbm>>) target(%dma_start3A_36 : memref<128x128xf32, #tpu.memory_space<vmem>>) offsets(%dma_start3A_39 : memref<128xi32, #tpu.memory_space<vmem>>) semaphore(%arg13 : memref<!tpu.dma_semaphore, #tpu.memory_space<semaphore_mem>>)
      %dma_wait3A = arith.constant 0 : i32
      %dma_wait3A_43 = arith.constant 0 : i32
      %dma_wait3A_44 = tpu.memref_slice %arg9[%dma_wait3A, %dma_wait3A_43] : memref<128x128xf32, #tpu.memory_space<vmem>> -> memref<128x128xf32, #tpu.memory_space<vmem>>
      %dma_wait3A_45 = arith.constant 0 : i32
      %dma_wait3A_46 = tpu.memref_slice %arg7[%add3A_21, %dma_wait3A_45] : memref<40x128xi32, #tpu.memory_space<vmem>> -> memref<1x128xi32, #tpu.memory_space<vmem>>
      %dma_wait3A_47 = tpu.memref_squeeze %dma_wait3A_46 : memref<1x128xi32, #tpu.memory_space<vmem>> -> memref<128xi32, #tpu.memory_space<vmem>>
      %dma_wait3A_48 = arith.constant 0 : i32
      %dma_wait3A_49 = arith.constant 0 : i32
      %dma_wait3A_50 = tpu.memref_slice %arg2[%dma_wait3A_48, %dma_wait3A_49] : memref<20000x128xf32, #tpu.memory_space<hbm>> -> memref<20000x128xf32, #tpu.memory_space<hbm>>
      tpu.wait_indirect_dma semaphore(%arg12 : memref<!tpu.dma_semaphore, #tpu.memory_space<semaphore_mem>>) src(%dma_wait3A_50 : memref<20000x128xf32, #tpu.memory_space<hbm>>) dst(%dma_wait3A_44 : memref<128x128xf32, #tpu.memory_space<vmem>>)
      %add3A_51 = arith.constant 0 : i32
      %add3A_52 = arith.addi %mul3A_17, %add3A_51 : i32
      %add3A_53 = arith.constant 0 : i32
      %add3A_54 = arith.addi %add3A_52, %add3A_53 : i32
      %dma_start3A_55 = arith.constant 0 : i32
      %dma_start3A_56 = arith.constant 0 : i32
      %dma_start3A_57 = tpu.memref_slice %arg9[%dma_start3A_55, %dma_start3A_56] : memref<128x128xf32, #tpu.memory_space<vmem>> -> memref<128x128xf32, #tpu.memory_space<vmem>>
      %dma_start3A_58 = arith.constant 0 : i32
      %dma_start3A_59 = tpu.memref_slice %arg8[%add3A_54, %dma_start3A_58] : memref<40x128xi32, #tpu.memory_space<vmem>> -> memref<1x128xi32, #tpu.memory_space<vmem>>
      %dma_start3A_60 = tpu.memref_squeeze %dma_start3A_59 : memref<1x128xi32, #tpu.memory_space<vmem>> -> memref<128xi32, #tpu.memory_space<vmem>>
      %dma_start3A_61 = arith.constant 0 : i32
      %dma_start3A_62 = arith.constant 0 : i32
      %dma_start3A_63 = tpu.memref_slice %arg11[%dma_start3A_61, %dma_start3A_62] : memref<10240x128xf32, #tpu.memory_space<vmem_shared>> -> memref<10240x128xf32, #tpu.memory_space<vmem_shared>>
      tpu.enqueue_indirect_dma source(%dma_start3A_57 : memref<128x128xf32, #tpu.memory_space<vmem>>) target(%dma_start3A_63 : memref<10240x128xf32, #tpu.memory_space<vmem_shared>>) offsets(%dma_start3A_60 : memref<128xi32, #tpu.memory_space<vmem>>) semaphore(%arg14 : memref<!tpu.dma_semaphore, #tpu.memory_space<semaphore_mem>>) {add = true}
      %dma_wait3A_64 = arith.constant 0 : i32
      %dma_wait3A_65 = arith.constant 0 : i32
      %dma_wait3A_66 = tpu.memref_slice %arg10[%dma_wait3A_64, %dma_wait3A_65] : memref<128x128xf32, #tpu.memory_space<vmem>> -> memref<128x128xf32, #tpu.memory_space<vmem>>
      %dma_wait3A_67 = arith.constant 0 : i32
      %dma_wait3A_68 = tpu.memref_slice %arg7[%add3A_33, %dma_wait3A_67] : memref<40x128xi32, #tpu.memory_space<vmem>> -> memref<1x128xi32, #tpu.memory_space<vmem>>
      %dma_wait3A_69 = tpu.memref_squeeze %dma_wait3A_68 : memref<1x128xi32, #tpu.memory_space<vmem>> -> memref<128xi32, #tpu.memory_space<vmem>>
      %dma_wait3A_70 = arith.constant 0 : i32
      %dma_wait3A_71 = arith.constant 0 : i32
      %dma_wait3A_72 = tpu.memref_slice %arg2[%dma_wait3A_70, %dma_wait3A_71] : memref<20000x128xf32, #tpu.memory_space<hbm>> -> memref<20000x128xf32, #tpu.memory_space<hbm>>
      tpu.wait_indirect_dma semaphore(%arg13 : memref<!tpu.dma_semaphore, #tpu.memory_space<semaphore_mem>>) src(%dma_wait3A_72 : memref<20000x128xf32, #tpu.memory_space<hbm>>) dst(%dma_wait3A_66 : memref<128x128xf32, #tpu.memory_space<vmem>>)
      %add3A_73 = arith.constant 1 : i32
      %add3A_74 = arith.addi %mul3A_17, %add3A_73 : i32
      %add3A_75 = arith.constant 0 : i32
      %add3A_76 = arith.addi %add3A_74, %add3A_75 : i32
      %dma_start3A_77 = arith.constant 0 : i32
      %dma_start3A_78 = arith.constant 0 : i32
      %dma_start3A_79 = tpu.memref_slice %arg10[%dma_start3A_77, %dma_start3A_78] : memref<128x128xf32, #tpu.memory_space<vmem>> -> memref<128x128xf32, #tpu.memory_space<vmem>>
      %dma_start3A_80 = arith.constant 0 : i32
      %dma_start3A_81 = tpu.memref_slice %arg8[%add3A_76, %dma_start3A_80] : memref<40x128xi32, #tpu.memory_space<vmem>> -> memref<1x128xi32, #tpu.memory_space<vmem>>
      %dma_start3A_82 = tpu.memref_squeeze %dma_start3A_81 : memref<1x128xi32, #tpu.memory_space<vmem>> -> memref<128xi32, #tpu.memory_space<vmem>>
      %dma_start3A_83 = arith.constant 0 : i32
      %dma_start3A_84 = arith.constant 0 : i32
      %dma_start3A_85 = tpu.memref_slice %arg11[%dma_start3A_83, %dma_start3A_84] : memref<10240x128xf32, #tpu.memory_space<vmem_shared>> -> memref<10240x128xf32, #tpu.memory_space<vmem_shared>>
      tpu.enqueue_indirect_dma source(%dma_start3A_79 : memref<128x128xf32, #tpu.memory_space<vmem>>) target(%dma_start3A_85 : memref<10240x128xf32, #tpu.memory_space<vmem_shared>>) offsets(%dma_start3A_82 : memref<128xi32, #tpu.memory_space<vmem>>) semaphore(%arg15 : memref<!tpu.dma_semaphore, #tpu.memory_space<semaphore_mem>>) {add = true}
      %dma_wait3A_86 = arith.constant 0 : i32
      %dma_wait3A_87 = arith.constant 0 : i32
      %dma_wait3A_88 = tpu.memref_slice %arg9[%dma_wait3A_86, %dma_wait3A_87] : memref<128x128xf32, #tpu.memory_space<vmem>> -> memref<128x128xf32, #tpu.memory_space<vmem>>
      %dma_wait3A_89 = arith.constant 0 : i32
      %dma_wait3A_90 = tpu.memref_slice %arg8[%add3A_54, %dma_wait3A_89] : memref<40x128xi32, #tpu.memory_space<vmem>> -> memref<1x128xi32, #tpu.memory_space<vmem>>
      %dma_wait3A_91 = tpu.memref_squeeze %dma_wait3A_90 : memref<1x128xi32, #tpu.memory_space<vmem>> -> memref<128xi32, #tpu.memory_space<vmem>>
      %dma_wait3A_92 = arith.constant 0 : i32
      %dma_wait3A_93 = arith.constant 0 : i32
      %dma_wait3A_94 = tpu.memref_slice %arg11[%dma_wait3A_92, %dma_wait3A_93] : memref<10240x128xf32, #tpu.memory_space<vmem_shared>> -> memref<10240x128xf32, #tpu.memory_space<vmem_shared>>
      tpu.wait_indirect_dma semaphore(%arg14 : memref<!tpu.dma_semaphore, #tpu.memory_space<semaphore_mem>>) src(%dma_wait3A_88 : memref<128x128xf32, #tpu.memory_space<vmem>>) dst(%dma_wait3A_94 : memref<10240x128xf32, #tpu.memory_space<vmem_shared>>)
      %dma_wait3A_95 = arith.constant 0 : i32
      %dma_wait3A_96 = arith.constant 0 : i32
      %dma_wait3A_97 = tpu.memref_slice %arg10[%dma_wait3A_95, %dma_wait3A_96] : memref<128x128xf32, #tpu.memory_space<vmem>> -> memref<128x128xf32, #tpu.memory_space<vmem>>
      %dma_wait3A_98 = arith.constant 0 : i32
      %dma_wait3A_99 = tpu.memref_slice %arg8[%add3A_76, %dma_wait3A_98] : memref<40x128xi32, #tpu.memory_space<vmem>> -> memref<1x128xi32, #tpu.memory_space<vmem>>
      %dma_wait3A_100 = tpu.memref_squeeze %dma_wait3A_99 : memref<1x128xi32, #tpu.memory_space<vmem>> -> memref<128xi32, #tpu.memory_space<vmem>>
      %dma_wait3A_101 = arith.constant 0 : i32
      %dma_wait3A_102 = arith.constant 0 : i32
      %dma_wait3A_103 = tpu.memref_slice %arg11[%dma_wait3A_101, %dma_wait3A_102] : memref<10240x128xf32, #tpu.memory_space<vmem_shared>> -> memref<10240x128xf32, #tpu.memory_space<vmem_shared>>
      tpu.wait_indirect_dma semaphore(%arg15 : memref<!tpu.dma_semaphore, #tpu.memory_space<semaphore_mem>>) src(%dma_wait3A_97 : memref<128x128xf32, #tpu.memory_space<vmem>>) dst(%dma_wait3A_103 : memref<10240x128xf32, #tpu.memory_space<vmem_shared>>)
    }
    %scan3A_9 = arith.constant 20 : i32
    %barrier3A_10 = arith.constant 0 : index
    tpu.barrier barrier_id(%barrier3A_10)
    %mul3A_11 = arith.constant 640 : i32
    %mul3A_12 = arith.muli %arg1, %mul3A_11 : i32
    %mul3A_13 = arith.constant 640 : i32
    %mul3A_14 = arith.muli %arg1, %mul3A_13 : i32
    "tpu.region"() ({
      %run_scoped3A = tpu.sem_alloc : memref<!tpu.dma_semaphore, #tpu.memory_space<semaphore_mem>>
      %dma_start3A = arith.constant 0 : i32
      %dma_start3A_15 = tpu.memref_slice %arg6[%arg0, %mul3A_14, %dma_start3A] : memref<2x10240x128xf32, #tpu.memory_space<hbm>> -> memref<1x640x128xf32, #tpu.memory_space<hbm>>
      %dma_start3A_16 = tpu.memref_squeeze %dma_start3A_15 : memref<1x640x128xf32, #tpu.memory_space<hbm>> -> memref<640x128xf32, #tpu.memory_space<hbm>>
      %dma_start3A_17 = arith.constant 0 : i32
      %dma_start3A_18 = tpu.memref_slice %arg11[%mul3A_12, %dma_start3A_17] : memref<10240x128xf32, #tpu.memory_space<vmem_shared>> -> memref<640x128xf32, #tpu.memory_space<vmem_shared>>
      tpu.enqueue_dma source(%dma_start3A_18 : memref<640x128xf32, #tpu.memory_space<vmem_shared>>) target(%dma_start3A_16 : memref<640x128xf32, #tpu.memory_space<hbm>>) target_semaphore(%run_scoped3A : memref<!tpu.dma_semaphore, #tpu.memory_space<semaphore_mem>>)
      %dma_wait3A = arith.constant 0 : i32
      %dma_wait3A_19 = tpu.memref_slice %arg6[%arg0, %mul3A_14, %dma_wait3A] : memref<2x10240x128xf32, #tpu.memory_space<hbm>> -> memref<1x640x128xf32, #tpu.memory_space<hbm>>
      %dma_wait3A_20 = tpu.memref_squeeze %dma_wait3A_19 : memref<1x640x128xf32, #tpu.memory_space<hbm>> -> memref<640x128xf32, #tpu.memory_space<hbm>>
      %dma_wait3A_21 = arith.constant 0 : i32
      %dma_wait3A_22 = tpu.memref_slice %arg11[%mul3A_12, %dma_wait3A_21] : memref<10240x128xf32, #tpu.memory_space<vmem_shared>> -> memref<640x128xf32, #tpu.memory_space<vmem_shared>>
      tpu.wait_dma2 semaphore(%run_scoped3A : memref<!tpu.dma_semaphore, #tpu.memory_space<semaphore_mem>>) src(%dma_wait3A_22 : memref<640x128xf32, #tpu.memory_space<vmem_shared>>) dst(%dma_wait3A_20 : memref<640x128xf32, #tpu.memory_space<hbm>>)
      tpu.yield
    }) : () -> ()
    return
  }
}

#map = affine_map<(d0, d1) -> (0, 0)>
#map1 = affine_map<(d0, d1) -> (0, 0, 0)>
module attributes {stable_mosaic.version = 14 : i64} {
  func.func @_sc_body(%arg0: i32, %arg1: i32, %arg2: memref<20000x128xf32, #tpu.memory_space<hbm>>, %arg3: memref<32x40x128xi32, #tpu.memory_space<hbm>>, %arg4: memref<32x40x128xi32, #tpu.memory_space<hbm>>, %arg5: memref<10240x128xf32, #tpu.memory_space<hbm>>, %arg6: memref<2x10240x128xf32, #tpu.memory_space<hbm>>, %arg7: memref<40x128xi32, #tpu.memory_space<vmem>>, %arg8: memref<40x128xi32, #tpu.memory_space<vmem>>, %arg9: memref<128x128xf32, #tpu.memory_space<vmem>>, %arg10: memref<128x128xf32, #tpu.memory_space<vmem>>, %arg11: memref<10240x128xf32, #tpu.memory_space<vmem_shared>>, %arg12: memref<!tpu.dma_semaphore, #tpu.memory_space<semaphore_mem>>, %arg13: memref<!tpu.dma_semaphore, #tpu.memory_space<semaphore_mem>>, %arg14: memref<!tpu.dma_semaphore, #tpu.memory_space<semaphore_mem>>, %arg15: memref<!tpu.dma_semaphore, #tpu.memory_space<semaphore_mem>>) attributes {dimension_semantics = [#tpu.dimension_semantics<core_parallel>, #tpu.dimension_semantics<subcore_parallel>], iteration_bounds = array<i64: 2, 16>, scalar_prefetch = 0 : i64, scratch_operands = 9 : i64, tpu.core_type = #tpu.core_type<sc_vector_subcore>, window_params = [{transform_indices = #map}, {transform_indices = #map1}, {transform_indices = #map1}, {transform_indices = #map}, {transform_indices = #map1}]} {
    %mul3A = arith.constant 16 : i32
    %mul3A_0 = arith.muli %arg0, %mul3A : i32
    %add3A = arith.addi %mul3A_0, %arg1 : i32
    "tpu.region"() ({
      %run_scoped3A = tpu.sem_alloc : memref<!tpu.dma_semaphore, #tpu.memory_space<semaphore_mem>>
      %dma_start3A = arith.constant 0 : i32
      %dma_start3A_15 = arith.constant 0 : i32
      %dma_start3A_16 = tpu.memref_slice %arg3[%add3A, %dma_start3A, %dma_start3A_15] : memref<32x40x128xi32, #tpu.memory_space<hbm>> -> memref<1x40x128xi32, #tpu.memory_space<hbm>>
      %dma_start3A_17 = tpu.memref_squeeze %dma_start3A_16 : memref<1x40x128xi32, #tpu.memory_space<hbm>> -> memref<40x128xi32, #tpu.memory_space<hbm>>
      %dma_start3A_18 = arith.constant 0 : i32
      %dma_start3A_19 = arith.constant 0 : i32
      %dma_start3A_20 = tpu.memref_slice %arg3[%add3A, %dma_start3A_18, %dma_start3A_19] : memref<32x40x128xi32, #tpu.memory_space<hbm>> -> memref<1x40x128xi32, #tpu.memory_space<hbm>>
      %dma_start3A_21 = tpu.memref_squeeze %dma_start3A_20 : memref<1x40x128xi32, #tpu.memory_space<hbm>> -> memref<40x128xi32, #tpu.memory_space<hbm>>
      tpu.enqueue_dma source(%dma_start3A_21 : memref<40x128xi32, #tpu.memory_space<hbm>>) target(%arg7 : memref<40x128xi32, #tpu.memory_space<vmem>>) target_semaphore(%run_scoped3A : memref<!tpu.dma_semaphore, #tpu.memory_space<semaphore_mem>>)
      %dma_wait3A = arith.constant 0 : i32
      %dma_wait3A_22 = arith.constant 0 : i32
      %dma_wait3A_23 = tpu.memref_slice %arg3[%add3A, %dma_wait3A, %dma_wait3A_22] : memref<32x40x128xi32, #tpu.memory_space<hbm>> -> memref<1x40x128xi32, #tpu.memory_space<hbm>>
      %dma_wait3A_24 = tpu.memref_squeeze %dma_wait3A_23 : memref<1x40x128xi32, #tpu.memory_space<hbm>> -> memref<40x128xi32, #tpu.memory_space<hbm>>
      %dma_wait3A_25 = arith.constant 0 : i32
      %dma_wait3A_26 = arith.constant 0 : i32
      %dma_wait3A_27 = tpu.memref_slice %arg3[%add3A, %dma_wait3A_25, %dma_wait3A_26] : memref<32x40x128xi32, #tpu.memory_space<hbm>> -> memref<1x40x128xi32, #tpu.memory_space<hbm>>
      %dma_wait3A_28 = tpu.memref_squeeze %dma_wait3A_27 : memref<1x40x128xi32, #tpu.memory_space<hbm>> -> memref<40x128xi32, #tpu.memory_space<hbm>>
      tpu.wait_dma2 semaphore(%run_scoped3A : memref<!tpu.dma_semaphore, #tpu.memory_space<semaphore_mem>>) src(%dma_wait3A_28 : memref<40x128xi32, #tpu.memory_space<hbm>>) dst(%arg7 : memref<40x128xi32, #tpu.memory_space<vmem>>)
      tpu.yield
    }) : () -> ()
    "tpu.region"() ({
      %run_scoped3A = tpu.sem_alloc : memref<!tpu.dma_semaphore, #tpu.memory_space<semaphore_mem>>
      %dma_start3A = arith.constant 0 : i32
      %dma_start3A_15 = arith.constant 0 : i32
      %dma_start3A_16 = tpu.memref_slice %arg4[%add3A, %dma_start3A, %dma_start3A_15] : memref<32x40x128xi32, #tpu.memory_space<hbm>> -> memref<1x40x128xi32, #tpu.memory_space<hbm>>
      %dma_start3A_17 = tpu.memref_squeeze %dma_start3A_16 : memref<1x40x128xi32, #tpu.memory_space<hbm>> -> memref<40x128xi32, #tpu.memory_space<hbm>>
      %dma_start3A_18 = arith.constant 0 : i32
      %dma_start3A_19 = arith.constant 0 : i32
      %dma_start3A_20 = tpu.memref_slice %arg4[%add3A, %dma_start3A_18, %dma_start3A_19] : memref<32x40x128xi32, #tpu.memory_space<hbm>> -> memref<1x40x128xi32, #tpu.memory_space<hbm>>
      %dma_start3A_21 = tpu.memref_squeeze %dma_start3A_20 : memref<1x40x128xi32, #tpu.memory_space<hbm>> -> memref<40x128xi32, #tpu.memory_space<hbm>>
      tpu.enqueue_dma source(%dma_start3A_21 : memref<40x128xi32, #tpu.memory_space<hbm>>) target(%arg8 : memref<40x128xi32, #tpu.memory_space<vmem>>) target_semaphore(%run_scoped3A : memref<!tpu.dma_semaphore, #tpu.memory_space<semaphore_mem>>)
      %dma_wait3A = arith.constant 0 : i32
      %dma_wait3A_22 = arith.constant 0 : i32
      %dma_wait3A_23 = tpu.memref_slice %arg4[%add3A, %dma_wait3A, %dma_wait3A_22] : memref<32x40x128xi32, #tpu.memory_space<hbm>> -> memref<1x40x128xi32, #tpu.memory_space<hbm>>
      %dma_wait3A_24 = tpu.memref_squeeze %dma_wait3A_23 : memref<1x40x128xi32, #tpu.memory_space<hbm>> -> memref<40x128xi32, #tpu.memory_space<hbm>>
      %dma_wait3A_25 = arith.constant 0 : i32
      %dma_wait3A_26 = arith.constant 0 : i32
      %dma_wait3A_27 = tpu.memref_slice %arg4[%add3A, %dma_wait3A_25, %dma_wait3A_26] : memref<32x40x128xi32, #tpu.memory_space<hbm>> -> memref<1x40x128xi32, #tpu.memory_space<hbm>>
      %dma_wait3A_28 = tpu.memref_squeeze %dma_wait3A_27 : memref<1x40x128xi32, #tpu.memory_space<hbm>> -> memref<40x128xi32, #tpu.memory_space<hbm>>
      tpu.wait_dma2 semaphore(%run_scoped3A : memref<!tpu.dma_semaphore, #tpu.memory_space<semaphore_mem>>) src(%dma_wait3A_28 : memref<40x128xi32, #tpu.memory_space<hbm>>) dst(%arg8 : memref<40x128xi32, #tpu.memory_space<vmem>>)
      tpu.yield
    }) : () -> ()
    %mul3A_1 = arith.constant 640 : i32
    %mul3A_2 = arith.muli %arg1, %mul3A_1 : i32
    %mul3A_3 = arith.constant 640 : i32
    %mul3A_4 = arith.muli %arg1, %mul3A_3 : i32
    "tpu.region"() ({
      %run_scoped3A = tpu.sem_alloc : memref<!tpu.dma_semaphore, #tpu.memory_space<semaphore_mem>>
      %dma_start3A = arith.constant 0 : i32
      %dma_start3A_15 = tpu.memref_slice %arg11[%mul3A_4, %dma_start3A] : memref<10240x128xf32, #tpu.memory_space<vmem_shared>> -> memref<640x128xf32, #tpu.memory_space<vmem_shared>>
      %dma_start3A_16 = arith.constant 0 : i32
      %dma_start3A_17 = tpu.memref_slice %arg5[%mul3A_2, %dma_start3A_16] : memref<10240x128xf32, #tpu.memory_space<hbm>> -> memref<640x128xf32, #tpu.memory_space<hbm>>
      tpu.enqueue_dma source(%dma_start3A_17 : memref<640x128xf32, #tpu.memory_space<hbm>>) target(%dma_start3A_15 : memref<640x128xf32, #tpu.memory_space<vmem_shared>>) target_semaphore(%run_scoped3A : memref<!tpu.dma_semaphore, #tpu.memory_space<semaphore_mem>>)
      %dma_wait3A = arith.constant 0 : i32
      %dma_wait3A_18 = tpu.memref_slice %arg11[%mul3A_4, %dma_wait3A] : memref<10240x128xf32, #tpu.memory_space<vmem_shared>> -> memref<640x128xf32, #tpu.memory_space<vmem_shared>>
      %dma_wait3A_19 = arith.constant 0 : i32
      %dma_wait3A_20 = tpu.memref_slice %arg5[%mul3A_2, %dma_wait3A_19] : memref<10240x128xf32, #tpu.memory_space<hbm>> -> memref<640x128xf32, #tpu.memory_space<hbm>>
      tpu.wait_dma2 semaphore(%run_scoped3A : memref<!tpu.dma_semaphore, #tpu.memory_space<semaphore_mem>>) src(%dma_wait3A_20 : memref<640x128xf32, #tpu.memory_space<hbm>>) dst(%dma_wait3A_18 : memref<640x128xf32, #tpu.memory_space<vmem_shared>>)
      tpu.yield
    }) : () -> ()
    %barrier3A = arith.constant 0 : index
    tpu.barrier barrier_id(%barrier3A)
    %scan3A = arith.constant 0 : i32
    %scan3A_5 = arith.constant 0 : i32
    %scan3A_6 = arith.constant 20 : i32
    %scan3A_7 = arith.addi %scan3A_5, %scan3A_6 : i32
    %scan3A_8 = arith.constant 1 : i32
    scf.for %scan3A_15 = %scan3A_5 to %scan3A_7 step %scan3A_8  : i32 {
      %mul3A_16 = arith.constant 2 : i32
      %mul3A_17 = arith.muli %scan3A_15, %mul3A_16 : i32
      %add3A_18 = arith.constant 0 : i32
      %add3A_19 = arith.addi %mul3A_17, %add3A_18 : i32
      %add3A_20 = arith.constant 0 : i32
      %add3A_21 = arith.addi %add3A_19, %add3A_20 : i32
      %dma_start3A = arith.constant 0 : i32
      %dma_start3A_22 = arith.constant 0 : i32
      %dma_start3A_23 = tpu.memref_slice %arg9[%dma_start3A, %dma_start3A_22] : memref<128x128xf32, #tpu.memory_space<vmem>> -> memref<128x128xf32, #tpu.memory_space<vmem>>
      %dma_start3A_24 = arith.constant 0 : i32
      %dma_start3A_25 = tpu.memref_slice %arg7[%add3A_21, %dma_start3A_24] : memref<40x128xi32, #tpu.memory_space<vmem>> -> memref<1x128xi32, #tpu.memory_space<vmem>>
      %dma_start3A_26 = tpu.memref_squeeze %dma_start3A_25 : memref<1x128xi32, #tpu.memory_space<vmem>> -> memref<128xi32, #tpu.memory_space<vmem>>
      %dma_start3A_27 = arith.constant 0 : i32
      %dma_start3A_28 = arith.constant 0 : i32
      %dma_start3A_29 = tpu.memref_slice %arg2[%dma_start3A_27, %dma_start3A_28] : memref<20000x128xf32, #tpu.memory_space<hbm>> -> memref<20000x128xf32, #tpu.memory_space<hbm>>
      tpu.enqueue_indirect_dma source(%dma_start3A_29 : memref<20000x128xf32, #tpu.memory_space<hbm>>) target(%dma_start3A_23 : memref<128x128xf32, #tpu.memory_space<vmem>>) offsets(%dma_start3A_26 : memref<128xi32, #tpu.memory_space<vmem>>) semaphore(%arg12 : memref<!tpu.dma_semaphore, #tpu.memory_space<semaphore_mem>>)
      %add3A_30 = arith.constant 1 : i32
      %add3A_31 = arith.addi %mul3A_17, %add3A_30 : i32
      %add3A_32 = arith.constant 0 : i32
      %add3A_33 = arith.addi %add3A_31, %add3A_32 : i32
      %dma_start3A_34 = arith.constant 0 : i32
      %dma_start3A_35 = arith.constant 0 : i32
      %dma_start3A_36 = tpu.memref_slice %arg10[%dma_start3A_34, %dma_start3A_35] : memref<128x128xf32, #tpu.memory_space<vmem>> -> memref<128x128xf32, #tpu.memory_space<vmem>>
      %dma_start3A_37 = arith.constant 0 : i32
      %dma_start3A_38 = tpu.memref_slice %arg7[%add3A_33, %dma_start3A_37] : memref<40x128xi32, #tpu.memory_space<vmem>> -> memref<1x128xi32, #tpu.memory_space<vmem>>
      %dma_start3A_39 = tpu.memref_squeeze %dma_start3A_38 : memref<1x128xi32, #tpu.memory_space<vmem>> -> memref<128xi32, #tpu.memory_space<vmem>>
      %dma_start3A_40 = arith.constant 0 : i32
      %dma_start3A_41 = arith.constant 0 : i32
      %dma_start3A_42 = tpu.memref_slice %arg2[%dma_start3A_40, %dma_start3A_41] : memref<20000x128xf32, #tpu.memory_space<hbm>> -> memref<20000x128xf32, #tpu.memory_space<hbm>>
      tpu.enqueue_indirect_dma source(%dma_start3A_42 : memref<20000x128xf32, #tpu.memory_space<hbm>>) target(%dma_start3A_36 : memref<128x128xf32, #tpu.memory_space<vmem>>) offsets(%dma_start3A_39 : memref<128xi32, #tpu.memory_space<vmem>>) semaphore(%arg13 : memref<!tpu.dma_semaphore, #tpu.memory_space<semaphore_mem>>)
      %dma_wait3A = arith.constant 0 : i32
      %dma_wait3A_43 = arith.constant 0 : i32
      %dma_wait3A_44 = tpu.memref_slice %arg9[%dma_wait3A, %dma_wait3A_43] : memref<128x128xf32, #tpu.memory_space<vmem>> -> memref<128x128xf32, #tpu.memory_space<vmem>>
      %dma_wait3A_45 = arith.constant 0 : i32
      %dma_wait3A_46 = tpu.memref_slice %arg7[%add3A_21, %dma_wait3A_45] : memref<40x128xi32, #tpu.memory_space<vmem>> -> memref<1x128xi32, #tpu.memory_space<vmem>>
      %dma_wait3A_47 = tpu.memref_squeeze %dma_wait3A_46 : memref<1x128xi32, #tpu.memory_space<vmem>> -> memref<128xi32, #tpu.memory_space<vmem>>
      %dma_wait3A_48 = arith.constant 0 : i32
      %dma_wait3A_49 = arith.constant 0 : i32
      %dma_wait3A_50 = tpu.memref_slice %arg2[%dma_wait3A_48, %dma_wait3A_49] : memref<20000x128xf32, #tpu.memory_space<hbm>> -> memref<20000x128xf32, #tpu.memory_space<hbm>>
      tpu.wait_indirect_dma semaphore(%arg12 : memref<!tpu.dma_semaphore, #tpu.memory_space<semaphore_mem>>) src(%dma_wait3A_50 : memref<20000x128xf32, #tpu.memory_space<hbm>>) dst(%dma_wait3A_44 : memref<128x128xf32, #tpu.memory_space<vmem>>)
      %add3A_51 = arith.constant 0 : i32
      %add3A_52 = arith.addi %mul3A_17, %add3A_51 : i32
      %add3A_53 = arith.constant 0 : i32
      %add3A_54 = arith.addi %add3A_52, %add3A_53 : i32
      %dma_start3A_55 = arith.constant 0 : i32
      %dma_start3A_56 = arith.constant 0 : i32
      %dma_start3A_57 = tpu.memref_slice %arg9[%dma_start3A_55, %dma_start3A_56] : memref<128x128xf32, #tpu.memory_space<vmem>> -> memref<128x128xf32, #tpu.memory_space<vmem>>
      %dma_start3A_58 = arith.constant 0 : i32
      %dma_start3A_59 = tpu.memref_slice %arg8[%add3A_54, %dma_start3A_58] : memref<40x128xi32, #tpu.memory_space<vmem>> -> memref<1x128xi32, #tpu.memory_space<vmem>>
      %dma_start3A_60 = tpu.memref_squeeze %dma_start3A_59 : memref<1x128xi32, #tpu.memory_space<vmem>> -> memref<128xi32, #tpu.memory_space<vmem>>
      %dma_start3A_61 = arith.constant 0 : i32
      %dma_start3A_62 = arith.constant 0 : i32
      %dma_start3A_63 = tpu.memref_slice %arg11[%dma_start3A_61, %dma_start3A_62] : memref<10240x128xf32, #tpu.memory_space<vmem_shared>> -> memref<10240x128xf32, #tpu.memory_space<vmem_shared>>
      tpu.enqueue_indirect_dma source(%dma_start3A_57 : memref<128x128xf32, #tpu.memory_space<vmem>>) target(%dma_start3A_63 : memref<10240x128xf32, #tpu.memory_space<vmem_shared>>) offsets(%dma_start3A_60 : memref<128xi32, #tpu.memory_space<vmem>>) semaphore(%arg14 : memref<!tpu.dma_semaphore, #tpu.memory_space<semaphore_mem>>) {add = true}
      %dma_wait3A_64 = arith.constant 0 : i32
      %dma_wait3A_65 = arith.constant 0 : i32
      %dma_wait3A_66 = tpu.memref_slice %arg10[%dma_wait3A_64, %dma_wait3A_65] : memref<128x128xf32, #tpu.memory_space<vmem>> -> memref<128x128xf32, #tpu.memory_space<vmem>>
      %dma_wait3A_67 = arith.constant 0 : i32
      %dma_wait3A_68 = tpu.memref_slice %arg7[%add3A_33, %dma_wait3A_67] : memref<40x128xi32, #tpu.memory_space<vmem>> -> memref<1x128xi32, #tpu.memory_space<vmem>>
      %dma_wait3A_69 = tpu.memref_squeeze %dma_wait3A_68 : memref<1x128xi32, #tpu.memory_space<vmem>> -> memref<128xi32, #tpu.memory_space<vmem>>
      %dma_wait3A_70 = arith.constant 0 : i32
      %dma_wait3A_71 = arith.constant 0 : i32
      %dma_wait3A_72 = tpu.memref_slice %arg2[%dma_wait3A_70, %dma_wait3A_71] : memref<20000x128xf32, #tpu.memory_space<hbm>> -> memref<20000x128xf32, #tpu.memory_space<hbm>>
      tpu.wait_indirect_dma semaphore(%arg13 : memref<!tpu.dma_semaphore, #tpu.memory_space<semaphore_mem>>) src(%dma_wait3A_72 : memref<20000x128xf32, #tpu.memory_space<hbm>>) dst(%dma_wait3A_66 : memref<128x128xf32, #tpu.memory_space<vmem>>)
      %add3A_73 = arith.constant 1 : i32
      %add3A_74 = arith.addi %mul3A_17, %add3A_73 : i32
      %add3A_75 = arith.constant 0 : i32
      %add3A_76 = arith.addi %add3A_74, %add3A_75 : i32
      %dma_start3A_77 = arith.constant 0 : i32
      %dma_start3A_78 = arith.constant 0 : i32
      %dma_start3A_79 = tpu.memref_slice %arg10[%dma_start3A_77, %dma_start3A_78] : memref<128x128xf32, #tpu.memory_space<vmem>> -> memref<128x128xf32, #tpu.memory_space<vmem>>
      %dma_start3A_80 = arith.constant 0 : i32
      %dma_start3A_81 = tpu.memref_slice %arg8[%add3A_76, %dma_start3A_80] : memref<40x128xi32, #tpu.memory_space<vmem>> -> memref<1x128xi32, #tpu.memory_space<vmem>>
      %dma_start3A_82 = tpu.memref_squeeze %dma_start3A_81 : memref<1x128xi32, #tpu.memory_space<vmem>> -> memref<128xi32, #tpu.memory_space<vmem>>
      %dma_start3A_83 = arith.constant 0 : i32
      %dma_start3A_84 = arith.constant 0 : i32
      %dma_start3A_85 = tpu.memref_slice %arg11[%dma_start3A_83, %dma_start3A_84] : memref<10240x128xf32, #tpu.memory_space<vmem_shared>> -> memref<10240x128xf32, #tpu.memory_space<vmem_shared>>
      tpu.enqueue_indirect_dma source(%dma_start3A_79 : memref<128x128xf32, #tpu.memory_space<vmem>>) target(%dma_start3A_85 : memref<10240x128xf32, #tpu.memory_space<vmem_shared>>) offsets(%dma_start3A_82 : memref<128xi32, #tpu.memory_space<vmem>>) semaphore(%arg15 : memref<!tpu.dma_semaphore, #tpu.memory_space<semaphore_mem>>) {add = true}
      %dma_wait3A_86 = arith.constant 0 : i32
      %dma_wait3A_87 = arith.constant 0 : i32
      %dma_wait3A_88 = tpu.memref_slice %arg9[%dma_wait3A_86, %dma_wait3A_87] : memref<128x128xf32, #tpu.memory_space<vmem>> -> memref<128x128xf32, #tpu.memory_space<vmem>>
      %dma_wait3A_89 = arith.constant 0 : i32
      %dma_wait3A_90 = tpu.memref_slice %arg8[%add3A_54, %dma_wait3A_89] : memref<40x128xi32, #tpu.memory_space<vmem>> -> memref<1x128xi32, #tpu.memory_space<vmem>>
      %dma_wait3A_91 = tpu.memref_squeeze %dma_wait3A_90 : memref<1x128xi32, #tpu.memory_space<vmem>> -> memref<128xi32, #tpu.memory_space<vmem>>
      %dma_wait3A_92 = arith.constant 0 : i32
      %dma_wait3A_93 = arith.constant 0 : i32
      %dma_wait3A_94 = tpu.memref_slice %arg11[%dma_wait3A_92, %dma_wait3A_93] : memref<10240x128xf32, #tpu.memory_space<vmem_shared>> -> memref<10240x128xf32, #tpu.memory_space<vmem_shared>>
      tpu.wait_indirect_dma semaphore(%arg14 : memref<!tpu.dma_semaphore, #tpu.memory_space<semaphore_mem>>) src(%dma_wait3A_88 : memref<128x128xf32, #tpu.memory_space<vmem>>) dst(%dma_wait3A_94 : memref<10240x128xf32, #tpu.memory_space<vmem_shared>>)
      %dma_wait3A_95 = arith.constant 0 : i32
      %dma_wait3A_96 = arith.constant 0 : i32
      %dma_wait3A_97 = tpu.memref_slice %arg10[%dma_wait3A_95, %dma_wait3A_96] : memref<128x128xf32, #tpu.memory_space<vmem>> -> memref<128x128xf32, #tpu.memory_space<vmem>>
      %dma_wait3A_98 = arith.constant 0 : i32
      %dma_wait3A_99 = tpu.memref_slice %arg8[%add3A_76, %dma_wait3A_98] : memref<40x128xi32, #tpu.memory_space<vmem>> -> memref<1x128xi32, #tpu.memory_space<vmem>>
      %dma_wait3A_100 = tpu.memref_squeeze %dma_wait3A_99 : memref<1x128xi32, #tpu.memory_space<vmem>> -> memref<128xi32, #tpu.memory_space<vmem>>
      %dma_wait3A_101 = arith.constant 0 : i32
      %dma_wait3A_102 = arith.constant 0 : i32
      %dma_wait3A_103 = tpu.memref_slice %arg11[%dma_wait3A_101, %dma_wait3A_102] : memref<10240x128xf32, #tpu.memory_space<vmem_shared>> -> memref<10240x128xf32, #tpu.memory_space<vmem_shared>>
      tpu.wait_indirect_dma semaphore(%arg15 : memref<!tpu.dma_semaphore, #tpu.memory_space<semaphore_mem>>) src(%dma_wait3A_97 : memref<128x128xf32, #tpu.memory_space<vmem>>) dst(%dma_wait3A_103 : memref<10240x128xf32, #tpu.memory_space<vmem_shared>>)
    }
    %scan3A_9 = arith.constant 20 : i32
    %barrier3A_10 = arith.constant 0 : index
    tpu.barrier barrier_id(%barrier3A_10)
    %mul3A_11 = arith.constant 640 : i32
    %mul3A_12 = arith.muli %arg1, %mul3A_11 : i32
    %mul3A_13 = arith.constant 640 : i32
    %mul3A_14 = arith.muli %arg1, %mul3A_13 : i32
    "tpu.region"() ({
      %run_scoped3A = tpu.sem_alloc : memref<!tpu.dma_semaphore, #tpu.memory_space<semaphore_mem>>
      %dma_start3A = arith.constant 0 : i32
      %dma_start3A_15 = tpu.memref_slice %arg6[%arg0, %mul3A_14, %dma_start3A] : memref<2x10240x128xf32, #tpu.memory_space<hbm>> -> memref<1x640x128xf32, #tpu.memory_space<hbm>>
      %dma_start3A_16 = tpu.memref_squeeze %dma_start3A_15 : memref<1x640x128xf32, #tpu.memory_space<hbm>> -> memref<640x128xf32, #tpu.memory_space<hbm>>
      %dma_start3A_17 = arith.constant 0 : i32
      %dma_start3A_18 = tpu.memref_slice %arg11[%mul3A_12, %dma_start3A_17] : memref<10240x128xf32, #tpu.memory_space<vmem_shared>> -> memref<640x128xf32, #tpu.memory_space<vmem_shared>>
      tpu.enqueue_dma source(%dma_start3A_18 : memref<640x128xf32, #tpu.memory_space<vmem_shared>>) target(%dma_start3A_16 : memref<640x128xf32, #tpu.memory_space<hbm>>) target_semaphore(%run_scoped3A : memref<!tpu.dma_semaphore, #tpu.memory_space<semaphore_mem>>)
      %dma_wait3A = arith.constant 0 : i32
      %dma_wait3A_19 = tpu.memref_slice %arg6[%arg0, %mul3A_14, %dma_wait3A] : memref<2x10240x128xf32, #tpu.memory_space<hbm>> -> memref<1x640x128xf32, #tpu.memory_space<hbm>>
      %dma_wait3A_20 = tpu.memref_squeeze %dma_wait3A_19 : memref<1x640x128xf32, #tpu.memory_space<hbm>> -> memref<640x128xf32, #tpu.memory_space<hbm>>
      %dma_wait3A_21 = arith.constant 0 : i32
      %dma_wait3A_22 = tpu.memref_slice %arg11[%mul3A_12, %dma_wait3A_21] : memref<10240x128xf32, #tpu.memory_space<vmem_shared>> -> memref<640x128xf32, #tpu.memory_space<vmem_shared>>
      tpu.wait_dma2 semaphore(%run_scoped3A : memref<!tpu.dma_semaphore, #tpu.memory_space<semaphore_mem>>) src(%dma_wait3A_22 : memref<640x128xf32, #tpu.memory_space<vmem_shared>>) dst(%dma_wait3A_20 : memref<640x128xf32, #tpu.memory_space<hbm>>)
      tpu.yield
    }) : () -> ()
    return
  }
}

#map = affine_map<(d0, d1) -> (0, 0)>
#map1 = affine_map<(d0, d1) -> (0, 0, 0)>
module attributes {stable_mosaic.version = 14 : i64} {
  func.func @_sc_body(%arg0: i32, %arg1: i32, %arg2: memref<20000x128xf32, #tpu.memory_space<hbm>>, %arg3: memref<32x40x128xi32, #tpu.memory_space<hbm>>, %arg4: memref<32x40x128xi32, #tpu.memory_space<hbm>>, %arg5: memref<10240x128xf32, #tpu.memory_space<hbm>>, %arg6: memref<2x10240x128xf32, #tpu.memory_space<hbm>>, %arg7: memref<40x128xi32, #tpu.memory_space<vmem>>, %arg8: memref<40x128xi32, #tpu.memory_space<vmem>>, %arg9: memref<128x128xf32, #tpu.memory_space<vmem>>, %arg10: memref<128x128xf32, #tpu.memory_space<vmem>>, %arg11: memref<10240x128xf32, #tpu.memory_space<vmem_shared>>, %arg12: memref<!tpu.dma_semaphore, #tpu.memory_space<semaphore_mem>>, %arg13: memref<!tpu.dma_semaphore, #tpu.memory_space<semaphore_mem>>, %arg14: memref<!tpu.dma_semaphore, #tpu.memory_space<semaphore_mem>>, %arg15: memref<!tpu.dma_semaphore, #tpu.memory_space<semaphore_mem>>) attributes {dimension_semantics = [#tpu.dimension_semantics<core_parallel>, #tpu.dimension_semantics<subcore_parallel>], iteration_bounds = array<i64: 2, 16>, scalar_prefetch = 0 : i64, scratch_operands = 9 : i64, tpu.core_type = #tpu.core_type<sc_vector_subcore>, window_params = [{transform_indices = #map}, {transform_indices = #map1}, {transform_indices = #map1}, {transform_indices = #map}, {transform_indices = #map1}]} {
    %mul3A = arith.constant 16 : i32
    %mul3A_0 = arith.muli %arg0, %mul3A : i32
    %add3A = arith.addi %mul3A_0, %arg1 : i32
    "tpu.region"() ({
      %run_scoped3A = tpu.sem_alloc : memref<!tpu.dma_semaphore, #tpu.memory_space<semaphore_mem>>
      %dma_start3A = arith.constant 0 : i32
      %dma_start3A_15 = arith.constant 0 : i32
      %dma_start3A_16 = tpu.memref_slice %arg3[%add3A, %dma_start3A, %dma_start3A_15] : memref<32x40x128xi32, #tpu.memory_space<hbm>> -> memref<1x40x128xi32, #tpu.memory_space<hbm>>
      %dma_start3A_17 = tpu.memref_squeeze %dma_start3A_16 : memref<1x40x128xi32, #tpu.memory_space<hbm>> -> memref<40x128xi32, #tpu.memory_space<hbm>>
      %dma_start3A_18 = arith.constant 0 : i32
      %dma_start3A_19 = arith.constant 0 : i32
      %dma_start3A_20 = tpu.memref_slice %arg3[%add3A, %dma_start3A_18, %dma_start3A_19] : memref<32x40x128xi32, #tpu.memory_space<hbm>> -> memref<1x40x128xi32, #tpu.memory_space<hbm>>
      %dma_start3A_21 = tpu.memref_squeeze %dma_start3A_20 : memref<1x40x128xi32, #tpu.memory_space<hbm>> -> memref<40x128xi32, #tpu.memory_space<hbm>>
      tpu.enqueue_dma source(%dma_start3A_21 : memref<40x128xi32, #tpu.memory_space<hbm>>) target(%arg7 : memref<40x128xi32, #tpu.memory_space<vmem>>) target_semaphore(%run_scoped3A : memref<!tpu.dma_semaphore, #tpu.memory_space<semaphore_mem>>)
      %dma_wait3A = arith.constant 0 : i32
      %dma_wait3A_22 = arith.constant 0 : i32
      %dma_wait3A_23 = tpu.memref_slice %arg3[%add3A, %dma_wait3A, %dma_wait3A_22] : memref<32x40x128xi32, #tpu.memory_space<hbm>> -> memref<1x40x128xi32, #tpu.memory_space<hbm>>
      %dma_wait3A_24 = tpu.memref_squeeze %dma_wait3A_23 : memref<1x40x128xi32, #tpu.memory_space<hbm>> -> memref<40x128xi32, #tpu.memory_space<hbm>>
      %dma_wait3A_25 = arith.constant 0 : i32
      %dma_wait3A_26 = arith.constant 0 : i32
      %dma_wait3A_27 = tpu.memref_slice %arg3[%add3A, %dma_wait3A_25, %dma_wait3A_26] : memref<32x40x128xi32, #tpu.memory_space<hbm>> -> memref<1x40x128xi32, #tpu.memory_space<hbm>>
      %dma_wait3A_28 = tpu.memref_squeeze %dma_wait3A_27 : memref<1x40x128xi32, #tpu.memory_space<hbm>> -> memref<40x128xi32, #tpu.memory_space<hbm>>
      tpu.wait_dma2 semaphore(%run_scoped3A : memref<!tpu.dma_semaphore, #tpu.memory_space<semaphore_mem>>) src(%dma_wait3A_28 : memref<40x128xi32, #tpu.memory_space<hbm>>) dst(%arg7 : memref<40x128xi32, #tpu.memory_space<vmem>>)
      tpu.yield
    }) : () -> ()
    "tpu.region"() ({
      %run_scoped3A = tpu.sem_alloc : memref<!tpu.dma_semaphore, #tpu.memory_space<semaphore_mem>>
      %dma_start3A = arith.constant 0 : i32
      %dma_start3A_15 = arith.constant 0 : i32
      %dma_start3A_16 = tpu.memref_slice %arg4[%add3A, %dma_start3A, %dma_start3A_15] : memref<32x40x128xi32, #tpu.memory_space<hbm>> -> memref<1x40x128xi32, #tpu.memory_space<hbm>>
      %dma_start3A_17 = tpu.memref_squeeze %dma_start3A_16 : memref<1x40x128xi32, #tpu.memory_space<hbm>> -> memref<40x128xi32, #tpu.memory_space<hbm>>
      %dma_start3A_18 = arith.constant 0 : i32
      %dma_start3A_19 = arith.constant 0 : i32
      %dma_start3A_20 = tpu.memref_slice %arg4[%add3A, %dma_start3A_18, %dma_start3A_19] : memref<32x40x128xi32, #tpu.memory_space<hbm>> -> memref<1x40x128xi32, #tpu.memory_space<hbm>>
      %dma_start3A_21 = tpu.memref_squeeze %dma_start3A_20 : memref<1x40x128xi32, #tpu.memory_space<hbm>> -> memref<40x128xi32, #tpu.memory_space<hbm>>
      tpu.enqueue_dma source(%dma_start3A_21 : memref<40x128xi32, #tpu.memory_space<hbm>>) target(%arg8 : memref<40x128xi32, #tpu.memory_space<vmem>>) target_semaphore(%run_scoped3A : memref<!tpu.dma_semaphore, #tpu.memory_space<semaphore_mem>>)
      %dma_wait3A = arith.constant 0 : i32
      %dma_wait3A_22 = arith.constant 0 : i32
      %dma_wait3A_23 = tpu.memref_slice %arg4[%add3A, %dma_wait3A, %dma_wait3A_22] : memref<32x40x128xi32, #tpu.memory_space<hbm>> -> memref<1x40x128xi32, #tpu.memory_space<hbm>>
      %dma_wait3A_24 = tpu.memref_squeeze %dma_wait3A_23 : memref<1x40x128xi32, #tpu.memory_space<hbm>> -> memref<40x128xi32, #tpu.memory_space<hbm>>
      %dma_wait3A_25 = arith.constant 0 : i32
      %dma_wait3A_26 = arith.constant 0 : i32
      %dma_wait3A_27 = tpu.memref_slice %arg4[%add3A, %dma_wait3A_25, %dma_wait3A_26] : memref<32x40x128xi32, #tpu.memory_space<hbm>> -> memref<1x40x128xi32, #tpu.memory_space<hbm>>
      %dma_wait3A_28 = tpu.memref_squeeze %dma_wait3A_27 : memref<1x40x128xi32, #tpu.memory_space<hbm>> -> memref<40x128xi32, #tpu.memory_space<hbm>>
      tpu.wait_dma2 semaphore(%run_scoped3A : memref<!tpu.dma_semaphore, #tpu.memory_space<semaphore_mem>>) src(%dma_wait3A_28 : memref<40x128xi32, #tpu.memory_space<hbm>>) dst(%arg8 : memref<40x128xi32, #tpu.memory_space<vmem>>)
      tpu.yield
    }) : () -> ()
    %mul3A_1 = arith.constant 640 : i32
    %mul3A_2 = arith.muli %arg1, %mul3A_1 : i32
    %mul3A_3 = arith.constant 640 : i32
    %mul3A_4 = arith.muli %arg1, %mul3A_3 : i32
    "tpu.region"() ({
      %run_scoped3A = tpu.sem_alloc : memref<!tpu.dma_semaphore, #tpu.memory_space<semaphore_mem>>
      %dma_start3A = arith.constant 0 : i32
      %dma_start3A_15 = tpu.memref_slice %arg11[%mul3A_4, %dma_start3A] : memref<10240x128xf32, #tpu.memory_space<vmem_shared>> -> memref<640x128xf32, #tpu.memory_space<vmem_shared>>
      %dma_start3A_16 = arith.constant 0 : i32
      %dma_start3A_17 = tpu.memref_slice %arg5[%mul3A_2, %dma_start3A_16] : memref<10240x128xf32, #tpu.memory_space<hbm>> -> memref<640x128xf32, #tpu.memory_space<hbm>>
      tpu.enqueue_dma source(%dma_start3A_17 : memref<640x128xf32, #tpu.memory_space<hbm>>) target(%dma_start3A_15 : memref<640x128xf32, #tpu.memory_space<vmem_shared>>) target_semaphore(%run_scoped3A : memref<!tpu.dma_semaphore, #tpu.memory_space<semaphore_mem>>)
      %dma_wait3A = arith.constant 0 : i32
      %dma_wait3A_18 = tpu.memref_slice %arg11[%mul3A_4, %dma_wait3A] : memref<10240x128xf32, #tpu.memory_space<vmem_shared>> -> memref<640x128xf32, #tpu.memory_space<vmem_shared>>
      %dma_wait3A_19 = arith.constant 0 : i32
      %dma_wait3A_20 = tpu.memref_slice %arg5[%mul3A_2, %dma_wait3A_19] : memref<10240x128xf32, #tpu.memory_space<hbm>> -> memref<640x128xf32, #tpu.memory_space<hbm>>
      tpu.wait_dma2 semaphore(%run_scoped3A : memref<!tpu.dma_semaphore, #tpu.memory_space<semaphore_mem>>) src(%dma_wait3A_20 : memref<640x128xf32, #tpu.memory_space<hbm>>) dst(%dma_wait3A_18 : memref<640x128xf32, #tpu.memory_space<vmem_shared>>)
      tpu.yield
    }) : () -> ()
    %barrier3A = arith.constant 0 : index
    tpu.barrier barrier_id(%barrier3A)
    %scan3A = arith.constant 0 : i32
    %scan3A_5 = arith.constant 0 : i32
    %scan3A_6 = arith.constant 20 : i32
    %scan3A_7 = arith.addi %scan3A_5, %scan3A_6 : i32
    %scan3A_8 = arith.constant 1 : i32
    scf.for %scan3A_15 = %scan3A_5 to %scan3A_7 step %scan3A_8  : i32 {
      %mul3A_16 = arith.constant 2 : i32
      %mul3A_17 = arith.muli %scan3A_15, %mul3A_16 : i32
      %add3A_18 = arith.constant 0 : i32
      %add3A_19 = arith.addi %mul3A_17, %add3A_18 : i32
      %add3A_20 = arith.constant 0 : i32
      %add3A_21 = arith.addi %add3A_19, %add3A_20 : i32
      %dma_start3A = arith.constant 0 : i32
      %dma_start3A_22 = arith.constant 0 : i32
      %dma_start3A_23 = tpu.memref_slice %arg9[%dma_start3A, %dma_start3A_22] : memref<128x128xf32, #tpu.memory_space<vmem>> -> memref<128x128xf32, #tpu.memory_space<vmem>>
      %dma_start3A_24 = arith.constant 0 : i32
      %dma_start3A_25 = tpu.memref_slice %arg7[%add3A_21, %dma_start3A_24] : memref<40x128xi32, #tpu.memory_space<vmem>> -> memref<1x128xi32, #tpu.memory_space<vmem>>
      %dma_start3A_26 = tpu.memref_squeeze %dma_start3A_25 : memref<1x128xi32, #tpu.memory_space<vmem>> -> memref<128xi32, #tpu.memory_space<vmem>>
      %dma_start3A_27 = arith.constant 0 : i32
      %dma_start3A_28 = arith.constant 0 : i32
      %dma_start3A_29 = tpu.memref_slice %arg2[%dma_start3A_27, %dma_start3A_28] : memref<20000x128xf32, #tpu.memory_space<hbm>> -> memref<20000x128xf32, #tpu.memory_space<hbm>>
      tpu.enqueue_indirect_dma source(%dma_start3A_29 : memref<20000x128xf32, #tpu.memory_space<hbm>>) target(%dma_start3A_23 : memref<128x128xf32, #tpu.memory_space<vmem>>) offsets(%dma_start3A_26 : memref<128xi32, #tpu.memory_space<vmem>>) semaphore(%arg12 : memref<!tpu.dma_semaphore, #tpu.memory_space<semaphore_mem>>)
      %add3A_30 = arith.constant 1 : i32
      %add3A_31 = arith.addi %mul3A_17, %add3A_30 : i32
      %add3A_32 = arith.constant 0 : i32
      %add3A_33 = arith.addi %add3A_31, %add3A_32 : i32
      %dma_start3A_34 = arith.constant 0 : i32
      %dma_start3A_35 = arith.constant 0 : i32
      %dma_start3A_36 = tpu.memref_slice %arg10[%dma_start3A_34, %dma_start3A_35] : memref<128x128xf32, #tpu.memory_space<vmem>> -> memref<128x128xf32, #tpu.memory_space<vmem>>
      %dma_start3A_37 = arith.constant 0 : i32
      %dma_start3A_38 = tpu.memref_slice %arg7[%add3A_33, %dma_start3A_37] : memref<40x128xi32, #tpu.memory_space<vmem>> -> memref<1x128xi32, #tpu.memory_space<vmem>>
      %dma_start3A_39 = tpu.memref_squeeze %dma_start3A_38 : memref<1x128xi32, #tpu.memory_space<vmem>> -> memref<128xi32, #tpu.memory_space<vmem>>
      %dma_start3A_40 = arith.constant 0 : i32
      %dma_start3A_41 = arith.constant 0 : i32
      %dma_start3A_42 = tpu.memref_slice %arg2[%dma_start3A_40, %dma_start3A_41] : memref<20000x128xf32, #tpu.memory_space<hbm>> -> memref<20000x128xf32, #tpu.memory_space<hbm>>
      tpu.enqueue_indirect_dma source(%dma_start3A_42 : memref<20000x128xf32, #tpu.memory_space<hbm>>) target(%dma_start3A_36 : memref<128x128xf32, #tpu.memory_space<vmem>>) offsets(%dma_start3A_39 : memref<128xi32, #tpu.memory_space<vmem>>) semaphore(%arg13 : memref<!tpu.dma_semaphore, #tpu.memory_space<semaphore_mem>>)
      %dma_wait3A = arith.constant 0 : i32
      %dma_wait3A_43 = arith.constant 0 : i32
      %dma_wait3A_44 = tpu.memref_slice %arg9[%dma_wait3A, %dma_wait3A_43] : memref<128x128xf32, #tpu.memory_space<vmem>> -> memref<128x128xf32, #tpu.memory_space<vmem>>
      %dma_wait3A_45 = arith.constant 0 : i32
      %dma_wait3A_46 = tpu.memref_slice %arg7[%add3A_21, %dma_wait3A_45] : memref<40x128xi32, #tpu.memory_space<vmem>> -> memref<1x128xi32, #tpu.memory_space<vmem>>
      %dma_wait3A_47 = tpu.memref_squeeze %dma_wait3A_46 : memref<1x128xi32, #tpu.memory_space<vmem>> -> memref<128xi32, #tpu.memory_space<vmem>>
      %dma_wait3A_48 = arith.constant 0 : i32
      %dma_wait3A_49 = arith.constant 0 : i32
      %dma_wait3A_50 = tpu.memref_slice %arg2[%dma_wait3A_48, %dma_wait3A_49] : memref<20000x128xf32, #tpu.memory_space<hbm>> -> memref<20000x128xf32, #tpu.memory_space<hbm>>
      tpu.wait_indirect_dma semaphore(%arg12 : memref<!tpu.dma_semaphore, #tpu.memory_space<semaphore_mem>>) src(%dma_wait3A_50 : memref<20000x128xf32, #tpu.memory_space<hbm>>) dst(%dma_wait3A_44 : memref<128x128xf32, #tpu.memory_space<vmem>>)
      %add3A_51 = arith.constant 0 : i32
      %add3A_52 = arith.addi %mul3A_17, %add3A_51 : i32
      %add3A_53 = arith.constant 0 : i32
      %add3A_54 = arith.addi %add3A_52, %add3A_53 : i32
      %dma_start3A_55 = arith.constant 0 : i32
      %dma_start3A_56 = arith.constant 0 : i32
      %dma_start3A_57 = tpu.memref_slice %arg9[%dma_start3A_55, %dma_start3A_56] : memref<128x128xf32, #tpu.memory_space<vmem>> -> memref<128x128xf32, #tpu.memory_space<vmem>>
      %dma_start3A_58 = arith.constant 0 : i32
      %dma_start3A_59 = tpu.memref_slice %arg8[%add3A_54, %dma_start3A_58] : memref<40x128xi32, #tpu.memory_space<vmem>> -> memref<1x128xi32, #tpu.memory_space<vmem>>
      %dma_start3A_60 = tpu.memref_squeeze %dma_start3A_59 : memref<1x128xi32, #tpu.memory_space<vmem>> -> memref<128xi32, #tpu.memory_space<vmem>>
      %dma_start3A_61 = arith.constant 0 : i32
      %dma_start3A_62 = arith.constant 0 : i32
      %dma_start3A_63 = tpu.memref_slice %arg11[%dma_start3A_61, %dma_start3A_62] : memref<10240x128xf32, #tpu.memory_space<vmem_shared>> -> memref<10240x128xf32, #tpu.memory_space<vmem_shared>>
      tpu.enqueue_indirect_dma source(%dma_start3A_57 : memref<128x128xf32, #tpu.memory_space<vmem>>) target(%dma_start3A_63 : memref<10240x128xf32, #tpu.memory_space<vmem_shared>>) offsets(%dma_start3A_60 : memref<128xi32, #tpu.memory_space<vmem>>) semaphore(%arg14 : memref<!tpu.dma_semaphore, #tpu.memory_space<semaphore_mem>>) {add = true}
      %dma_wait3A_64 = arith.constant 0 : i32
      %dma_wait3A_65 = arith.constant 0 : i32
      %dma_wait3A_66 = tpu.memref_slice %arg10[%dma_wait3A_64, %dma_wait3A_65] : memref<128x128xf32, #tpu.memory_space<vmem>> -> memref<128x128xf32, #tpu.memory_space<vmem>>
      %dma_wait3A_67 = arith.constant 0 : i32
      %dma_wait3A_68 = tpu.memref_slice %arg7[%add3A_33, %dma_wait3A_67] : memref<40x128xi32, #tpu.memory_space<vmem>> -> memref<1x128xi32, #tpu.memory_space<vmem>>
      %dma_wait3A_69 = tpu.memref_squeeze %dma_wait3A_68 : memref<1x128xi32, #tpu.memory_space<vmem>> -> memref<128xi32, #tpu.memory_space<vmem>>
      %dma_wait3A_70 = arith.constant 0 : i32
      %dma_wait3A_71 = arith.constant 0 : i32
      %dma_wait3A_72 = tpu.memref_slice %arg2[%dma_wait3A_70, %dma_wait3A_71] : memref<20000x128xf32, #tpu.memory_space<hbm>> -> memref<20000x128xf32, #tpu.memory_space<hbm>>
      tpu.wait_indirect_dma semaphore(%arg13 : memref<!tpu.dma_semaphore, #tpu.memory_space<semaphore_mem>>) src(%dma_wait3A_72 : memref<20000x128xf32, #tpu.memory_space<hbm>>) dst(%dma_wait3A_66 : memref<128x128xf32, #tpu.memory_space<vmem>>)
      %add3A_73 = arith.constant 1 : i32
      %add3A_74 = arith.addi %mul3A_17, %add3A_73 : i32
      %add3A_75 = arith.constant 0 : i32
      %add3A_76 = arith.addi %add3A_74, %add3A_75 : i32
      %dma_start3A_77 = arith.constant 0 : i32
      %dma_start3A_78 = arith.constant 0 : i32
      %dma_start3A_79 = tpu.memref_slice %arg10[%dma_start3A_77, %dma_start3A_78] : memref<128x128xf32, #tpu.memory_space<vmem>> -> memref<128x128xf32, #tpu.memory_space<vmem>>
      %dma_start3A_80 = arith.constant 0 : i32
      %dma_start3A_81 = tpu.memref_slice %arg8[%add3A_76, %dma_start3A_80] : memref<40x128xi32, #tpu.memory_space<vmem>> -> memref<1x128xi32, #tpu.memory_space<vmem>>
      %dma_start3A_82 = tpu.memref_squeeze %dma_start3A_81 : memref<1x128xi32, #tpu.memory_space<vmem>> -> memref<128xi32, #tpu.memory_space<vmem>>
      %dma_start3A_83 = arith.constant 0 : i32
      %dma_start3A_84 = arith.constant 0 : i32
      %dma_start3A_85 = tpu.memref_slice %arg11[%dma_start3A_83, %dma_start3A_84] : memref<10240x128xf32, #tpu.memory_space<vmem_shared>> -> memref<10240x128xf32, #tpu.memory_space<vmem_shared>>
      tpu.enqueue_indirect_dma source(%dma_start3A_79 : memref<128x128xf32, #tpu.memory_space<vmem>>) target(%dma_start3A_85 : memref<10240x128xf32, #tpu.memory_space<vmem_shared>>) offsets(%dma_start3A_82 : memref<128xi32, #tpu.memory_space<vmem>>) semaphore(%arg15 : memref<!tpu.dma_semaphore, #tpu.memory_space<semaphore_mem>>) {add = true}
      %dma_wait3A_86 = arith.constant 0 : i32
      %dma_wait3A_87 = arith.constant 0 : i32
      %dma_wait3A_88 = tpu.memref_slice %arg9[%dma_wait3A_86, %dma_wait3A_87] : memref<128x128xf32, #tpu.memory_space<vmem>> -> memref<128x128xf32, #tpu.memory_space<vmem>>
      %dma_wait3A_89 = arith.constant 0 : i32
      %dma_wait3A_90 = tpu.memref_slice %arg8[%add3A_54, %dma_wait3A_89] : memref<40x128xi32, #tpu.memory_space<vmem>> -> memref<1x128xi32, #tpu.memory_space<vmem>>
      %dma_wait3A_91 = tpu.memref_squeeze %dma_wait3A_90 : memref<1x128xi32, #tpu.memory_space<vmem>> -> memref<128xi32, #tpu.memory_space<vmem>>
      %dma_wait3A_92 = arith.constant 0 : i32
      %dma_wait3A_93 = arith.constant 0 : i32
      %dma_wait3A_94 = tpu.memref_slice %arg11[%dma_wait3A_92, %dma_wait3A_93] : memref<10240x128xf32, #tpu.memory_space<vmem_shared>> -> memref<10240x128xf32, #tpu.memory_space<vmem_shared>>
      tpu.wait_indirect_dma semaphore(%arg14 : memref<!tpu.dma_semaphore, #tpu.memory_space<semaphore_mem>>) src(%dma_wait3A_88 : memref<128x128xf32, #tpu.memory_space<vmem>>) dst(%dma_wait3A_94 : memref<10240x128xf32, #tpu.memory_space<vmem_shared>>)
      %dma_wait3A_95 = arith.constant 0 : i32
      %dma_wait3A_96 = arith.constant 0 : i32
      %dma_wait3A_97 = tpu.memref_slice %arg10[%dma_wait3A_95, %dma_wait3A_96] : memref<128x128xf32, #tpu.memory_space<vmem>> -> memref<128x128xf32, #tpu.memory_space<vmem>>
      %dma_wait3A_98 = arith.constant 0 : i32
      %dma_wait3A_99 = tpu.memref_slice %arg8[%add3A_76, %dma_wait3A_98] : memref<40x128xi32, #tpu.memory_space<vmem>> -> memref<1x128xi32, #tpu.memory_space<vmem>>
      %dma_wait3A_100 = tpu.memref_squeeze %dma_wait3A_99 : memref<1x128xi32, #tpu.memory_space<vmem>> -> memref<128xi32, #tpu.memory_space<vmem>>
      %dma_wait3A_101 = arith.constant 0 : i32
      %dma_wait3A_102 = arith.constant 0 : i32
      %dma_wait3A_103 = tpu.memref_slice %arg11[%dma_wait3A_101, %dma_wait3A_102] : memref<10240x128xf32, #tpu.memory_space<vmem_shared>> -> memref<10240x128xf32, #tpu.memory_space<vmem_shared>>
      tpu.wait_indirect_dma semaphore(%arg15 : memref<!tpu.dma_semaphore, #tpu.memory_space<semaphore_mem>>) src(%dma_wait3A_97 : memref<128x128xf32, #tpu.memory_space<vmem>>) dst(%dma_wait3A_103 : memref<10240x128xf32, #tpu.memory_space<vmem_shared>>)
    }
    %scan3A_9 = arith.constant 20 : i32
    %barrier3A_10 = arith.constant 0 : index
    tpu.barrier barrier_id(%barrier3A_10)
    %mul3A_11 = arith.constant 640 : i32
    %mul3A_12 = arith.muli %arg1, %mul3A_11 : i32
    %mul3A_13 = arith.constant 640 : i32
    %mul3A_14 = arith.muli %arg1, %mul3A_13 : i32
    "tpu.region"() ({
      %run_scoped3A = tpu.sem_alloc : memref<!tpu.dma_semaphore, #tpu.memory_space<semaphore_mem>>
      %dma_start3A = arith.constant 0 : i32
      %dma_start3A_15 = tpu.memref_slice %arg6[%arg0, %mul3A_14, %dma_start3A] : memref<2x10240x128xf32, #tpu.memory_space<hbm>> -> memref<1x640x128xf32, #tpu.memory_space<hbm>>
      %dma_start3A_16 = tpu.memref_squeeze %dma_start3A_15 : memref<1x640x128xf32, #tpu.memory_space<hbm>> -> memref<640x128xf32, #tpu.memory_space<hbm>>
      %dma_start3A_17 = arith.constant 0 : i32
      %dma_start3A_18 = tpu.memref_slice %arg11[%mul3A_12, %dma_start3A_17] : memref<10240x128xf32, #tpu.memory_space<vmem_shared>> -> memref<640x128xf32, #tpu.memory_space<vmem_shared>>
      tpu.enqueue_dma source(%dma_start3A_18 : memref<640x128xf32, #tpu.memory_space<vmem_shared>>) target(%dma_start3A_16 : memref<640x128xf32, #tpu.memory_space<hbm>>) target_semaphore(%run_scoped3A : memref<!tpu.dma_semaphore, #tpu.memory_space<semaphore_mem>>)
      %dma_wait3A = arith.constant 0 : i32
      %dma_wait3A_19 = tpu.memref_slice %arg6[%arg0, %mul3A_14, %dma_wait3A] : memref<2x10240x128xf32, #tpu.memory_space<hbm>> -> memref<1x640x128xf32, #tpu.memory_space<hbm>>
      %dma_wait3A_20 = tpu.memref_squeeze %dma_wait3A_19 : memref<1x640x128xf32, #tpu.memory_space<hbm>> -> memref<640x128xf32, #tpu.memory_space<hbm>>
      %dma_wait3A_21 = arith.constant 0 : i32
      %dma_wait3A_22 = tpu.memref_slice %arg11[%mul3A_12, %dma_wait3A_21] : memref<10240x128xf32, #tpu.memory_space<vmem_shared>> -> memref<640x128xf32, #tpu.memory_space<vmem_shared>>
      tpu.wait_dma2 semaphore(%run_scoped3A : memref<!tpu.dma_semaphore, #tpu.memory_space<semaphore_mem>>) src(%dma_wait3A_22 : memref<640x128xf32, #tpu.memory_space<vmem_shared>>) dst(%dma_wait3A_20 : memref<640x128xf32, #tpu.memory_space<hbm>>)
      tpu.yield
    }) : () -> ()
    return
  }
}

#map = affine_map<(d0, d1) -> (0, 0)>
#map1 = affine_map<(d0, d1) -> (0, 0, 0)>
module attributes {stable_mosaic.version = 14 : i64} {
  func.func @_sc_body(%arg0: i32, %arg1: i32, %arg2: memref<20000x128xf32, #tpu.memory_space<hbm>>, %arg3: memref<32x40x128xi32, #tpu.memory_space<hbm>>, %arg4: memref<32x40x128xi32, #tpu.memory_space<hbm>>, %arg5: memref<10240x128xf32, #tpu.memory_space<hbm>>, %arg6: memref<2x10240x128xf32, #tpu.memory_space<hbm>>, %arg7: memref<40x128xi32, #tpu.memory_space<vmem>>, %arg8: memref<40x128xi32, #tpu.memory_space<vmem>>, %arg9: memref<128x128xf32, #tpu.memory_space<vmem>>, %arg10: memref<128x128xf32, #tpu.memory_space<vmem>>, %arg11: memref<10240x128xf32, #tpu.memory_space<vmem_shared>>, %arg12: memref<!tpu.dma_semaphore, #tpu.memory_space<semaphore_mem>>, %arg13: memref<!tpu.dma_semaphore, #tpu.memory_space<semaphore_mem>>, %arg14: memref<!tpu.dma_semaphore, #tpu.memory_space<semaphore_mem>>, %arg15: memref<!tpu.dma_semaphore, #tpu.memory_space<semaphore_mem>>) attributes {dimension_semantics = [#tpu.dimension_semantics<core_parallel>, #tpu.dimension_semantics<subcore_parallel>], iteration_bounds = array<i64: 2, 16>, scalar_prefetch = 0 : i64, scratch_operands = 9 : i64, tpu.core_type = #tpu.core_type<sc_vector_subcore>, window_params = [{transform_indices = #map}, {transform_indices = #map1}, {transform_indices = #map1}, {transform_indices = #map}, {transform_indices = #map1}]} {
    %mul3A = arith.constant 16 : i32
    %mul3A_0 = arith.muli %arg0, %mul3A : i32
    %add3A = arith.addi %mul3A_0, %arg1 : i32
    "tpu.region"() ({
      %run_scoped3A = tpu.sem_alloc : memref<!tpu.dma_semaphore, #tpu.memory_space<semaphore_mem>>
      %dma_start3A = arith.constant 0 : i32
      %dma_start3A_15 = arith.constant 0 : i32
      %dma_start3A_16 = tpu.memref_slice %arg3[%add3A, %dma_start3A, %dma_start3A_15] : memref<32x40x128xi32, #tpu.memory_space<hbm>> -> memref<1x40x128xi32, #tpu.memory_space<hbm>>
      %dma_start3A_17 = tpu.memref_squeeze %dma_start3A_16 : memref<1x40x128xi32, #tpu.memory_space<hbm>> -> memref<40x128xi32, #tpu.memory_space<hbm>>
      %dma_start3A_18 = arith.constant 0 : i32
      %dma_start3A_19 = arith.constant 0 : i32
      %dma_start3A_20 = tpu.memref_slice %arg3[%add3A, %dma_start3A_18, %dma_start3A_19] : memref<32x40x128xi32, #tpu.memory_space<hbm>> -> memref<1x40x128xi32, #tpu.memory_space<hbm>>
      %dma_start3A_21 = tpu.memref_squeeze %dma_start3A_20 : memref<1x40x128xi32, #tpu.memory_space<hbm>> -> memref<40x128xi32, #tpu.memory_space<hbm>>
      tpu.enqueue_dma source(%dma_start3A_21 : memref<40x128xi32, #tpu.memory_space<hbm>>) target(%arg7 : memref<40x128xi32, #tpu.memory_space<vmem>>) target_semaphore(%run_scoped3A : memref<!tpu.dma_semaphore, #tpu.memory_space<semaphore_mem>>)
      %dma_wait3A = arith.constant 0 : i32
      %dma_wait3A_22 = arith.constant 0 : i32
      %dma_wait3A_23 = tpu.memref_slice %arg3[%add3A, %dma_wait3A, %dma_wait3A_22] : memref<32x40x128xi32, #tpu.memory_space<hbm>> -> memref<1x40x128xi32, #tpu.memory_space<hbm>>
      %dma_wait3A_24 = tpu.memref_squeeze %dma_wait3A_23 : memref<1x40x128xi32, #tpu.memory_space<hbm>> -> memref<40x128xi32, #tpu.memory_space<hbm>>
      %dma_wait3A_25 = arith.constant 0 : i32
      %dma_wait3A_26 = arith.constant 0 : i32
      %dma_wait3A_27 = tpu.memref_slice %arg3[%add3A, %dma_wait3A_25, %dma_wait3A_26] : memref<32x40x128xi32, #tpu.memory_space<hbm>> -> memref<1x40x128xi32, #tpu.memory_space<hbm>>
      %dma_wait3A_28 = tpu.memref_squeeze %dma_wait3A_27 : memref<1x40x128xi32, #tpu.memory_space<hbm>> -> memref<40x128xi32, #tpu.memory_space<hbm>>
      tpu.wait_dma2 semaphore(%run_scoped3A : memref<!tpu.dma_semaphore, #tpu.memory_space<semaphore_mem>>) src(%dma_wait3A_28 : memref<40x128xi32, #tpu.memory_space<hbm>>) dst(%arg7 : memref<40x128xi32, #tpu.memory_space<vmem>>)
      tpu.yield
    }) : () -> ()
    "tpu.region"() ({
      %run_scoped3A = tpu.sem_alloc : memref<!tpu.dma_semaphore, #tpu.memory_space<semaphore_mem>>
      %dma_start3A = arith.constant 0 : i32
      %dma_start3A_15 = arith.constant 0 : i32
      %dma_start3A_16 = tpu.memref_slice %arg4[%add3A, %dma_start3A, %dma_start3A_15] : memref<32x40x128xi32, #tpu.memory_space<hbm>> -> memref<1x40x128xi32, #tpu.memory_space<hbm>>
      %dma_start3A_17 = tpu.memref_squeeze %dma_start3A_16 : memref<1x40x128xi32, #tpu.memory_space<hbm>> -> memref<40x128xi32, #tpu.memory_space<hbm>>
      %dma_start3A_18 = arith.constant 0 : i32
      %dma_start3A_19 = arith.constant 0 : i32
      %dma_start3A_20 = tpu.memref_slice %arg4[%add3A, %dma_start3A_18, %dma_start3A_19] : memref<32x40x128xi32, #tpu.memory_space<hbm>> -> memref<1x40x128xi32, #tpu.memory_space<hbm>>
      %dma_start3A_21 = tpu.memref_squeeze %dma_start3A_20 : memref<1x40x128xi32, #tpu.memory_space<hbm>> -> memref<40x128xi32, #tpu.memory_space<hbm>>
      tpu.enqueue_dma source(%dma_start3A_21 : memref<40x128xi32, #tpu.memory_space<hbm>>) target(%arg8 : memref<40x128xi32, #tpu.memory_space<vmem>>) target_semaphore(%run_scoped3A : memref<!tpu.dma_semaphore, #tpu.memory_space<semaphore_mem>>)
      %dma_wait3A = arith.constant 0 : i32
      %dma_wait3A_22 = arith.constant 0 : i32
      %dma_wait3A_23 = tpu.memref_slice %arg4[%add3A, %dma_wait3A, %dma_wait3A_22] : memref<32x40x128xi32, #tpu.memory_space<hbm>> -> memref<1x40x128xi32, #tpu.memory_space<hbm>>
      %dma_wait3A_24 = tpu.memref_squeeze %dma_wait3A_23 : memref<1x40x128xi32, #tpu.memory_space<hbm>> -> memref<40x128xi32, #tpu.memory_space<hbm>>
      %dma_wait3A_25 = arith.constant 0 : i32
      %dma_wait3A_26 = arith.constant 0 : i32
      %dma_wait3A_27 = tpu.memref_slice %arg4[%add3A, %dma_wait3A_25, %dma_wait3A_26] : memref<32x40x128xi32, #tpu.memory_space<hbm>> -> memref<1x40x128xi32, #tpu.memory_space<hbm>>
      %dma_wait3A_28 = tpu.memref_squeeze %dma_wait3A_27 : memref<1x40x128xi32, #tpu.memory_space<hbm>> -> memref<40x128xi32, #tpu.memory_space<hbm>>
      tpu.wait_dma2 semaphore(%run_scoped3A : memref<!tpu.dma_semaphore, #tpu.memory_space<semaphore_mem>>) src(%dma_wait3A_28 : memref<40x128xi32, #tpu.memory_space<hbm>>) dst(%arg8 : memref<40x128xi32, #tpu.memory_space<vmem>>)
      tpu.yield
    }) : () -> ()
    %mul3A_1 = arith.constant 640 : i32
    %mul3A_2 = arith.muli %arg1, %mul3A_1 : i32
    %mul3A_3 = arith.constant 640 : i32
    %mul3A_4 = arith.muli %arg1, %mul3A_3 : i32
    "tpu.region"() ({
      %run_scoped3A = tpu.sem_alloc : memref<!tpu.dma_semaphore, #tpu.memory_space<semaphore_mem>>
      %dma_start3A = arith.constant 0 : i32
      %dma_start3A_15 = tpu.memref_slice %arg11[%mul3A_4, %dma_start3A] : memref<10240x128xf32, #tpu.memory_space<vmem_shared>> -> memref<640x128xf32, #tpu.memory_space<vmem_shared>>
      %dma_start3A_16 = arith.constant 0 : i32
      %dma_start3A_17 = tpu.memref_slice %arg5[%mul3A_2, %dma_start3A_16] : memref<10240x128xf32, #tpu.memory_space<hbm>> -> memref<640x128xf32, #tpu.memory_space<hbm>>
      tpu.enqueue_dma source(%dma_start3A_17 : memref<640x128xf32, #tpu.memory_space<hbm>>) target(%dma_start3A_15 : memref<640x128xf32, #tpu.memory_space<vmem_shared>>) target_semaphore(%run_scoped3A : memref<!tpu.dma_semaphore, #tpu.memory_space<semaphore_mem>>)
      %dma_wait3A = arith.constant 0 : i32
      %dma_wait3A_18 = tpu.memref_slice %arg11[%mul3A_4, %dma_wait3A] : memref<10240x128xf32, #tpu.memory_space<vmem_shared>> -> memref<640x128xf32, #tpu.memory_space<vmem_shared>>
      %dma_wait3A_19 = arith.constant 0 : i32
      %dma_wait3A_20 = tpu.memref_slice %arg5[%mul3A_2, %dma_wait3A_19] : memref<10240x128xf32, #tpu.memory_space<hbm>> -> memref<640x128xf32, #tpu.memory_space<hbm>>
      tpu.wait_dma2 semaphore(%run_scoped3A : memref<!tpu.dma_semaphore, #tpu.memory_space<semaphore_mem>>) src(%dma_wait3A_20 : memref<640x128xf32, #tpu.memory_space<hbm>>) dst(%dma_wait3A_18 : memref<640x128xf32, #tpu.memory_space<vmem_shared>>)
      tpu.yield
    }) : () -> ()
    %barrier3A = arith.constant 0 : index
    tpu.barrier barrier_id(%barrier3A)
    %scan3A = arith.constant 0 : i32
    %scan3A_5 = arith.constant 0 : i32
    %scan3A_6 = arith.constant 20 : i32
    %scan3A_7 = arith.addi %scan3A_5, %scan3A_6 : i32
    %scan3A_8 = arith.constant 1 : i32
    scf.for %scan3A_15 = %scan3A_5 to %scan3A_7 step %scan3A_8  : i32 {
      %mul3A_16 = arith.constant 2 : i32
      %mul3A_17 = arith.muli %scan3A_15, %mul3A_16 : i32
      %add3A_18 = arith.constant 0 : i32
      %add3A_19 = arith.addi %mul3A_17, %add3A_18 : i32
      %add3A_20 = arith.constant 0 : i32
      %add3A_21 = arith.addi %add3A_19, %add3A_20 : i32
      %dma_start3A = arith.constant 0 : i32
      %dma_start3A_22 = arith.constant 0 : i32
      %dma_start3A_23 = tpu.memref_slice %arg9[%dma_start3A, %dma_start3A_22] : memref<128x128xf32, #tpu.memory_space<vmem>> -> memref<128x128xf32, #tpu.memory_space<vmem>>
      %dma_start3A_24 = arith.constant 0 : i32
      %dma_start3A_25 = tpu.memref_slice %arg7[%add3A_21, %dma_start3A_24] : memref<40x128xi32, #tpu.memory_space<vmem>> -> memref<1x128xi32, #tpu.memory_space<vmem>>
      %dma_start3A_26 = tpu.memref_squeeze %dma_start3A_25 : memref<1x128xi32, #tpu.memory_space<vmem>> -> memref<128xi32, #tpu.memory_space<vmem>>
      %dma_start3A_27 = arith.constant 0 : i32
      %dma_start3A_28 = arith.constant 0 : i32
      %dma_start3A_29 = tpu.memref_slice %arg2[%dma_start3A_27, %dma_start3A_28] : memref<20000x128xf32, #tpu.memory_space<hbm>> -> memref<20000x128xf32, #tpu.memory_space<hbm>>
      tpu.enqueue_indirect_dma source(%dma_start3A_29 : memref<20000x128xf32, #tpu.memory_space<hbm>>) target(%dma_start3A_23 : memref<128x128xf32, #tpu.memory_space<vmem>>) offsets(%dma_start3A_26 : memref<128xi32, #tpu.memory_space<vmem>>) semaphore(%arg12 : memref<!tpu.dma_semaphore, #tpu.memory_space<semaphore_mem>>)
      %add3A_30 = arith.constant 1 : i32
      %add3A_31 = arith.addi %mul3A_17, %add3A_30 : i32
      %add3A_32 = arith.constant 0 : i32
      %add3A_33 = arith.addi %add3A_31, %add3A_32 : i32
      %dma_start3A_34 = arith.constant 0 : i32
      %dma_start3A_35 = arith.constant 0 : i32
      %dma_start3A_36 = tpu.memref_slice %arg10[%dma_start3A_34, %dma_start3A_35] : memref<128x128xf32, #tpu.memory_space<vmem>> -> memref<128x128xf32, #tpu.memory_space<vmem>>
      %dma_start3A_37 = arith.constant 0 : i32
      %dma_start3A_38 = tpu.memref_slice %arg7[%add3A_33, %dma_start3A_37] : memref<40x128xi32, #tpu.memory_space<vmem>> -> memref<1x128xi32, #tpu.memory_space<vmem>>
      %dma_start3A_39 = tpu.memref_squeeze %dma_start3A_38 : memref<1x128xi32, #tpu.memory_space<vmem>> -> memref<128xi32, #tpu.memory_space<vmem>>
      %dma_start3A_40 = arith.constant 0 : i32
      %dma_start3A_41 = arith.constant 0 : i32
      %dma_start3A_42 = tpu.memref_slice %arg2[%dma_start3A_40, %dma_start3A_41] : memref<20000x128xf32, #tpu.memory_space<hbm>> -> memref<20000x128xf32, #tpu.memory_space<hbm>>
      tpu.enqueue_indirect_dma source(%dma_start3A_42 : memref<20000x128xf32, #tpu.memory_space<hbm>>) target(%dma_start3A_36 : memref<128x128xf32, #tpu.memory_space<vmem>>) offsets(%dma_start3A_39 : memref<128xi32, #tpu.memory_space<vmem>>) semaphore(%arg13 : memref<!tpu.dma_semaphore, #tpu.memory_space<semaphore_mem>>)
      %dma_wait3A = arith.constant 0 : i32
      %dma_wait3A_43 = arith.constant 0 : i32
      %dma_wait3A_44 = tpu.memref_slice %arg9[%dma_wait3A, %dma_wait3A_43] : memref<128x128xf32, #tpu.memory_space<vmem>> -> memref<128x128xf32, #tpu.memory_space<vmem>>
      %dma_wait3A_45 = arith.constant 0 : i32
      %dma_wait3A_46 = tpu.memref_slice %arg7[%add3A_21, %dma_wait3A_45] : memref<40x128xi32, #tpu.memory_space<vmem>> -> memref<1x128xi32, #tpu.memory_space<vmem>>
      %dma_wait3A_47 = tpu.memref_squeeze %dma_wait3A_46 : memref<1x128xi32, #tpu.memory_space<vmem>> -> memref<128xi32, #tpu.memory_space<vmem>>
      %dma_wait3A_48 = arith.constant 0 : i32
      %dma_wait3A_49 = arith.constant 0 : i32
      %dma_wait3A_50 = tpu.memref_slice %arg2[%dma_wait3A_48, %dma_wait3A_49] : memref<20000x128xf32, #tpu.memory_space<hbm>> -> memref<20000x128xf32, #tpu.memory_space<hbm>>
      tpu.wait_indirect_dma semaphore(%arg12 : memref<!tpu.dma_semaphore, #tpu.memory_space<semaphore_mem>>) src(%dma_wait3A_50 : memref<20000x128xf32, #tpu.memory_space<hbm>>) dst(%dma_wait3A_44 : memref<128x128xf32, #tpu.memory_space<vmem>>)
      %add3A_51 = arith.constant 0 : i32
      %add3A_52 = arith.addi %mul3A_17, %add3A_51 : i32
      %add3A_53 = arith.constant 0 : i32
      %add3A_54 = arith.addi %add3A_52, %add3A_53 : i32
      %dma_start3A_55 = arith.constant 0 : i32
      %dma_start3A_56 = arith.constant 0 : i32
      %dma_start3A_57 = tpu.memref_slice %arg9[%dma_start3A_55, %dma_start3A_56] : memref<128x128xf32, #tpu.memory_space<vmem>> -> memref<128x128xf32, #tpu.memory_space<vmem>>
      %dma_start3A_58 = arith.constant 0 : i32
      %dma_start3A_59 = tpu.memref_slice %arg8[%add3A_54, %dma_start3A_58] : memref<40x128xi32, #tpu.memory_space<vmem>> -> memref<1x128xi32, #tpu.memory_space<vmem>>
      %dma_start3A_60 = tpu.memref_squeeze %dma_start3A_59 : memref<1x128xi32, #tpu.memory_space<vmem>> -> memref<128xi32, #tpu.memory_space<vmem>>
      %dma_start3A_61 = arith.constant 0 : i32
      %dma_start3A_62 = arith.constant 0 : i32
      %dma_start3A_63 = tpu.memref_slice %arg11[%dma_start3A_61, %dma_start3A_62] : memref<10240x128xf32, #tpu.memory_space<vmem_shared>> -> memref<10240x128xf32, #tpu.memory_space<vmem_shared>>
      tpu.enqueue_indirect_dma source(%dma_start3A_57 : memref<128x128xf32, #tpu.memory_space<vmem>>) target(%dma_start3A_63 : memref<10240x128xf32, #tpu.memory_space<vmem_shared>>) offsets(%dma_start3A_60 : memref<128xi32, #tpu.memory_space<vmem>>) semaphore(%arg14 : memref<!tpu.dma_semaphore, #tpu.memory_space<semaphore_mem>>) {add = true}
      %dma_wait3A_64 = arith.constant 0 : i32
      %dma_wait3A_65 = arith.constant 0 : i32
      %dma_wait3A_66 = tpu.memref_slice %arg10[%dma_wait3A_64, %dma_wait3A_65] : memref<128x128xf32, #tpu.memory_space<vmem>> -> memref<128x128xf32, #tpu.memory_space<vmem>>
      %dma_wait3A_67 = arith.constant 0 : i32
      %dma_wait3A_68 = tpu.memref_slice %arg7[%add3A_33, %dma_wait3A_67] : memref<40x128xi32, #tpu.memory_space<vmem>> -> memref<1x128xi32, #tpu.memory_space<vmem>>
      %dma_wait3A_69 = tpu.memref_squeeze %dma_wait3A_68 : memref<1x128xi32, #tpu.memory_space<vmem>> -> memref<128xi32, #tpu.memory_space<vmem>>
      %dma_wait3A_70 = arith.constant 0 : i32
      %dma_wait3A_71 = arith.constant 0 : i32
      %dma_wait3A_72 = tpu.memref_slice %arg2[%dma_wait3A_70, %dma_wait3A_71] : memref<20000x128xf32, #tpu.memory_space<hbm>> -> memref<20000x128xf32, #tpu.memory_space<hbm>>
      tpu.wait_indirect_dma semaphore(%arg13 : memref<!tpu.dma_semaphore, #tpu.memory_space<semaphore_mem>>) src(%dma_wait3A_72 : memref<20000x128xf32, #tpu.memory_space<hbm>>) dst(%dma_wait3A_66 : memref<128x128xf32, #tpu.memory_space<vmem>>)
      %add3A_73 = arith.constant 1 : i32
      %add3A_74 = arith.addi %mul3A_17, %add3A_73 : i32
      %add3A_75 = arith.constant 0 : i32
      %add3A_76 = arith.addi %add3A_74, %add3A_75 : i32
      %dma_start3A_77 = arith.constant 0 : i32
      %dma_start3A_78 = arith.constant 0 : i32
      %dma_start3A_79 = tpu.memref_slice %arg10[%dma_start3A_77, %dma_start3A_78] : memref<128x128xf32, #tpu.memory_space<vmem>> -> memref<128x128xf32, #tpu.memory_space<vmem>>
      %dma_start3A_80 = arith.constant 0 : i32
      %dma_start3A_81 = tpu.memref_slice %arg8[%add3A_76, %dma_start3A_80] : memref<40x128xi32, #tpu.memory_space<vmem>> -> memref<1x128xi32, #tpu.memory_space<vmem>>
      %dma_start3A_82 = tpu.memref_squeeze %dma_start3A_81 : memref<1x128xi32, #tpu.memory_space<vmem>> -> memref<128xi32, #tpu.memory_space<vmem>>
      %dma_start3A_83 = arith.constant 0 : i32
      %dma_start3A_84 = arith.constant 0 : i32
      %dma_start3A_85 = tpu.memref_slice %arg11[%dma_start3A_83, %dma_start3A_84] : memref<10240x128xf32, #tpu.memory_space<vmem_shared>> -> memref<10240x128xf32, #tpu.memory_space<vmem_shared>>
      tpu.enqueue_indirect_dma source(%dma_start3A_79 : memref<128x128xf32, #tpu.memory_space<vmem>>) target(%dma_start3A_85 : memref<10240x128xf32, #tpu.memory_space<vmem_shared>>) offsets(%dma_start3A_82 : memref<128xi32, #tpu.memory_space<vmem>>) semaphore(%arg15 : memref<!tpu.dma_semaphore, #tpu.memory_space<semaphore_mem>>) {add = true}
      %dma_wait3A_86 = arith.constant 0 : i32
      %dma_wait3A_87 = arith.constant 0 : i32
      %dma_wait3A_88 = tpu.memref_slice %arg9[%dma_wait3A_86, %dma_wait3A_87] : memref<128x128xf32, #tpu.memory_space<vmem>> -> memref<128x128xf32, #tpu.memory_space<vmem>>
      %dma_wait3A_89 = arith.constant 0 : i32
      %dma_wait3A_90 = tpu.memref_slice %arg8[%add3A_54, %dma_wait3A_89] : memref<40x128xi32, #tpu.memory_space<vmem>> -> memref<1x128xi32, #tpu.memory_space<vmem>>
      %dma_wait3A_91 = tpu.memref_squeeze %dma_wait3A_90 : memref<1x128xi32, #tpu.memory_space<vmem>> -> memref<128xi32, #tpu.memory_space<vmem>>
      %dma_wait3A_92 = arith.constant 0 : i32
      %dma_wait3A_93 = arith.constant 0 : i32
      %dma_wait3A_94 = tpu.memref_slice %arg11[%dma_wait3A_92, %dma_wait3A_93] : memref<10240x128xf32, #tpu.memory_space<vmem_shared>> -> memref<10240x128xf32, #tpu.memory_space<vmem_shared>>
      tpu.wait_indirect_dma semaphore(%arg14 : memref<!tpu.dma_semaphore, #tpu.memory_space<semaphore_mem>>) src(%dma_wait3A_88 : memref<128x128xf32, #tpu.memory_space<vmem>>) dst(%dma_wait3A_94 : memref<10240x128xf32, #tpu.memory_space<vmem_shared>>)
      %dma_wait3A_95 = arith.constant 0 : i32
      %dma_wait3A_96 = arith.constant 0 : i32
      %dma_wait3A_97 = tpu.memref_slice %arg10[%dma_wait3A_95, %dma_wait3A_96] : memref<128x128xf32, #tpu.memory_space<vmem>> -> memref<128x128xf32, #tpu.memory_space<vmem>>
      %dma_wait3A_98 = arith.constant 0 : i32
      %dma_wait3A_99 = tpu.memref_slice %arg8[%add3A_76, %dma_wait3A_98] : memref<40x128xi32, #tpu.memory_space<vmem>> -> memref<1x128xi32, #tpu.memory_space<vmem>>
      %dma_wait3A_100 = tpu.memref_squeeze %dma_wait3A_99 : memref<1x128xi32, #tpu.memory_space<vmem>> -> memref<128xi32, #tpu.memory_space<vmem>>
      %dma_wait3A_101 = arith.constant 0 : i32
      %dma_wait3A_102 = arith.constant 0 : i32
      %dma_wait3A_103 = tpu.memref_slice %arg11[%dma_wait3A_101, %dma_wait3A_102] : memref<10240x128xf32, #tpu.memory_space<vmem_shared>> -> memref<10240x128xf32, #tpu.memory_space<vmem_shared>>
      tpu.wait_indirect_dma semaphore(%arg15 : memref<!tpu.dma_semaphore, #tpu.memory_space<semaphore_mem>>) src(%dma_wait3A_97 : memref<128x128xf32, #tpu.memory_space<vmem>>) dst(%dma_wait3A_103 : memref<10240x128xf32, #tpu.memory_space<vmem_shared>>)
    }
    %scan3A_9 = arith.constant 20 : i32
    %barrier3A_10 = arith.constant 0 : index
    tpu.barrier barrier_id(%barrier3A_10)
    %mul3A_11 = arith.constant 640 : i32
    %mul3A_12 = arith.muli %arg1, %mul3A_11 : i32
    %mul3A_13 = arith.constant 640 : i32
    %mul3A_14 = arith.muli %arg1, %mul3A_13 : i32
    "tpu.region"() ({
      %run_scoped3A = tpu.sem_alloc : memref<!tpu.dma_semaphore, #tpu.memory_space<semaphore_mem>>
      %dma_start3A = arith.constant 0 : i32
      %dma_start3A_15 = tpu.memref_slice %arg6[%arg0, %mul3A_14, %dma_start3A] : memref<2x10240x128xf32, #tpu.memory_space<hbm>> -> memref<1x640x128xf32, #tpu.memory_space<hbm>>
      %dma_start3A_16 = tpu.memref_squeeze %dma_start3A_15 : memref<1x640x128xf32, #tpu.memory_space<hbm>> -> memref<640x128xf32, #tpu.memory_space<hbm>>
      %dma_start3A_17 = arith.constant 0 : i32
      %dma_start3A_18 = tpu.memref_slice %arg11[%mul3A_12, %dma_start3A_17] : memref<10240x128xf32, #tpu.memory_space<vmem_shared>> -> memref<640x128xf32, #tpu.memory_space<vmem_shared>>
      tpu.enqueue_dma source(%dma_start3A_18 : memref<640x128xf32, #tpu.memory_space<vmem_shared>>) target(%dma_start3A_16 : memref<640x128xf32, #tpu.memory_space<hbm>>) target_semaphore(%run_scoped3A : memref<!tpu.dma_semaphore, #tpu.memory_space<semaphore_mem>>)
      %dma_wait3A = arith.constant 0 : i32
      %dma_wait3A_19 = tpu.memref_slice %arg6[%arg0, %mul3A_14, %dma_wait3A] : memref<2x10240x128xf32, #tpu.memory_space<hbm>> -> memref<1x640x128xf32, #tpu.memory_space<hbm>>
      %dma_wait3A_20 = tpu.memref_squeeze %dma_wait3A_19 : memref<1x640x128xf32, #tpu.memory_space<hbm>> -> memref<640x128xf32, #tpu.memory_space<hbm>>
      %dma_wait3A_21 = arith.constant 0 : i32
      %dma_wait3A_22 = tpu.memref_slice %arg11[%mul3A_12, %dma_wait3A_21] : memref<10240x128xf32, #tpu.memory_space<vmem_shared>> -> memref<640x128xf32, #tpu.memory_space<vmem_shared>>
      tpu.wait_dma2 semaphore(%run_scoped3A : memref<!tpu.dma_semaphore, #tpu.memory_space<semaphore_mem>>) src(%dma_wait3A_22 : memref<640x128xf32, #tpu.memory_space<vmem_shared>>) dst(%dma_wait3A_20 : memref<640x128xf32, #tpu.memory_space<hbm>>)
      tpu.yield
    }) : () -> ()
    return
  }
}

module attributes {stable_mosaic.version = 14 : i64} {
  func.func @_msg_body(%arg0: i32, %arg1: memref<1000x128xf32, #tpu.memory_space<vmem>>, %arg2: memref<128x256xf32, #tpu.memory_space<vmem>>, %arg3: memref<1x256xf32, #tpu.memory_space<vmem>>, %arg4: memref<1000x256xf32, #tpu.memory_space<vmem>>) attributes {dimension_semantics = [#tpu.dimension_semantics<arbitrary>], iteration_bounds = array<i64: 10>, scalar_prefetch = 0 : i64, scratch_operands = 0 : i64, tpu.core_type = #tpu.core_type<tc>, window_params = [{transform_indices = @transform_0, window_bounds = array<i64: 1000, 128>}, {pipeline_mode = #tpu.pipeline_mode<synchronous>, transform_indices = @transform_1, window_bounds = array<i64: 128, 256>}, {pipeline_mode = #tpu.pipeline_mode<synchronous>, transform_indices = @transform_2, window_bounds = array<i64: 1, 256>}, {transform_indices = @transform_3, window_bounds = array<i64: 1000, 256>}]} {
    %get3A = arith.constant 0 : index
    %get3A_0 = arith.constant 0 : index
    %get3A_1 = vector.load %arg1[%get3A, %get3A_0] : memref<1000x128xf32, #tpu.memory_space<vmem>>, vector<1000x128xf32>
    %get3A_2 = arith.constant 0 : index
    %get3A_3 = arith.constant 0 : index
    %get3A_4 = vector.load %arg2[%get3A_2, %get3A_3] : memref<128x256xf32, #tpu.memory_space<vmem>>, vector<128x256xf32>
    %dot_general3A = arith.constant dense<0.000000e+00> : vector<1000x256xf32>
    %dot_general3A_5 = tpu.matmul %get3A_1, %get3A_4, %dot_general3A {dimension_numbers = #tpu.dot_dimension_numbers<[1], [0], [0], [1], [0, 0, 1, 1], [], []>, transpose_lhs_hint = false} : vector<1000x128xf32>, vector<128x256xf32>, vector<1000x256xf32> -> vector<1000x256xf32>
    %get3A_6 = arith.constant 0 : index
    %get3A_7 = arith.constant 0 : index
    %get3A_8 = vector.load %arg3[%get3A_6, %get3A_7] : memref<1x256xf32, #tpu.memory_space<vmem>>, vector<1x256xf32>
    %add3A = vector.broadcast %get3A_8 : vector<1x256xf32> to vector<1000x256xf32>
    %add3A_9 = arith.addf %dot_general3A_5, %add3A : vector<1000x256xf32>
    %swap3A = arith.constant 0 : index
    %swap3A_10 = arith.constant 0 : index
    %swap3A_11 = vector.load %arg4[%swap3A, %swap3A_10] : memref<1000x256xf32, #tpu.memory_space<vmem>>, vector<1000x256xf32>
    tpu.vector_store %arg4[%swap3A, %swap3A_10], %add3A_9 {strides = array<i32>} : memref<1000x256xf32, #tpu.memory_space<vmem>>, vector<1000x256xf32>,
    return
  }
  func.func @transform_0(%arg0: i32) -> (i32, i32) {
    %c0_i32 = arith.constant 0 : i32
    %c0_i32_0 = arith.constant 0 : i32
    return %arg0, %c0_i32 : i32, i32
  }
  func.func @transform_1(%arg0: i32) -> (i32, i32) {
    %c0_i32 = arith.constant 0 : i32
    %c0_i32_0 = arith.constant 0 : i32
    %c0_i32_1 = arith.constant 0 : i32
    return %c0_i32, %c0_i32_0 : i32, i32
  }
  func.func @transform_2(%arg0: i32) -> (i32, i32) {
    %c0_i32 = arith.constant 0 : i32
    %c0_i32_0 = arith.constant 0 : i32
    %c0_i32_1 = arith.constant 0 : i32
    return %c0_i32, %c0_i32_0 : i32, i32
  }
  func.func @transform_3(%arg0: i32) -> (i32, i32) {
    %c0_i32 = arith.constant 0 : i32
    %c0_i32_0 = arith.constant 0 : i32
    return %arg0, %c0_i32 : i32, i32
  }
}

module attributes {stable_mosaic.version = 14 : i64} {
  func.func @_gru_body(%arg0: i32, %arg1: memref<1x1000x128xf32, #tpu.memory_space<vmem>>, %arg2: memref<1x1000x128xf32, #tpu.memory_space<vmem>>, %arg3: memref<1000x128xf32, #tpu.memory_space<vmem>>, %arg4: memref<128x384xf32, #tpu.memory_space<vmem>>, %arg5: memref<128x384xf32, #tpu.memory_space<vmem>>, %arg6: memref<1x384xf32, #tpu.memory_space<vmem>>, %arg7: memref<1x384xf32, #tpu.memory_space<vmem>>, %arg8: memref<1000x128xf32, #tpu.memory_space<vmem>>) attributes {dimension_semantics = [#tpu.dimension_semantics<arbitrary>], iteration_bounds = array<i64: 10>, scalar_prefetch = 0 : i64, scratch_operands = 0 : i64, tpu.core_type = #tpu.core_type<tc>, window_params = [{transform_indices = @transform_0, window_bounds = array<i64: 1, 1000, 128>}, {transform_indices = @transform_1, window_bounds = array<i64: 1, 1000, 128>}, {transform_indices = @transform_2, window_bounds = array<i64: 1000, 128>}, {pipeline_mode = #tpu.pipeline_mode<synchronous>, transform_indices = @transform_3, window_bounds = array<i64: 128, 384>}, {pipeline_mode = #tpu.pipeline_mode<synchronous>, transform_indices = @transform_4, window_bounds = array<i64: 128, 384>}, {pipeline_mode = #tpu.pipeline_mode<synchronous>, transform_indices = @transform_5, window_bounds = array<i64: 1, 384>}, {pipeline_mode = #tpu.pipeline_mode<synchronous>, transform_indices = @transform_6, window_bounds = array<i64: 1, 384>}, {transform_indices = @transform_7, window_bounds = array<i64: 1000, 128>}]} {
    %get3A = arith.constant 0 : index
    %get3A_0 = arith.constant 0 : index
    %get3A_1 = arith.constant 0 : index
    %get3A_2 = vector.load %arg1[%get3A, %get3A_0, %get3A_1] : memref<1x1000x128xf32, #tpu.memory_space<vmem>>, vector<1x1000x128xf32>
    %get3A_3 = vector.shape_cast %get3A_2 : vector<1x1000x128xf32> to vector<1000x128xf32>
    %get3A_4 = arith.constant 0 : index
    %get3A_5 = arith.constant 0 : index
    %get3A_6 = arith.constant 0 : index
    %get3A_7 = vector.load %arg2[%get3A_4, %get3A_5, %get3A_6] : memref<1x1000x128xf32, #tpu.memory_space<vmem>>, vector<1x1000x128xf32>
    %get3A_8 = vector.shape_cast %get3A_7 : vector<1x1000x128xf32> to vector<1000x128xf32>
    %add3A = arith.addf %get3A_3, %get3A_8 : vector<1000x128xf32>
    %get3A_9 = arith.constant 0 : index
    %get3A_10 = arith.constant 0 : index
    %get3A_11 = vector.load %arg3[%get3A_9, %get3A_10] : memref<1000x128xf32, #tpu.memory_space<vmem>>, vector<1000x128xf32>
    %get3A_12 = arith.constant 0 : index
    %get3A_13 = arith.constant 0 : index
    %get3A_14 = vector.load %arg5[%get3A_12, %get3A_13] : memref<128x384xf32, #tpu.memory_space<vmem>>, vector<128x384xf32>
    %dot_general3A = arith.constant dense<0.000000e+00> : vector<1000x384xf32>
    %dot_general3A_15 = tpu.matmul %get3A_11, %get3A_14, %dot_general3A {dimension_numbers = #tpu.dot_dimension_numbers<[1], [0], [0], [1], [0, 0, 1, 1], [], []>, transpose_lhs_hint = false} : vector<1000x128xf32>, vector<128x384xf32>, vector<1000x384xf32> -> vector<1000x384xf32>
    %get3A_16 = arith.constant 0 : index
    %get3A_17 = arith.constant 0 : index
    %get3A_18 = vector.load %arg4[%get3A_16, %get3A_17] : memref<128x384xf32, #tpu.memory_space<vmem>>, vector<128x384xf32>
    %dot_general3A_19 = arith.constant dense<0.000000e+00> : vector<1000x384xf32>
    %dot_general3A_20 = tpu.matmul %add3A, %get3A_18, %dot_general3A_19 {dimension_numbers = #tpu.dot_dimension_numbers<[1], [0], [0], [1], [0, 0, 1, 1], [], []>, transpose_lhs_hint = false} : vector<1000x128xf32>, vector<128x384xf32>, vector<1000x384xf32> -> vector<1000x384xf32>
    %get3A_21 = arith.constant 0 : index
    %get3A_22 = arith.constant 0 : index
    %get3A_23 = vector.load %arg6[%get3A_21, %get3A_22] : memref<1x384xf32, #tpu.memory_space<vmem>>, vector<1x384xf32>
    %add3A_24 = vector.broadcast %get3A_23 : vector<1x384xf32> to vector<1000x384xf32>
    %add3A_25 = arith.addf %dot_general3A_20, %add3A_24 : vector<1000x384xf32>
    %get3A_26 = arith.constant 0 : index
    %get3A_27 = arith.constant 0 : index
    %get3A_28 = vector.load %arg7[%get3A_26, %get3A_27] : memref<1x384xf32, #tpu.memory_space<vmem>>, vector<1x384xf32>
    %add3A_29 = vector.broadcast %get3A_28 : vector<1x384xf32> to vector<1000x384xf32>
    %add3A_30 = arith.addf %dot_general3A_15, %add3A_29 : vector<1000x384xf32>
    %slice3A = vector.extract_strided_slice %add3A_25 {offsets = [0, 0], sizes = [1000, 128], strides = [1, 1]} : vector<1000x384xf32> to vector<1000x128xf32>
    %slice3A_31 = vector.extract_strided_slice %add3A_30 {offsets = [0, 0], sizes = [1000, 128], strides = [1, 1]} : vector<1000x384xf32> to vector<1000x128xf32>
    %add3A_32 = arith.addf %slice3A, %slice3A_31 : vector<1000x128xf32>
    %logistic3A = arith.negf %add3A_32 : vector<1000x128xf32>
    %logistic3A_33 = math.exp %logistic3A : vector<1000x128xf32>
    %logistic3A_34 = arith.constant 1.000000e+00 : f32
    %logistic3A_35 = vector.broadcast %logistic3A_34 : f32 to vector<1000x128xf32>
    %logistic3A_36 = arith.addf %logistic3A_35, %logistic3A_33 : vector<1000x128xf32>
    %logistic3A_37 = arith.divf %logistic3A_35, %logistic3A_36 : vector<1000x128xf32>
    %slice3A_38 = vector.extract_strided_slice %add3A_25 {offsets = [0, 128], sizes = [1000, 128], strides = [1, 1]} : vector<1000x384xf32> to vector<1000x128xf32>
    %slice3A_39 = vector.extract_strided_slice %add3A_30 {offsets = [0, 128], sizes = [1000, 128], strides = [1, 1]} : vector<1000x384xf32> to vector<1000x128xf32>
    %add3A_40 = arith.addf %slice3A_38, %slice3A_39 : vector<1000x128xf32>
    %logistic3A_41 = arith.negf %add3A_40 : vector<1000x128xf32>
    %logistic3A_42 = math.exp %logistic3A_41 : vector<1000x128xf32>
    %logistic3A_43 = arith.constant 1.000000e+00 : f32
    %logistic3A_44 = vector.broadcast %logistic3A_43 : f32 to vector<1000x128xf32>
    %logistic3A_45 = arith.addf %logistic3A_44, %logistic3A_42 : vector<1000x128xf32>
    %logistic3A_46 = arith.divf %logistic3A_44, %logistic3A_45 : vector<1000x128xf32>
    %slice3A_47 = vector.extract_strided_slice %add3A_25 {offsets = [0, 256], sizes = [1000, 128], strides = [1, 1]} : vector<1000x384xf32> to vector<1000x128xf32>
    %slice3A_48 = vector.extract_strided_slice %add3A_30 {offsets = [0, 256], sizes = [1000, 128], strides = [1, 1]} : vector<1000x384xf32> to vector<1000x128xf32>
    %mul3A = arith.mulf %logistic3A_37, %slice3A_48 : vector<1000x128xf32>
    %add3A_49 = arith.addf %slice3A_47, %mul3A : vector<1000x128xf32>
    %tanh3A = math.tanh %add3A_49 : vector<1000x128xf32>
    %sub3A = arith.constant 1.000000e+00 : f32
    %sub3A_50 = vector.broadcast %sub3A : f32 to vector<1000x128xf32>
    %sub3A_51 = arith.subf %sub3A_50, %logistic3A_46 : vector<1000x128xf32>
    %mul3A_52 = arith.mulf %sub3A_51, %tanh3A : vector<1000x128xf32>
    %mul3A_53 = arith.mulf %logistic3A_46, %get3A_11 : vector<1000x128xf32>
    %add3A_54 = arith.addf %mul3A_52, %mul3A_53 : vector<1000x128xf32>
    %swap3A = arith.constant 0 : index
    %swap3A_55 = arith.constant 0 : index
    %swap3A_56 = vector.load %arg8[%swap3A, %swap3A_55] : memref<1000x128xf32, #tpu.memory_space<vmem>>, vector<1000x128xf32>
    tpu.vector_store %arg8[%swap3A, %swap3A_55], %add3A_54 {strides = array<i32>} : memref<1000x128xf32, #tpu.memory_space<vmem>>, vector<1000x128xf32>,
    return
  }
  func.func @transform_0(%arg0: i32) -> (i32, i32, i32) {
    %c0_i32 = arith.constant 0 : i32
    %c0_i32_0 = arith.constant 0 : i32
    %c0_i32_1 = arith.constant 0 : i32
    return %c0_i32, %arg0, %c0_i32_0 : i32, i32, i32
  }
  func.func @transform_1(%arg0: i32) -> (i32, i32, i32) {
    %c1_i32 = arith.constant 1 : i32
    %c0_i32 = arith.constant 0 : i32
    %c0_i32_0 = arith.constant 0 : i32
    return %c1_i32, %arg0, %c0_i32 : i32, i32, i32
  }
  func.func @transform_2(%arg0: i32) -> (i32, i32) {
    %c0_i32 = arith.constant 0 : i32
    %c0_i32_0 = arith.constant 0 : i32
    return %arg0, %c0_i32 : i32, i32
  }
  func.func @transform_3(%arg0: i32) -> (i32, i32) {
    %c0_i32 = arith.constant 0 : i32
    %c0_i32_0 = arith.constant 0 : i32
    %c0_i32_1 = arith.constant 0 : i32
    return %c0_i32, %c0_i32_0 : i32, i32
  }
  func.func @transform_4(%arg0: i32) -> (i32, i32) {
    %c0_i32 = arith.constant 0 : i32
    %c0_i32_0 = arith.constant 0 : i32
    %c0_i32_1 = arith.constant 0 : i32
    return %c0_i32, %c0_i32_0 : i32, i32
  }
  func.func @transform_5(%arg0: i32) -> (i32, i32) {
    %c0_i32 = arith.constant 0 : i32
    %c0_i32_0 = arith.constant 0 : i32
    %c0_i32_1 = arith.constant 0 : i32
    return %c0_i32, %c0_i32_0 : i32, i32
  }
  func.func @transform_6(%arg0: i32) -> (i32, i32) {
    %c0_i32 = arith.constant 0 : i32
    %c0_i32_0 = arith.constant 0 : i32
    %c0_i32_1 = arith.constant 0 : i32
    return %c0_i32, %c0_i32_0 : i32, i32
  }
  func.func @transform_7(%arg0: i32) -> (i32, i32) {
    %c0_i32 = arith.constant 0 : i32
    %c0_i32_0 = arith.constant 0 : i32
    return %arg0, %c0_i32 : i32, i32
  }
}

module attributes {stable_mosaic.version = 14 : i64} {
  func.func @_gmax_body(%arg0: i32, %arg1: memref<1000x128xf32, #tpu.memory_space<vmem>>, %arg2: memref<1000x64xf32, #tpu.memory_space<vmem>>, %arg3: memref<1000x64xf32, #tpu.memory_space<vmem>>, %arg4: memref<128x1xf32, #tpu.memory_space<vmem>>, %arg5: memref<64x1xf32, #tpu.memory_space<vmem>>, %arg6: memref<1x64xf32, #tpu.memory_space<vmem>>, %arg7: memref<1x64xf32, #tpu.memory_space<vmem>>) attributes {dimension_semantics = [#tpu.dimension_semantics<arbitrary>], iteration_bounds = array<i64: 10>, scalar_prefetch = 0 : i64, scratch_operands = 1 : i64, tpu.core_type = #tpu.core_type<tc>, window_params = [{transform_indices = @transform_0, window_bounds = array<i64: 1000, 128>}, {transform_indices = @transform_1, window_bounds = array<i64: 1000, 64>}, {transform_indices = @transform_2, window_bounds = array<i64: 1000, 64>}, {pipeline_mode = #tpu.pipeline_mode<synchronous>, transform_indices = @transform_3, window_bounds = array<i64: 128, 1>}, {pipeline_mode = #tpu.pipeline_mode<synchronous>, transform_indices = @transform_4, window_bounds = array<i64: 64, 1>}, {pipeline_mode = #tpu.pipeline_mode<synchronous>, transform_indices = @transform_5, window_bounds = array<i64: 1, 64>}]} {
    %get3A = arith.constant 0 : index
    %get3A_0 = arith.constant 0 : index
    %get3A_1 = vector.load %arg1[%get3A, %get3A_0] : memref<1000x128xf32, #tpu.memory_space<vmem>>, vector<1000x128xf32>
    %get3A_2 = arith.constant 0 : index
    %get3A_3 = arith.constant 0 : index
    %get3A_4 = vector.load %arg4[%get3A_2, %get3A_3] : memref<128x1xf32, #tpu.memory_space<vmem>>, vector<128x1xf32>
    %dot_general3A = arith.constant dense<0.000000e+00> : vector<1000x1xf32>
    %dot_general3A_5 = tpu.matmul %get3A_1, %get3A_4, %dot_general3A {dimension_numbers = #tpu.dot_dimension_numbers<[1], [0], [0], [1], [0, 0, 1, 1], [], []>, transpose_lhs_hint = false} : vector<1000x128xf32>, vector<128x1xf32>, vector<1000x1xf32> -> vector<1000x1xf32>
    %get3A_6 = arith.constant 0 : index
    %get3A_7 = arith.constant 0 : index
    %get3A_8 = vector.load %arg2[%get3A_6, %get3A_7] : memref<1000x64xf32, #tpu.memory_space<vmem>>, vector<1000x64xf32>
    %get3A_9 = arith.constant 0 : index
    %get3A_10 = arith.constant 0 : index
    %get3A_11 = vector.load %arg5[%get3A_9, %get3A_10] : memref<64x1xf32, #tpu.memory_space<vmem>>, vector<64x1xf32>
    %dot_general3A_12 = arith.constant dense<0.000000e+00> : vector<1000x1xf32>
    %dot_general3A_13 = tpu.matmul %get3A_8, %get3A_11, %dot_general3A_12 {dimension_numbers = #tpu.dot_dimension_numbers<[1], [0], [0], [1], [0, 0, 1, 1], [], []>, transpose_lhs_hint = false} : vector<1000x64xf32>, vector<64x1xf32>, vector<1000x1xf32> -> vector<1000x1xf32>
    %add3A = arith.addf %dot_general3A_5, %dot_general3A_13 : vector<1000x1xf32>
    %get3A_14 = arith.constant 0 : index
    %get3A_15 = arith.constant 0 : index
    %get3A_16 = vector.load %arg3[%get3A_14, %get3A_15] : memref<1000x64xf32, #tpu.memory_space<vmem>>, vector<1000x64xf32>
    %gt3A = arith.constant 0.000000e+00 : f32
    %gt3A_17 = vector.broadcast %gt3A : f32 to vector<1000x64xf32>
    %gt3A_18 = arith.cmpf ogt, %get3A_16, %gt3A_17 : vector<1000x64xf32>
    %jit3A = arith.constant -1.000000e+30 : f32
    %broadcast_in_dim3A = vector.shape_cast %add3A : vector<1000x1xf32> to vector<1000x1xf32>
    %broadcast_in_dim3A_19 = vector.broadcast %broadcast_in_dim3A : vector<1000x1xf32> to vector<1000x64xf32>
    %broadcast_in_dim3A_20 = vector.broadcast %jit3A : f32 to vector<1000x64xf32>
    %select_n3A = arith.select %gt3A_18, %broadcast_in_dim3A_19, %broadcast_in_dim3A_20 : vector<1000x64xi1>, vector<1000x64xf32>
    %reduce_max3A = arith.constant dense<0xFF800000> : vector<64xf32>
    %reduce_max3A_21 = vector.multi_reduction <maximumf>, %select_n3A, %reduce_max3A [0] : vector<1000x64xf32> to vector<64xf32>
    %broadcast_in_dim3A_22 = vector.shape_cast %reduce_max3A_21 : vector<64xf32> to vector<1x64xf32>
    %eq3A = arith.constant 0 : i32
    %eq3A_23 = arith.cmpi eq, %arg0, %eq3A : i32
    %convert_element_type3A = arith.extui %eq3A_23 : i1 to i32
    %cond3A = arith.constant 0 : i32
    %cond3A_24 = arith.cmpi ne, %convert_element_type3A, %cond3A : i32
    scf.if %cond3A_24 {
      %broadcast_in_dim3A_35 = arith.constant -1.000000e+30 : f32
      %broadcast_in_dim3A_36 = vector.broadcast %broadcast_in_dim3A_35 : f32 to vector<1x64xf32>
      %swap3A_37 = arith.constant 0 : index
      %swap3A_38 = arith.constant 0 : index
      %swap3A_39 = vector.load %arg7[%swap3A_37, %swap3A_38] : memref<1x64xf32, #tpu.memory_space<vmem>>, vector<1x64xf32>
      tpu.vector_store %arg7[%swap3A_37, %swap3A_38], %broadcast_in_dim3A_36 {strides = array<i32>} : memref<1x64xf32, #tpu.memory_space<vmem>>, vector<1x64xf32>,
    } else {
    }
    %get3A_25 = arith.constant 0 : index
    %get3A_26 = arith.constant 0 : index
    %get3A_27 = vector.load %arg7[%get3A_25, %get3A_26] : memref<1x64xf32, #tpu.memory_space<vmem>>, vector<1x64xf32>
    %max3A = arith.maximumf %get3A_27, %broadcast_in_dim3A_22 : vector<1x64xf32>
    %swap3A = arith.constant 0 : index
    %swap3A_28 = arith.constant 0 : index
    %swap3A_29 = vector.load %arg7[%swap3A, %swap3A_28] : memref<1x64xf32, #tpu.memory_space<vmem>>, vector<1x64xf32>
    tpu.vector_store %arg7[%swap3A, %swap3A_28], %max3A {strides = array<i32>} : memref<1x64xf32, #tpu.memory_space<vmem>>, vector<1x64xf32>,
    %eq3A_30 = arith.constant 9 : i32
    %eq3A_31 = arith.cmpi eq, %arg0, %eq3A_30 : i32
    %convert_element_type3A_32 = arith.extui %eq3A_31 : i1 to i32
    %cond3A_33 = arith.constant 0 : i32
    %cond3A_34 = arith.cmpi ne, %convert_element_type3A_32, %cond3A_33 : i32
    scf.if %cond3A_34 {
      %get3A_35 = arith.constant 0 : index
      %get3A_36 = arith.constant 0 : index
      %get3A_37 = vector.load %arg7[%get3A_35, %get3A_36] : memref<1x64xf32, #tpu.memory_space<vmem>>, vector<1x64xf32>
      %swap3A_38 = arith.constant 0 : index
      %swap3A_39 = arith.constant 0 : index
      %swap3A_40 = vector.load %arg6[%swap3A_38, %swap3A_39] : memref<1x64xf32, #tpu.memory_space<vmem>>, vector<1x64xf32>
      tpu.vector_store %arg6[%swap3A_38, %swap3A_39], %get3A_37 {strides = array<i32>} : memref<1x64xf32, #tpu.memory_space<vmem>>, vector<1x64xf32>,
    } else {
    }
    return
  }
  func.func @transform_0(%arg0: i32) -> (i32, i32) {
    %c0_i32 = arith.constant 0 : i32
    %c0_i32_0 = arith.constant 0 : i32
    return %arg0, %c0_i32 : i32, i32
  }
  func.func @transform_1(%arg0: i32) -> (i32, i32) {
    %c0_i32 = arith.constant 0 : i32
    %c0_i32_0 = arith.constant 0 : i32
    return %arg0, %c0_i32 : i32, i32
  }
  func.func @transform_2(%arg0: i32) -> (i32, i32) {
    %c0_i32 = arith.constant 0 : i32
    %c0_i32_0 = arith.constant 0 : i32
    return %arg0, %c0_i32 : i32, i32
  }
  func.func @transform_3(%arg0: i32) -> (i32, i32) {
    %c0_i32 = arith.constant 0 : i32
    %c0_i32_0 = arith.constant 0 : i32
    %c0_i32_1 = arith.constant 0 : i32
    return %c0_i32, %c0_i32_0 : i32, i32
  }
  func.func @transform_4(%arg0: i32) -> (i32, i32) {
    %c0_i32 = arith.constant 0 : i32
    %c0_i32_0 = arith.constant 0 : i32
    %c0_i32_1 = arith.constant 0 : i32
    return %c0_i32, %c0_i32_0 : i32, i32
  }
  func.func @transform_5(%arg0: i32) -> (i32, i32) {
    %c0_i32 = arith.constant 0 : i32
    %c0_i32_0 = arith.constant 0 : i32
    %c0_i32_1 = arith.constant 0 : i32
    return %c0_i32, %c0_i32_0 : i32, i32
  }
}

module attributes {stable_mosaic.version = 14 : i64} {
  func.func @_pool_body(%arg0: i32, %arg1: memref<1000x128xf32, #tpu.memory_space<vmem>>, %arg2: memref<1000x64xf32, #tpu.memory_space<vmem>>, %arg3: memref<1000x64xf32, #tpu.memory_space<vmem>>, %arg4: memref<1x64xf32, #tpu.memory_space<vmem>>, %arg5: memref<128x1xf32, #tpu.memory_space<vmem>>, %arg6: memref<64x1xf32, #tpu.memory_space<vmem>>, %arg7: memref<128x64xf32, #tpu.memory_space<vmem>>, %arg8: memref<64x64xf32, #tpu.memory_space<vmem>>, %arg9: memref<1x64xf32, #tpu.memory_space<vmem>>, %arg10: memref<128x10xf32, #tpu.memory_space<vmem>>, %arg11: memref<64x10xf32, #tpu.memory_space<vmem>>, %arg12: memref<1x10xf32, #tpu.memory_space<vmem>>, %arg13: memref<1000x64xf32, #tpu.memory_space<vmem>>, %arg14: memref<64x10xf32, #tpu.memory_space<vmem>>, %arg15: memref<64x128xf32, #tpu.memory_space<vmem>>, %arg16: memref<64x64xf32, #tpu.memory_space<vmem>>, %arg17: memref<64x128xf32, #tpu.memory_space<vmem>>, %arg18: memref<64x64xf32, #tpu.memory_space<vmem>>) attributes {dimension_semantics = [#tpu.dimension_semantics<arbitrary>], iteration_bounds = array<i64: 10>, scalar_prefetch = 0 : i64, scratch_operands = 4 : i64, tpu.core_type = #tpu.core_type<tc>, window_params = [{transform_indices = @transform_0, window_bounds = array<i64: 1000, 128>}, {transform_indices = @transform_1, window_bounds = array<i64: 1000, 64>}, {transform_indices = @transform_2, window_bounds = array<i64: 1000, 64>}, {pipeline_mode = #tpu.pipeline_mode<synchronous>, transform_indices = @transform_3, window_bounds = array<i64: 1, 64>}, {pipeline_mode = #tpu.pipeline_mode<synchronous>, transform_indices = @transform_4, window_bounds = array<i64: 128, 1>}, {pipeline_mode = #tpu.pipeline_mode<synchronous>, transform_indices = @transform_5, window_bounds = array<i64: 64, 1>}, {pipeline_mode = #tpu.pipeline_mode<synchronous>, transform_indices = @transform_6, window_bounds = array<i64: 128, 64>}, {pipeline_mode = #tpu.pipeline_mode<synchronous>, transform_indices = @transform_7, window_bounds = array<i64: 64, 64>}, {pipeline_mode = #tpu.pipeline_mode<synchronous>, transform_indices = @transform_8, window_bounds = array<i64: 1, 64>}, {pipeline_mode = #tpu.pipeline_mode<synchronous>, transform_indices = @transform_9, window_bounds = array<i64: 128, 10>}, {pipeline_mode = #tpu.pipeline_mode<synchronous>, transform_indices = @transform_10, window_bounds = array<i64: 64, 10>}, {pipeline_mode = #tpu.pipeline_mode<synchronous>, transform_indices = @transform_11, window_bounds = array<i64: 1, 10>}, {transform_indices = @transform_12, window_bounds = array<i64: 1000, 64>}, {pipeline_mode = #tpu.pipeline_mode<synchronous>, transform_indices = @transform_13, window_bounds = array<i64: 64, 10>}]} {
    %get3A = arith.constant 0 : index
    %get3A_0 = arith.constant 0 : index
    %get3A_1 = vector.load %arg1[%get3A, %get3A_0] : memref<1000x128xf32, #tpu.memory_space<vmem>>, vector<1000x128xf32>
    %get3A_2 = arith.constant 0 : index
    %get3A_3 = arith.constant 0 : index
    %get3A_4 = vector.load %arg2[%get3A_2, %get3A_3] : memref<1000x64xf32, #tpu.memory_space<vmem>>, vector<1000x64xf32>
    %get3A_5 = arith.constant 0 : index
    %get3A_6 = arith.constant 0 : index
    %get3A_7 = vector.load %arg3[%get3A_5, %get3A_6] : memref<1000x64xf32, #tpu.memory_space<vmem>>, vector<1000x64xf32>
    %get3A_8 = arith.constant 0 : index
    %get3A_9 = arith.constant 0 : index
    %get3A_10 = vector.load %arg5[%get3A_8, %get3A_9] : memref<128x1xf32, #tpu.memory_space<vmem>>, vector<128x1xf32>
    %dot_general3A = arith.constant dense<0.000000e+00> : vector<1000x1xf32>
    %dot_general3A_11 = tpu.matmul %get3A_1, %get3A_10, %dot_general3A {dimension_numbers = #tpu.dot_dimension_numbers<[1], [0], [0], [1], [0, 0, 1, 1], [], []>, transpose_lhs_hint = false} : vector<1000x128xf32>, vector<128x1xf32>, vector<1000x1xf32> -> vector<1000x1xf32>
    %get3A_12 = arith.constant 0 : index
    %get3A_13 = arith.constant 0 : index
    %get3A_14 = vector.load %arg6[%get3A_12, %get3A_13] : memref<64x1xf32, #tpu.memory_space<vmem>>, vector<64x1xf32>
    %dot_general3A_15 = arith.constant dense<0.000000e+00> : vector<1000x1xf32>
    %dot_general3A_16 = tpu.matmul %get3A_4, %get3A_14, %dot_general3A_15 {dimension_numbers = #tpu.dot_dimension_numbers<[1], [0], [0], [1], [0, 0, 1, 1], [], []>, transpose_lhs_hint = false} : vector<1000x64xf32>, vector<64x1xf32>, vector<1000x1xf32> -> vector<1000x1xf32>
    %add3A = arith.addf %dot_general3A_11, %dot_general3A_16 : vector<1000x1xf32>
    %get3A_17 = arith.constant 0 : index
    %get3A_18 = arith.constant 0 : index
    %get3A_19 = vector.load %arg4[%get3A_17, %get3A_18] : memref<1x64xf32, #tpu.memory_space<vmem>>, vector<1x64xf32>
    %reshape3A = vector.shape_cast %get3A_19 : vector<1x64xf32> to vector<64x1xf32>
    %dot_general3A_20 = arith.constant dense<0.000000e+00> : vector<1000x1xf32>
    %dot_general3A_21 = tpu.matmul %get3A_7, %reshape3A, %dot_general3A_20 {dimension_numbers = #tpu.dot_dimension_numbers<[1], [0], [0], [1], [0, 0, 1, 1], [], []>, transpose_lhs_hint = false} : vector<1000x64xf32>, vector<64x1xf32>, vector<1000x1xf32> -> vector<1000x1xf32>
    %sub3A = arith.subf %add3A, %dot_general3A_21 : vector<1000x1xf32>
    %exp3A = math.exp %sub3A : vector<1000x1xf32>
    %eq3A = arith.constant 0 : i32
    %eq3A_22 = arith.cmpi eq, %arg0, %eq3A : i32
    %convert_element_type3A = arith.extui %eq3A_22 : i1 to i32
    %cond3A = arith.constant 0 : i32
    %cond3A_23 = arith.cmpi ne, %convert_element_type3A, %cond3A : i32
    scf.if %cond3A_23 {
      %broadcast_in_dim3A_97 = arith.constant 0.000000e+00 : f32
      %broadcast_in_dim3A_98 = vector.broadcast %broadcast_in_dim3A_97 : f32 to vector<64x128xf32>
      %swap3A_99 = arith.constant 0 : index
      %swap3A_100 = arith.constant 0 : index
      %swap3A_101 = vector.load %arg15[%swap3A_99, %swap3A_100] : memref<64x128xf32, #tpu.memory_space<vmem>>, vector<64x128xf32>
      tpu.vector_store %arg15[%swap3A_99, %swap3A_100], %broadcast_in_dim3A_98 {strides = array<i32>} : memref<64x128xf32, #tpu.memory_space<vmem>>, vector<64x128xf32>,
      %broadcast_in_dim3A_102 = arith.constant 0.000000e+00 : f32
      %broadcast_in_dim3A_103 = vector.broadcast %broadcast_in_dim3A_102 : f32 to vector<64x64xf32>
      %swap3A_104 = arith.constant 0 : index
      %swap3A_105 = arith.constant 0 : index
      %swap3A_106 = vector.load %arg16[%swap3A_104, %swap3A_105] : memref<64x64xf32, #tpu.memory_space<vmem>>, vector<64x64xf32>
      tpu.vector_store %arg16[%swap3A_104, %swap3A_105], %broadcast_in_dim3A_103 {strides = array<i32>} : memref<64x64xf32, #tpu.memory_space<vmem>>, vector<64x64xf32>,
      %broadcast_in_dim3A_107 = arith.constant 0.000000e+00 : f32
      %broadcast_in_dim3A_108 = vector.broadcast %broadcast_in_dim3A_107 : f32 to vector<64x128xf32>
      %swap3A_109 = arith.constant 0 : index
      %swap3A_110 = arith.constant 0 : index
      %swap3A_111 = vector.load %arg17[%swap3A_109, %swap3A_110] : memref<64x128xf32, #tpu.memory_space<vmem>>, vector<64x128xf32>
      tpu.vector_store %arg17[%swap3A_109, %swap3A_110], %broadcast_in_dim3A_108 {strides = array<i32>} : memref<64x128xf32, #tpu.memory_space<vmem>>, vector<64x128xf32>,
      %broadcast_in_dim3A_112 = arith.constant 0.000000e+00 : f32
      %broadcast_in_dim3A_113 = vector.broadcast %broadcast_in_dim3A_112 : f32 to vector<64x64xf32>
      %swap3A_114 = arith.constant 0 : index
      %swap3A_115 = arith.constant 0 : index
      %swap3A_116 = vector.load %arg18[%swap3A_114, %swap3A_115] : memref<64x64xf32, #tpu.memory_space<vmem>>, vector<64x64xf32>
      tpu.vector_store %arg18[%swap3A_114, %swap3A_115], %broadcast_in_dim3A_113 {strides = array<i32>} : memref<64x64xf32, #tpu.memory_space<vmem>>, vector<64x64xf32>,
    } else {
    }
    %get3A_24 = arith.constant 0 : index
    %get3A_25 = arith.constant 0 : index
    %get3A_26 = vector.load %arg15[%get3A_24, %get3A_25] : memref<64x128xf32, #tpu.memory_space<vmem>>, vector<64x128xf32>
    %mul3A = vector.broadcast %exp3A : vector<1000x1xf32> to vector<1000x128xf32>
    %mul3A_27 = arith.mulf %get3A_1, %mul3A : vector<1000x128xf32>
    %dot_general3A_28 = arith.constant dense<0.000000e+00> : vector<64x128xf32>
    %dot_general3A_29 = tpu.matmul %get3A_7, %mul3A_27, %dot_general3A_28 {dimension_numbers = #tpu.dot_dimension_numbers<[0], [0], [1], [1], [0, 1, 1, 1], [], []>, transpose_lhs_hint = false} : vector<1000x64xf32>, vector<1000x128xf32>, vector<64x128xf32> -> vector<64x128xf32>
    %add3A_30 = arith.addf %get3A_26, %dot_general3A_29 : vector<64x128xf32>
    %swap3A = arith.constant 0 : index
    %swap3A_31 = arith.constant 0 : index
    %swap3A_32 = vector.load %arg15[%swap3A, %swap3A_31] : memref<64x128xf32, #tpu.memory_space<vmem>>, vector<64x128xf32>
    tpu.vector_store %arg15[%swap3A, %swap3A_31], %add3A_30 {strides = array<i32>} : memref<64x128xf32, #tpu.memory_space<vmem>>, vector<64x128xf32>,
    %get3A_33 = arith.constant 0 : index
    %get3A_34 = arith.constant 0 : index
    %get3A_35 = vector.load %arg16[%get3A_33, %get3A_34] : memref<64x64xf32, #tpu.memory_space<vmem>>, vector<64x64xf32>
    %mul3A_36 = vector.broadcast %exp3A : vector<1000x1xf32> to vector<1000x64xf32>
    %mul3A_37 = arith.mulf %get3A_4, %mul3A_36 : vector<1000x64xf32>
    %dot_general3A_38 = arith.constant dense<0.000000e+00> : vector<64x64xf32>
    %dot_general3A_39 = tpu.matmul %get3A_7, %mul3A_37, %dot_general3A_38 {dimension_numbers = #tpu.dot_dimension_numbers<[0], [0], [1], [1], [0, 1, 1, 1], [], []>, transpose_lhs_hint = false} : vector<1000x64xf32>, vector<1000x64xf32>, vector<64x64xf32> -> vector<64x64xf32>
    %add3A_40 = arith.addf %get3A_35, %dot_general3A_39 : vector<64x64xf32>
    %swap3A_41 = arith.constant 0 : index
    %swap3A_42 = arith.constant 0 : index
    %swap3A_43 = vector.load %arg16[%swap3A_41, %swap3A_42] : memref<64x64xf32, #tpu.memory_space<vmem>>, vector<64x64xf32>
    tpu.vector_store %arg16[%swap3A_41, %swap3A_42], %add3A_40 {strides = array<i32>} : memref<64x64xf32, #tpu.memory_space<vmem>>, vector<64x64xf32>,
    %get3A_44 = arith.constant 0 : index
    %get3A_45 = arith.constant 0 : index
    %get3A_46 = vector.load %arg17[%get3A_44, %get3A_45] : memref<64x128xf32, #tpu.memory_space<vmem>>, vector<64x128xf32>
    %broadcast_in_dim3A = vector.shape_cast %exp3A : vector<1000x1xf32> to vector<1000x1xf32>
    %broadcast_in_dim3A_47 = vector.broadcast %broadcast_in_dim3A : vector<1000x1xf32> to vector<1000x128xf32>
    %dot_general3A_48 = arith.constant dense<0.000000e+00> : vector<64x128xf32>
    %dot_general3A_49 = tpu.matmul %get3A_7, %broadcast_in_dim3A_47, %dot_general3A_48 {dimension_numbers = #tpu.dot_dimension_numbers<[0], [0], [1], [1], [0, 1, 1, 1], [], []>, transpose_lhs_hint = false} : vector<1000x64xf32>, vector<1000x128xf32>, vector<64x128xf32> -> vector<64x128xf32>
    %add3A_50 = arith.addf %get3A_46, %dot_general3A_49 : vector<64x128xf32>
    %swap3A_51 = arith.constant 0 : index
    %swap3A_52 = arith.constant 0 : index
    %swap3A_53 = vector.load %arg17[%swap3A_51, %swap3A_52] : memref<64x128xf32, #tpu.memory_space<vmem>>, vector<64x128xf32>
    tpu.vector_store %arg17[%swap3A_51, %swap3A_52], %add3A_50 {strides = array<i32>} : memref<64x128xf32, #tpu.memory_space<vmem>>, vector<64x128xf32>,
    %get3A_54 = arith.constant 0 : index
    %get3A_55 = arith.constant 0 : index
    %get3A_56 = vector.load %arg18[%get3A_54, %get3A_55] : memref<64x64xf32, #tpu.memory_space<vmem>>, vector<64x64xf32>
    %broadcast_in_dim3A_57 = vector.shape_cast %exp3A : vector<1000x1xf32> to vector<1000x1xf32>
    %broadcast_in_dim3A_58 = vector.broadcast %broadcast_in_dim3A_57 : vector<1000x1xf32> to vector<1000x64xf32>
    %dot_general3A_59 = arith.constant dense<0.000000e+00> : vector<64x64xf32>
    %dot_general3A_60 = tpu.matmul %get3A_7, %broadcast_in_dim3A_58, %dot_general3A_59 {dimension_numbers = #tpu.dot_dimension_numbers<[0], [0], [1], [1], [0, 1, 1, 1], [], []>, transpose_lhs_hint = false} : vector<1000x64xf32>, vector<1000x64xf32>, vector<64x64xf32> -> vector<64x64xf32>
    %add3A_61 = arith.addf %get3A_56, %dot_general3A_60 : vector<64x64xf32>
    %swap3A_62 = arith.constant 0 : index
    %swap3A_63 = arith.constant 0 : index
    %swap3A_64 = vector.load %arg18[%swap3A_62, %swap3A_63] : memref<64x64xf32, #tpu.memory_space<vmem>>, vector<64x64xf32>
    tpu.vector_store %arg18[%swap3A_62, %swap3A_63], %add3A_61 {strides = array<i32>} : memref<64x64xf32, #tpu.memory_space<vmem>>, vector<64x64xf32>,
    %get3A_65 = arith.constant 0 : index
    %get3A_66 = arith.constant 0 : index
    %get3A_67 = vector.load %arg7[%get3A_65, %get3A_66] : memref<128x64xf32, #tpu.memory_space<vmem>>, vector<128x64xf32>
    %dot_general3A_68 = arith.constant dense<0.000000e+00> : vector<1000x64xf32>
    %dot_general3A_69 = tpu.matmul %get3A_1, %get3A_67, %dot_general3A_68 {dimension_numbers = #tpu.dot_dimension_numbers<[1], [0], [0], [1], [0, 0, 1, 1], [], []>, transpose_lhs_hint = false} : vector<1000x128xf32>, vector<128x64xf32>, vector<1000x64xf32> -> vector<1000x64xf32>
    %get3A_70 = arith.constant 0 : index
    %get3A_71 = arith.constant 0 : index
    %get3A_72 = vector.load %arg8[%get3A_70, %get3A_71] : memref<64x64xf32, #tpu.memory_space<vmem>>, vector<64x64xf32>
    %dot_general3A_73 = arith.constant dense<0.000000e+00> : vector<1000x64xf32>
    %dot_general3A_74 = tpu.matmul %get3A_4, %get3A_72, %dot_general3A_73 {dimension_numbers = #tpu.dot_dimension_numbers<[1], [0], [0], [1], [0, 0, 1, 1], [], []>, transpose_lhs_hint = false} : vector<1000x64xf32>, vector<64x64xf32>, vector<1000x64xf32> -> vector<1000x64xf32>
    %add3A_75 = arith.addf %dot_general3A_69, %dot_general3A_74 : vector<1000x64xf32>
    %get3A_76 = arith.constant 0 : index
    %get3A_77 = arith.constant 0 : index
    %get3A_78 = vector.load %arg9[%get3A_76, %get3A_77] : memref<1x64xf32, #tpu.memory_space<vmem>>, vector<1x64xf32>
    %add3A_79 = vector.broadcast %get3A_78 : vector<1x64xf32> to vector<1000x64xf32>
    %add3A_80 = arith.addf %add3A_75, %add3A_79 : vector<1000x64xf32>
    %reduce_max3A = arith.constant dense<0xFF800000> : vector<1000xf32>
    %reduce_max3A_81 = vector.multi_reduction <maximumf>, %add3A_80, %reduce_max3A [1] : vector<1000x64xf32> to vector<1000xf32>
    %broadcast_in_dim3A_82 = vector.shape_cast %reduce_max3A_81 : vector<1000xf32> to vector<1000x1xf32>
    %sub3A_83 = vector.broadcast %broadcast_in_dim3A_82 : vector<1000x1xf32> to vector<1000x64xf32>
    %sub3A_84 = arith.subf %add3A_80, %sub3A_83 : vector<1000x64xf32>
    %exp3A_85 = math.exp %sub3A_84 : vector<1000x64xf32>
    %reduce_sum3A = arith.constant dense<0.000000e+00> : vector<1000xf32>
    %reduce_sum3A_86 = vector.multi_reduction <add>, %exp3A_85, %reduce_sum3A [1] : vector<1000x64xf32> to vector<1000xf32>
    %broadcast_in_dim3A_87 = vector.shape_cast %reduce_sum3A_86 : vector<1000xf32> to vector<1000x1xf32>
    %div3A = vector.broadcast %broadcast_in_dim3A_87 : vector<1000x1xf32> to vector<1000x64xf32>
    %div3A_88 = arith.divf %exp3A_85, %div3A : vector<1000x64xf32>
    %swap3A_89 = arith.constant 0 : index
    %swap3A_90 = arith.constant 0 : index
    %swap3A_91 = vector.load %arg13[%swap3A_89, %swap3A_90] : memref<1000x64xf32, #tpu.memory_space<vmem>>, vector<1000x64xf32>
    tpu.vector_store %arg13[%swap3A_89, %swap3A_90], %div3A_88 {strides = array<i32>} : memref<1000x64xf32, #tpu.memory_space<vmem>>, vector<1000x64xf32>,
    %eq3A_92 = arith.constant 9 : i32
    %eq3A_93 = arith.cmpi eq, %arg0, %eq3A_92 : i32
    %convert_element_type3A_94 = arith.extui %eq3A_93 : i1 to i32
    %cond3A_95 = arith.constant 0 : i32
    %cond3A_96 = arith.cmpi ne, %convert_element_type3A_94, %cond3A_95 : i32
    scf.if %cond3A_96 {
      %get3A_97 = arith.constant 0 : index
      %get3A_98 = arith.constant 0 : index
      %get3A_99 = vector.load %arg15[%get3A_97, %get3A_98] : memref<64x128xf32, #tpu.memory_space<vmem>>, vector<64x128xf32>
      %get3A_100 = arith.constant 0 : index
      %get3A_101 = arith.constant 0 : index
      %get3A_102 = vector.load %arg17[%get3A_100, %get3A_101] : memref<64x128xf32, #tpu.memory_space<vmem>>, vector<64x128xf32>
      %div3A_103 = arith.divf %get3A_99, %get3A_102 : vector<64x128xf32>
      %get3A_104 = arith.constant 0 : index
      %get3A_105 = arith.constant 0 : index
      %get3A_106 = vector.load %arg16[%get3A_104, %get3A_105] : memref<64x64xf32, #tpu.memory_space<vmem>>, vector<64x64xf32>
      %get3A_107 = arith.constant 0 : index
      %get3A_108 = arith.constant 0 : index
      %get3A_109 = vector.load %arg18[%get3A_107, %get3A_108] : memref<64x64xf32, #tpu.memory_space<vmem>>, vector<64x64xf32>
      %div3A_110 = arith.divf %get3A_106, %get3A_109 : vector<64x64xf32>
      %get3A_111 = arith.constant 0 : index
      %get3A_112 = arith.constant 0 : index
      %get3A_113 = vector.load %arg10[%get3A_111, %get3A_112] : memref<128x10xf32, #tpu.memory_space<vmem>>, vector<128x10xf32>
      %dot_general3A_114 = arith.constant dense<0.000000e+00> : vector<64x10xf32>
      %dot_general3A_115 = tpu.matmul %div3A_103, %get3A_113, %dot_general3A_114 {dimension_numbers = #tpu.dot_dimension_numbers<[1], [0], [0], [1], [0, 0, 1, 1], [], []>, transpose_lhs_hint = false} : vector<64x128xf32>, vector<128x10xf32>, vector<64x10xf32> -> vector<64x10xf32>
      %get3A_116 = arith.constant 0 : index
      %get3A_117 = arith.constant 0 : index
      %get3A_118 = vector.load %arg11[%get3A_116, %get3A_117] : memref<64x10xf32, #tpu.memory_space<vmem>>, vector<64x10xf32>
      %dot_general3A_119 = arith.constant dense<0.000000e+00> : vector<64x10xf32>
      %dot_general3A_120 = tpu.matmul %div3A_110, %get3A_118, %dot_general3A_119 {dimension_numbers = #tpu.dot_dimension_numbers<[1], [0], [0], [1], [0, 0, 1, 1], [], []>, transpose_lhs_hint = false} : vector<64x64xf32>, vector<64x10xf32>, vector<64x10xf32> -> vector<64x10xf32>
      %add3A_121 = arith.addf %dot_general3A_115, %dot_general3A_120 : vector<64x10xf32>
      %get3A_122 = arith.constant 0 : index
      %get3A_123 = arith.constant 0 : index
      %get3A_124 = vector.load %arg12[%get3A_122, %get3A_123] : memref<1x10xf32, #tpu.memory_space<vmem>>, vector<1x10xf32>
      %add3A_125 = vector.broadcast %get3A_124 : vector<1x10xf32> to vector<64x10xf32>
      %add3A_126 = arith.addf %add3A_121, %add3A_125 : vector<64x10xf32>
      %swap3A_127 = arith.constant 0 : index
      %swap3A_128 = arith.constant 0 : index
      %swap3A_129 = vector.load %arg14[%swap3A_127, %swap3A_128] : memref<64x10xf32, #tpu.memory_space<vmem>>, vector<64x10xf32>
      tpu.vector_store %arg14[%swap3A_127, %swap3A_128], %add3A_126 {strides = array<i32>} : memref<64x10xf32, #tpu.memory_space<vmem>>, vector<64x10xf32>,
    } else {
    }
    return
  }
  func.func @transform_0(%arg0: i32) -> (i32, i32) {
    %c0_i32 = arith.constant 0 : i32
    %c0_i32_0 = arith.constant 0 : i32
    return %arg0, %c0_i32 : i32, i32
  }
  func.func @transform_1(%arg0: i32) -> (i32, i32) {
    %c0_i32 = arith.constant 0 : i32
    %c0_i32_0 = arith.constant 0 : i32
    return %arg0, %c0_i32 : i32, i32
  }
  func.func @transform_2(%arg0: i32) -> (i32, i32) {
    %c0_i32 = arith.constant 0 : i32
    %c0_i32_0 = arith.constant 0 : i32
    return %arg0, %c0_i32 : i32, i32
  }
  func.func @transform_3(%arg0: i32) -> (i32, i32) {
    %c0_i32 = arith.constant 0 : i32
    %c0_i32_0 = arith.constant 0 : i32
    %c0_i32_1 = arith.constant 0 : i32
    return %c0_i32, %c0_i32_0 : i32, i32
  }
  func.func @transform_4(%arg0: i32) -> (i32, i32) {
    %c0_i32 = arith.constant 0 : i32
    %c0_i32_0 = arith.constant 0 : i32
    %c0_i32_1 = arith.constant 0 : i32
    return %c0_i32, %c0_i32_0 : i32, i32
  }
  func.func @transform_5(%arg0: i32) -> (i32, i32) {
    %c0_i32 = arith.constant 0 : i32
    %c0_i32_0 = arith.constant 0 : i32
    %c0_i32_1 = arith.constant 0 : i32
    return %c0_i32, %c0_i32_0 : i32, i32
  }
  func.func @transform_6(%arg0: i32) -> (i32, i32) {
    %c0_i32 = arith.constant 0 : i32
    %c0_i32_0 = arith.constant 0 : i32
    %c0_i32_1 = arith.constant 0 : i32
    return %c0_i32, %c0_i32_0 : i32, i32
  }
  func.func @transform_7(%arg0: i32) -> (i32, i32) {
    %c0_i32 = arith.constant 0 : i32
    %c0_i32_0 = arith.constant 0 : i32
    %c0_i32_1 = arith.constant 0 : i32
    return %c0_i32, %c0_i32_0 : i32, i32
  }
  func.func @transform_8(%arg0: i32) -> (i32, i32) {
    %c0_i32 = arith.constant 0 : i32
    %c0_i32_0 = arith.constant 0 : i32
    %c0_i32_1 = arith.constant 0 : i32
    return %c0_i32, %c0_i32_0 : i32, i32
  }
  func.func @transform_9(%arg0: i32) -> (i32, i32) {
    %c0_i32 = arith.constant 0 : i32
    %c0_i32_0 = arith.constant 0 : i32
    %c0_i32_1 = arith.constant 0 : i32
    return %c0_i32, %c0_i32_0 : i32, i32
  }
  func.func @transform_10(%arg0: i32) -> (i32, i32) {
    %c0_i32 = arith.constant 0 : i32
    %c0_i32_0 = arith.constant 0 : i32
    %c0_i32_1 = arith.constant 0 : i32
    return %c0_i32, %c0_i32_0 : i32, i32
  }
  func.func @transform_11(%arg0: i32) -> (i32, i32) {
    %c0_i32 = arith.constant 0 : i32
    %c0_i32_0 = arith.constant 0 : i32
    %c0_i32_1 = arith.constant 0 : i32
    return %c0_i32, %c0_i32_0 : i32, i32
  }
  func.func @transform_12(%arg0: i32) -> (i32, i32) {
    %c0_i32 = arith.constant 0 : i32
    %c0_i32_0 = arith.constant 0 : i32
    return %arg0, %c0_i32 : i32, i32
  }
  func.func @transform_13(%arg0: i32) -> (i32, i32) {
    %c0_i32 = arith.constant 0 : i32
    %c0_i32_0 = arith.constant 0 : i32
    %c0_i32_1 = arith.constant 0 : i32
    return %c0_i32, %c0_i32_0 : i32, i32
  }
}

module attributes {stable_mosaic.version = 14 : i64} {
  func.func @_pool_body(%arg0: i32, %arg1: memref<1000x128xf32, #tpu.memory_space<vmem>>, %arg2: memref<1000x64xf32, #tpu.memory_space<vmem>>, %arg3: memref<1000x64xf32, #tpu.memory_space<vmem>>, %arg4: memref<1x64xf32, #tpu.memory_space<vmem>>, %arg5: memref<128x1xf32, #tpu.memory_space<vmem>>, %arg6: memref<64x1xf32, #tpu.memory_space<vmem>>, %arg7: memref<128x64xf32, #tpu.memory_space<vmem>>, %arg8: memref<64x64xf32, #tpu.memory_space<vmem>>, %arg9: memref<1x64xf32, #tpu.memory_space<vmem>>, %arg10: memref<128x10xf32, #tpu.memory_space<vmem>>, %arg11: memref<64x10xf32, #tpu.memory_space<vmem>>, %arg12: memref<1x10xf32, #tpu.memory_space<vmem>>, %arg13: memref<1000x64xf32, #tpu.memory_space<vmem>>, %arg14: memref<64x10xf32, #tpu.memory_space<vmem>>, %arg15: memref<64x128xf32, #tpu.memory_space<vmem>>, %arg16: memref<64x64xf32, #tpu.memory_space<vmem>>, %arg17: memref<64x128xf32, #tpu.memory_space<vmem>>, %arg18: memref<64x64xf32, #tpu.memory_space<vmem>>) attributes {dimension_semantics = [#tpu.dimension_semantics<arbitrary>], iteration_bounds = array<i64: 10>, scalar_prefetch = 0 : i64, scratch_operands = 4 : i64, tpu.core_type = #tpu.core_type<tc>, window_params = [{transform_indices = @transform_0, window_bounds = array<i64: 1000, 128>}, {transform_indices = @transform_1, window_bounds = array<i64: 1000, 64>}, {transform_indices = @transform_2, window_bounds = array<i64: 1000, 64>}, {pipeline_mode = #tpu.pipeline_mode<synchronous>, transform_indices = @transform_3, window_bounds = array<i64: 1, 64>}, {pipeline_mode = #tpu.pipeline_mode<synchronous>, transform_indices = @transform_4, window_bounds = array<i64: 128, 1>}, {pipeline_mode = #tpu.pipeline_mode<synchronous>, transform_indices = @transform_5, window_bounds = array<i64: 64, 1>}, {pipeline_mode = #tpu.pipeline_mode<synchronous>, transform_indices = @transform_6, window_bounds = array<i64: 128, 64>}, {pipeline_mode = #tpu.pipeline_mode<synchronous>, transform_indices = @transform_7, window_bounds = array<i64: 64, 64>}, {pipeline_mode = #tpu.pipeline_mode<synchronous>, transform_indices = @transform_8, window_bounds = array<i64: 1, 64>}, {pipeline_mode = #tpu.pipeline_mode<synchronous>, transform_indices = @transform_9, window_bounds = array<i64: 128, 10>}, {pipeline_mode = #tpu.pipeline_mode<synchronous>, transform_indices = @transform_10, window_bounds = array<i64: 64, 10>}, {pipeline_mode = #tpu.pipeline_mode<synchronous>, transform_indices = @transform_11, window_bounds = array<i64: 1, 10>}, {transform_indices = @transform_12, window_bounds = array<i64: 1000, 64>}, {pipeline_mode = #tpu.pipeline_mode<synchronous>, transform_indices = @transform_13, window_bounds = array<i64: 64, 10>}]} {
    %get3A = arith.constant 0 : index
    %get3A_0 = arith.constant 0 : index
    %get3A_1 = vector.load %arg1[%get3A, %get3A_0] : memref<1000x128xf32, #tpu.memory_space<vmem>>, vector<1000x128xf32>
    %get3A_2 = arith.constant 0 : index
    %get3A_3 = arith.constant 0 : index
    %get3A_4 = vector.load %arg2[%get3A_2, %get3A_3] : memref<1000x64xf32, #tpu.memory_space<vmem>>, vector<1000x64xf32>
    %get3A_5 = arith.constant 0 : index
    %get3A_6 = arith.constant 0 : index
    %get3A_7 = vector.load %arg3[%get3A_5, %get3A_6] : memref<1000x64xf32, #tpu.memory_space<vmem>>, vector<1000x64xf32>
    %get3A_8 = arith.constant 0 : index
    %get3A_9 = arith.constant 0 : index
    %get3A_10 = vector.load %arg5[%get3A_8, %get3A_9] : memref<128x1xf32, #tpu.memory_space<vmem>>, vector<128x1xf32>
    %dot_general3A = arith.constant dense<0.000000e+00> : vector<1000x1xf32>
    %dot_general3A_11 = tpu.matmul %get3A_1, %get3A_10, %dot_general3A {dimension_numbers = #tpu.dot_dimension_numbers<[1], [0], [0], [1], [0, 0, 1, 1], [], []>, transpose_lhs_hint = false} : vector<1000x128xf32>, vector<128x1xf32>, vector<1000x1xf32> -> vector<1000x1xf32>
    %get3A_12 = arith.constant 0 : index
    %get3A_13 = arith.constant 0 : index
    %get3A_14 = vector.load %arg6[%get3A_12, %get3A_13] : memref<64x1xf32, #tpu.memory_space<vmem>>, vector<64x1xf32>
    %dot_general3A_15 = arith.constant dense<0.000000e+00> : vector<1000x1xf32>
    %dot_general3A_16 = tpu.matmul %get3A_4, %get3A_14, %dot_general3A_15 {dimension_numbers = #tpu.dot_dimension_numbers<[1], [0], [0], [1], [0, 0, 1, 1], [], []>, transpose_lhs_hint = false} : vector<1000x64xf32>, vector<64x1xf32>, vector<1000x1xf32> -> vector<1000x1xf32>
    %add3A = arith.addf %dot_general3A_11, %dot_general3A_16 : vector<1000x1xf32>
    %get3A_17 = arith.constant 0 : index
    %get3A_18 = arith.constant 0 : index
    %get3A_19 = vector.load %arg4[%get3A_17, %get3A_18] : memref<1x64xf32, #tpu.memory_space<vmem>>, vector<1x64xf32>
    %reshape3A = vector.shape_cast %get3A_19 : vector<1x64xf32> to vector<64x1xf32>
    %dot_general3A_20 = arith.constant dense<0.000000e+00> : vector<1000x1xf32>
    %dot_general3A_21 = tpu.matmul %get3A_7, %reshape3A, %dot_general3A_20 {dimension_numbers = #tpu.dot_dimension_numbers<[1], [0], [0], [1], [0, 0, 1, 1], [], []>, transpose_lhs_hint = false} : vector<1000x64xf32>, vector<64x1xf32>, vector<1000x1xf32> -> vector<1000x1xf32>
    %sub3A = arith.subf %add3A, %dot_general3A_21 : vector<1000x1xf32>
    %exp3A = math.exp %sub3A : vector<1000x1xf32>
    %eq3A = arith.constant 0 : i32
    %eq3A_22 = arith.cmpi eq, %arg0, %eq3A : i32
    %convert_element_type3A = arith.extui %eq3A_22 : i1 to i32
    %cond3A = arith.constant 0 : i32
    %cond3A_23 = arith.cmpi ne, %convert_element_type3A, %cond3A : i32
    scf.if %cond3A_23 {
      %broadcast_in_dim3A_97 = arith.constant 0.000000e+00 : f32
      %broadcast_in_dim3A_98 = vector.broadcast %broadcast_in_dim3A_97 : f32 to vector<64x128xf32>
      %swap3A_99 = arith.constant 0 : index
      %swap3A_100 = arith.constant 0 : index
      %swap3A_101 = vector.load %arg15[%swap3A_99, %swap3A_100] : memref<64x128xf32, #tpu.memory_space<vmem>>, vector<64x128xf32>
      tpu.vector_store %arg15[%swap3A_99, %swap3A_100], %broadcast_in_dim3A_98 {strides = array<i32>} : memref<64x128xf32, #tpu.memory_space<vmem>>, vector<64x128xf32>,
      %broadcast_in_dim3A_102 = arith.constant 0.000000e+00 : f32
      %broadcast_in_dim3A_103 = vector.broadcast %broadcast_in_dim3A_102 : f32 to vector<64x64xf32>
      %swap3A_104 = arith.constant 0 : index
      %swap3A_105 = arith.constant 0 : index
      %swap3A_106 = vector.load %arg16[%swap3A_104, %swap3A_105] : memref<64x64xf32, #tpu.memory_space<vmem>>, vector<64x64xf32>
      tpu.vector_store %arg16[%swap3A_104, %swap3A_105], %broadcast_in_dim3A_103 {strides = array<i32>} : memref<64x64xf32, #tpu.memory_space<vmem>>, vector<64x64xf32>,
      %broadcast_in_dim3A_107 = arith.constant 0.000000e+00 : f32
      %broadcast_in_dim3A_108 = vector.broadcast %broadcast_in_dim3A_107 : f32 to vector<64x128xf32>
      %swap3A_109 = arith.constant 0 : index
      %swap3A_110 = arith.constant 0 : index
      %swap3A_111 = vector.load %arg17[%swap3A_109, %swap3A_110] : memref<64x128xf32, #tpu.memory_space<vmem>>, vector<64x128xf32>
      tpu.vector_store %arg17[%swap3A_109, %swap3A_110], %broadcast_in_dim3A_108 {strides = array<i32>} : memref<64x128xf32, #tpu.memory_space<vmem>>, vector<64x128xf32>,
      %broadcast_in_dim3A_112 = arith.constant 0.000000e+00 : f32
      %broadcast_in_dim3A_113 = vector.broadcast %broadcast_in_dim3A_112 : f32 to vector<64x64xf32>
      %swap3A_114 = arith.constant 0 : index
      %swap3A_115 = arith.constant 0 : index
      %swap3A_116 = vector.load %arg18[%swap3A_114, %swap3A_115] : memref<64x64xf32, #tpu.memory_space<vmem>>, vector<64x64xf32>
      tpu.vector_store %arg18[%swap3A_114, %swap3A_115], %broadcast_in_dim3A_113 {strides = array<i32>} : memref<64x64xf32, #tpu.memory_space<vmem>>, vector<64x64xf32>,
    } else {
    }
    %get3A_24 = arith.constant 0 : index
    %get3A_25 = arith.constant 0 : index
    %get3A_26 = vector.load %arg15[%get3A_24, %get3A_25] : memref<64x128xf32, #tpu.memory_space<vmem>>, vector<64x128xf32>
    %mul3A = vector.broadcast %exp3A : vector<1000x1xf32> to vector<1000x128xf32>
    %mul3A_27 = arith.mulf %get3A_1, %mul3A : vector<1000x128xf32>
    %dot_general3A_28 = arith.constant dense<0.000000e+00> : vector<64x128xf32>
    %dot_general3A_29 = tpu.matmul %get3A_7, %mul3A_27, %dot_general3A_28 {dimension_numbers = #tpu.dot_dimension_numbers<[0], [0], [1], [1], [0, 1, 1, 1], [], []>, transpose_lhs_hint = false} : vector<1000x64xf32>, vector<1000x128xf32>, vector<64x128xf32> -> vector<64x128xf32>
    %add3A_30 = arith.addf %get3A_26, %dot_general3A_29 : vector<64x128xf32>
    %swap3A = arith.constant 0 : index
    %swap3A_31 = arith.constant 0 : index
    %swap3A_32 = vector.load %arg15[%swap3A, %swap3A_31] : memref<64x128xf32, #tpu.memory_space<vmem>>, vector<64x128xf32>
    tpu.vector_store %arg15[%swap3A, %swap3A_31], %add3A_30 {strides = array<i32>} : memref<64x128xf32, #tpu.memory_space<vmem>>, vector<64x128xf32>,
    %get3A_33 = arith.constant 0 : index
    %get3A_34 = arith.constant 0 : index
    %get3A_35 = vector.load %arg16[%get3A_33, %get3A_34] : memref<64x64xf32, #tpu.memory_space<vmem>>, vector<64x64xf32>
    %mul3A_36 = vector.broadcast %exp3A : vector<1000x1xf32> to vector<1000x64xf32>
    %mul3A_37 = arith.mulf %get3A_4, %mul3A_36 : vector<1000x64xf32>
    %dot_general3A_38 = arith.constant dense<0.000000e+00> : vector<64x64xf32>
    %dot_general3A_39 = tpu.matmul %get3A_7, %mul3A_37, %dot_general3A_38 {dimension_numbers = #tpu.dot_dimension_numbers<[0], [0], [1], [1], [0, 1, 1, 1], [], []>, transpose_lhs_hint = false} : vector<1000x64xf32>, vector<1000x64xf32>, vector<64x64xf32> -> vector<64x64xf32>
    %add3A_40 = arith.addf %get3A_35, %dot_general3A_39 : vector<64x64xf32>
    %swap3A_41 = arith.constant 0 : index
    %swap3A_42 = arith.constant 0 : index
    %swap3A_43 = vector.load %arg16[%swap3A_41, %swap3A_42] : memref<64x64xf32, #tpu.memory_space<vmem>>, vector<64x64xf32>
    tpu.vector_store %arg16[%swap3A_41, %swap3A_42], %add3A_40 {strides = array<i32>} : memref<64x64xf32, #tpu.memory_space<vmem>>, vector<64x64xf32>,
    %get3A_44 = arith.constant 0 : index
    %get3A_45 = arith.constant 0 : index
    %get3A_46 = vector.load %arg17[%get3A_44, %get3A_45] : memref<64x128xf32, #tpu.memory_space<vmem>>, vector<64x128xf32>
    %broadcast_in_dim3A = vector.shape_cast %exp3A : vector<1000x1xf32> to vector<1000x1xf32>
    %broadcast_in_dim3A_47 = vector.broadcast %broadcast_in_dim3A : vector<1000x1xf32> to vector<1000x128xf32>
    %dot_general3A_48 = arith.constant dense<0.000000e+00> : vector<64x128xf32>
    %dot_general3A_49 = tpu.matmul %get3A_7, %broadcast_in_dim3A_47, %dot_general3A_48 {dimension_numbers = #tpu.dot_dimension_numbers<[0], [0], [1], [1], [0, 1, 1, 1], [], []>, transpose_lhs_hint = false} : vector<1000x64xf32>, vector<1000x128xf32>, vector<64x128xf32> -> vector<64x128xf32>
    %add3A_50 = arith.addf %get3A_46, %dot_general3A_49 : vector<64x128xf32>
    %swap3A_51 = arith.constant 0 : index
    %swap3A_52 = arith.constant 0 : index
    %swap3A_53 = vector.load %arg17[%swap3A_51, %swap3A_52] : memref<64x128xf32, #tpu.memory_space<vmem>>, vector<64x128xf32>
    tpu.vector_store %arg17[%swap3A_51, %swap3A_52], %add3A_50 {strides = array<i32>} : memref<64x128xf32, #tpu.memory_space<vmem>>, vector<64x128xf32>,
    %get3A_54 = arith.constant 0 : index
    %get3A_55 = arith.constant 0 : index
    %get3A_56 = vector.load %arg18[%get3A_54, %get3A_55] : memref<64x64xf32, #tpu.memory_space<vmem>>, vector<64x64xf32>
    %broadcast_in_dim3A_57 = vector.shape_cast %exp3A : vector<1000x1xf32> to vector<1000x1xf32>
    %broadcast_in_dim3A_58 = vector.broadcast %broadcast_in_dim3A_57 : vector<1000x1xf32> to vector<1000x64xf32>
    %dot_general3A_59 = arith.constant dense<0.000000e+00> : vector<64x64xf32>
    %dot_general3A_60 = tpu.matmul %get3A_7, %broadcast_in_dim3A_58, %dot_general3A_59 {dimension_numbers = #tpu.dot_dimension_numbers<[0], [0], [1], [1], [0, 1, 1, 1], [], []>, transpose_lhs_hint = false} : vector<1000x64xf32>, vector<1000x64xf32>, vector<64x64xf32> -> vector<64x64xf32>
    %add3A_61 = arith.addf %get3A_56, %dot_general3A_60 : vector<64x64xf32>
    %swap3A_62 = arith.constant 0 : index
    %swap3A_63 = arith.constant 0 : index
    %swap3A_64 = vector.load %arg18[%swap3A_62, %swap3A_63] : memref<64x64xf32, #tpu.memory_space<vmem>>, vector<64x64xf32>
    tpu.vector_store %arg18[%swap3A_62, %swap3A_63], %add3A_61 {strides = array<i32>} : memref<64x64xf32, #tpu.memory_space<vmem>>, vector<64x64xf32>,
    %get3A_65 = arith.constant 0 : index
    %get3A_66 = arith.constant 0 : index
    %get3A_67 = vector.load %arg7[%get3A_65, %get3A_66] : memref<128x64xf32, #tpu.memory_space<vmem>>, vector<128x64xf32>
    %dot_general3A_68 = arith.constant dense<0.000000e+00> : vector<1000x64xf32>
    %dot_general3A_69 = tpu.matmul %get3A_1, %get3A_67, %dot_general3A_68 {dimension_numbers = #tpu.dot_dimension_numbers<[1], [0], [0], [1], [0, 0, 1, 1], [], []>, transpose_lhs_hint = false} : vector<1000x128xf32>, vector<128x64xf32>, vector<1000x64xf32> -> vector<1000x64xf32>
    %get3A_70 = arith.constant 0 : index
    %get3A_71 = arith.constant 0 : index
    %get3A_72 = vector.load %arg8[%get3A_70, %get3A_71] : memref<64x64xf32, #tpu.memory_space<vmem>>, vector<64x64xf32>
    %dot_general3A_73 = arith.constant dense<0.000000e+00> : vector<1000x64xf32>
    %dot_general3A_74 = tpu.matmul %get3A_4, %get3A_72, %dot_general3A_73 {dimension_numbers = #tpu.dot_dimension_numbers<[1], [0], [0], [1], [0, 0, 1, 1], [], []>, transpose_lhs_hint = false} : vector<1000x64xf32>, vector<64x64xf32>, vector<1000x64xf32> -> vector<1000x64xf32>
    %add3A_75 = arith.addf %dot_general3A_69, %dot_general3A_74 : vector<1000x64xf32>
    %get3A_76 = arith.constant 0 : index
    %get3A_77 = arith.constant 0 : index
    %get3A_78 = vector.load %arg9[%get3A_76, %get3A_77] : memref<1x64xf32, #tpu.memory_space<vmem>>, vector<1x64xf32>
    %add3A_79 = vector.broadcast %get3A_78 : vector<1x64xf32> to vector<1000x64xf32>
    %add3A_80 = arith.addf %add3A_75, %add3A_79 : vector<1000x64xf32>
    %reduce_max3A = arith.constant dense<0xFF800000> : vector<1000xf32>
    %reduce_max3A_81 = vector.multi_reduction <maximumf>, %add3A_80, %reduce_max3A [1] : vector<1000x64xf32> to vector<1000xf32>
    %broadcast_in_dim3A_82 = vector.shape_cast %reduce_max3A_81 : vector<1000xf32> to vector<1000x1xf32>
    %sub3A_83 = vector.broadcast %broadcast_in_dim3A_82 : vector<1000x1xf32> to vector<1000x64xf32>
    %sub3A_84 = arith.subf %add3A_80, %sub3A_83 : vector<1000x64xf32>
    %exp3A_85 = math.exp %sub3A_84 : vector<1000x64xf32>
    %reduce_sum3A = arith.constant dense<0.000000e+00> : vector<1000xf32>
    %reduce_sum3A_86 = vector.multi_reduction <add>, %exp3A_85, %reduce_sum3A [1] : vector<1000x64xf32> to vector<1000xf32>
    %broadcast_in_dim3A_87 = vector.shape_cast %reduce_sum3A_86 : vector<1000xf32> to vector<1000x1xf32>
    %div3A = vector.broadcast %broadcast_in_dim3A_87 : vector<1000x1xf32> to vector<1000x64xf32>
    %div3A_88 = arith.divf %exp3A_85, %div3A : vector<1000x64xf32>
    %swap3A_89 = arith.constant 0 : index
    %swap3A_90 = arith.constant 0 : index
    %swap3A_91 = vector.load %arg13[%swap3A_89, %swap3A_90] : memref<1000x64xf32, #tpu.memory_space<vmem>>, vector<1000x64xf32>
    tpu.vector_store %arg13[%swap3A_89, %swap3A_90], %div3A_88 {strides = array<i32>} : memref<1000x64xf32, #tpu.memory_space<vmem>>, vector<1000x64xf32>,
    %eq3A_92 = arith.constant 9 : i32
    %eq3A_93 = arith.cmpi eq, %arg0, %eq3A_92 : i32
    %convert_element_type3A_94 = arith.extui %eq3A_93 : i1 to i32
    %cond3A_95 = arith.constant 0 : i32
    %cond3A_96 = arith.cmpi ne, %convert_element_type3A_94, %cond3A_95 : i32
    scf.if %cond3A_96 {
      %get3A_97 = arith.constant 0 : index
      %get3A_98 = arith.constant 0 : index
      %get3A_99 = vector.load %arg15[%get3A_97, %get3A_98] : memref<64x128xf32, #tpu.memory_space<vmem>>, vector<64x128xf32>
      %get3A_100 = arith.constant 0 : index
      %get3A_101 = arith.constant 0 : index
      %get3A_102 = vector.load %arg17[%get3A_100, %get3A_101] : memref<64x128xf32, #tpu.memory_space<vmem>>, vector<64x128xf32>
      %div3A_103 = arith.divf %get3A_99, %get3A_102 : vector<64x128xf32>
      %get3A_104 = arith.constant 0 : index
      %get3A_105 = arith.constant 0 : index
      %get3A_106 = vector.load %arg16[%get3A_104, %get3A_105] : memref<64x64xf32, #tpu.memory_space<vmem>>, vector<64x64xf32>
      %get3A_107 = arith.constant 0 : index
      %get3A_108 = arith.constant 0 : index
      %get3A_109 = vector.load %arg18[%get3A_107, %get3A_108] : memref<64x64xf32, #tpu.memory_space<vmem>>, vector<64x64xf32>
      %div3A_110 = arith.divf %get3A_106, %get3A_109 : vector<64x64xf32>
      %get3A_111 = arith.constant 0 : index
      %get3A_112 = arith.constant 0 : index
      %get3A_113 = vector.load %arg10[%get3A_111, %get3A_112] : memref<128x10xf32, #tpu.memory_space<vmem>>, vector<128x10xf32>
      %dot_general3A_114 = arith.constant dense<0.000000e+00> : vector<64x10xf32>
      %dot_general3A_115 = tpu.matmul %div3A_103, %get3A_113, %dot_general3A_114 {dimension_numbers = #tpu.dot_dimension_numbers<[1], [0], [0], [1], [0, 0, 1, 1], [], []>, transpose_lhs_hint = false} : vector<64x128xf32>, vector<128x10xf32>, vector<64x10xf32> -> vector<64x10xf32>
      %get3A_116 = arith.constant 0 : index
      %get3A_117 = arith.constant 0 : index
      %get3A_118 = vector.load %arg11[%get3A_116, %get3A_117] : memref<64x10xf32, #tpu.memory_space<vmem>>, vector<64x10xf32>
      %dot_general3A_119 = arith.constant dense<0.000000e+00> : vector<64x10xf32>
      %dot_general3A_120 = tpu.matmul %div3A_110, %get3A_118, %dot_general3A_119 {dimension_numbers = #tpu.dot_dimension_numbers<[1], [0], [0], [1], [0, 0, 1, 1], [], []>, transpose_lhs_hint = false} : vector<64x64xf32>, vector<64x10xf32>, vector<64x10xf32> -> vector<64x10xf32>
      %add3A_121 = arith.addf %dot_general3A_115, %dot_general3A_120 : vector<64x10xf32>
      %get3A_122 = arith.constant 0 : index
      %get3A_123 = arith.constant 0 : index
      %get3A_124 = vector.load %arg12[%get3A_122, %get3A_123] : memref<1x10xf32, #tpu.memory_space<vmem>>, vector<1x10xf32>
      %add3A_125 = vector.broadcast %get3A_124 : vector<1x10xf32> to vector<64x10xf32>
      %add3A_126 = arith.addf %add3A_121, %add3A_125 : vector<64x10xf32>
      %swap3A_127 = arith.constant 0 : index
      %swap3A_128 = arith.constant 0 : index
      %swap3A_129 = vector.load %arg14[%swap3A_127, %swap3A_128] : memref<64x10xf32, #tpu.memory_space<vmem>>, vector<64x10xf32>
      tpu.vector_store %arg14[%swap3A_127, %swap3A_128], %add3A_126 {strides = array<i32>} : memref<64x10xf32, #tpu.memory_space<vmem>>, vector<64x10xf32>,
    } else {
    }
    return
  }
  func.func @transform_0(%arg0: i32) -> (i32, i32) {
    %c0_i32 = arith.constant 0 : i32
    %c0_i32_0 = arith.constant 0 : i32
    return %arg0, %c0_i32 : i32, i32
  }
  func.func @transform_1(%arg0: i32) -> (i32, i32) {
    %c0_i32 = arith.constant 0 : i32
    %c0_i32_0 = arith.constant 0 : i32
    return %arg0, %c0_i32 : i32, i32
  }
  func.func @transform_2(%arg0: i32) -> (i32, i32) {
    %c0_i32 = arith.constant 0 : i32
    %c0_i32_0 = arith.constant 0 : i32
    return %arg0, %c0_i32 : i32, i32
  }
  func.func @transform_3(%arg0: i32) -> (i32, i32) {
    %c0_i32 = arith.constant 0 : i32
    %c0_i32_0 = arith.constant 0 : i32
    %c0_i32_1 = arith.constant 0 : i32
    return %c0_i32, %c0_i32_0 : i32, i32
  }
  func.func @transform_4(%arg0: i32) -> (i32, i32) {
    %c0_i32 = arith.constant 0 : i32
    %c0_i32_0 = arith.constant 0 : i32
    %c0_i32_1 = arith.constant 0 : i32
    return %c0_i32, %c0_i32_0 : i32, i32
  }
  func.func @transform_5(%arg0: i32) -> (i32, i32) {
    %c0_i32 = arith.constant 0 : i32
    %c0_i32_0 = arith.constant 0 : i32
    %c0_i32_1 = arith.constant 0 : i32
    return %c0_i32, %c0_i32_0 : i32, i32
  }
  func.func @transform_6(%arg0: i32) -> (i32, i32) {
    %c0_i32 = arith.constant 0 : i32
    %c0_i32_0 = arith.constant 0 : i32
    %c0_i32_1 = arith.constant 0 : i32
    return %c0_i32, %c0_i32_0 : i32, i32
  }
  func.func @transform_7(%arg0: i32) -> (i32, i32) {
    %c0_i32 = arith.constant 0 : i32
    %c0_i32_0 = arith.constant 0 : i32
    %c0_i32_1 = arith.constant 0 : i32
    return %c0_i32, %c0_i32_0 : i32, i32
  }
  func.func @transform_8(%arg0: i32) -> (i32, i32) {
    %c0_i32 = arith.constant 0 : i32
    %c0_i32_0 = arith.constant 0 : i32
    %c0_i32_1 = arith.constant 0 : i32
    return %c0_i32, %c0_i32_0 : i32, i32
  }
  func.func @transform_9(%arg0: i32) -> (i32, i32) {
    %c0_i32 = arith.constant 0 : i32
    %c0_i32_0 = arith.constant 0 : i32
    %c0_i32_1 = arith.constant 0 : i32
    return %c0_i32, %c0_i32_0 : i32, i32
  }
  func.func @transform_10(%arg0: i32) -> (i32, i32) {
    %c0_i32 = arith.constant 0 : i32
    %c0_i32_0 = arith.constant 0 : i32
    %c0_i32_1 = arith.constant 0 : i32
    return %c0_i32, %c0_i32_0 : i32, i32
  }
  func.func @transform_11(%arg0: i32) -> (i32, i32) {
    %c0_i32 = arith.constant 0 : i32
    %c0_i32_0 = arith.constant 0 : i32
    %c0_i32_1 = arith.constant 0 : i32
    return %c0_i32, %c0_i32_0 : i32, i32
  }
  func.func @transform_12(%arg0: i32) -> (i32, i32) {
    %c0_i32 = arith.constant 0 : i32
    %c0_i32_0 = arith.constant 0 : i32
    return %arg0, %c0_i32 : i32, i32
  }
  func.func @transform_13(%arg0: i32) -> (i32, i32) {
    %c0_i32 = arith.constant 0 : i32
    %c0_i32_0 = arith.constant 0 : i32
    %c0_i32_1 = arith.constant 0 : i32
    return %c0_i32, %c0_i32_0 : i32, i32
  }
}

</mosaic_0001>

<sc_bundles>
// kernel: kernel.34.cloned.1.call-start
scs
__scs_entry_jumppad:
0x0: {  	(pc) =	sbr.rel $0x88, $3  }
0x1: {  	(tag) =	ssettag $0x0;
	lr =	simm.s32 $0x1  }
0x2: {  	[smem:$0x3F90] =	sst lr;
	_ =	strace $0xD0000000  }
0x3: {  	_ = 	snop  }
0x4: {  	_ = 	snop  }
0x5: {  	_ = 	snop  }
0x6: {  	_ = 	snop  }
0x7: {  	_ = 	snop  }
__scs_overlays_trampoline_lowered:
0x8: {  	[smem:$0x3F9F] =	sst s0  }
0x9: {  	[smem:$0x3FA0] =	sst s1  }
0xa: {  	[smem:$0x3FA1] =	sst s2  }
0xb: {  	[smem:$0x3FA2] =	sst s3  }
0xc: {  	[smem:$0x3FA3] =	sst s4  }
0xd: {  	[smem:$0x3FA4] =	sst s5  }
0xe: {  	[smem:$0x3FA5] =	sst s6  }
0xf: {  	[smem:$0x3FA6] =	sst s7  }
0x10: {  	[smem:$0x3FA7] =	sst s8  }
0x11: {  	[smem:$0x3FA8] =	sst s9;
	s0 =	simm.s32 @!p0 $0x0  }
0x12: {  	s1 =	sld [smem:$0x3F8E];
	s0 =	simm.s32 @p0 $0x1  }
0x13: {  	[smem:$0x3FA9] =	sst s0;
	s0 =	simm.s32 @!p1 $0x0  }
0x14: {  	s2 =	sld [smem:$0x3F8D];
	s0 =	simm.s32 @p1 $0x1  }
0x15: {  	[smem:$0x3FAA] =	sst s0;
	s0 =	simm.s32 @!p2 $0x0  }
0x16: {  	s3 =	sld [smem:$0x3FDB];
	s0 =	simm.s32 @p2 $0x1  }
0x17: {  	s4 =	simm.s32 $0x1BF5;
	[smem:$0x3FAC] =	sst s0  }
0x18: {  	s0 =	sld [smem:$0x3F8F];
	_ =	swait.ge [sflag:s4], $0x0  }
0x19: {  	s7 =	sld [smem:$0x3F90]  }
0x1a: {  	s8 =	sadd.s32 $0xFFFFE003, lr  }
0x1b: {  	s9 =	sadd.s32 $0xFFFFFEF7, lr;
	s5 =	simm.s32 $0xFFFFFFFF;
	p2 =	slt.u32 s8, $0xFFFFF086  }
0x1c: {  	p1 =	slt.u32 s9, $0xF7A;
	s5 =	simm.s32 @!p2 $0x0  }
0x1d: {  	s5 =	simm.s32 @p1 $0x1;
	p0 =	seq.s32 s7, s2  }
0x1e: {  	s7 =	smul.u32 @!p0 $0xF7A, s2;
	p2 =	seq.s32 @!p0 s5, $0x0  }
0x1f: {  	s9 =	smul.u32 $0xF7A, s1;
	s8 =	simm.s32 @!p0 $0x1BF5;
	p2 =	por !p2, p0  }
0x20: {  	[sflag:s8] =	ssyncset.s32 @!p0 $0xFFFFF086;
	s6 =	sadd.s32 @!p0 s3, s7;
	s7 =	simm.s32 @!p0 $0x108  }
0x21: {  	s3 =	sadd.s32 s3, s9;
	s6 =	sadd.s32 @!p0 $0x88, s6;
	s7 =	simm.s32 @p2 $0x1082  }
0x22: {  	[simem:s7], [sflag:s8] =	dma.local @!p0 [hbm:s6], $0xF7A  }
0x23: {  	s9 =	sor.u32 $0xD0000000, s2;
	s6 =	simm.s32 $0x108;
	_ =	swait.ge @!p0 [sflag:s8], $0x0  }
0x24: {  	s3 =	sadd.s32 $0x88, s3;
	s6 =	simm.s32 @!p1 $0x1082;
	[sflag:s4] =	ssyncset.s32 $0xFFFFF086  }
0x25: {  	[simem:s6], [sflag:s4] =	dma.local [hbm:s3], $0xF7A  }
0x26: {  	[smem:$0x3F90] =	sst s1;
	(tag) =	ssettag s2;
	_ =	strace s9  }
0x27: {  	s1 =	sld [smem:$0x3FA0]  }
0x28: {  	s2 =	sld [smem:$0x3FA1]  }
0x29: {  	s4 =	sld [smem:$0x3FA3]  }
0x2a: {  	p0 =	seq.s32 s5, $0x0;
	s5 =	sld [smem:$0x3FA4]  }
0x2b: {  	s6 =	sld [smem:$0x3FA5]  }
0x2c: {  	s7 =	sld [smem:$0x3FA6]  }
0x2d: {  	s3 =	simm.s32 $0x108;
	s8 =	sld [smem:$0x3FA7]  }
0x2e: {  	s3 =	simm.s32 @!p0 $0x1082;
	s9 =	sld [smem:$0x3FA8]  }
0x2f: {  	lr =	sadd.s32 s0, s3;
	s0 =	sld [smem:$0x3F9F]  }
0x30: {  	s3 =	sld [smem:$0x3FA2]  }
0x31: {  	[smem:$0x3FAB] =	sst s10  }
0x32: {  	s10 =	sld [smem:$0x3FA9];
	_ =	sdelay $0x3  }
0x33: {  	p0 =	seq.s32 s10, $0x1;
	s10 =	sld [smem:$0x3FAB];
	_ =	sdelay $0x3  }
0x34: {  	[smem:$0x3FAB] =	sst s10  }
0x35: {  	s10 =	sld [smem:$0x3FAA];
	_ =	sdelay $0x3  }
0x36: {  	p1 =	seq.s32 s10, $0x1;
	s10 =	sld [smem:$0x3FAB];
	_ =	sdelay $0x3  }
0x37: {  	[smem:$0x3FAB] =	sst s10  }
0x38: {  	s10 =	sld [smem:$0x3FAC]  }
0x39: {  	_ = 	snop;
	(pc) =	sbr.ind lr, $3  }
0x3a: {  	_ = 	snop  }
0x3b: {  	_ = 	snop  }
0x3c: {  	p2 =	seq.s32 s10, $0x1;
	s10 =	sld [smem:$0x3FAB]  }
0x3d: {  	_ =	shalt  }
0x3e: {  	_ =	shalt  }
0x3f: {  	_ =	shalt  }
0x40: {  	_ =	shalt  }
0x41: {  	_ =	shalt  }
0x42: {  	_ =	shalt  }
0x43: {  	_ =	shalt  }
0x44: {  	_ =	shalt  }
0x45: {  	_ =	shalt  }
0x46: {  	_ =	shalt  }
0x47: {  	_ =	shalt  }
0x48: {  	_ =	shalt  }
0x49: {  	_ =	shalt  }
0x4a: {  	_ =	shalt  }
0x4b: {  	_ =	shalt  }
0x4c: {  	_ =	shalt  }
0x4d: {  	_ =	shalt  }
0x4e: {  	_ =	shalt  }
0x4f: {  	_ =	shalt  }
0x50: {  	_ =	shalt  }
0x51: {  	_ =	shalt  }
0x52: {  	_ =	shalt  }
0x53: {  	_ =	shalt  }
0x54: {  	_ =	shalt  }
0x55: {  	_ =	shalt  }
0x56: {  	_ =	shalt  }
0x57: {  	_ =	shalt  }
0x58: {  	_ =	shalt  }
0x59: {  	_ =	shalt  }
0x5a: {  	_ =	shalt  }
0x5b: {  	_ =	shalt  }
0x5c: {  	_ =	shalt  }
0x5d: {  	_ =	shalt  }
0x5e: {  	_ =	shalt  }
0x5f: {  	_ =	shalt  }
0x60: {  	_ =	shalt  }
0x61: {  	_ =	shalt  }
0x62: {  	_ =	shalt  }
0x63: {  	_ =	shalt  }
0x64: {  	_ =	shalt  }
0x65: {  	_ =	shalt  }
0x66: {  	_ =	shalt  }
0x67: {  	_ =	shalt  }
0x68: {  	_ =	shalt  }
0x69: {  	_ =	shalt  }
0x6a: {  	_ =	shalt  }
0x6b: {  	_ =	shalt  }
0x6c: {  	_ =	shalt  }
0x6d: {  	_ =	shalt  }
0x6e: {  	_ =	shalt  }
0x6f: {  	_ =	shalt  }
0x70: {  	_ =	shalt  }
0x71: {  	_ =	shalt  }
0x72: {  	_ =	shalt  }
0x73: {  	_ =	shalt  }
0x74: {  	_ =	shalt  }
0x75: {  	_ =	shalt  }
0x76: {  	_ =	shalt  }
0x77: {  	_ =	shalt  }
0x78: {  	_ =	shalt  }
0x79: {  	_ =	shalt  }
0x7a: {  	_ =	shalt  }
0x7b: {  	_ =	shalt  }
0x7c: {  	_ =	shalt  }
0x7d: {  	_ =	shalt  }
0x7e: {  	_ =	shalt  }
0x7f: {  	_ =	shalt  }
0x80: {  	_ =	shalt  }
0x81: {  	_ =	shalt  }
0x82: {  	_ =	shalt  }
0x83: {  	_ =	shalt  }
0x84: {  	_ =	shalt  }
0x85: {  	_ =	shalt  }
0x86: {  	_ =	shalt  }
0x87: {  	_ =	shalt  }
.Lfunc_end0:
.L_simem_size_0:
called_computation_lowered:
.L_overlay_start_0:
0x88: {  	s2 =	sld [smem:$0x3FD9]  }
0x89: {  	s3 =	sld [smem:$0x3FFE];
	_ =	sdelay $0x1  }
0x8a: {  	s1 =	srdreg.scid  }
0x8b: {  	s0 =	sand.u32 $0x1, s1  }
0x8c: {  	s16 =	sshll.u32 s0, $0xA;
	s2 =	sadd.s32 s3, s2  }
0x8d: {  	s2 =	sadd.s32 s2, s16  }
0x8e: {  	[smem:$0x3FB7] =	sst s2  }
0x8f: {  	_ = 	snop  }
0x90: {  	(tm) =	ssettm $0x1  }
0x91: {  	s17 =	sld [smem:$0x3FFB];
	_ =	sdelay $0x3  }
0x92: {  	_ =	strace s17  }
0x93: {  	s2 =	sld [smem:$0x3FFC];
	_ =	sdelay $0x3  }
0x94: {  	_ =	strace s2  }
0x95: {  	s2 =	sld [smem:$0x3FFD];
	_ =	sdelay $0x3  }
0x96: {  	_ =	strace s2  }
0x97: {  	_ =	strace $0x8FFFFFFF  }
0x98: {  	s18 =	sld [smem:$0x3FDB];
	_ =	sdelay $0x1  }
0x99: {  	s19 =	simm.s32 $_scs_section_size  }
0x9a: {  	s4 =	simm.s32 $_size__tile_overlayer_lowered;
	s5 =	simm.s32 $_tile_overlayer_lowered  }
0x9b: {  	s22 =	simm.s32 $0x1BFF;
	s21 =	sshll.u32 s5, $0x1;
	s2 =	sadd.s32 s19, s18  }
0x9c: {  	s6 =	simm.s32 $0x0;
	s20 =	sshll.u32 s4, $0x1;
	s4 =	sadd.s32 s21, s2  }
0x9d: {  	[timem:s6], [sflag:s22] =	dma.local [hbm:s4], s20  }
0x9e: {  	_ =	swait.ge [sflag:s22], s20  }
0x9f: {  	s3 =	ssub.s32 $0x0, s20;
	[sflag:s22] =	ssyncset.done $0x0  }
0xa0: {  	[sflag:s22] =	ssyncadd.s32 s3;
	_ =	sdelay $0x1  }
0xa1: {  	s23 =	simm.s32 $0x1B8B  }
0xa2: {  	_ =	swait.ge [sflag:s23], $0x1  }
0xa3: {  	[sflag:s23] =	ssyncset.done $0x0  }
0xa4: {  	s25 =	simm.s32 $0x1B8E;
	s24 =	sld [smem:$0x3FFE];
	[sflag:s23] =	ssyncadd.s32 $0xFFFFFFFF  }
0xa5: {  	s26 =	simm.s32 $execute0_lowered;
	[smem:$0x3FD2] =	sst s25  }
0xa6: {  	s4 =	sshll.u32 s26, $0x1;
	_ =	strace $0x80000046;
	[dreg:$0x1] =	wrdreg $0xFFFFFFFF  }
0xa7: {  	s28 =	simm.s32 $_size_execute0_lowered;
	s2 =	sadd.s32 s2, s4;
	[dreg:$0x0] =	wrdreg $0x0  }
0xa8: {  	s4 =	sshll.u32 s28, $0x1;
	[dreg:$0x2] =	wrdreg s2  }
0xa9: {  	[dreg:$0x3] =	wrdreg s4  }
0xaa: {  	[dreg:$0x4] =	wrdreg $0xC0  }
0xab: {  	_ =	task [dreg:s6], $0x5FFFF  }
0xac: {  	[dreg:$0x1] =	wrdreg $0xFFFFFFFF  }
0xad: {  	[dreg:$0x0] =	wrdreg $0x60  }
0xae: {  	[dreg:$0x2] =	wrdreg s24  }
0xaf: {  	[dreg:$0x3] =	wrdreg $0xA8000  }
0xb0: {  	[dreg:$0x4] =	wrdreg $0x9  }
0xb1: {  	_ =	task.clear_ibuf [dreg:s6], $0x5FFFF;
	_ =	strace $0x90000046  }
0xb2: {  	s29 =	simm.s32 $0x9;
	_ =	strace $0x80000048  }
0xb3: {  	_ =	swait.ge [sflag:s29], $0x1  }
0xb4: {  	[sflag:s29] =	ssyncadd.s32 $0xFFFFFFFF  }
0xb5: {  	_ =	strace $0x90000048  }
0xb6: {  	_ =	sfence  }
0xb7: {  	s30 =	sld [smem:$0x0];
	_ =	sdelay $0x2  }
0xb8: {  	s31 =	sshll.u32 s1, $0xD;
	s1 =	sshrl.u32 s1, $0x2  }
0xb9: {  	s3 =	sand.u32 $0x4000, s31;
	s1 =	sadd.s32 s1, s30  }
0xba: {  	s0 =	sor.u32 s3, s0;
	s1 =	sshll.u32 s1, $0x11  }
0xbb: {  	s0 =	sor.u32 s1, s0  }
0xbc: {  	s0 =	sadd.s32 $0x8F2B, s0  }
0xbd: {  	[sflag:s0] =	ssyncadd.remote.s32 $0x1  }
0xbe: {  	_ =	sfence.sel $0xFFFF  }
0xbf: {  	[dreg:$0x0] =	wrdreg $0xFFFFFFFF;
	(pc) =	sbr.abs _section_cstart, $3  }
0xc0: {  	[dreg:$0x1] =	wrdreg $0xFFFFFFFF  }
0xc1: {  	_ =	task.clear_ibuf [dreg:s6], $0x2FFFF;
	_ =	strace $0x9FFFFFFF  }
0xc2: {  	(tm) =	ssettm $0x7FFFFFFF  }
0xc3: {  	_ =	shalt  }
tec
execute0_lowered:
.L_overlay_start_1:
0x0: {  	(tag) =	ssettag $0x1  }
0x1: {  	s6 =	rddreg [dreg:$0x0]  }
0x2: {  	s0 =	srdreg.scid;
	s2 =	rddreg [dreg:$0x1]  }
0x3: {  	s3 =	simm.s32 $0x0;
	s14 =	simm.s32 $0x80;
	s15 =	simm.s32 $0x2800  }
0x4: {  	s16 =	simm.s32 $0x6800;
	s17 =	simm.s32 $0x1;
	s18 =	simm.s32 $0x2  }
0x5: {  	s19 =	simm.s32 $0x3;
	s5 =	sand.u32 $0x1, s0;
	s0 =	stileid.u32  }
0x6: {  	s20 =	simm.s32 $0x4;
	s21 =	simm.s32 $0x0;
	s8 =	smul.u32 $0x14000, s0  }
0x7: {  	[smem:$0x7FF] =	sst s3;
	s4 =	sadd.s32 $0x6C00, s6;
	s9 =	smul.u32 $0x140000, s5  }
0x8: {  	s1 =	sshll.u32 s5, $0x4;
	s5 =	ssub.s32 $0x2, s5;
	s30 =	smul.u32 $0x50000, s0  }
0x9: {  	s12 =	sshll.u32 s0, $0x6;
	s1 =	sor.u32 s0, s1;
	s31 =	sshrl.u32 s5, $0x1  }
0xa: {  	s12 =	sor.u32 $0x1C05, s12;
	s7 =	smul.u32 $0x280, s1;
	s1 =	rddreg [dreg:$0x2]  }
0xb: {  	_ =	strace $0x80000047;
	s10 =	sshrl.u32 s8, $0x3;
	s8 =	sadd.s32 s8, s9  }
0xc: {  	s11 =	ssub.s32 s5, s31;
	s9 =	sshrl.u32 s30, $0x2;
	s8 =	sshrl.u32 s8, $0x3  }
0xd: {  	s10 =	sadd.s32 s10, s6;
	s13 =	sadd.s32 s9, s2;
	s9 =	smax.u32 s11, $0x1  }
0xe: {  	s11 =	simm.s32 $0x1400;
	s7 =	sadd.s32 s7, s6;
	s8 =	sadd.s32 s8, s6  }
0xf: {  	s13 =	sshrl.u32 s13, $0x3;
	s5 =	sadd.s32 $0x54E00, s7;
	s6 =	sadd.s32 $0x59E00, s7  }
0x10: {  	s7 =	sadd.s32 $0x5EE00, s10;
	s8 =	sadd.s32 $0x86E00, s8;
	s10 =	simm.s32 $0x5  }
.LBB2_1:
0x11: {  	[tilespmem:s3], [sflag:$0x5] =	stream.linear.gather [hbm4b:s5+s3], $0x1400, $0x38;
	[tilespmem:$0x1E800] =	vst v63  }
0x12: {  	_ =	swait.ge [sflag:s10], $0x1400  }
0x13: {  	[sflag:s10] =	ssyncset.done $0x0  }
0x14: {  	[sflag:s10] =	ssyncadd.s32 $0xFFFFEC00  }
0x15: {  	[tilespmem:s11], [sflag:$0x5] =	stream.linear.gather [hbm4b:s6+s3], $0x1400, $0x38;
	[tilespmem:$0x1E800] =	vst v63  }
0x16: {  	_ =	swait.ge [sflag:s10], $0x1400  }
0x17: {  	[sflag:s10] =	ssyncset.done $0x0  }
0x18: {  	[sflag:s10] =	ssyncadd.s32 $0xFFFFEC00  }
0x19: {  	[spmem:s13], [sflag:s12] =	dma.local [hbm:s7], $0x2800  }
0x1a: {  	_ =	swait.ge [sflag:s10], $0x2800  }
0x1b: {  	[sflag:s10] =	ssyncset.done $0x0  }
0x1c: {  	[sflag:s10] =	ssyncadd.s32 $0xFFFFD800  }
0x1d: {  	s22 =	simm.s32 $0x0;
	[bflag:$0x0] =	sbarrier.arrive $0xFFFF  }
0x1e: {  	[tilespmem:s15], [sflag:$0x1] =	stream.indirect.gather [hbm4b:s4+s14], $0x80, s22, s14, $0xb8;
	[tilespmem:$0x1E800] =	vst v63  }
0x1f: {  	s29 =	simm.s32 $0x80  }
0x20: {  	[tilespmem:s16], [sflag:$0x2] =	stream.indirect.gather [hbm4b:s4+s14], $0x80, s29, s14, $0xb8;
	[tilespmem:$0x1E800] =	vst v63  }
0x21: {  	_ =	swait.ge [sflag:s17], $0x4000  }
0x22: {  	[sflag:s17] =	ssyncset.done $0x0  }
0x23: {  	s30 =	simm.s32 $0x1400;
	[sflag:s17] =	ssyncadd.s32 $0xFFFFC000  }
0x24: {  	[spmem:s2] =	stream.indirect.scatter.add.f32 [tilespmem:s15], [sflag:$0x3], $0x80, s30, s14, $0xb8;
	[tilespmem:$0x1E800] =	vst v63  }
0x25: {  	_ =	swait.ge [sflag:s18], $0x4000  }
0x26: {  	[sflag:s18] =	ssyncset.done $0x0  }
0x27: {  	s31 =	simm.s32 $0x1480;
	[sflag:s18] =	ssyncadd.s32 $0xFFFFC000  }
0x28: {  	[spmem:s2] =	stream.indirect.scatter.add.f32 [tilespmem:s16], [sflag:$0x4], $0x80, s31, s14, $0xb8;
	[tilespmem:$0x1E800] =	vst v63  }
0x29: {  	_ =	swait.ge [sflag:s19], $0x4000  }
0x2a: {  	[sflag:s19] =	ssyncset.done $0x0  }
0x2b: {  	[sflag:s19] =	ssyncadd.s32 $0xFFFFC000  }
0x2c: {  	_ =	swait.ge [sflag:s20], $0x4000  }
0x2d: {  	s23 =	simm.s32 $0x800;
	s22 =	simm.s32 $0x400;
	[sflag:s20] =	ssyncset.done $0x0  }
.LBB2_2:
0x2e: {  	s24 =	sshra.s32 s22, $0x2  }
0x2f: {  	[sflag:s20] =	ssyncadd.s32 $0xFFFFC000;
	s22 =	smov.u32 s23;
	s25 =	sadd.s32 $0x400, s23  }
0x30: {  	[tilespmem:s15], [sflag:$0x1] =	stream.indirect.gather [hbm4b:s4+s14], $0x80, s24, s14, $0xb8;
	[tilespmem:$0x1E800] =	vst v63  }
0x31: {  	p0 =	sne.s32 s23, $0x4C00;
	s23 =	sadd.s32 $0x80, s24  }
0x32: {  	[tilespmem:s16], [sflag:$0x2] =	stream.indirect.gather [hbm4b:s4+s14], $0x80, s23, s14, $0xb8;
	[tilespmem:$0x1E800] =	vst v63  }
0x33: {  	_ =	swait.ge [sflag:s17], $0x4000  }
0x34: {  	[sflag:s17] =	ssyncset.done $0x0  }
0x35: {  	s23 =	sadd.s32 $0x1400, s24;
	[sflag:s17] =	ssyncadd.s32 $0xFFFFC000  }
0x36: {  	[spmem:s2] =	stream.indirect.scatter.add.f32 [tilespmem:s15], [sflag:$0x3], $0x80, s23, s14, $0xb8;
	[tilespmem:$0x1E800] =	vst v63  }
0x37: {  	_ =	swait.ge [sflag:s18], $0x4000  }
0x38: {  	[sflag:s18] =	ssyncset.done $0x0  }
0x39: {  	s23 =	sadd.s32 $0x1480, s24;
	[sflag:s18] =	ssyncadd.s32 $0xFFFFC000  }
0x3a: {  	[spmem:s2] =	stream.indirect.scatter.add.f32 [tilespmem:s16], [sflag:$0x4], $0x80, s23, s14, $0xb8;
	[tilespmem:$0x1E800] =	vst v63  }
.Ltmp0:
0x3b: {  	_ =	swait.ge [sflag:s19], $0x4000;
	(pc) =	sbr.rel @p0 .LBB2_2-.Ltmp0, $4  }
0x3c: {  	[sflag:s19] =	ssyncset.done $0x0  }
0x3d: {  	[sflag:s19] =	ssyncadd.s32 $0xFFFFC000  }
0x3e: {  	_ =	swait.ge [sflag:s20], $0x4000  }
0x3f: {  	s23 =	smov.u32 s25;
	[sflag:s20] =	ssyncset.done $0x0  }
0x40: {  	s22 =	sshra.s32 s22, $0x2;
	[sflag:s20] =	ssyncadd.s32 $0xFFFFC000  }
0x41: {  	[tilespmem:s15], [sflag:$0x1] =	stream.indirect.gather [hbm4b:s4+s14], $0x80, s22, s14, $0xb8;
	[tilespmem:$0x1E800] =	vst v63  }
0x42: {  	s23 =	sadd.s32 $0x80, s22  }
0x43: {  	[tilespmem:s16], [sflag:$0x2] =	stream.indirect.gather [hbm4b:s4+s14], $0x80, s23, s14, $0xb8;
	[tilespmem:$0x1E800] =	vst v63  }
0x44: {  	_ =	swait.ge [sflag:s17], $0x4000  }
0x45: {  	[sflag:s17] =	ssyncset.done $0x0  }
0x46: {  	s31 =	sadd.s32 $0x1400, s22;
	[sflag:s17] =	ssyncadd.s32 $0xFFFFC000  }
0x47: {  	[spmem:s2] =	stream.indirect.scatter.add.f32 [tilespmem:s15], [sflag:$0x3], $0x80, s31, s14, $0xb8;
	[tilespmem:$0x1E800] =	vst v63  }
0x48: {  	_ =	swait.ge [sflag:s18], $0x4000  }
0x49: {  	[sflag:s18] =	ssyncset.done $0x0  }
0x4a: {  	s22 =	sadd.s32 $0x1480, s22;
	[sflag:s18] =	ssyncadd.s32 $0xFFFFC000  }
0x4b: {  	[spmem:s2] =	stream.indirect.scatter.add.f32 [tilespmem:s16], [sflag:$0x4], $0x80, s22, s14, $0xb8;
	[tilespmem:$0x1E800] =	vst v63  }
0x4c: {  	_ =	swait.ge [sflag:s19], $0x4000  }
0x4d: {  	[sflag:s19] =	ssyncset.done $0x0  }
0x4e: {  	[sflag:s19] =	ssyncadd.s32 $0xFFFFC000  }
0x4f: {  	_ =	swait.ge [sflag:s20], $0x4000  }
0x50: {  	s21 =	sadd.s32 $0x1, s21;
	[sflag:s20] =	ssyncset.done $0x0  }
0x51: {  	p0 =	sne.s32 s21, s9;
	[sflag:s20] =	ssyncadd.s32 $0xFFFFC000  }
.Ltmp1:
0x52: {  	[bflag:$0x0] =	sbarrier.arrive $0xFFFF;
	(pc) =	sbr.rel @p0 .LBB2_1-.Ltmp1, $4  }
0x53: {  	[hbm:s8], [sflag:s12] =	dma.local [spmem:s13], $0x2800  }
0x54: {  	_ =	swait.ge [sflag:s10], $0x2800  }
0x55: {  	[sflag:s10] =	ssyncset.done $0x0  }
0x56: {  	[sflag:s10] =	ssyncadd.s32 $0xFFFFD800  }
0x57: {  	_ =	sfence.sel $0x180000  }
0x58: {  	[bflag:$0x0] =	sbarrier.arrive $0xFFFF  }
0x59: {  	p0 =	sne.s32 s0, $0x0;
	_ =	strace $0x90000047  }
0x5a: {  	s0 =	sadd.s32 @!p0 $0x100000, s1;
	[bflag:$0x2] =	sbarrier.arrive $0xFFFF  }
0x5b: {  	[sflag:s0] =	ssyncadd.tile.s32 @!p0 $0x1;
	_ =	shalt  }
.Lfunc_end2:
_tile_overlayer_lowered:
.L_overlay_start_2:
0x5c: {  	(tag) =	ssettag $0x2  }
0x5d: {  	s0 =	rddreg [dreg:$0x0];
	s2 =	stileid.u32  }
0x5e: {  	s1 =	rddreg [dreg:$0x1];
	p0 =	sne.s32 s2, $0x0  }
0x5f: {  	s3 =	rddreg [dreg:$0x2];
	[bflag:$0x3] =	sbarrier.arrive $0xFFFF;
	s2 =	simm.s32 @!p0 $0x1C05  }
0x60: {  	[timem:s3], [sflag:s2] =	dma.local @!p0 [hbm:s0], s1  }
0x61: {  	s0 =	simm.s32 @!p0 $0x5  }
0x62: {  	_ =	swait.ge @!p0 [sflag:s0], s1  }
0x63: {  	s1 =	ssub.s32 @!p0 $0x0, s1;
	[sflag:s0] =	ssyncset.done @!p0 $0x0  }
0x64: {  	[sflag:s0] =	ssyncadd.s32 @!p0 s1  }
0x65: {  	[bflag:$0x3] =	sbarrier.arrive $0xFFFF  }
0x66: {  	_ =	shalt  }

// kernel: kernel.37.cloned.1.call-start
scs
__scs_entry_jumppad:
0x0: {  	(pc) =	sbr.rel $0x88, $3  }
0x1: {  	(tag) =	ssettag $0x0;
	lr =	simm.s32 $0x1  }
0x2: {  	[smem:$0x3F90] =	sst lr;
	_ =	strace $0xD0000000  }
0x3: {  	_ = 	snop  }
0x4: {  	_ = 	snop  }
0x5: {  	_ = 	snop  }
0x6: {  	_ = 	snop  }
0x7: {  	_ = 	snop  }
__scs_overlays_trampoline_lowered:
0x8: {  	[smem:$0x3F9F] =	sst s0  }
0x9: {  	[smem:$0x3FA0] =	sst s1  }
0xa: {  	[smem:$0x3FA1] =	sst s2  }
0xb: {  	[smem:$0x3FA2] =	sst s3  }
0xc: {  	[smem:$0x3FA3] =	sst s4  }
0xd: {  	[smem:$0x3FA4] =	sst s5  }
0xe: {  	[smem:$0x3FA5] =	sst s6  }
0xf: {  	[smem:$0x3FA6] =	sst s7  }
0x10: {  	[smem:$0x3FA7] =	sst s8  }
0x11: {  	[smem:$0x3FA8] =	sst s9;
	s0 =	simm.s32 @!p0 $0x0  }
0x12: {  	s1 =	sld [smem:$0x3F8E];
	s0 =	simm.s32 @p0 $0x1  }
0x13: {  	[smem:$0x3FA9] =	sst s0;
	s0 =	simm.s32 @!p1 $0x0  }
0x14: {  	s2 =	sld [smem:$0x3F8D];
	s0 =	simm.s32 @p1 $0x1  }
0x15: {  	[smem:$0x3FAA] =	sst s0;
	s0 =	simm.s32 @!p2 $0x0  }
0x16: {  	s3 =	sld [smem:$0x3FDB];
	s0 =	simm.s32 @p2 $0x1  }
0x17: {  	s4 =	simm.s32 $0x1BF5;
	[smem:$0x3FAC] =	sst s0  }
0x18: {  	s0 =	sld [smem:$0x3F8F];
	_ =	swait.ge [sflag:s4], $0x0  }
0x19: {  	s7 =	sld [smem:$0x3F90]  }
0x1a: {  	s8 =	sadd.s32 $0xFFFFE003, lr  }
0x1b: {  	s9 =	sadd.s32 $0xFFFFFEF7, lr;
	s5 =	simm.s32 $0xFFFFFFFF;
	p2 =	slt.u32 s8, $0xFFFFF086  }
0x1c: {  	p1 =	slt.u32 s9, $0xF7A;
	s5 =	simm.s32 @!p2 $0x0  }
0x1d: {  	s5 =	simm.s32 @p1 $0x1;
	p0 =	seq.s32 s7, s2  }
0x1e: {  	s7 =	smul.u32 @!p0 $0xF7A, s2;
	p2 =	seq.s32 @!p0 s5, $0x0  }
0x1f: {  	s9 =	smul.u32 $0xF7A, s1;
	s8 =	simm.s32 @!p0 $0x1BF5;
	p2 =	por !p2, p0  }
0x20: {  	[sflag:s8] =	ssyncset.s32 @!p0 $0xFFFFF086;
	s6 =	sadd.s32 @!p0 s3, s7;
	s7 =	simm.s32 @!p0 $0x108  }
0x21: {  	s3 =	sadd.s32 s3, s9;
	s6 =	sadd.s32 @!p0 $0x88, s6;
	s7 =	simm.s32 @p2 $0x1082  }
0x22: {  	[simem:s7], [sflag:s8] =	dma.local @!p0 [hbm:s6], $0xF7A  }
0x23: {  	s9 =	sor.u32 $0xD0000000, s2;
	s6 =	simm.s32 $0x108;
	_ =	swait.ge @!p0 [sflag:s8], $0x0  }
0x24: {  	s3 =	sadd.s32 $0x88, s3;
	s6 =	simm.s32 @!p1 $0x1082;
	[sflag:s4] =	ssyncset.s32 $0xFFFFF086  }
0x25: {  	[simem:s6], [sflag:s4] =	dma.local [hbm:s3], $0xF7A  }
0x26: {  	[smem:$0x3F90] =	sst s1;
	(tag) =	ssettag s2;
	_ =	strace s9  }
0x27: {  	s1 =	sld [smem:$0x3FA0]  }
0x28: {  	s2 =	sld [smem:$0x3FA1]  }
0x29: {  	s4 =	sld [smem:$0x3FA3]  }
0x2a: {  	p0 =	seq.s32 s5, $0x0;
	s5 =	sld [smem:$0x3FA4]  }
0x2b: {  	s6 =	sld [smem:$0x3FA5]  }
0x2c: {  	s7 =	sld [smem:$0x3FA6]  }
0x2d: {  	s3 =	simm.s32 $0x108;
	s8 =	sld [smem:$0x3FA7]  }
0x2e: {  	s3 =	simm.s32 @!p0 $0x1082;
	s9 =	sld [smem:$0x3FA8]  }
0x2f: {  	lr =	sadd.s32 s0, s3;
	s0 =	sld [smem:$0x3F9F]  }
0x30: {  	s3 =	sld [smem:$0x3FA2]  }
0x31: {  	[smem:$0x3FAB] =	sst s10  }
0x32: {  	s10 =	sld [smem:$0x3FA9];
	_ =	sdelay $0x3  }
0x33: {  	p0 =	seq.s32 s10, $0x1;
	s10 =	sld [smem:$0x3FAB];
	_ =	sdelay $0x3  }
0x34: {  	[smem:$0x3FAB] =	sst s10  }
0x35: {  	s10 =	sld [smem:$0x3FAA];
	_ =	sdelay $0x3  }
0x36: {  	p1 =	seq.s32 s10, $0x1;
	s10 =	sld [smem:$0x3FAB];
	_ =	sdelay $0x3  }
0x37: {  	[smem:$0x3FAB] =	sst s10  }
0x38: {  	s10 =	sld [smem:$0x3FAC]  }
0x39: {  	_ = 	snop;
	(pc) =	sbr.ind lr, $3  }
0x3a: {  	_ = 	snop  }
0x3b: {  	_ = 	snop  }
0x3c: {  	p2 =	seq.s32 s10, $0x1;
	s10 =	sld [smem:$0x3FAB]  }
0x3d: {  	_ =	shalt  }
0x3e: {  	_ =	shalt  }
0x3f: {  	_ =	shalt  }
0x40: {  	_ =	shalt  }
0x41: {  	_ =	shalt  }
0x42: {  	_ =	shalt  }
0x43: {  	_ =	shalt  }
0x44: {  	_ =	shalt  }
0x45: {  	_ =	shalt  }
0x46: {  	_ =	shalt  }
0x47: {  	_ =	shalt  }
0x48: {  	_ =	shalt  }
0x49: {  	_ =	shalt  }
0x4a: {  	_ =	shalt  }
0x4b: {  	_ =	shalt  }
0x4c: {  	_ =	shalt  }
0x4d: {  	_ =	shalt  }
0x4e: {  	_ =	shalt  }
0x4f: {  	_ =	shalt  }
0x50: {  	_ =	shalt  }
0x51: {  	_ =	shalt  }
0x52: {  	_ =	shalt  }
0x53: {  	_ =	shalt  }
0x54: {  	_ =	shalt  }
0x55: {  	_ =	shalt  }
0x56: {  	_ =	shalt  }
0x57: {  	_ =	shalt  }
0x58: {  	_ =	shalt  }
0x59: {  	_ =	shalt  }
0x5a: {  	_ =	shalt  }
0x5b: {  	_ =	shalt  }
0x5c: {  	_ =	shalt  }
0x5d: {  	_ =	shalt  }
0x5e: {  	_ =	shalt  }
0x5f: {  	_ =	shalt  }
0x60: {  	_ =	shalt  }
0x61: {  	_ =	shalt  }
0x62: {  	_ =	shalt  }
0x63: {  	_ =	shalt  }
0x64: {  	_ =	shalt  }
0x65: {  	_ =	shalt  }
0x66: {  	_ =	shalt  }
0x67: {  	_ =	shalt  }
0x68: {  	_ =	shalt  }
0x69: {  	_ =	shalt  }
0x6a: {  	_ =	shalt  }
0x6b: {  	_ =	shalt  }
0x6c: {  	_ =	shalt  }
0x6d: {  	_ =	shalt  }
0x6e: {  	_ =	shalt  }
0x6f: {  	_ =	shalt  }
0x70: {  	_ =	shalt  }
0x71: {  	_ =	shalt  }
0x72: {  	_ =	shalt  }
0x73: {  	_ =	shalt  }
0x74: {  	_ =	shalt  }
0x75: {  	_ =	shalt  }
0x76: {  	_ =	shalt  }
0x77: {  	_ =	shalt  }
0x78: {  	_ =	shalt  }
0x79: {  	_ =	shalt  }
0x7a: {  	_ =	shalt  }
0x7b: {  	_ =	shalt  }
0x7c: {  	_ =	shalt  }
0x7d: {  	_ =	shalt  }
0x7e: {  	_ =	shalt  }
0x7f: {  	_ =	shalt  }
0x80: {  	_ =	shalt  }
0x81: {  	_ =	shalt  }
0x82: {  	_ =	shalt  }
0x83: {  	_ =	shalt  }
0x84: {  	_ =	shalt  }
0x85: {  	_ =	shalt  }
0x86: {  	_ =	shalt  }
0x87: {  	_ =	shalt  }
.Lfunc_end0:
.L_simem_size_0:
called_computation.1_lowered:
.L_overlay_start_0:
0x88: {  	s2 =	sld [smem:$0x3FD9]  }
0x89: {  	s3 =	sld [smem:$0x3FFE];
	_ =	sdelay $0x1  }
0x8a: {  	s1 =	srdreg.scid  }
0x8b: {  	s0 =	sand.u32 $0x1, s1  }
0x8c: {  	s16 =	sshll.u32 s0, $0xA;
	s2 =	sadd.s32 s3, s2  }
0x8d: {  	s2 =	sadd.s32 s2, s16  }
0x8e: {  	[smem:$0x3FB7] =	sst s2  }
0x8f: {  	_ = 	snop  }
0x90: {  	(tm) =	ssettm $0x1  }
0x91: {  	s17 =	sld [smem:$0x3FFB];
	_ =	sdelay $0x3  }
0x92: {  	_ =	strace s17  }
0x93: {  	s2 =	sld [smem:$0x3FFC];
	_ =	sdelay $0x3  }
0x94: {  	_ =	strace s2  }
0x95: {  	s2 =	sld [smem:$0x3FFD];
	_ =	sdelay $0x3  }
0x96: {  	_ =	strace s2  }
0x97: {  	_ =	strace $0x8FFFFFFF  }
0x98: {  	s18 =	sld [smem:$0x3FDB];
	_ =	sdelay $0x1  }
0x99: {  	s19 =	simm.s32 $_scs_section_size  }
0x9a: {  	s4 =	simm.s32 $_size__tile_overlayer_lowered;
	s5 =	simm.s32 $_tile_overlayer_lowered  }
0x9b: {  	s22 =	simm.s32 $0x1BFF;
	s21 =	sshll.u32 s5, $0x1;
	s2 =	sadd.s32 s19, s18  }
0x9c: {  	s6 =	simm.s32 $0x0;
	s20 =	sshll.u32 s4, $0x1;
	s4 =	sadd.s32 s21, s2  }
0x9d: {  	[timem:s6], [sflag:s22] =	dma.local [hbm:s4], s20  }
0x9e: {  	_ =	swait.ge [sflag:s22], s20  }
0x9f: {  	s3 =	ssub.s32 $0x0, s20;
	[sflag:s22] =	ssyncset.done $0x0  }
0xa0: {  	[sflag:s22] =	ssyncadd.s32 s3;
	_ =	sdelay $0x1  }
0xa1: {  	s23 =	simm.s32 $0x1B8B  }
0xa2: {  	_ =	swait.ge [sflag:s23], $0x1  }
0xa3: {  	[sflag:s23] =	ssyncset.done $0x0  }
0xa4: {  	s25 =	simm.s32 $0x1B8E;
	s24 =	sld [smem:$0x3FFE];
	[sflag:s23] =	ssyncadd.s32 $0xFFFFFFFF  }
0xa5: {  	s26 =	simm.s32 $execute0_lowered;
	[smem:$0x3FD2] =	sst s25  }
0xa6: {  	s4 =	sshll.u32 s26, $0x1;
	_ =	strace $0x80000049;
	[dreg:$0x1] =	wrdreg $0xFFFFFFFF  }
0xa7: {  	s28 =	simm.s32 $_size_execute0_lowered;
	s2 =	sadd.s32 s2, s4;
	[dreg:$0x0] =	wrdreg $0x0  }
0xa8: {  	s4 =	sshll.u32 s28, $0x1;
	[dreg:$0x2] =	wrdreg s2  }
0xa9: {  	[dreg:$0x3] =	wrdreg s4  }
0xaa: {  	[dreg:$0x4] =	wrdreg $0xC0  }
0xab: {  	_ =	task [dreg:s6], $0x5FFFF  }
0xac: {  	[dreg:$0x1] =	wrdreg $0xFFFFFFFF  }
0xad: {  	[dreg:$0x0] =	wrdreg $0x60  }
0xae: {  	[dreg:$0x2] =	wrdreg s24  }
0xaf: {  	[dreg:$0x3] =	wrdreg $0xA8000  }
0xb0: {  	[dreg:$0x4] =	wrdreg $0x9  }
0xb1: {  	_ =	task.clear_ibuf [dreg:s6], $0x5FFFF;
	_ =	strace $0x90000049  }
0xb2: {  	s29 =	simm.s32 $0x9;
	_ =	strace $0x8000004B  }
0xb3: {  	_ =	swait.ge [sflag:s29], $0x1  }
0xb4: {  	[sflag:s29] =	ssyncadd.s32 $0xFFFFFFFF  }
0xb5: {  	_ =	strace $0x9000004B  }
0xb6: {  	_ =	sfence  }
0xb7: {  	s30 =	sld [smem:$0x0];
	_ =	sdelay $0x2  }
0xb8: {  	s31 =	sshll.u32 s1, $0xD;
	s1 =	sshrl.u32 s1, $0x2  }
0xb9: {  	s3 =	sand.u32 $0x4000, s31;
	s1 =	sadd.s32 s1, s30  }
0xba: {  	s0 =	sor.u32 s3, s0;
	s1 =	sshll.u32 s1, $0x11  }
0xbb: {  	s0 =	sor.u32 s1, s0  }
0xbc: {  	s0 =	sadd.s32 $0x8F2B, s0  }
0xbd: {  	[sflag:s0] =	ssyncadd.remote.s32 $0x1  }
0xbe: {  	_ =	sfence.sel $0xFFFF  }
0xbf: {  	[dreg:$0x0] =	wrdreg $0xFFFFFFFF;
	(pc) =	sbr.abs _section_cstart, $3  }
0xc0: {  	[dreg:$0x1] =	wrdreg $0xFFFFFFFF  }
0xc1: {  	_ =	task.clear_ibuf [dreg:s6], $0x2FFFF;
	_ =	strace $0x9FFFFFFF  }
0xc2: {  	(tm) =	ssettm $0x7FFFFFFF  }
0xc3: {  	_ =	shalt  }
tec
execute0_lowered:
.L_overlay_start_1:
0x0: {  	(tag) =	ssettag $0x1  }
0x1: {  	s6 =	rddreg [dreg:$0x0]  }
0x2: {  	s0 =	srdreg.scid;
	s2 =	rddreg [dreg:$0x1]  }
0x3: {  	s3 =	simm.s32 $0x0;
	s14 =	simm.s32 $0x80;
	s15 =	simm.s32 $0x2800  }
0x4: {  	s16 =	simm.s32 $0x6800;
	s17 =	simm.s32 $0x1;
	s18 =	simm.s32 $0x2  }
0x5: {  	s19 =	simm.s32 $0x3;
	s5 =	sand.u32 $0x1, s0;
	s0 =	stileid.u32  }
0x6: {  	s20 =	simm.s32 $0x4;
	s21 =	simm.s32 $0x0;
	s8 =	smul.u32 $0x14000, s0  }
0x7: {  	[smem:$0x7FF] =	sst s3;
	s4 =	sadd.s32 $0x86E00, s6;
	s9 =	smul.u32 $0x140000, s5  }
0x8: {  	s1 =	sshll.u32 s5, $0x4;
	s5 =	ssub.s32 $0x2, s5;
	s30 =	smul.u32 $0x50000, s0  }
0x9: {  	s12 =	sshll.u32 s0, $0x6;
	s1 =	sor.u32 s0, s1;
	s31 =	sshrl.u32 s5, $0x1  }
0xa: {  	s12 =	sor.u32 $0x1C05, s12;
	s7 =	smul.u32 $0x280, s1;
	s1 =	rddreg [dreg:$0x2]  }
0xb: {  	_ =	strace $0x8000004A;
	s10 =	sshrl.u32 s8, $0x3;
	s8 =	sadd.s32 s8, s9  }
0xc: {  	s11 =	ssub.s32 s5, s31;
	s9 =	sshrl.u32 s30, $0x2;
	s8 =	sshrl.u32 s8, $0x3  }
0xd: {  	s10 =	sadd.s32 s10, s6;
	s13 =	sadd.s32 s9, s2;
	s9 =	smax.u32 s11, $0x1  }
0xe: {  	s11 =	simm.s32 $0x1400;
	s7 =	sadd.s32 s7, s6;
	s8 =	sadd.s32 s8, s6  }
0xf: {  	s13 =	sshrl.u32 s13, $0x3;
	s5 =	sadd.s32 $0x54E00, s7;
	s6 =	sadd.s32 $0x59E00, s7  }
0x10: {  	s7 =	sadd.s32 $0x5EE00, s10;
	s8 =	sadd.s32 $0xD5000, s8;
	s10 =	simm.s32 $0x5  }
.LBB2_1:
0x11: {  	[tilespmem:s3], [sflag:$0x5] =	stream.linear.gather [hbm4b:s5+s3], $0x1400, $0x38;
	[tilespmem:$0x1E800] =	vst v63  }
0x12: {  	_ =	swait.ge [sflag:s10], $0x1400  }
0x13: {  	[sflag:s10] =	ssyncset.done $0x0  }
0x14: {  	[sflag:s10] =	ssyncadd.s32 $0xFFFFEC00  }
0x15: {  	[tilespmem:s11], [sflag:$0x5] =	stream.linear.gather [hbm4b:s6+s3], $0x1400, $0x38;
	[tilespmem:$0x1E800] =	vst v63  }
0x16: {  	_ =	swait.ge [sflag:s10], $0x1400  }
0x17: {  	[sflag:s10] =	ssyncset.done $0x0  }
0x18: {  	[sflag:s10] =	ssyncadd.s32 $0xFFFFEC00  }
0x19: {  	[spmem:s13], [sflag:s12] =	dma.local [hbm:s7], $0x2800  }
0x1a: {  	_ =	swait.ge [sflag:s10], $0x2800  }
0x1b: {  	[sflag:s10] =	ssyncset.done $0x0  }
0x1c: {  	[sflag:s10] =	ssyncadd.s32 $0xFFFFD800  }
0x1d: {  	s22 =	simm.s32 $0x0;
	[bflag:$0x0] =	sbarrier.arrive $0xFFFF  }
0x1e: {  	[tilespmem:s15], [sflag:$0x1] =	stream.indirect.gather [hbm4b:s4+s14], $0x80, s22, s14, $0xb8;
	[tilespmem:$0x1E800] =	vst v63  }
0x1f: {  	s29 =	simm.s32 $0x80  }
0x20: {  	[tilespmem:s16], [sflag:$0x2] =	stream.indirect.gather [hbm4b:s4+s14], $0x80, s29, s14, $0xb8;
	[tilespmem:$0x1E800] =	vst v63  }
0x21: {  	_ =	swait.ge [sflag:s17], $0x4000  }
0x22: {  	[sflag:s17] =	ssyncset.done $0x0  }
0x23: {  	s30 =	simm.s32 $0x1400;
	[sflag:s17] =	ssyncadd.s32 $0xFFFFC000  }
0x24: {  	[spmem:s2] =	stream.indirect.scatter.add.f32 [tilespmem:s15], [sflag:$0x3], $0x80, s30, s14, $0xb8;
	[tilespmem:$0x1E800] =	vst v63  }
0x25: {  	_ =	swait.ge [sflag:s18], $0x4000  }
0x26: {  	[sflag:s18] =	ssyncset.done $0x0  }
0x27: {  	s31 =	simm.s32 $0x1480;
	[sflag:s18] =	ssyncadd.s32 $0xFFFFC000  }
0x28: {  	[spmem:s2] =	stream.indirect.scatter.add.f32 [tilespmem:s16], [sflag:$0x4], $0x80, s31, s14, $0xb8;
	[tilespmem:$0x1E800] =	vst v63  }
0x29: {  	_ =	swait.ge [sflag:s19], $0x4000  }
0x2a: {  	[sflag:s19] =	ssyncset.done $0x0  }
0x2b: {  	[sflag:s19] =	ssyncadd.s32 $0xFFFFC000  }
0x2c: {  	_ =	swait.ge [sflag:s20], $0x4000  }
0x2d: {  	s23 =	simm.s32 $0x800;
	s22 =	simm.s32 $0x400;
	[sflag:s20] =	ssyncset.done $0x0  }
.LBB2_2:
0x2e: {  	s24 =	sshra.s32 s22, $0x2  }
0x2f: {  	[sflag:s20] =	ssyncadd.s32 $0xFFFFC000;
	s22 =	smov.u32 s23;
	s25 =	sadd.s32 $0x400, s23  }
0x30: {  	[tilespmem:s15], [sflag:$0x1] =	stream.indirect.gather [hbm4b:s4+s14], $0x80, s24, s14, $0xb8;
	[tilespmem:$0x1E800] =	vst v63  }
0x31: {  	p0 =	sne.s32 s23, $0x4C00;
	s23 =	sadd.s32 $0x80, s24  }
0x32: {  	[tilespmem:s16], [sflag:$0x2] =	stream.indirect.gather [hbm4b:s4+s14], $0x80, s23, s14, $0xb8;
	[tilespmem:$0x1E800] =	vst v63  }
0x33: {  	_ =	swait.ge [sflag:s17], $0x4000  }
0x34: {  	[sflag:s17] =	ssyncset.done $0x0  }
0x35: {  	s23 =	sadd.s32 $0x1400, s24;
	[sflag:s17] =	ssyncadd.s32 $0xFFFFC000  }
0x36: {  	[spmem:s2] =	stream.indirect.scatter.add.f32 [tilespmem:s15], [sflag:$0x3], $0x80, s23, s14, $0xb8;
	[tilespmem:$0x1E800] =	vst v63  }
0x37: {  	_ =	swait.ge [sflag:s18], $0x4000  }
0x38: {  	[sflag:s18] =	ssyncset.done $0x0  }
0x39: {  	s23 =	sadd.s32 $0x1480, s24;
	[sflag:s18] =	ssyncadd.s32 $0xFFFFC000  }
0x3a: {  	[spmem:s2] =	stream.indirect.scatter.add.f32 [tilespmem:s16], [sflag:$0x4], $0x80, s23, s14, $0xb8;
	[tilespmem:$0x1E800] =	vst v63  }
.Ltmp0:
0x3b: {  	_ =	swait.ge [sflag:s19], $0x4000;
	(pc) =	sbr.rel @p0 .LBB2_2-.Ltmp0, $4  }
0x3c: {  	[sflag:s19] =	ssyncset.done $0x0  }
0x3d: {  	[sflag:s19] =	ssyncadd.s32 $0xFFFFC000  }
0x3e: {  	_ =	swait.ge [sflag:s20], $0x4000  }
0x3f: {  	s23 =	smov.u32 s25;
	[sflag:s20] =	ssyncset.done $0x0  }
0x40: {  	s22 =	sshra.s32 s22, $0x2;
	[sflag:s20] =	ssyncadd.s32 $0xFFFFC000  }
0x41: {  	[tilespmem:s15], [sflag:$0x1] =	stream.indirect.gather [hbm4b:s4+s14], $0x80, s22, s14, $0xb8;
	[tilespmem:$0x1E800] =	vst v63  }
0x42: {  	s23 =	sadd.s32 $0x80, s22  }
0x43: {  	[tilespmem:s16], [sflag:$0x2] =	stream.indirect.gather [hbm4b:s4+s14], $0x80, s23, s14, $0xb8;
	[tilespmem:$0x1E800] =	vst v63  }
0x44: {  	_ =	swait.ge [sflag:s17], $0x4000  }
0x45: {  	[sflag:s17] =	ssyncset.done $0x0  }
0x46: {  	s31 =	sadd.s32 $0x1400, s22;
	[sflag:s17] =	ssyncadd.s32 $0xFFFFC000  }
0x47: {  	[spmem:s2] =	stream.indirect.scatter.add.f32 [tilespmem:s15], [sflag:$0x3], $0x80, s31, s14, $0xb8;
	[tilespmem:$0x1E800] =	vst v63  }
0x48: {  	_ =	swait.ge [sflag:s18], $0x4000  }
0x49: {  	[sflag:s18] =	ssyncset.done $0x0  }
0x4a: {  	s22 =	sadd.s32 $0x1480, s22;
	[sflag:s18] =	ssyncadd.s32 $0xFFFFC000  }
0x4b: {  	[spmem:s2] =	stream.indirect.scatter.add.f32 [tilespmem:s16], [sflag:$0x4], $0x80, s22, s14, $0xb8;
	[tilespmem:$0x1E800] =	vst v63  }
0x4c: {  	_ =	swait.ge [sflag:s19], $0x4000  }
0x4d: {  	[sflag:s19] =	ssyncset.done $0x0  }
0x4e: {  	[sflag:s19] =	ssyncadd.s32 $0xFFFFC000  }
0x4f: {  	_ =	swait.ge [sflag:s20], $0x4000  }
0x50: {  	s21 =	sadd.s32 $0x1, s21;
	[sflag:s20] =	ssyncset.done $0x0  }
0x51: {  	p0 =	sne.s32 s21, s9;
	[sflag:s20] =	ssyncadd.s32 $0xFFFFC000  }
.Ltmp1:
0x52: {  	[bflag:$0x0] =	sbarrier.arrive $0xFFFF;
	(pc) =	sbr.rel @p0 .LBB2_1-.Ltmp1, $4  }
0x53: {  	[hbm:s8], [sflag:s12] =	dma.local [spmem:s13], $0x2800  }
0x54: {  	_ =	swait.ge [sflag:s10], $0x2800  }
0x55: {  	[sflag:s10] =	ssyncset.done $0x0  }
0x56: {  	[sflag:s10] =	ssyncadd.s32 $0xFFFFD800  }
0x57: {  	_ =	sfence.sel $0x180000  }
0x58: {  	[bflag:$0x0] =	sbarrier.arrive $0xFFFF  }
0x59: {  	p0 =	sne.s32 s0, $0x0;
	_ =	strace $0x9000004A  }
0x5a: {  	s0 =	sadd.s32 @!p0 $0x100000, s1;
	[bflag:$0x2] =	sbarrier.arrive $0xFFFF  }
0x5b: {  	[sflag:s0] =	ssyncadd.tile.s32 @!p0 $0x1;
	_ =	shalt  }
.Lfunc_end2:
_tile_overlayer_lowered:
.L_overlay_start_2:
0x5c: {  	(tag) =	ssettag $0x2  }
0x5d: {  	s0 =	rddreg [dreg:$0x0];
	s2 =	stileid.u32  }
0x5e: {  	s1 =	rddreg [dreg:$0x1];
	p0 =	sne.s32 s2, $0x0  }
0x5f: {  	s3 =	rddreg [dreg:$0x2];
	[bflag:$0x3] =	sbarrier.arrive $0xFFFF;
	s2 =	simm.s32 @!p0 $0x1C05  }
0x60: {  	[timem:s3], [sflag:s2] =	dma.local @!p0 [hbm:s0], s1  }
0x61: {  	s0 =	simm.s32 @!p0 $0x5  }
0x62: {  	_ =	swait.ge @!p0 [sflag:s0], s1  }
0x63: {  	s1 =	ssub.s32 @!p0 $0x0, s1;
	[sflag:s0] =	ssyncset.done @!p0 $0x0  }
0x64: {  	[sflag:s0] =	ssyncadd.s32 @!p0 s1  }
0x65: {  	[bflag:$0x3] =	sbarrier.arrive $0xFFFF  }
0x66: {  	_ =	shalt  }

// kernel: kernel.40.cloned.1.call-start
scs
__scs_entry_jumppad:
0x0: {  	(pc) =	sbr.rel $0x88, $3  }
0x1: {  	(tag) =	ssettag $0x0;
	lr =	simm.s32 $0x1  }
0x2: {  	[smem:$0x3F90] =	sst lr;
	_ =	strace $0xD0000000  }
0x3: {  	_ = 	snop  }
0x4: {  	_ = 	snop  }
0x5: {  	_ = 	snop  }
0x6: {  	_ = 	snop  }
0x7: {  	_ = 	snop  }
__scs_overlays_trampoline_lowered:
0x8: {  	[smem:$0x3F9F] =	sst s0  }
0x9: {  	[smem:$0x3FA0] =	sst s1  }
0xa: {  	[smem:$0x3FA1] =	sst s2  }
0xb: {  	[smem:$0x3FA2] =	sst s3  }
0xc: {  	[smem:$0x3FA3] =	sst s4  }
0xd: {  	[smem:$0x3FA4] =	sst s5  }
0xe: {  	[smem:$0x3FA5] =	sst s6  }
0xf: {  	[smem:$0x3FA6] =	sst s7  }
0x10: {  	[smem:$0x3FA7] =	sst s8  }
0x11: {  	[smem:$0x3FA8] =	sst s9;
	s0 =	simm.s32 @!p0 $0x0  }
0x12: {  	s1 =	sld [smem:$0x3F8E];
	s0 =	simm.s32 @p0 $0x1  }
0x13: {  	[smem:$0x3FA9] =	sst s0;
	s0 =	simm.s32 @!p1 $0x0  }
0x14: {  	s2 =	sld [smem:$0x3F8D];
	s0 =	simm.s32 @p1 $0x1  }
0x15: {  	[smem:$0x3FAA] =	sst s0;
	s0 =	simm.s32 @!p2 $0x0  }
0x16: {  	s3 =	sld [smem:$0x3FDB];
	s0 =	simm.s32 @p2 $0x1  }
0x17: {  	s4 =	simm.s32 $0x1BF5;
	[smem:$0x3FAC] =	sst s0  }
0x18: {  	s0 =	sld [smem:$0x3F8F];
	_ =	swait.ge [sflag:s4], $0x0  }
0x19: {  	s7 =	sld [smem:$0x3F90]  }
0x1a: {  	s8 =	sadd.s32 $0xFFFFE003, lr  }
0x1b: {  	s9 =	sadd.s32 $0xFFFFFEF7, lr;
	s5 =	simm.s32 $0xFFFFFFFF;
	p2 =	slt.u32 s8, $0xFFFFF086  }
0x1c: {  	p1 =	slt.u32 s9, $0xF7A;
	s5 =	simm.s32 @!p2 $0x0  }
0x1d: {  	s5 =	simm.s32 @p1 $0x1;
	p0 =	seq.s32 s7, s2  }
0x1e: {  	s7 =	smul.u32 @!p0 $0xF7A, s2;
	p2 =	seq.s32 @!p0 s5, $0x0  }
0x1f: {  	s9 =	smul.u32 $0xF7A, s1;
	s8 =	simm.s32 @!p0 $0x1BF5;
	p2 =	por !p2, p0  }
0x20: {  	[sflag:s8] =	ssyncset.s32 @!p0 $0xFFFFF086;
	s6 =	sadd.s32 @!p0 s3, s7;
	s7 =	simm.s32 @!p0 $0x108  }
0x21: {  	s3 =	sadd.s32 s3, s9;
	s6 =	sadd.s32 @!p0 $0x88, s6;
	s7 =	simm.s32 @p2 $0x1082  }
0x22: {  	[simem:s7], [sflag:s8] =	dma.local @!p0 [hbm:s6], $0xF7A  }
0x23: {  	s9 =	sor.u32 $0xD0000000, s2;
	s6 =	simm.s32 $0x108;
	_ =	swait.ge @!p0 [sflag:s8], $0x0  }
0x24: {  	s3 =	sadd.s32 $0x88, s3;
	s6 =	simm.s32 @!p1 $0x1082;
	[sflag:s4] =	ssyncset.s32 $0xFFFFF086  }
0x25: {  	[simem:s6], [sflag:s4] =	dma.local [hbm:s3], $0xF7A  }
0x26: {  	[smem:$0x3F90] =	sst s1;
	(tag) =	ssettag s2;
	_ =	strace s9  }
0x27: {  	s1 =	sld [smem:$0x3FA0]  }
0x28: {  	s2 =	sld [smem:$0x3FA1]  }
0x29: {  	s4 =	sld [smem:$0x3FA3]  }
0x2a: {  	p0 =	seq.s32 s5, $0x0;
	s5 =	sld [smem:$0x3FA4]  }
0x2b: {  	s6 =	sld [smem:$0x3FA5]  }
0x2c: {  	s7 =	sld [smem:$0x3FA6]  }
0x2d: {  	s3 =	simm.s32 $0x108;
	s8 =	sld [smem:$0x3FA7]  }
0x2e: {  	s3 =	simm.s32 @!p0 $0x1082;
	s9 =	sld [smem:$0x3FA8]  }
0x2f: {  	lr =	sadd.s32 s0, s3;
	s0 =	sld [smem:$0x3F9F]  }
0x30: {  	s3 =	sld [smem:$0x3FA2]  }
0x31: {  	[smem:$0x3FAB] =	sst s10  }
0x32: {  	s10 =	sld [smem:$0x3FA9];
	_ =	sdelay $0x3  }
0x33: {  	p0 =	seq.s32 s10, $0x1;
	s10 =	sld [smem:$0x3FAB];
	_ =	sdelay $0x3  }
0x34: {  	[smem:$0x3FAB] =	sst s10  }
0x35: {  	s10 =	sld [smem:$0x3FAA];
	_ =	sdelay $0x3  }
0x36: {  	p1 =	seq.s32 s10, $0x1;
	s10 =	sld [smem:$0x3FAB];
	_ =	sdelay $0x3  }
0x37: {  	[smem:$0x3FAB] =	sst s10  }
0x38: {  	s10 =	sld [smem:$0x3FAC]  }
0x39: {  	_ = 	snop;
	(pc) =	sbr.ind lr, $3  }
0x3a: {  	_ = 	snop  }
0x3b: {  	_ = 	snop  }
0x3c: {  	p2 =	seq.s32 s10, $0x1;
	s10 =	sld [smem:$0x3FAB]  }
0x3d: {  	_ =	shalt  }
0x3e: {  	_ =	shalt  }
0x3f: {  	_ =	shalt  }
0x40: {  	_ =	shalt  }
0x41: {  	_ =	shalt  }
0x42: {  	_ =	shalt  }
0x43: {  	_ =	shalt  }
0x44: {  	_ =	shalt  }
0x45: {  	_ =	shalt  }
0x46: {  	_ =	shalt  }
0x47: {  	_ =	shalt  }
0x48: {  	_ =	shalt  }
0x49: {  	_ =	shalt  }
0x4a: {  	_ =	shalt  }
0x4b: {  	_ =	shalt  }
0x4c: {  	_ =	shalt  }
0x4d: {  	_ =	shalt  }
0x4e: {  	_ =	shalt  }
0x4f: {  	_ =	shalt  }
0x50: {  	_ =	shalt  }
0x51: {  	_ =	shalt  }
0x52: {  	_ =	shalt  }
0x53: {  	_ =	shalt  }
0x54: {  	_ =	shalt  }
0x55: {  	_ =	shalt  }
0x56: {  	_ =	shalt  }
0x57: {  	_ =	shalt  }
0x58: {  	_ =	shalt  }
0x59: {  	_ =	shalt  }
0x5a: {  	_ =	shalt  }
0x5b: {  	_ =	shalt  }
0x5c: {  	_ =	shalt  }
0x5d: {  	_ =	shalt  }
0x5e: {  	_ =	shalt  }
0x5f: {  	_ =	shalt  }
0x60: {  	_ =	shalt  }
0x61: {  	_ =	shalt  }
0x62: {  	_ =	shalt  }
0x63: {  	_ =	shalt  }
0x64: {  	_ =	shalt  }
0x65: {  	_ =	shalt  }
0x66: {  	_ =	shalt  }
0x67: {  	_ =	shalt  }
0x68: {  	_ =	shalt  }
0x69: {  	_ =	shalt  }
0x6a: {  	_ =	shalt  }
0x6b: {  	_ =	shalt  }
0x6c: {  	_ =	shalt  }
0x6d: {  	_ =	shalt  }
0x6e: {  	_ =	shalt  }
0x6f: {  	_ =	shalt  }
0x70: {  	_ =	shalt  }
0x71: {  	_ =	shalt  }
0x72: {  	_ =	shalt  }
0x73: {  	_ =	shalt  }
0x74: {  	_ =	shalt  }
0x75: {  	_ =	shalt  }
0x76: {  	_ =	shalt  }
0x77: {  	_ =	shalt  }
0x78: {  	_ =	shalt  }
0x79: {  	_ =	shalt  }
0x7a: {  	_ =	shalt  }
0x7b: {  	_ =	shalt  }
0x7c: {  	_ =	shalt  }
0x7d: {  	_ =	shalt  }
0x7e: {  	_ =	shalt  }
0x7f: {  	_ =	shalt  }
0x80: {  	_ =	shalt  }
0x81: {  	_ =	shalt  }
0x82: {  	_ =	shalt  }
0x83: {  	_ =	shalt  }
0x84: {  	_ =	shalt  }
0x85: {  	_ =	shalt  }
0x86: {  	_ =	shalt  }
0x87: {  	_ =	shalt  }
.Lfunc_end0:
.L_simem_size_0:
called_computation.2_lowered:
.L_overlay_start_0:
0x88: {  	s2 =	sld [smem:$0x3FD9]  }
0x89: {  	s3 =	sld [smem:$0x3FFE];
	_ =	sdelay $0x1  }
0x8a: {  	s1 =	srdreg.scid  }
0x8b: {  	s0 =	sand.u32 $0x1, s1  }
0x8c: {  	s16 =	sshll.u32 s0, $0xA;
	s2 =	sadd.s32 s3, s2  }
0x8d: {  	s2 =	sadd.s32 s2, s16  }
0x8e: {  	[smem:$0x3FB7] =	sst s2  }
0x8f: {  	_ = 	snop  }
0x90: {  	(tm) =	ssettm $0x1  }
0x91: {  	s17 =	sld [smem:$0x3FFB];
	_ =	sdelay $0x3  }
0x92: {  	_ =	strace s17  }
0x93: {  	s2 =	sld [smem:$0x3FFC];
	_ =	sdelay $0x3  }
0x94: {  	_ =	strace s2  }
0x95: {  	s2 =	sld [smem:$0x3FFD];
	_ =	sdelay $0x3  }
0x96: {  	_ =	strace s2  }
0x97: {  	_ =	strace $0x8FFFFFFF  }
0x98: {  	s18 =	sld [smem:$0x3FDB];
	_ =	sdelay $0x1  }
0x99: {  	s19 =	simm.s32 $_scs_section_size  }
0x9a: {  	s4 =	simm.s32 $_size__tile_overlayer_lowered;
	s5 =	simm.s32 $_tile_overlayer_lowered  }
0x9b: {  	s22 =	simm.s32 $0x1BFF;
	s21 =	sshll.u32 s5, $0x1;
	s2 =	sadd.s32 s19, s18  }
0x9c: {  	s6 =	simm.s32 $0x0;
	s20 =	sshll.u32 s4, $0x1;
	s4 =	sadd.s32 s21, s2  }
0x9d: {  	[timem:s6], [sflag:s22] =	dma.local [hbm:s4], s20  }
0x9e: {  	_ =	swait.ge [sflag:s22], s20  }
0x9f: {  	s3 =	ssub.s32 $0x0, s20;
	[sflag:s22] =	ssyncset.done $0x0  }
0xa0: {  	[sflag:s22] =	ssyncadd.s32 s3;
	_ =	sdelay $0x1  }
0xa1: {  	s23 =	simm.s32 $0x1B8B  }
0xa2: {  	_ =	swait.ge [sflag:s23], $0x1  }
0xa3: {  	[sflag:s23] =	ssyncset.done $0x0  }
0xa4: {  	s25 =	simm.s32 $0x1B8E;
	s24 =	sld [smem:$0x3FFE];
	[sflag:s23] =	ssyncadd.s32 $0xFFFFFFFF  }
0xa5: {  	s26 =	simm.s32 $execute0_lowered;
	[smem:$0x3FD2] =	sst s25  }
0xa6: {  	s4 =	sshll.u32 s26, $0x1;
	_ =	strace $0x8000004C;
	[dreg:$0x1] =	wrdreg $0xFFFFFFFF  }
0xa7: {  	s28 =	simm.s32 $_size_execute0_lowered;
	s2 =	sadd.s32 s2, s4;
	[dreg:$0x0] =	wrdreg $0x0  }
0xa8: {  	s4 =	sshll.u32 s28, $0x1;
	[dreg:$0x2] =	wrdreg s2  }
0xa9: {  	[dreg:$0x3] =	wrdreg s4  }
0xaa: {  	[dreg:$0x4] =	wrdreg $0xC0  }
0xab: {  	_ =	task [dreg:s6], $0x5FFFF  }
0xac: {  	[dreg:$0x1] =	wrdreg $0xFFFFFFFF  }
0xad: {  	[dreg:$0x0] =	wrdreg $0x60  }
0xae: {  	[dreg:$0x2] =	wrdreg s24  }
0xaf: {  	[dreg:$0x3] =	wrdreg $0xA8000  }
0xb0: {  	[dreg:$0x4] =	wrdreg $0x9  }
0xb1: {  	_ =	task.clear_ibuf [dreg:s6], $0x5FFFF;
	_ =	strace $0x9000004C  }
0xb2: {  	s29 =	simm.s32 $0x9;
	_ =	strace $0x8000004E  }
0xb3: {  	_ =	swait.ge [sflag:s29], $0x1  }
0xb4: {  	[sflag:s29] =	ssyncadd.s32 $0xFFFFFFFF  }
0xb5: {  	_ =	strace $0x9000004E  }
0xb6: {  	_ =	sfence  }
0xb7: {  	s30 =	sld [smem:$0x0];
	_ =	sdelay $0x2  }
0xb8: {  	s31 =	sshll.u32 s1, $0xD;
	s1 =	sshrl.u32 s1, $0x2  }
0xb9: {  	s3 =	sand.u32 $0x4000, s31;
	s1 =	sadd.s32 s1, s30  }
0xba: {  	s0 =	sor.u32 s3, s0;
	s1 =	sshll.u32 s1, $0x11  }
0xbb: {  	s0 =	sor.u32 s1, s0  }
0xbc: {  	s0 =	sadd.s32 $0x8F2B, s0  }
0xbd: {  	[sflag:s0] =	ssyncadd.remote.s32 $0x1  }
0xbe: {  	_ =	sfence.sel $0xFFFF  }
0xbf: {  	[dreg:$0x0] =	wrdreg $0xFFFFFFFF;
	(pc) =	sbr.abs _section_cstart, $3  }
0xc0: {  	[dreg:$0x1] =	wrdreg $0xFFFFFFFF  }
0xc1: {  	_ =	task.clear_ibuf [dreg:s6], $0x2FFFF;
	_ =	strace $0x9FFFFFFF  }
0xc2: {  	(tm) =	ssettm $0x7FFFFFFF  }
0xc3: {  	_ =	shalt  }
tec
execute0_lowered:
.L_overlay_start_1:
0x0: {  	(tag) =	ssettag $0x1  }
0x1: {  	s6 =	rddreg [dreg:$0x0]  }
0x2: {  	s0 =	srdreg.scid;
	s2 =	rddreg [dreg:$0x1]  }
0x3: {  	s3 =	simm.s32 $0x0;
	s14 =	simm.s32 $0x80;
	s15 =	simm.s32 $0x2800  }
0x4: {  	s16 =	simm.s32 $0x6800;
	s17 =	simm.s32 $0x1;
	s18 =	simm.s32 $0x2  }
0x5: {  	s19 =	simm.s32 $0x3;
	s5 =	sand.u32 $0x1, s0;
	s0 =	stileid.u32  }
0x6: {  	s20 =	simm.s32 $0x4;
	s21 =	simm.s32 $0x0;
	s8 =	smul.u32 $0x14000, s0  }
0x7: {  	[smem:$0x7FF] =	sst s3;
	s4 =	sadd.s32 $0x86E00, s6;
	s9 =	smul.u32 $0x140000, s5  }
0x8: {  	s1 =	sshll.u32 s5, $0x4;
	s5 =	ssub.s32 $0x2, s5;
	s30 =	smul.u32 $0x50000, s0  }
0x9: {  	s12 =	sshll.u32 s0, $0x6;
	s1 =	sor.u32 s0, s1;
	s31 =	sshrl.u32 s5, $0x1  }
0xa: {  	s12 =	sor.u32 $0x1C05, s12;
	s7 =	smul.u32 $0x280, s1;
	s1 =	rddreg [dreg:$0x2]  }
0xb: {  	_ =	strace $0x8000004D;
	s10 =	sshrl.u32 s8, $0x3;
	s8 =	sadd.s32 s8, s9  }
0xc: {  	s11 =	ssub.s32 s5, s31;
	s9 =	sshrl.u32 s30, $0x2;
	s8 =	sshrl.u32 s8, $0x3  }
0xd: {  	s10 =	sadd.s32 s10, s6;
	s13 =	sadd.s32 s9, s2;
	s9 =	smax.u32 s11, $0x1  }
0xe: {  	s11 =	simm.s32 $0x1400;
	s7 =	sadd.s32 s7, s6;
	s8 =	sadd.s32 s8, s6  }
0xf: {  	s13 =	sshrl.u32 s13, $0x3;
	s5 =	sadd.s32 $0x54E00, s7;
	s6 =	sadd.s32 $0x59E00, s7  }
0x10: {  	s7 =	sadd.s32 $0x5EE00, s10;
	s8 =	sadd.s32 $0xD5000, s8;
	s10 =	simm.s32 $0x5  }
.LBB2_1:
0x11: {  	[tilespmem:s3], [sflag:$0x5] =	stream.linear.gather [hbm4b:s5+s3], $0x1400, $0x38;
	[tilespmem:$0x1E800] =	vst v63  }
0x12: {  	_ =	swait.ge [sflag:s10], $0x1400  }
0x13: {  	[sflag:s10] =	ssyncset.done $0x0  }
0x14: {  	[sflag:s10] =	ssyncadd.s32 $0xFFFFEC00  }
0x15: {  	[tilespmem:s11], [sflag:$0x5] =	stream.linear.gather [hbm4b:s6+s3], $0x1400, $0x38;
	[tilespmem:$0x1E800] =	vst v63  }
0x16: {  	_ =	swait.ge [sflag:s10], $0x1400  }
0x17: {  	[sflag:s10] =	ssyncset.done $0x0  }
0x18: {  	[sflag:s10] =	ssyncadd.s32 $0xFFFFEC00  }
0x19: {  	[spmem:s13], [sflag:s12] =	dma.local [hbm:s7], $0x2800  }
0x1a: {  	_ =	swait.ge [sflag:s10], $0x2800  }
0x1b: {  	[sflag:s10] =	ssyncset.done $0x0  }
0x1c: {  	[sflag:s10] =	ssyncadd.s32 $0xFFFFD800  }
0x1d: {  	s22 =	simm.s32 $0x0;
	[bflag:$0x0] =	sbarrier.arrive $0xFFFF  }
0x1e: {  	[tilespmem:s15], [sflag:$0x1] =	stream.indirect.gather [hbm4b:s4+s14], $0x80, s22, s14, $0xb8;
	[tilespmem:$0x1E800] =	vst v63  }
0x1f: {  	s29 =	simm.s32 $0x80  }
0x20: {  	[tilespmem:s16], [sflag:$0x2] =	stream.indirect.gather [hbm4b:s4+s14], $0x80, s29, s14, $0xb8;
	[tilespmem:$0x1E800] =	vst v63  }
0x21: {  	_ =	swait.ge [sflag:s17], $0x4000  }
0x22: {  	[sflag:s17] =	ssyncset.done $0x0  }
0x23: {  	s30 =	simm.s32 $0x1400;
	[sflag:s17] =	ssyncadd.s32 $0xFFFFC000  }
0x24: {  	[spmem:s2] =	stream.indirect.scatter.add.f32 [tilespmem:s15], [sflag:$0x3], $0x80, s30, s14, $0xb8;
	[tilespmem:$0x1E800] =	vst v63  }
0x25: {  	_ =	swait.ge [sflag:s18], $0x4000  }
0x26: {  	[sflag:s18] =	ssyncset.done $0x0  }
0x27: {  	s31 =	simm.s32 $0x1480;
	[sflag:s18] =	ssyncadd.s32 $0xFFFFC000  }
0x28: {  	[spmem:s2] =	stream.indirect.scatter.add.f32 [tilespmem:s16], [sflag:$0x4], $0x80, s31, s14, $0xb8;
	[tilespmem:$0x1E800] =	vst v63  }
0x29: {  	_ =	swait.ge [sflag:s19], $0x4000  }
0x2a: {  	[sflag:s19] =	ssyncset.done $0x0  }
0x2b: {  	[sflag:s19] =	ssyncadd.s32 $0xFFFFC000  }
0x2c: {  	_ =	swait.ge [sflag:s20], $0x4000  }
0x2d: {  	s23 =	simm.s32 $0x800;
	s22 =	simm.s32 $0x400;
	[sflag:s20] =	ssyncset.done $0x0  }
.LBB2_2:
0x2e: {  	s24 =	sshra.s32 s22, $0x2  }
0x2f: {  	[sflag:s20] =	ssyncadd.s32 $0xFFFFC000;
	s22 =	smov.u32 s23;
	s25 =	sadd.s32 $0x400, s23  }
0x30: {  	[tilespmem:s15], [sflag:$0x1] =	stream.indirect.gather [hbm4b:s4+s14], $0x80, s24, s14, $0xb8;
	[tilespmem:$0x1E800] =	vst v63  }
0x31: {  	p0 =	sne.s32 s23, $0x4C00;
	s23 =	sadd.s32 $0x80, s24  }
0x32: {  	[tilespmem:s16], [sflag:$0x2] =	stream.indirect.gather [hbm4b:s4+s14], $0x80, s23, s14, $0xb8;
	[tilespmem:$0x1E800] =	vst v63  }
0x33: {  	_ =	swait.ge [sflag:s17], $0x4000  }
0x34: {  	[sflag:s17] =	ssyncset.done $0x0  }
0x35: {  	s23 =	sadd.s32 $0x1400, s24;
	[sflag:s17] =	ssyncadd.s32 $0xFFFFC000  }
0x36: {  	[spmem:s2] =	stream.indirect.scatter.add.f32 [tilespmem:s15], [sflag:$0x3], $0x80, s23, s14, $0xb8;
	[tilespmem:$0x1E800] =	vst v63  }
0x37: {  	_ =	swait.ge [sflag:s18], $0x4000  }
0x38: {  	[sflag:s18] =	ssyncset.done $0x0  }
0x39: {  	s23 =	sadd.s32 $0x1480, s24;
	[sflag:s18] =	ssyncadd.s32 $0xFFFFC000  }
0x3a: {  	[spmem:s2] =	stream.indirect.scatter.add.f32 [tilespmem:s16], [sflag:$0x4], $0x80, s23, s14, $0xb8;
	[tilespmem:$0x1E800] =	vst v63  }
.Ltmp0:
0x3b: {  	_ =	swait.ge [sflag:s19], $0x4000;
	(pc) =	sbr.rel @p0 .LBB2_2-.Ltmp0, $4  }
0x3c: {  	[sflag:s19] =	ssyncset.done $0x0  }
0x3d: {  	[sflag:s19] =	ssyncadd.s32 $0xFFFFC000  }
0x3e: {  	_ =	swait.ge [sflag:s20], $0x4000  }
0x3f: {  	s23 =	smov.u32 s25;
	[sflag:s20] =	ssyncset.done $0x0  }
0x40: {  	s22 =	sshra.s32 s22, $0x2;
	[sflag:s20] =	ssyncadd.s32 $0xFFFFC000  }
0x41: {  	[tilespmem:s15], [sflag:$0x1] =	stream.indirect.gather [hbm4b:s4+s14], $0x80, s22, s14, $0xb8;
	[tilespmem:$0x1E800] =	vst v63  }
0x42: {  	s23 =	sadd.s32 $0x80, s22  }
0x43: {  	[tilespmem:s16], [sflag:$0x2] =	stream.indirect.gather [hbm4b:s4+s14], $0x80, s23, s14, $0xb8;
	[tilespmem:$0x1E800] =	vst v63  }
0x44: {  	_ =	swait.ge [sflag:s17], $0x4000  }
0x45: {  	[sflag:s17] =	ssyncset.done $0x0  }
0x46: {  	s31 =	sadd.s32 $0x1400, s22;
	[sflag:s17] =	ssyncadd.s32 $0xFFFFC000  }
0x47: {  	[spmem:s2] =	stream.indirect.scatter.add.f32 [tilespmem:s15], [sflag:$0x3], $0x80, s31, s14, $0xb8;
	[tilespmem:$0x1E800] =	vst v63  }
0x48: {  	_ =	swait.ge [sflag:s18], $0x4000  }
0x49: {  	[sflag:s18] =	ssyncset.done $0x0  }
0x4a: {  	s22 =	sadd.s32 $0x1480, s22;
	[sflag:s18] =	ssyncadd.s32 $0xFFFFC000  }
0x4b: {  	[spmem:s2] =	stream.indirect.scatter.add.f32 [tilespmem:s16], [sflag:$0x4], $0x80, s22, s14, $0xb8;
	[tilespmem:$0x1E800] =	vst v63  }
0x4c: {  	_ =	swait.ge [sflag:s19], $0x4000  }
0x4d: {  	[sflag:s19] =	ssyncset.done $0x0  }
0x4e: {  	[sflag:s19] =	ssyncadd.s32 $0xFFFFC000  }
0x4f: {  	_ =	swait.ge [sflag:s20], $0x4000  }
0x50: {  	s21 =	sadd.s32 $0x1, s21;
	[sflag:s20] =	ssyncset.done $0x0  }
0x51: {  	p0 =	sne.s32 s21, s9;
	[sflag:s20] =	ssyncadd.s32 $0xFFFFC000  }
.Ltmp1:
0x52: {  	[bflag:$0x0] =	sbarrier.arrive $0xFFFF;
	(pc) =	sbr.rel @p0 .LBB2_1-.Ltmp1, $4  }
0x53: {  	[hbm:s8], [sflag:s12] =	dma.local [spmem:s13], $0x2800  }
0x54: {  	_ =	swait.ge [sflag:s10], $0x2800  }
0x55: {  	[sflag:s10] =	ssyncset.done $0x0  }
0x56: {  	[sflag:s10] =	ssyncadd.s32 $0xFFFFD800  }
0x57: {  	_ =	sfence.sel $0x180000  }
0x58: {  	[bflag:$0x0] =	sbarrier.arrive $0xFFFF  }
0x59: {  	p0 =	sne.s32 s0, $0x0;
	_ =	strace $0x9000004D  }
0x5a: {  	s0 =	sadd.s32 @!p0 $0x100000, s1;
	[bflag:$0x2] =	sbarrier.arrive $0xFFFF  }
0x5b: {  	[sflag:s0] =	ssyncadd.tile.s32 @!p0 $0x1;
	_ =	shalt  }
.Lfunc_end2:
_tile_overlayer_lowered:
.L_overlay_start_2:
0x5c: {  	(tag) =	ssettag $0x2  }
0x5d: {  	s0 =	rddreg [dreg:$0x0];
	s2 =	stileid.u32  }
0x5e: {  	s1 =	rddreg [dreg:$0x1];
	p0 =	sne.s32 s2, $0x0  }
0x5f: {  	s3 =	rddreg [dreg:$0x2];
	[bflag:$0x3] =	sbarrier.arrive $0xFFFF;
	s2 =	simm.s32 @!p0 $0x1C05  }
0x60: {  	[timem:s3], [sflag:s2] =	dma.local @!p0 [hbm:s0], s1  }
0x61: {  	s0 =	simm.s32 @!p0 $0x5  }
0x62: {  	_ =	swait.ge @!p0 [sflag:s0], s1  }
0x63: {  	s1 =	ssub.s32 @!p0 $0x0, s1;
	[sflag:s0] =	ssyncset.done @!p0 $0x0  }
0x64: {  	[sflag:s0] =	ssyncadd.s32 @!p0 s1  }
0x65: {  	[bflag:$0x3] =	sbarrier.arrive $0xFFFF  }
0x66: {  	_ =	shalt  }

// kernel: kernel.43.cloned.1.call-start
scs
__scs_entry_jumppad:
0x0: {  	(pc) =	sbr.rel $0x88, $3  }
0x1: {  	(tag) =	ssettag $0x0;
	lr =	simm.s32 $0x1  }
0x2: {  	[smem:$0x3F90] =	sst lr;
	_ =	strace $0xD0000000  }
0x3: {  	_ = 	snop  }
0x4: {  	_ = 	snop  }
0x5: {  	_ = 	snop  }
0x6: {  	_ = 	snop  }
0x7: {  	_ = 	snop  }
__scs_overlays_trampoline_lowered:
0x8: {  	[smem:$0x3F9F] =	sst s0  }
0x9: {  	[smem:$0x3FA0] =	sst s1  }
0xa: {  	[smem:$0x3FA1] =	sst s2  }
0xb: {  	[smem:$0x3FA2] =	sst s3  }
0xc: {  	[smem:$0x3FA3] =	sst s4  }
0xd: {  	[smem:$0x3FA4] =	sst s5  }
0xe: {  	[smem:$0x3FA5] =	sst s6  }
0xf: {  	[smem:$0x3FA6] =	sst s7  }
0x10: {  	[smem:$0x3FA7] =	sst s8  }
0x11: {  	[smem:$0x3FA8] =	sst s9;
	s0 =	simm.s32 @!p0 $0x0  }
0x12: {  	s1 =	sld [smem:$0x3F8E];
	s0 =	simm.s32 @p0 $0x1  }
0x13: {  	[smem:$0x3FA9] =	sst s0;
	s0 =	simm.s32 @!p1 $0x0  }
0x14: {  	s2 =	sld [smem:$0x3F8D];
	s0 =	simm.s32 @p1 $0x1  }
0x15: {  	[smem:$0x3FAA] =	sst s0;
	s0 =	simm.s32 @!p2 $0x0  }
0x16: {  	s3 =	sld [smem:$0x3FDB];
	s0 =	simm.s32 @p2 $0x1  }
0x17: {  	s4 =	simm.s32 $0x1BF5;
	[smem:$0x3FAC] =	sst s0  }
0x18: {  	s0 =	sld [smem:$0x3F8F];
	_ =	swait.ge [sflag:s4], $0x0  }
0x19: {  	s7 =	sld [smem:$0x3F90]  }
0x1a: {  	s8 =	sadd.s32 $0xFFFFE003, lr  }
0x1b: {  	s9 =	sadd.s32 $0xFFFFFEF7, lr;
	s5 =	simm.s32 $0xFFFFFFFF;
	p2 =	slt.u32 s8, $0xFFFFF086  }
0x1c: {  	p1 =	slt.u32 s9, $0xF7A;
	s5 =	simm.s32 @!p2 $0x0  }
0x1d: {  	s5 =	simm.s32 @p1 $0x1;
	p0 =	seq.s32 s7, s2  }
0x1e: {  	s7 =	smul.u32 @!p0 $0xF7A, s2;
	p2 =	seq.s32 @!p0 s5, $0x0  }
0x1f: {  	s9 =	smul.u32 $0xF7A, s1;
	s8 =	simm.s32 @!p0 $0x1BF5;
	p2 =	por !p2, p0  }
0x20: {  	[sflag:s8] =	ssyncset.s32 @!p0 $0xFFFFF086;
	s6 =	sadd.s32 @!p0 s3, s7;
	s7 =	simm.s32 @!p0 $0x108  }
0x21: {  	s3 =	sadd.s32 s3, s9;
	s6 =	sadd.s32 @!p0 $0x88, s6;
	s7 =	simm.s32 @p2 $0x1082  }
0x22: {  	[simem:s7], [sflag:s8] =	dma.local @!p0 [hbm:s6], $0xF7A  }
0x23: {  	s9 =	sor.u32 $0xD0000000, s2;
	s6 =	simm.s32 $0x108;
	_ =	swait.ge @!p0 [sflag:s8], $0x0  }
0x24: {  	s3 =	sadd.s32 $0x88, s3;
	s6 =	simm.s32 @!p1 $0x1082;
	[sflag:s4] =	ssyncset.s32 $0xFFFFF086  }
0x25: {  	[simem:s6], [sflag:s4] =	dma.local [hbm:s3], $0xF7A  }
0x26: {  	[smem:$0x3F90] =	sst s1;
	(tag) =	ssettag s2;
	_ =	strace s9  }
0x27: {  	s1 =	sld [smem:$0x3FA0]  }
0x28: {  	s2 =	sld [smem:$0x3FA1]  }
0x29: {  	s4 =	sld [smem:$0x3FA3]  }
0x2a: {  	p0 =	seq.s32 s5, $0x0;
	s5 =	sld [smem:$0x3FA4]  }
0x2b: {  	s6 =	sld [smem:$0x3FA5]  }
0x2c: {  	s7 =	sld [smem:$0x3FA6]  }
0x2d: {  	s3 =	simm.s32 $0x108;
	s8 =	sld [smem:$0x3FA7]  }
0x2e: {  	s3 =	simm.s32 @!p0 $0x1082;
	s9 =	sld [smem:$0x3FA8]  }
0x2f: {  	lr =	sadd.s32 s0, s3;
	s0 =	sld [smem:$0x3F9F]  }
0x30: {  	s3 =	sld [smem:$0x3FA2]  }
0x31: {  	[smem:$0x3FAB] =	sst s10  }
0x32: {  	s10 =	sld [smem:$0x3FA9];
	_ =	sdelay $0x3  }
0x33: {  	p0 =	seq.s32 s10, $0x1;
	s10 =	sld [smem:$0x3FAB];
	_ =	sdelay $0x3  }
0x34: {  	[smem:$0x3FAB] =	sst s10  }
0x35: {  	s10 =	sld [smem:$0x3FAA];
	_ =	sdelay $0x3  }
0x36: {  	p1 =	seq.s32 s10, $0x1;
	s10 =	sld [smem:$0x3FAB];
	_ =	sdelay $0x3  }
0x37: {  	[smem:$0x3FAB] =	sst s10  }
0x38: {  	s10 =	sld [smem:$0x3FAC]  }
0x39: {  	_ = 	snop;
	(pc) =	sbr.ind lr, $3  }
0x3a: {  	_ = 	snop  }
0x3b: {  	_ = 	snop  }
0x3c: {  	p2 =	seq.s32 s10, $0x1;
	s10 =	sld [smem:$0x3FAB]  }
0x3d: {  	_ =	shalt  }
0x3e: {  	_ =	shalt  }
0x3f: {  	_ =	shalt  }
0x40: {  	_ =	shalt  }
0x41: {  	_ =	shalt  }
0x42: {  	_ =	shalt  }
0x43: {  	_ =	shalt  }
0x44: {  	_ =	shalt  }
0x45: {  	_ =	shalt  }
0x46: {  	_ =	shalt  }
0x47: {  	_ =	shalt  }
0x48: {  	_ =	shalt  }
0x49: {  	_ =	shalt  }
0x4a: {  	_ =	shalt  }
0x4b: {  	_ =	shalt  }
0x4c: {  	_ =	shalt  }
0x4d: {  	_ =	shalt  }
0x4e: {  	_ =	shalt  }
0x4f: {  	_ =	shalt  }
0x50: {  	_ =	shalt  }
0x51: {  	_ =	shalt  }
0x52: {  	_ =	shalt  }
0x53: {  	_ =	shalt  }
0x54: {  	_ =	shalt  }
0x55: {  	_ =	shalt  }
0x56: {  	_ =	shalt  }
0x57: {  	_ =	shalt  }
0x58: {  	_ =	shalt  }
0x59: {  	_ =	shalt  }
0x5a: {  	_ =	shalt  }
0x5b: {  	_ =	shalt  }
0x5c: {  	_ =	shalt  }
0x5d: {  	_ =	shalt  }
0x5e: {  	_ =	shalt  }
0x5f: {  	_ =	shalt  }
0x60: {  	_ =	shalt  }
0x61: {  	_ =	shalt  }
0x62: {  	_ =	shalt  }
0x63: {  	_ =	shalt  }
0x64: {  	_ =	shalt  }
0x65: {  	_ =	shalt  }
0x66: {  	_ =	shalt  }
0x67: {  	_ =	shalt  }
0x68: {  	_ =	shalt  }
0x69: {  	_ =	shalt  }
0x6a: {  	_ =	shalt  }
0x6b: {  	_ =	shalt  }
0x6c: {  	_ =	shalt  }
0x6d: {  	_ =	shalt  }
0x6e: {  	_ =	shalt  }
0x6f: {  	_ =	shalt  }
0x70: {  	_ =	shalt  }
0x71: {  	_ =	shalt  }
0x72: {  	_ =	shalt  }
0x73: {  	_ =	shalt  }
0x74: {  	_ =	shalt  }
0x75: {  	_ =	shalt  }
0x76: {  	_ =	shalt  }
0x77: {  	_ =	shalt  }
0x78: {  	_ =	shalt  }
0x79: {  	_ =	shalt  }
0x7a: {  	_ =	shalt  }
0x7b: {  	_ =	shalt  }
0x7c: {  	_ =	shalt  }
0x7d: {  	_ =	shalt  }
0x7e: {  	_ =	shalt  }
0x7f: {  	_ =	shalt  }
0x80: {  	_ =	shalt  }
0x81: {  	_ =	shalt  }
0x82: {  	_ =	shalt  }
0x83: {  	_ =	shalt  }
0x84: {  	_ =	shalt  }
0x85: {  	_ =	shalt  }
0x86: {  	_ =	shalt  }
0x87: {  	_ =	shalt  }
.Lfunc_end0:
.L_simem_size_0:
called_computation.3_lowered:
.L_overlay_start_0:
0x88: {  	s2 =	sld [smem:$0x3FD9]  }
0x89: {  	s3 =	sld [smem:$0x3FFE];
	_ =	sdelay $0x1  }
0x8a: {  	s1 =	srdreg.scid  }
0x8b: {  	s0 =	sand.u32 $0x1, s1  }
0x8c: {  	s16 =	sshll.u32 s0, $0xA;
	s2 =	sadd.s32 s3, s2  }
0x8d: {  	s2 =	sadd.s32 s2, s16  }
0x8e: {  	[smem:$0x3FB7] =	sst s2  }
0x8f: {  	_ = 	snop  }
0x90: {  	(tm) =	ssettm $0x1  }
0x91: {  	s17 =	sld [smem:$0x3FFB];
	_ =	sdelay $0x3  }
0x92: {  	_ =	strace s17  }
0x93: {  	s2 =	sld [smem:$0x3FFC];
	_ =	sdelay $0x3  }
0x94: {  	_ =	strace s2  }
0x95: {  	s2 =	sld [smem:$0x3FFD];
	_ =	sdelay $0x3  }
0x96: {  	_ =	strace s2  }
0x97: {  	_ =	strace $0x8FFFFFFF  }
0x98: {  	s18 =	sld [smem:$0x3FDB];
	_ =	sdelay $0x1  }
0x99: {  	s19 =	simm.s32 $_scs_section_size  }
0x9a: {  	s4 =	simm.s32 $_size__tile_overlayer_lowered;
	s5 =	simm.s32 $_tile_overlayer_lowered  }
0x9b: {  	s22 =	simm.s32 $0x1BFF;
	s21 =	sshll.u32 s5, $0x1;
	s2 =	sadd.s32 s19, s18  }
0x9c: {  	s6 =	simm.s32 $0x0;
	s20 =	sshll.u32 s4, $0x1;
	s4 =	sadd.s32 s21, s2  }
0x9d: {  	[timem:s6], [sflag:s22] =	dma.local [hbm:s4], s20  }
0x9e: {  	_ =	swait.ge [sflag:s22], s20  }
0x9f: {  	s3 =	ssub.s32 $0x0, s20;
	[sflag:s22] =	ssyncset.done $0x0  }
0xa0: {  	[sflag:s22] =	ssyncadd.s32 s3;
	_ =	sdelay $0x1  }
0xa1: {  	s23 =	simm.s32 $0x1B8B  }
0xa2: {  	_ =	swait.ge [sflag:s23], $0x1  }
0xa3: {  	[sflag:s23] =	ssyncset.done $0x0  }
0xa4: {  	s25 =	simm.s32 $0x1B8E;
	s24 =	sld [smem:$0x3FFE];
	[sflag:s23] =	ssyncadd.s32 $0xFFFFFFFF  }
0xa5: {  	s26 =	simm.s32 $execute0_lowered;
	[smem:$0x3FD2] =	sst s25  }
0xa6: {  	s4 =	sshll.u32 s26, $0x1;
	_ =	strace $0x8000004F;
	[dreg:$0x1] =	wrdreg $0xFFFFFFFF  }
0xa7: {  	s28 =	simm.s32 $_size_execute0_lowered;
	s2 =	sadd.s32 s2, s4;
	[dreg:$0x0] =	wrdreg $0x0  }
0xa8: {  	s4 =	sshll.u32 s28, $0x1;
	[dreg:$0x2] =	wrdreg s2  }
0xa9: {  	[dreg:$0x3] =	wrdreg s4  }
0xaa: {  	[dreg:$0x4] =	wrdreg $0xC0  }
0xab: {  	_ =	task [dreg:s6], $0x5FFFF  }
0xac: {  	[dreg:$0x1] =	wrdreg $0xFFFFFFFF  }
0xad: {  	[dreg:$0x0] =	wrdreg $0x60  }
0xae: {  	[dreg:$0x2] =	wrdreg s24  }
0xaf: {  	[dreg:$0x3] =	wrdreg $0xA8000  }
0xb0: {  	[dreg:$0x4] =	wrdreg $0x9  }
0xb1: {  	_ =	task.clear_ibuf [dreg:s6], $0x5FFFF;
	_ =	strace $0x9000004F  }
0xb2: {  	s29 =	simm.s32 $0x9;
	_ =	strace $0x80000051  }
0xb3: {  	_ =	swait.ge [sflag:s29], $0x1  }
0xb4: {  	[sflag:s29] =	ssyncadd.s32 $0xFFFFFFFF  }
0xb5: {  	_ =	strace $0x90000051  }
0xb6: {  	_ =	sfence  }
0xb7: {  	s30 =	sld [smem:$0x0];
	_ =	sdelay $0x2  }
0xb8: {  	s31 =	sshll.u32 s1, $0xD;
	s1 =	sshrl.u32 s1, $0x2  }
0xb9: {  	s3 =	sand.u32 $0x4000, s31;
	s1 =	sadd.s32 s1, s30  }
0xba: {  	s0 =	sor.u32 s3, s0;
	s1 =	sshll.u32 s1, $0x11  }
0xbb: {  	s0 =	sor.u32 s1, s0  }
0xbc: {  	s0 =	sadd.s32 $0x8F2B, s0  }
0xbd: {  	[sflag:s0] =	ssyncadd.remote.s32 $0x1  }
0xbe: {  	_ =	sfence.sel $0xFFFF  }
0xbf: {  	[dreg:$0x0] =	wrdreg $0xFFFFFFFF;
	(pc) =	sbr.abs _section_cstart, $3  }
0xc0: {  	[dreg:$0x1] =	wrdreg $0xFFFFFFFF  }
0xc1: {  	_ =	task.clear_ibuf [dreg:s6], $0x2FFFF;
	_ =	strace $0x9FFFFFFF  }
0xc2: {  	(tm) =	ssettm $0x7FFFFFFF  }
0xc3: {  	_ =	shalt  }
tec
execute0_lowered:
.L_overlay_start_1:
0x0: {  	(tag) =	ssettag $0x1  }
0x1: {  	s6 =	rddreg [dreg:$0x0]  }
0x2: {  	s0 =	srdreg.scid;
	s2 =	rddreg [dreg:$0x1]  }
0x3: {  	s3 =	simm.s32 $0x0;
	s14 =	simm.s32 $0x80;
	s15 =	simm.s32 $0x2800  }
0x4: {  	s16 =	simm.s32 $0x6800;
	s17 =	simm.s32 $0x1;
	s18 =	simm.s32 $0x2  }
0x5: {  	s19 =	simm.s32 $0x3;
	s5 =	sand.u32 $0x1, s0;
	s0 =	stileid.u32  }
0x6: {  	s20 =	simm.s32 $0x4;
	s21 =	simm.s32 $0x0;
	s8 =	smul.u32 $0x14000, s0  }
0x7: {  	[smem:$0x7FF] =	sst s3;
	s4 =	sadd.s32 $0xAE000, s6;
	s9 =	smul.u32 $0x140000, s5  }
0x8: {  	s1 =	sshll.u32 s5, $0x4;
	s5 =	ssub.s32 $0x2, s5;
	s30 =	smul.u32 $0x50000, s0  }
0x9: {  	s12 =	sshll.u32 s0, $0x6;
	s1 =	sor.u32 s0, s1;
	s31 =	sshrl.u32 s5, $0x1  }
0xa: {  	s12 =	sor.u32 $0x1C05, s12;
	s7 =	smul.u32 $0x280, s1;
	s1 =	rddreg [dreg:$0x2]  }
0xb: {  	_ =	strace $0x80000050;
	s10 =	sshrl.u32 s8, $0x3;
	s8 =	sadd.s32 s8, s9  }
0xc: {  	s11 =	ssub.s32 s5, s31;
	s9 =	sshrl.u32 s30, $0x2;
	s8 =	sshrl.u32 s8, $0x3  }
0xd: {  	s10 =	sadd.s32 s10, s6;
	s13 =	sadd.s32 s9, s2;
	s9 =	smax.u32 s11, $0x1  }
0xe: {  	s11 =	simm.s32 $0x1400;
	s7 =	sadd.s32 s7, s6;
	s8 =	sadd.s32 s8, s6  }
0xf: {  	s13 =	sshrl.u32 s13, $0x3;
	s5 =	sadd.s32 $0x54E00, s7;
	s6 =	sadd.s32 $0x59E00, s7  }
0x10: {  	s7 =	sadd.s32 $0x5EE00, s10;
	s8 =	sadd.s32 $0xFC200, s8;
	s10 =	simm.s32 $0x5  }
.LBB2_1:
0x11: {  	[tilespmem:s3], [sflag:$0x5] =	stream.linear.gather [hbm4b:s5+s3], $0x1400, $0x38;
	[tilespmem:$0x1E800] =	vst v63  }
0x12: {  	_ =	swait.ge [sflag:s10], $0x1400  }
0x13: {  	[sflag:s10] =	ssyncset.done $0x0  }
0x14: {  	[sflag:s10] =	ssyncadd.s32 $0xFFFFEC00  }
0x15: {  	[tilespmem:s11], [sflag:$0x5] =	stream.linear.gather [hbm4b:s6+s3], $0x1400, $0x38;
	[tilespmem:$0x1E800] =	vst v63  }
0x16: {  	_ =	swait.ge [sflag:s10], $0x1400  }
0x17: {  	[sflag:s10] =	ssyncset.done $0x0  }
0x18: {  	[sflag:s10] =	ssyncadd.s32 $0xFFFFEC00  }
0x19: {  	[spmem:s13], [sflag:s12] =	dma.local [hbm:s7], $0x2800  }
0x1a: {  	_ =	swait.ge [sflag:s10], $0x2800  }
0x1b: {  	[sflag:s10] =	ssyncset.done $0x0  }
0x1c: {  	[sflag:s10] =	ssyncadd.s32 $0xFFFFD800  }
0x1d: {  	s22 =	simm.s32 $0x0;
	[bflag:$0x0] =	sbarrier.arrive $0xFFFF  }
0x1e: {  	[tilespmem:s15], [sflag:$0x1] =	stream.indirect.gather [hbm4b:s4+s14], $0x80, s22, s14, $0xb8;
	[tilespmem:$0x1E800] =	vst v63  }
0x1f: {  	s29 =	simm.s32 $0x80  }
0x20: {  	[tilespmem:s16], [sflag:$0x2] =	stream.indirect.gather [hbm4b:s4+s14], $0x80, s29, s14, $0xb8;
	[tilespmem:$0x1E800] =	vst v63  }
0x21: {  	_ =	swait.ge [sflag:s17], $0x4000  }
0x22: {  	[sflag:s17] =	ssyncset.done $0x0  }
0x23: {  	s30 =	simm.s32 $0x1400;
	[sflag:s17] =	ssyncadd.s32 $0xFFFFC000  }
0x24: {  	[spmem:s2] =	stream.indirect.scatter.add.f32 [tilespmem:s15], [sflag:$0x3], $0x80, s30, s14, $0xb8;
	[tilespmem:$0x1E800] =	vst v63  }
0x25: {  	_ =	swait.ge [sflag:s18], $0x4000  }
0x26: {  	[sflag:s18] =	ssyncset.done $0x0  }
0x27: {  	s31 =	simm.s32 $0x1480;
	[sflag:s18] =	ssyncadd.s32 $0xFFFFC000  }
0x28: {  	[spmem:s2] =	stream.indirect.scatter.add.f32 [tilespmem:s16], [sflag:$0x4], $0x80, s31, s14, $0xb8;
	[tilespmem:$0x1E800] =	vst v63  }
0x29: {  	_ =	swait.ge [sflag:s19], $0x4000  }
0x2a: {  	[sflag:s19] =	ssyncset.done $0x0  }
0x2b: {  	[sflag:s19] =	ssyncadd.s32 $0xFFFFC000  }
0x2c: {  	_ =	swait.ge [sflag:s20], $0x4000  }
0x2d: {  	s23 =	simm.s32 $0x800;
	s22 =	simm.s32 $0x400;
	[sflag:s20] =	ssyncset.done $0x0  }
.LBB2_2:
0x2e: {  	s24 =	sshra.s32 s22, $0x2  }
0x2f: {  	[sflag:s20] =	ssyncadd.s32 $0xFFFFC000;
	s22 =	smov.u32 s23;
	s25 =	sadd.s32 $0x400, s23  }
0x30: {  	[tilespmem:s15], [sflag:$0x1] =	stream.indirect.gather [hbm4b:s4+s14], $0x80, s24, s14, $0xb8;
	[tilespmem:$0x1E800] =	vst v63  }
0x31: {  	p0 =	sne.s32 s23, $0x4C00;
	s23 =	sadd.s32 $0x80, s24  }
0x32: {  	[tilespmem:s16], [sflag:$0x2] =	stream.indirect.gather [hbm4b:s4+s14], $0x80, s23, s14, $0xb8;
	[tilespmem:$0x1E800] =	vst v63  }
0x33: {  	_ =	swait.ge [sflag:s17], $0x4000  }
0x34: {  	[sflag:s17] =	ssyncset.done $0x0  }
0x35: {  	s23 =	sadd.s32 $0x1400, s24;
	[sflag:s17] =	ssyncadd.s32 $0xFFFFC000  }
0x36: {  	[spmem:s2] =	stream.indirect.scatter.add.f32 [tilespmem:s15], [sflag:$0x3], $0x80, s23, s14, $0xb8;
	[tilespmem:$0x1E800] =	vst v63  }
0x37: {  	_ =	swait.ge [sflag:s18], $0x4000  }
0x38: {  	[sflag:s18] =	ssyncset.done $0x0  }
0x39: {  	s23 =	sadd.s32 $0x1480, s24;
	[sflag:s18] =	ssyncadd.s32 $0xFFFFC000  }
0x3a: {  	[spmem:s2] =	stream.indirect.scatter.add.f32 [tilespmem:s16], [sflag:$0x4], $0x80, s23, s14, $0xb8;
	[tilespmem:$0x1E800] =	vst v63  }
.Ltmp0:
0x3b: {  	_ =	swait.ge [sflag:s19], $0x4000;
	(pc) =	sbr.rel @p0 .LBB2_2-.Ltmp0, $4  }
0x3c: {  	[sflag:s19] =	ssyncset.done $0x0  }
0x3d: {  	[sflag:s19] =	ssyncadd.s32 $0xFFFFC000  }
0x3e: {  	_ =	swait.ge [sflag:s20], $0x4000  }
0x3f: {  	s23 =	smov.u32 s25;
	[sflag:s20] =	ssyncset.done $0x0  }
0x40: {  	s22 =	sshra.s32 s22, $0x2;
	[sflag:s20] =	ssyncadd.s32 $0xFFFFC000  }
0x41: {  	[tilespmem:s15], [sflag:$0x1] =	stream.indirect.gather [hbm4b:s4+s14], $0x80, s22, s14, $0xb8;
	[tilespmem:$0x1E800] =	vst v63  }
0x42: {  	s23 =	sadd.s32 $0x80, s22  }
0x43: {  	[tilespmem:s16], [sflag:$0x2] =	stream.indirect.gather [hbm4b:s4+s14], $0x80, s23, s14, $0xb8;
	[tilespmem:$0x1E800] =	vst v63  }
0x44: {  	_ =	swait.ge [sflag:s17], $0x4000  }
0x45: {  	[sflag:s17] =	ssyncset.done $0x0  }
0x46: {  	s31 =	sadd.s32 $0x1400, s22;
	[sflag:s17] =	ssyncadd.s32 $0xFFFFC000  }
0x47: {  	[spmem:s2] =	stream.indirect.scatter.add.f32 [tilespmem:s15], [sflag:$0x3], $0x80, s31, s14, $0xb8;
	[tilespmem:$0x1E800] =	vst v63  }
0x48: {  	_ =	swait.ge [sflag:s18], $0x4000  }
0x49: {  	[sflag:s18] =	ssyncset.done $0x0  }
0x4a: {  	s22 =	sadd.s32 $0x1480, s22;
	[sflag:s18] =	ssyncadd.s32 $0xFFFFC000  }
0x4b: {  	[spmem:s2] =	stream.indirect.scatter.add.f32 [tilespmem:s16], [sflag:$0x4], $0x80, s22, s14, $0xb8;
	[tilespmem:$0x1E800] =	vst v63  }
0x4c: {  	_ =	swait.ge [sflag:s19], $0x4000  }
0x4d: {  	[sflag:s19] =	ssyncset.done $0x0  }
0x4e: {  	[sflag:s19] =	ssyncadd.s32 $0xFFFFC000  }
0x4f: {  	_ =	swait.ge [sflag:s20], $0x4000  }
0x50: {  	s21 =	sadd.s32 $0x1, s21;
	[sflag:s20] =	ssyncset.done $0x0  }
0x51: {  	p0 =	sne.s32 s21, s9;
	[sflag:s20] =	ssyncadd.s32 $0xFFFFC000  }
.Ltmp1:
0x52: {  	[bflag:$0x0] =	sbarrier.arrive $0xFFFF;
	(pc) =	sbr.rel @p0 .LBB2_1-.Ltmp1, $4  }
0x53: {  	[hbm:s8], [sflag:s12] =	dma.local [spmem:s13], $0x2800  }
0x54: {  	_ =	swait.ge [sflag:s10], $0x2800  }
0x55: {  	[sflag:s10] =	ssyncset.done $0x0  }
0x56: {  	[sflag:s10] =	ssyncadd.s32 $0xFFFFD800  }
0x57: {  	_ =	sfence.sel $0x180000  }
0x58: {  	[bflag:$0x0] =	sbarrier.arrive $0xFFFF  }
0x59: {  	p0 =	sne.s32 s0, $0x0;
	_ =	strace $0x90000050  }
0x5a: {  	s0 =	sadd.s32 @!p0 $0x100000, s1;
	[bflag:$0x2] =	sbarrier.arrive $0xFFFF  }
0x5b: {  	[sflag:s0] =	ssyncadd.tile.s32 @!p0 $0x1;
	_ =	shalt  }
.Lfunc_end2:
_tile_overlayer_lowered:
.L_overlay_start_2:
0x5c: {  	(tag) =	ssettag $0x2  }
0x5d: {  	s0 =	rddreg [dreg:$0x0];
	s2 =	stileid.u32  }
0x5e: {  	s1 =	rddreg [dreg:$0x1];
	p0 =	sne.s32 s2, $0x0  }
0x5f: {  	s3 =	rddreg [dreg:$0x2];
	[bflag:$0x3] =	sbarrier.arrive $0xFFFF;
	s2 =	simm.s32 @!p0 $0x1C05  }
0x60: {  	[timem:s3], [sflag:s2] =	dma.local @!p0 [hbm:s0], s1  }
0x61: {  	s0 =	simm.s32 @!p0 $0x5  }
0x62: {  	_ =	swait.ge @!p0 [sflag:s0], s1  }
0x63: {  	s1 =	ssub.s32 @!p0 $0x0, s1;
	[sflag:s0] =	ssyncset.done @!p0 $0x0  }
0x64: {  	[sflag:s0] =	ssyncadd.s32 @!p0 s1  }
0x65: {  	[bflag:$0x3] =	sbarrier.arrive $0xFFFF  }
0x66: {  	_ =	shalt  }

// kernel: kernel.46.cloned.1.call-start
scs
__scs_entry_jumppad:
0x0: {  	(pc) =	sbr.rel $0x88, $3  }
0x1: {  	(tag) =	ssettag $0x0;
	lr =	simm.s32 $0x1  }
0x2: {  	[smem:$0x3F90] =	sst lr;
	_ =	strace $0xD0000000  }
0x3: {  	_ = 	snop  }
0x4: {  	_ = 	snop  }
0x5: {  	_ = 	snop  }
0x6: {  	_ = 	snop  }
0x7: {  	_ = 	snop  }
__scs_overlays_trampoline_lowered:
0x8: {  	[smem:$0x3F9F] =	sst s0  }
0x9: {  	[smem:$0x3FA0] =	sst s1  }
0xa: {  	[smem:$0x3FA1] =	sst s2  }
0xb: {  	[smem:$0x3FA2] =	sst s3  }
0xc: {  	[smem:$0x3FA3] =	sst s4  }
0xd: {  	[smem:$0x3FA4] =	sst s5  }
0xe: {  	[smem:$0x3FA5] =	sst s6  }
0xf: {  	[smem:$0x3FA6] =	sst s7  }
0x10: {  	[smem:$0x3FA7] =	sst s8  }
0x11: {  	[smem:$0x3FA8] =	sst s9;
	s0 =	simm.s32 @!p0 $0x0  }
0x12: {  	s1 =	sld [smem:$0x3F8E];
	s0 =	simm.s32 @p0 $0x1  }
0x13: {  	[smem:$0x3FA9] =	sst s0;
	s0 =	simm.s32 @!p1 $0x0  }
0x14: {  	s2 =	sld [smem:$0x3F8D];
	s0 =	simm.s32 @p1 $0x1  }
0x15: {  	[smem:$0x3FAA] =	sst s0;
	s0 =	simm.s32 @!p2 $0x0  }
0x16: {  	s3 =	sld [smem:$0x3FDB];
	s0 =	simm.s32 @p2 $0x1  }
0x17: {  	s4 =	simm.s32 $0x1BF5;
	[smem:$0x3FAC] =	sst s0  }
0x18: {  	s0 =	sld [smem:$0x3F8F];
	_ =	swait.ge [sflag:s4], $0x0  }
0x19: {  	s7 =	sld [smem:$0x3F90]  }
0x1a: {  	s8 =	sadd.s32 $0xFFFFE003, lr  }
0x1b: {  	s9 =	sadd.s32 $0xFFFFFEF7, lr;
	s5 =	simm.s32 $0xFFFFFFFF;
	p2 =	slt.u32 s8, $0xFFFFF086  }
0x1c: {  	p1 =	slt.u32 s9, $0xF7A;
	s5 =	simm.s32 @!p2 $0x0  }
0x1d: {  	s5 =	simm.s32 @p1 $0x1;
	p0 =	seq.s32 s7, s2  }
0x1e: {  	s7 =	smul.u32 @!p0 $0xF7A, s2;
	p2 =	seq.s32 @!p0 s5, $0x0  }
0x1f: {  	s9 =	smul.u32 $0xF7A, s1;
	s8 =	simm.s32 @!p0 $0x1BF5;
	p2 =	por !p2, p0  }
0x20: {  	[sflag:s8] =	ssyncset.s32 @!p0 $0xFFFFF086;
	s6 =	sadd.s32 @!p0 s3, s7;
	s7 =	simm.s32 @!p0 $0x108  }
0x21: {  	s3 =	sadd.s32 s3, s9;
	s6 =	sadd.s32 @!p0 $0x88, s6;
	s7 =	simm.s32 @p2 $0x1082  }
0x22: {  	[simem:s7], [sflag:s8] =	dma.local @!p0 [hbm:s6], $0xF7A  }
0x23: {  	s9 =	sor.u32 $0xD0000000, s2;
	s6 =	simm.s32 $0x108;
	_ =	swait.ge @!p0 [sflag:s8], $0x0  }
0x24: {  	s3 =	sadd.s32 $0x88, s3;
	s6 =	simm.s32 @!p1 $0x1082;
	[sflag:s4] =	ssyncset.s32 $0xFFFFF086  }
0x25: {  	[simem:s6], [sflag:s4] =	dma.local [hbm:s3], $0xF7A  }
0x26: {  	[smem:$0x3F90] =	sst s1;
	(tag) =	ssettag s2;
	_ =	strace s9  }
0x27: {  	s1 =	sld [smem:$0x3FA0]  }
0x28: {  	s2 =	sld [smem:$0x3FA1]  }
0x29: {  	s4 =	sld [smem:$0x3FA3]  }
0x2a: {  	p0 =	seq.s32 s5, $0x0;
	s5 =	sld [smem:$0x3FA4]  }
0x2b: {  	s6 =	sld [smem:$0x3FA5]  }
0x2c: {  	s7 =	sld [smem:$0x3FA6]  }
0x2d: {  	s3 =	simm.s32 $0x108;
	s8 =	sld [smem:$0x3FA7]  }
0x2e: {  	s3 =	simm.s32 @!p0 $0x1082;
	s9 =	sld [smem:$0x3FA8]  }
0x2f: {  	lr =	sadd.s32 s0, s3;
	s0 =	sld [smem:$0x3F9F]  }
0x30: {  	s3 =	sld [smem:$0x3FA2]  }
0x31: {  	[smem:$0x3FAB] =	sst s10  }
0x32: {  	s10 =	sld [smem:$0x3FA9];
	_ =	sdelay $0x3  }
0x33: {  	p0 =	seq.s32 s10, $0x1;
	s10 =	sld [smem:$0x3FAB];
	_ =	sdelay $0x3  }
0x34: {  	[smem:$0x3FAB] =	sst s10  }
0x35: {  	s10 =	sld [smem:$0x3FAA];
	_ =	sdelay $0x3  }
0x36: {  	p1 =	seq.s32 s10, $0x1;
	s10 =	sld [smem:$0x3FAB];
	_ =	sdelay $0x3  }
0x37: {  	[smem:$0x3FAB] =	sst s10  }
0x38: {  	s10 =	sld [smem:$0x3FAC]  }
0x39: {  	_ = 	snop;
	(pc) =	sbr.ind lr, $3  }
0x3a: {  	_ = 	snop  }
0x3b: {  	_ = 	snop  }
0x3c: {  	p2 =	seq.s32 s10, $0x1;
	s10 =	sld [smem:$0x3FAB]  }
0x3d: {  	_ =	shalt  }
0x3e: {  	_ =	shalt  }
0x3f: {  	_ =	shalt  }
0x40: {  	_ =	shalt  }
0x41: {  	_ =	shalt  }
0x42: {  	_ =	shalt  }
0x43: {  	_ =	shalt  }
0x44: {  	_ =	shalt  }
0x45: {  	_ =	shalt  }
0x46: {  	_ =	shalt  }
0x47: {  	_ =	shalt  }
0x48: {  	_ =	shalt  }
0x49: {  	_ =	shalt  }
0x4a: {  	_ =	shalt  }
0x4b: {  	_ =	shalt  }
0x4c: {  	_ =	shalt  }
0x4d: {  	_ =	shalt  }
0x4e: {  	_ =	shalt  }
0x4f: {  	_ =	shalt  }
0x50: {  	_ =	shalt  }
0x51: {  	_ =	shalt  }
0x52: {  	_ =	shalt  }
0x53: {  	_ =	shalt  }
0x54: {  	_ =	shalt  }
0x55: {  	_ =	shalt  }
0x56: {  	_ =	shalt  }
0x57: {  	_ =	shalt  }
0x58: {  	_ =	shalt  }
0x59: {  	_ =	shalt  }
0x5a: {  	_ =	shalt  }
0x5b: {  	_ =	shalt  }
0x5c: {  	_ =	shalt  }
0x5d: {  	_ =	shalt  }
0x5e: {  	_ =	shalt  }
0x5f: {  	_ =	shalt  }
0x60: {  	_ =	shalt  }
0x61: {  	_ =	shalt  }
0x62: {  	_ =	shalt  }
0x63: {  	_ =	shalt  }
0x64: {  	_ =	shalt  }
0x65: {  	_ =	shalt  }
0x66: {  	_ =	shalt  }
0x67: {  	_ =	shalt  }
0x68: {  	_ =	shalt  }
0x69: {  	_ =	shalt  }
0x6a: {  	_ =	shalt  }
0x6b: {  	_ =	shalt  }
0x6c: {  	_ =	shalt  }
0x6d: {  	_ =	shalt  }
0x6e: {  	_ =	shalt  }
0x6f: {  	_ =	shalt  }
0x70: {  	_ =	shalt  }
0x71: {  	_ =	shalt  }
0x72: {  	_ =	shalt  }
0x73: {  	_ =	shalt  }
0x74: {  	_ =	shalt  }
0x75: {  	_ =	shalt  }
0x76: {  	_ =	shalt  }
0x77: {  	_ =	shalt  }
0x78: {  	_ =	shalt  }
0x79: {  	_ =	shalt  }
0x7a: {  	_ =	shalt  }
0x7b: {  	_ =	shalt  }
0x7c: {  	_ =	shalt  }
0x7d: {  	_ =	shalt  }
0x7e: {  	_ =	shalt  }
0x7f: {  	_ =	shalt  }
0x80: {  	_ =	shalt  }
0x81: {  	_ =	shalt  }
0x82: {  	_ =	shalt  }
0x83: {  	_ =	shalt  }
0x84: {  	_ =	shalt  }
0x85: {  	_ =	shalt  }
0x86: {  	_ =	shalt  }
0x87: {  	_ =	shalt  }
.Lfunc_end0:
.L_simem_size_0:
called_computation.4_lowered:
.L_overlay_start_0:
0x88: {  	s2 =	sld [smem:$0x3FD9]  }
0x89: {  	s3 =	sld [smem:$0x3FFE];
	_ =	sdelay $0x1  }
0x8a: {  	s1 =	srdreg.scid  }
0x8b: {  	s0 =	sand.u32 $0x1, s1  }
0x8c: {  	s16 =	sshll.u32 s0, $0xA;
	s2 =	sadd.s32 s3, s2  }
0x8d: {  	s2 =	sadd.s32 s2, s16  }
0x8e: {  	[smem:$0x3FB7] =	sst s2  }
0x8f: {  	_ = 	snop  }
0x90: {  	(tm) =	ssettm $0x1  }
0x91: {  	s17 =	sld [smem:$0x3FFB];
	_ =	sdelay $0x3  }
0x92: {  	_ =	strace s17  }
0x93: {  	s2 =	sld [smem:$0x3FFC];
	_ =	sdelay $0x3  }
0x94: {  	_ =	strace s2  }
0x95: {  	s2 =	sld [smem:$0x3FFD];
	_ =	sdelay $0x3  }
0x96: {  	_ =	strace s2  }
0x97: {  	_ =	strace $0x8FFFFFFF  }
0x98: {  	s18 =	sld [smem:$0x3FDB];
	_ =	sdelay $0x1  }
0x99: {  	s19 =	simm.s32 $_scs_section_size  }
0x9a: {  	s4 =	simm.s32 $_size__tile_overlayer_lowered;
	s5 =	simm.s32 $_tile_overlayer_lowered  }
0x9b: {  	s22 =	simm.s32 $0x1BFF;
	s21 =	sshll.u32 s5, $0x1;
	s2 =	sadd.s32 s19, s18  }
0x9c: {  	s6 =	simm.s32 $0x0;
	s20 =	sshll.u32 s4, $0x1;
	s4 =	sadd.s32 s21, s2  }
0x9d: {  	[timem:s6], [sflag:s22] =	dma.local [hbm:s4], s20  }
0x9e: {  	_ =	swait.ge [sflag:s22], s20  }
0x9f: {  	s3 =	ssub.s32 $0x0, s20;
	[sflag:s22] =	ssyncset.done $0x0  }
0xa0: {  	[sflag:s22] =	ssyncadd.s32 s3;
	_ =	sdelay $0x1  }
0xa1: {  	s23 =	simm.s32 $0x1B8B  }
0xa2: {  	_ =	swait.ge [sflag:s23], $0x1  }
0xa3: {  	[sflag:s23] =	ssyncset.done $0x0  }
0xa4: {  	s25 =	simm.s32 $0x1B8E;
	s24 =	sld [smem:$0x3FFE];
	[sflag:s23] =	ssyncadd.s32 $0xFFFFFFFF  }
0xa5: {  	s26 =	simm.s32 $execute0_lowered;
	[smem:$0x3FD2] =	sst s25  }
0xa6: {  	s4 =	sshll.u32 s26, $0x1;
	_ =	strace $0x80000052;
	[dreg:$0x1] =	wrdreg $0xFFFFFFFF  }
0xa7: {  	s28 =	simm.s32 $_size_execute0_lowered;
	s2 =	sadd.s32 s2, s4;
	[dreg:$0x0] =	wrdreg $0x0  }
0xa8: {  	s4 =	sshll.u32 s28, $0x1;
	[dreg:$0x2] =	wrdreg s2  }
0xa9: {  	[dreg:$0x3] =	wrdreg s4  }
0xaa: {  	[dreg:$0x4] =	wrdreg $0xC0  }
0xab: {  	_ =	task [dreg:s6], $0x5FFFF  }
0xac: {  	[dreg:$0x1] =	wrdreg $0xFFFFFFFF  }
0xad: {  	[dreg:$0x0] =	wrdreg $0x60  }
0xae: {  	[dreg:$0x2] =	wrdreg s24  }
0xaf: {  	[dreg:$0x3] =	wrdreg $0xA8000  }
0xb0: {  	[dreg:$0x4] =	wrdreg $0x9  }
0xb1: {  	_ =	task.clear_ibuf [dreg:s6], $0x5FFFF;
	_ =	strace $0x90000052  }
0xb2: {  	s29 =	simm.s32 $0x9;
	_ =	strace $0x80000054  }
0xb3: {  	_ =	swait.ge [sflag:s29], $0x1  }
0xb4: {  	[sflag:s29] =	ssyncadd.s32 $0xFFFFFFFF  }
0xb5: {  	_ =	strace $0x90000054  }
0xb6: {  	_ =	sfence  }
0xb7: {  	s30 =	sld [smem:$0x0];
	_ =	sdelay $0x2  }
0xb8: {  	s31 =	sshll.u32 s1, $0xD;
	s1 =	sshrl.u32 s1, $0x2  }
0xb9: {  	s3 =	sand.u32 $0x4000, s31;
	s1 =	sadd.s32 s1, s30  }
0xba: {  	s0 =	sor.u32 s3, s0;
	s1 =	sshll.u32 s1, $0x11  }
0xbb: {  	s0 =	sor.u32 s1, s0  }
0xbc: {  	s0 =	sadd.s32 $0x8F2B, s0  }
0xbd: {  	[sflag:s0] =	ssyncadd.remote.s32 $0x1  }
0xbe: {  	_ =	sfence.sel $0xFFFF  }
0xbf: {  	[dreg:$0x0] =	wrdreg $0xFFFFFFFF;
	(pc) =	sbr.abs _section_cstart, $3  }
0xc0: {  	[dreg:$0x1] =	wrdreg $0xFFFFFFFF  }
0xc1: {  	_ =	task.clear_ibuf [dreg:s6], $0x2FFFF;
	_ =	strace $0x9FFFFFFF  }
0xc2: {  	(tm) =	ssettm $0x7FFFFFFF  }
0xc3: {  	_ =	shalt  }
tec
execute0_lowered:
.L_overlay_start_1:
0x0: {  	(tag) =	ssettag $0x1  }
0x1: {  	s6 =	rddreg [dreg:$0x0]  }
0x2: {  	s0 =	srdreg.scid;
	s2 =	rddreg [dreg:$0x1]  }
0x3: {  	s3 =	simm.s32 $0x0;
	s14 =	simm.s32 $0x80;
	s15 =	simm.s32 $0x2800  }
0x4: {  	s16 =	simm.s32 $0x6800;
	s17 =	simm.s32 $0x1;
	s18 =	simm.s32 $0x2  }
0x5: {  	s19 =	simm.s32 $0x3;
	s5 =	sand.u32 $0x1, s0;
	s0 =	stileid.u32  }
0x6: {  	s20 =	simm.s32 $0x4;
	s21 =	simm.s32 $0x0;
	s8 =	smul.u32 $0x14000, s0  }
0x7: {  	[smem:$0x7FF] =	sst s3;
	s4 =	sadd.s32 $0x86E00, s6;
	s9 =	smul.u32 $0x140000, s5  }
0x8: {  	s1 =	sshll.u32 s5, $0x4;
	s5 =	ssub.s32 $0x2, s5;
	s30 =	smul.u32 $0x50000, s0  }
0x9: {  	s12 =	sshll.u32 s0, $0x6;
	s1 =	sor.u32 s0, s1;
	s31 =	sshrl.u32 s5, $0x1  }
0xa: {  	s12 =	sor.u32 $0x1C05, s12;
	s7 =	smul.u32 $0x280, s1;
	s1 =	rddreg [dreg:$0x2]  }
0xb: {  	_ =	strace $0x80000053;
	s10 =	sshrl.u32 s8, $0x3;
	s8 =	sadd.s32 s8, s9  }
0xc: {  	s11 =	ssub.s32 s5, s31;
	s9 =	sshrl.u32 s30, $0x2;
	s8 =	sshrl.u32 s8, $0x3  }
0xd: {  	s10 =	sadd.s32 s10, s6;
	s13 =	sadd.s32 s9, s2;
	s9 =	smax.u32 s11, $0x1  }
0xe: {  	s11 =	simm.s32 $0x1400;
	s7 =	sadd.s32 s7, s6;
	s8 =	sadd.s32 s8, s6  }
0xf: {  	s13 =	sshrl.u32 s13, $0x3;
	s5 =	sadd.s32 $0x54E00, s7;
	s6 =	sadd.s32 $0x59E00, s7  }
0x10: {  	s7 =	sadd.s32 $0x5EE00, s10;
	s8 =	sadd.s32 $0xD5000, s8;
	s10 =	simm.s32 $0x5  }
.LBB2_1:
0x11: {  	[tilespmem:s3], [sflag:$0x5] =	stream.linear.gather [hbm4b:s5+s3], $0x1400, $0x38;
	[tilespmem:$0x1E800] =	vst v63  }
0x12: {  	_ =	swait.ge [sflag:s10], $0x1400  }
0x13: {  	[sflag:s10] =	ssyncset.done $0x0  }
0x14: {  	[sflag:s10] =	ssyncadd.s32 $0xFFFFEC00  }
0x15: {  	[tilespmem:s11], [sflag:$0x5] =	stream.linear.gather [hbm4b:s6+s3], $0x1400, $0x38;
	[tilespmem:$0x1E800] =	vst v63  }
0x16: {  	_ =	swait.ge [sflag:s10], $0x1400  }
0x17: {  	[sflag:s10] =	ssyncset.done $0x0  }
0x18: {  	[sflag:s10] =	ssyncadd.s32 $0xFFFFEC00  }
0x19: {  	[spmem:s13], [sflag:s12] =	dma.local [hbm:s7], $0x2800  }
0x1a: {  	_ =	swait.ge [sflag:s10], $0x2800  }
0x1b: {  	[sflag:s10] =	ssyncset.done $0x0  }
0x1c: {  	[sflag:s10] =	ssyncadd.s32 $0xFFFFD800  }
0x1d: {  	s22 =	simm.s32 $0x0;
	[bflag:$0x0] =	sbarrier.arrive $0xFFFF  }
0x1e: {  	[tilespmem:s15], [sflag:$0x1] =	stream.indirect.gather [hbm4b:s4+s14], $0x80, s22, s14, $0xb8;
	[tilespmem:$0x1E800] =	vst v63  }
0x1f: {  	s29 =	simm.s32 $0x80  }
0x20: {  	[tilespmem:s16], [sflag:$0x2] =	stream.indirect.gather [hbm4b:s4+s14], $0x80, s29, s14, $0xb8;
	[tilespmem:$0x1E800] =	vst v63  }
0x21: {  	_ =	swait.ge [sflag:s17], $0x4000  }
0x22: {  	[sflag:s17] =	ssyncset.done $0x0  }
0x23: {  	s30 =	simm.s32 $0x1400;
	[sflag:s17] =	ssyncadd.s32 $0xFFFFC000  }
0x24: {  	[spmem:s2] =	stream.indirect.scatter.add.f32 [tilespmem:s15], [sflag:$0x3], $0x80, s30, s14, $0xb8;
	[tilespmem:$0x1E800] =	vst v63  }
0x25: {  	_ =	swait.ge [sflag:s18], $0x4000  }
0x26: {  	[sflag:s18] =	ssyncset.done $0x0  }
0x27: {  	s31 =	simm.s32 $0x1480;
	[sflag:s18] =	ssyncadd.s32 $0xFFFFC000  }
0x28: {  	[spmem:s2] =	stream.indirect.scatter.add.f32 [tilespmem:s16], [sflag:$0x4], $0x80, s31, s14, $0xb8;
	[tilespmem:$0x1E800] =	vst v63  }
0x29: {  	_ =	swait.ge [sflag:s19], $0x4000  }
0x2a: {  	[sflag:s19] =	ssyncset.done $0x0  }
0x2b: {  	[sflag:s19] =	ssyncadd.s32 $0xFFFFC000  }
0x2c: {  	_ =	swait.ge [sflag:s20], $0x4000  }
0x2d: {  	s23 =	simm.s32 $0x800;
	s22 =	simm.s32 $0x400;
	[sflag:s20] =	ssyncset.done $0x0  }
.LBB2_2:
0x2e: {  	s24 =	sshra.s32 s22, $0x2  }
0x2f: {  	[sflag:s20] =	ssyncadd.s32 $0xFFFFC000;
	s22 =	smov.u32 s23;
	s25 =	sadd.s32 $0x400, s23  }
0x30: {  	[tilespmem:s15], [sflag:$0x1] =	stream.indirect.gather [hbm4b:s4+s14], $0x80, s24, s14, $0xb8;
	[tilespmem:$0x1E800] =	vst v63  }
0x31: {  	p0 =	sne.s32 s23, $0x4C00;
	s23 =	sadd.s32 $0x80, s24  }
0x32: {  	[tilespmem:s16], [sflag:$0x2] =	stream.indirect.gather [hbm4b:s4+s14], $0x80, s23, s14, $0xb8;
	[tilespmem:$0x1E800] =	vst v63  }
0x33: {  	_ =	swait.ge [sflag:s17], $0x4000  }
0x34: {  	[sflag:s17] =	ssyncset.done $0x0  }
0x35: {  	s23 =	sadd.s32 $0x1400, s24;
	[sflag:s17] =	ssyncadd.s32 $0xFFFFC000  }
0x36: {  	[spmem:s2] =	stream.indirect.scatter.add.f32 [tilespmem:s15], [sflag:$0x3], $0x80, s23, s14, $0xb8;
	[tilespmem:$0x1E800] =	vst v63  }
0x37: {  	_ =	swait.ge [sflag:s18], $0x4000  }
0x38: {  	[sflag:s18] =	ssyncset.done $0x0  }
0x39: {  	s23 =	sadd.s32 $0x1480, s24;
	[sflag:s18] =	ssyncadd.s32 $0xFFFFC000  }
0x3a: {  	[spmem:s2] =	stream.indirect.scatter.add.f32 [tilespmem:s16], [sflag:$0x4], $0x80, s23, s14, $0xb8;
	[tilespmem:$0x1E800] =	vst v63  }
.Ltmp0:
0x3b: {  	_ =	swait.ge [sflag:s19], $0x4000;
	(pc) =	sbr.rel @p0 .LBB2_2-.Ltmp0, $4  }
0x3c: {  	[sflag:s19] =	ssyncset.done $0x0  }
0x3d: {  	[sflag:s19] =	ssyncadd.s32 $0xFFFFC000  }
0x3e: {  	_ =	swait.ge [sflag:s20], $0x4000  }
0x3f: {  	s23 =	smov.u32 s25;
	[sflag:s20] =	ssyncset.done $0x0  }
0x40: {  	s22 =	sshra.s32 s22, $0x2;
	[sflag:s20] =	ssyncadd.s32 $0xFFFFC000  }
0x41: {  	[tilespmem:s15], [sflag:$0x1] =	stream.indirect.gather [hbm4b:s4+s14], $0x80, s22, s14, $0xb8;
	[tilespmem:$0x1E800] =	vst v63  }
0x42: {  	s23 =	sadd.s32 $0x80, s22  }
0x43: {  	[tilespmem:s16], [sflag:$0x2] =	stream.indirect.gather [hbm4b:s4+s14], $0x80, s23, s14, $0xb8;
	[tilespmem:$0x1E800] =	vst v63  }
0x44: {  	_ =	swait.ge [sflag:s17], $0x4000  }
0x45: {  	[sflag:s17] =	ssyncset.done $0x0  }
0x46: {  	s31 =	sadd.s32 $0x1400, s22;
	[sflag:s17] =	ssyncadd.s32 $0xFFFFC000  }
0x47: {  	[spmem:s2] =	stream.indirect.scatter.add.f32 [tilespmem:s15], [sflag:$0x3], $0x80, s31, s14, $0xb8;
	[tilespmem:$0x1E800] =	vst v63  }
0x48: {  	_ =	swait.ge [sflag:s18], $0x4000  }
0x49: {  	[sflag:s18] =	ssyncset.done $0x0  }
0x4a: {  	s22 =	sadd.s32 $0x1480, s22;
	[sflag:s18] =	ssyncadd.s32 $0xFFFFC000  }
0x4b: {  	[spmem:s2] =	stream.indirect.scatter.add.f32 [tilespmem:s16], [sflag:$0x4], $0x80, s22, s14, $0xb8;
	[tilespmem:$0x1E800] =	vst v63  }
0x4c: {  	_ =	swait.ge [sflag:s19], $0x4000  }
0x4d: {  	[sflag:s19] =	ssyncset.done $0x0  }
0x4e: {  	[sflag:s19] =	ssyncadd.s32 $0xFFFFC000  }
0x4f: {  	_ =	swait.ge [sflag:s20], $0x4000  }
0x50: {  	s21 =	sadd.s32 $0x1, s21;
	[sflag:s20] =	ssyncset.done $0x0  }
0x51: {  	p0 =	sne.s32 s21, s9;
	[sflag:s20] =	ssyncadd.s32 $0xFFFFC000  }
.Ltmp1:
0x52: {  	[bflag:$0x0] =	sbarrier.arrive $0xFFFF;
	(pc) =	sbr.rel @p0 .LBB2_1-.Ltmp1, $4  }
0x53: {  	[hbm:s8], [sflag:s12] =	dma.local [spmem:s13], $0x2800  }
0x54: {  	_ =	swait.ge [sflag:s10], $0x2800  }
0x55: {  	[sflag:s10] =	ssyncset.done $0x0  }
0x56: {  	[sflag:s10] =	ssyncadd.s32 $0xFFFFD800  }
0x57: {  	_ =	sfence.sel $0x180000  }
0x58: {  	[bflag:$0x0] =	sbarrier.arrive $0xFFFF  }
0x59: {  	p0 =	sne.s32 s0, $0x0;
	_ =	strace $0x90000053  }
0x5a: {  	s0 =	sadd.s32 @!p0 $0x100000, s1;
	[bflag:$0x2] =	sbarrier.arrive $0xFFFF  }
0x5b: {  	[sflag:s0] =	ssyncadd.tile.s32 @!p0 $0x1;
	_ =	shalt  }
.Lfunc_end2:
_tile_overlayer_lowered:
.L_overlay_start_2:
0x5c: {  	(tag) =	ssettag $0x2  }
0x5d: {  	s0 =	rddreg [dreg:$0x0];
	s2 =	stileid.u32  }
0x5e: {  	s1 =	rddreg [dreg:$0x1];
	p0 =	sne.s32 s2, $0x0  }
0x5f: {  	s3 =	rddreg [dreg:$0x2];
	[bflag:$0x3] =	sbarrier.arrive $0xFFFF;
	s2 =	simm.s32 @!p0 $0x1C05  }
0x60: {  	[timem:s3], [sflag:s2] =	dma.local @!p0 [hbm:s0], s1  }
0x61: {  	s0 =	simm.s32 @!p0 $0x5  }
0x62: {  	_ =	swait.ge @!p0 [sflag:s0], s1  }
0x63: {  	s1 =	ssub.s32 @!p0 $0x0, s1;
	[sflag:s0] =	ssyncset.done @!p0 $0x0  }
0x64: {  	[sflag:s0] =	ssyncadd.s32 @!p0 s1  }
0x65: {  	[bflag:$0x3] =	sbarrier.arrive $0xFFFF  }
0x66: {  	_ =	shalt  }

// kernel: kernel.49.cloned.1.call-start
scs
__scs_entry_jumppad:
0x0: {  	(pc) =	sbr.rel $0x88, $3  }
0x1: {  	(tag) =	ssettag $0x0;
	lr =	simm.s32 $0x1  }
0x2: {  	[smem:$0x3F90] =	sst lr;
	_ =	strace $0xD0000000  }
0x3: {  	_ = 	snop  }
0x4: {  	_ = 	snop  }
0x5: {  	_ = 	snop  }
0x6: {  	_ = 	snop  }
0x7: {  	_ = 	snop  }
__scs_overlays_trampoline_lowered:
0x8: {  	[smem:$0x3F9F] =	sst s0  }
0x9: {  	[smem:$0x3FA0] =	sst s1  }
0xa: {  	[smem:$0x3FA1] =	sst s2  }
0xb: {  	[smem:$0x3FA2] =	sst s3  }
0xc: {  	[smem:$0x3FA3] =	sst s4  }
0xd: {  	[smem:$0x3FA4] =	sst s5  }
0xe: {  	[smem:$0x3FA5] =	sst s6  }
0xf: {  	[smem:$0x3FA6] =	sst s7  }
0x10: {  	[smem:$0x3FA7] =	sst s8  }
0x11: {  	[smem:$0x3FA8] =	sst s9;
	s0 =	simm.s32 @!p0 $0x0  }
0x12: {  	s1 =	sld [smem:$0x3F8E];
	s0 =	simm.s32 @p0 $0x1  }
0x13: {  	[smem:$0x3FA9] =	sst s0;
	s0 =	simm.s32 @!p1 $0x0  }
0x14: {  	s2 =	sld [smem:$0x3F8D];
	s0 =	simm.s32 @p1 $0x1  }
0x15: {  	[smem:$0x3FAA] =	sst s0;
	s0 =	simm.s32 @!p2 $0x0  }
0x16: {  	s3 =	sld [smem:$0x3FDB];
	s0 =	simm.s32 @p2 $0x1  }
0x17: {  	s4 =	simm.s32 $0x1BF5;
	[smem:$0x3FAC] =	sst s0  }
0x18: {  	s0 =	sld [smem:$0x3F8F];
	_ =	swait.ge [sflag:s4], $0x0  }
0x19: {  	s7 =	sld [smem:$0x3F90]  }
0x1a: {  	s8 =	sadd.s32 $0xFFFFE003, lr  }
0x1b: {  	s9 =	sadd.s32 $0xFFFFFEF7, lr;
	s5 =	simm.s32 $0xFFFFFFFF;
	p2 =	slt.u32 s8, $0xFFFFF086  }
0x1c: {  	p1 =	slt.u32 s9, $0xF7A;
	s5 =	simm.s32 @!p2 $0x0  }
0x1d: {  	s5 =	simm.s32 @p1 $0x1;
	p0 =	seq.s32 s7, s2  }
0x1e: {  	s7 =	smul.u32 @!p0 $0xF7A, s2;
	p2 =	seq.s32 @!p0 s5, $0x0  }
0x1f: {  	s9 =	smul.u32 $0xF7A, s1;
	s8 =	simm.s32 @!p0 $0x1BF5;
	p2 =	por !p2, p0  }
0x20: {  	[sflag:s8] =	ssyncset.s32 @!p0 $0xFFFFF086;
	s6 =	sadd.s32 @!p0 s3, s7;
	s7 =	simm.s32 @!p0 $0x108  }
0x21: {  	s3 =	sadd.s32 s3, s9;
	s6 =	sadd.s32 @!p0 $0x88, s6;
	s7 =	simm.s32 @p2 $0x1082  }
0x22: {  	[simem:s7], [sflag:s8] =	dma.local @!p0 [hbm:s6], $0xF7A  }
0x23: {  	s9 =	sor.u32 $0xD0000000, s2;
	s6 =	simm.s32 $0x108;
	_ =	swait.ge @!p0 [sflag:s8], $0x0  }
0x24: {  	s3 =	sadd.s32 $0x88, s3;
	s6 =	simm.s32 @!p1 $0x1082;
	[sflag:s4] =	ssyncset.s32 $0xFFFFF086  }
0x25: {  	[simem:s6], [sflag:s4] =	dma.local [hbm:s3], $0xF7A  }
0x26: {  	[smem:$0x3F90] =	sst s1;
	(tag) =	ssettag s2;
	_ =	strace s9  }
0x27: {  	s1 =	sld [smem:$0x3FA0]  }
0x28: {  	s2 =	sld [smem:$0x3FA1]  }
0x29: {  	s4 =	sld [smem:$0x3FA3]  }
0x2a: {  	p0 =	seq.s32 s5, $0x0;
	s5 =	sld [smem:$0x3FA4]  }
0x2b: {  	s6 =	sld [smem:$0x3FA5]  }
0x2c: {  	s7 =	sld [smem:$0x3FA6]  }
0x2d: {  	s3 =	simm.s32 $0x108;
	s8 =	sld [smem:$0x3FA7]  }
0x2e: {  	s3 =	simm.s32 @!p0 $0x1082;
	s9 =	sld [smem:$0x3FA8]  }
0x2f: {  	lr =	sadd.s32 s0, s3;
	s0 =	sld [smem:$0x3F9F]  }
0x30: {  	s3 =	sld [smem:$0x3FA2]  }
0x31: {  	[smem:$0x3FAB] =	sst s10  }
0x32: {  	s10 =	sld [smem:$0x3FA9];
	_ =	sdelay $0x3  }
0x33: {  	p0 =	seq.s32 s10, $0x1;
	s10 =	sld [smem:$0x3FAB];
	_ =	sdelay $0x3  }
0x34: {  	[smem:$0x3FAB] =	sst s10  }
0x35: {  	s10 =	sld [smem:$0x3FAA];
	_ =	sdelay $0x3  }
0x36: {  	p1 =	seq.s32 s10, $0x1;
	s10 =	sld [smem:$0x3FAB];
	_ =	sdelay $0x3  }
0x37: {  	[smem:$0x3FAB] =	sst s10  }
0x38: {  	s10 =	sld [smem:$0x3FAC]  }
0x39: {  	_ = 	snop;
	(pc) =	sbr.ind lr, $3  }
0x3a: {  	_ = 	snop  }
0x3b: {  	_ = 	snop  }
0x3c: {  	p2 =	seq.s32 s10, $0x1;
	s10 =	sld [smem:$0x3FAB]  }
0x3d: {  	_ =	shalt  }
0x3e: {  	_ =	shalt  }
0x3f: {  	_ =	shalt  }
0x40: {  	_ =	shalt  }
0x41: {  	_ =	shalt  }
0x42: {  	_ =	shalt  }
0x43: {  	_ =	shalt  }
0x44: {  	_ =	shalt  }
0x45: {  	_ =	shalt  }
0x46: {  	_ =	shalt  }
0x47: {  	_ =	shalt  }
0x48: {  	_ =	shalt  }
0x49: {  	_ =	shalt  }
0x4a: {  	_ =	shalt  }
0x4b: {  	_ =	shalt  }
0x4c: {  	_ =	shalt  }
0x4d: {  	_ =	shalt  }
0x4e: {  	_ =	shalt  }
0x4f: {  	_ =	shalt  }
0x50: {  	_ =	shalt  }
0x51: {  	_ =	shalt  }
0x52: {  	_ =	shalt  }
0x53: {  	_ =	shalt  }
0x54: {  	_ =	shalt  }
0x55: {  	_ =	shalt  }
0x56: {  	_ =	shalt  }
0x57: {  	_ =	shalt  }
0x58: {  	_ =	shalt  }
0x59: {  	_ =	shalt  }
0x5a: {  	_ =	shalt  }
0x5b: {  	_ =	shalt  }
0x5c: {  	_ =	shalt  }
0x5d: {  	_ =	shalt  }
0x5e: {  	_ =	shalt  }
0x5f: {  	_ =	shalt  }
0x60: {  	_ =	shalt  }
0x61: {  	_ =	shalt  }
0x62: {  	_ =	shalt  }
0x63: {  	_ =	shalt  }
0x64: {  	_ =	shalt  }
0x65: {  	_ =	shalt  }
0x66: {  	_ =	shalt  }
0x67: {  	_ =	shalt  }
0x68: {  	_ =	shalt  }
0x69: {  	_ =	shalt  }
0x6a: {  	_ =	shalt  }
0x6b: {  	_ =	shalt  }
0x6c: {  	_ =	shalt  }
0x6d: {  	_ =	shalt  }
0x6e: {  	_ =	shalt  }
0x6f: {  	_ =	shalt  }
0x70: {  	_ =	shalt  }
0x71: {  	_ =	shalt  }
0x72: {  	_ =	shalt  }
0x73: {  	_ =	shalt  }
0x74: {  	_ =	shalt  }
0x75: {  	_ =	shalt  }
0x76: {  	_ =	shalt  }
0x77: {  	_ =	shalt  }
0x78: {  	_ =	shalt  }
0x79: {  	_ =	shalt  }
0x7a: {  	_ =	shalt  }
0x7b: {  	_ =	shalt  }
0x7c: {  	_ =	shalt  }
0x7d: {  	_ =	shalt  }
0x7e: {  	_ =	shalt  }
0x7f: {  	_ =	shalt  }
0x80: {  	_ =	shalt  }
0x81: {  	_ =	shalt  }
0x82: {  	_ =	shalt  }
0x83: {  	_ =	shalt  }
0x84: {  	_ =	shalt  }
0x85: {  	_ =	shalt  }
0x86: {  	_ =	shalt  }
0x87: {  	_ =	shalt  }
.Lfunc_end0:
.L_simem_size_0:
called_computation.5_lowered:
.L_overlay_start_0:
0x88: {  	s2 =	sld [smem:$0x3FD9]  }
0x89: {  	s3 =	sld [smem:$0x3FFE];
	_ =	sdelay $0x1  }
0x8a: {  	s1 =	srdreg.scid  }
0x8b: {  	s0 =	sand.u32 $0x1, s1  }
0x8c: {  	s16 =	sshll.u32 s0, $0xA;
	s2 =	sadd.s32 s3, s2  }
0x8d: {  	s2 =	sadd.s32 s2, s16  }
0x8e: {  	[smem:$0x3FB7] =	sst s2  }
0x8f: {  	_ = 	snop  }
0x90: {  	(tm) =	ssettm $0x1  }
0x91: {  	s17 =	sld [smem:$0x3FFB];
	_ =	sdelay $0x3  }
0x92: {  	_ =	strace s17  }
0x93: {  	s2 =	sld [smem:$0x3FFC];
	_ =	sdelay $0x3  }
0x94: {  	_ =	strace s2  }
0x95: {  	s2 =	sld [smem:$0x3FFD];
	_ =	sdelay $0x3  }
0x96: {  	_ =	strace s2  }
0x97: {  	_ =	strace $0x8FFFFFFF  }
0x98: {  	s18 =	sld [smem:$0x3FDB];
	_ =	sdelay $0x1  }
0x99: {  	s19 =	simm.s32 $_scs_section_size  }
0x9a: {  	s4 =	simm.s32 $_size__tile_overlayer_lowered;
	s5 =	simm.s32 $_tile_overlayer_lowered  }
0x9b: {  	s22 =	simm.s32 $0x1BFF;
	s21 =	sshll.u32 s5, $0x1;
	s2 =	sadd.s32 s19, s18  }
0x9c: {  	s6 =	simm.s32 $0x0;
	s20 =	sshll.u32 s4, $0x1;
	s4 =	sadd.s32 s21, s2  }
0x9d: {  	[timem:s6], [sflag:s22] =	dma.local [hbm:s4], s20  }
0x9e: {  	_ =	swait.ge [sflag:s22], s20  }
0x9f: {  	s3 =	ssub.s32 $0x0, s20;
	[sflag:s22] =	ssyncset.done $0x0  }
0xa0: {  	[sflag:s22] =	ssyncadd.s32 s3;
	_ =	sdelay $0x1  }
0xa1: {  	s23 =	simm.s32 $0x1B8B  }
0xa2: {  	_ =	swait.ge [sflag:s23], $0x1  }
0xa3: {  	[sflag:s23] =	ssyncset.done $0x0  }
0xa4: {  	s25 =	simm.s32 $0x1B8E;
	s24 =	sld [smem:$0x3FFE];
	[sflag:s23] =	ssyncadd.s32 $0xFFFFFFFF  }
0xa5: {  	s26 =	simm.s32 $execute0_lowered;
	[smem:$0x3FD2] =	sst s25  }
0xa6: {  	s4 =	sshll.u32 s26, $0x1;
	_ =	strace $0x80000055;
	[dreg:$0x1] =	wrdreg $0xFFFFFFFF  }
0xa7: {  	s28 =	simm.s32 $_size_execute0_lowered;
	s2 =	sadd.s32 s2, s4;
	[dreg:$0x0] =	wrdreg $0x0  }
0xa8: {  	s4 =	sshll.u32 s28, $0x1;
	[dreg:$0x2] =	wrdreg s2  }
0xa9: {  	[dreg:$0x3] =	wrdreg s4  }
0xaa: {  	[dreg:$0x4] =	wrdreg $0xC0  }
0xab: {  	_ =	task [dreg:s6], $0x5FFFF  }
0xac: {  	[dreg:$0x1] =	wrdreg $0xFFFFFFFF  }
0xad: {  	[dreg:$0x0] =	wrdreg $0x60  }
0xae: {  	[dreg:$0x2] =	wrdreg s24  }
0xaf: {  	[dreg:$0x3] =	wrdreg $0xA8000  }
0xb0: {  	[dreg:$0x4] =	wrdreg $0x9  }
0xb1: {  	_ =	task.clear_ibuf [dreg:s6], $0x5FFFF;
	_ =	strace $0x90000055  }
0xb2: {  	s29 =	simm.s32 $0x9;
	_ =	strace $0x80000057  }
0xb3: {  	_ =	swait.ge [sflag:s29], $0x1  }
0xb4: {  	[sflag:s29] =	ssyncadd.s32 $0xFFFFFFFF  }
0xb5: {  	_ =	strace $0x90000057  }
0xb6: {  	_ =	sfence  }
0xb7: {  	s30 =	sld [smem:$0x0];
	_ =	sdelay $0x2  }
0xb8: {  	s31 =	sshll.u32 s1, $0xD;
	s1 =	sshrl.u32 s1, $0x2  }
0xb9: {  	s3 =	sand.u32 $0x4000, s31;
	s1 =	sadd.s32 s1, s30  }
0xba: {  	s0 =	sor.u32 s3, s0;
	s1 =	sshll.u32 s1, $0x11  }
0xbb: {  	s0 =	sor.u32 s1, s0  }
0xbc: {  	s0 =	sadd.s32 $0x8F2B, s0  }
0xbd: {  	[sflag:s0] =	ssyncadd.remote.s32 $0x1  }
0xbe: {  	_ =	sfence.sel $0xFFFF  }
0xbf: {  	[dreg:$0x0] =	wrdreg $0xFFFFFFFF;
	(pc) =	sbr.abs _section_cstart, $3  }
0xc0: {  	[dreg:$0x1] =	wrdreg $0xFFFFFFFF  }
0xc1: {  	_ =	task.clear_ibuf [dreg:s6], $0x2FFFF;
	_ =	strace $0x9FFFFFFF  }
0xc2: {  	(tm) =	ssettm $0x7FFFFFFF  }
0xc3: {  	_ =	shalt  }
tec
execute0_lowered:
.L_overlay_start_1:
0x0: {  	(tag) =	ssettag $0x1  }
0x1: {  	s6 =	rddreg [dreg:$0x0]  }
0x2: {  	s0 =	srdreg.scid;
	s2 =	rddreg [dreg:$0x1]  }
0x3: {  	s3 =	simm.s32 $0x0;
	s14 =	simm.s32 $0x80;
	s15 =	simm.s32 $0x2800  }
0x4: {  	s16 =	simm.s32 $0x6800;
	s17 =	simm.s32 $0x1;
	s18 =	simm.s32 $0x2  }
0x5: {  	s19 =	simm.s32 $0x3;
	s5 =	sand.u32 $0x1, s0;
	s0 =	stileid.u32  }
0x6: {  	s20 =	simm.s32 $0x4;
	s21 =	simm.s32 $0x0;
	s8 =	smul.u32 $0x14000, s0  }
0x7: {  	[smem:$0x7FF] =	sst s3;
	s4 =	sadd.s32 $0xAE000, s6;
	s9 =	smul.u32 $0x140000, s5  }
0x8: {  	s1 =	sshll.u32 s5, $0x4;
	s5 =	ssub.s32 $0x2, s5;
	s30 =	smul.u32 $0x50000, s0  }
0x9: {  	s12 =	sshll.u32 s0, $0x6;
	s1 =	sor.u32 s0, s1;
	s31 =	sshrl.u32 s5, $0x1  }
0xa: {  	s12 =	sor.u32 $0x1C05, s12;
	s7 =	smul.u32 $0x280, s1;
	s1 =	rddreg [dreg:$0x2]  }
0xb: {  	_ =	strace $0x80000056;
	s10 =	sshrl.u32 s8, $0x3;
	s8 =	sadd.s32 s8, s9  }
0xc: {  	s11 =	ssub.s32 s5, s31;
	s9 =	sshrl.u32 s30, $0x2;
	s8 =	sshrl.u32 s8, $0x3  }
0xd: {  	s10 =	sadd.s32 s10, s6;
	s13 =	sadd.s32 s9, s2;
	s9 =	smax.u32 s11, $0x1  }
0xe: {  	s11 =	simm.s32 $0x1400;
	s7 =	sadd.s32 s7, s6;
	s8 =	sadd.s32 s8, s6  }
0xf: {  	s13 =	sshrl.u32 s13, $0x3;
	s5 =	sadd.s32 $0x54E00, s7;
	s6 =	sadd.s32 $0x59E00, s7  }
0x10: {  	s7 =	sadd.s32 $0x5EE00, s10;
	s8 =	sadd.s32 $0xFC200, s8;
	s10 =	simm.s32 $0x5  }
.LBB2_1:
0x11: {  	[tilespmem:s3], [sflag:$0x5] =	stream.linear.gather [hbm4b:s5+s3], $0x1400, $0x38;
	[tilespmem:$0x1E800] =	vst v63  }
0x12: {  	_ =	swait.ge [sflag:s10], $0x1400  }
0x13: {  	[sflag:s10] =	ssyncset.done $0x0  }
0x14: {  	[sflag:s10] =	ssyncadd.s32 $0xFFFFEC00  }
0x15: {  	[tilespmem:s11], [sflag:$0x5] =	stream.linear.gather [hbm4b:s6+s3], $0x1400, $0x38;
	[tilespmem:$0x1E800] =	vst v63  }
0x16: {  	_ =	swait.ge [sflag:s10], $0x1400  }
0x17: {  	[sflag:s10] =	ssyncset.done $0x0  }
0x18: {  	[sflag:s10] =	ssyncadd.s32 $0xFFFFEC00  }
0x19: {  	[spmem:s13], [sflag:s12] =	dma.local [hbm:s7], $0x2800  }
0x1a: {  	_ =	swait.ge [sflag:s10], $0x2800  }
0x1b: {  	[sflag:s10] =	ssyncset.done $0x0  }
0x1c: {  	[sflag:s10] =	ssyncadd.s32 $0xFFFFD800  }
0x1d: {  	s22 =	simm.s32 $0x0;
	[bflag:$0x0] =	sbarrier.arrive $0xFFFF  }
0x1e: {  	[tilespmem:s15], [sflag:$0x1] =	stream.indirect.gather [hbm4b:s4+s14], $0x80, s22, s14, $0xb8;
	[tilespmem:$0x1E800] =	vst v63  }
0x1f: {  	s29 =	simm.s32 $0x80  }
0x20: {  	[tilespmem:s16], [sflag:$0x2] =	stream.indirect.gather [hbm4b:s4+s14], $0x80, s29, s14, $0xb8;
	[tilespmem:$0x1E800] =	vst v63  }
0x21: {  	_ =	swait.ge [sflag:s17], $0x4000  }
0x22: {  	[sflag:s17] =	ssyncset.done $0x0  }
0x23: {  	s30 =	simm.s32 $0x1400;
	[sflag:s17] =	ssyncadd.s32 $0xFFFFC000  }
0x24: {  	[spmem:s2] =	stream.indirect.scatter.add.f32 [tilespmem:s15], [sflag:$0x3], $0x80, s30, s14, $0xb8;
	[tilespmem:$0x1E800] =	vst v63  }
0x25: {  	_ =	swait.ge [sflag:s18], $0x4000  }
0x26: {  	[sflag:s18] =	ssyncset.done $0x0  }
0x27: {  	s31 =	simm.s32 $0x1480;
	[sflag:s18] =	ssyncadd.s32 $0xFFFFC000  }
0x28: {  	[spmem:s2] =	stream.indirect.scatter.add.f32 [tilespmem:s16], [sflag:$0x4], $0x80, s31, s14, $0xb8;
	[tilespmem:$0x1E800] =	vst v63  }
0x29: {  	_ =	swait.ge [sflag:s19], $0x4000  }
0x2a: {  	[sflag:s19] =	ssyncset.done $0x0  }
0x2b: {  	[sflag:s19] =	ssyncadd.s32 $0xFFFFC000  }
0x2c: {  	_ =	swait.ge [sflag:s20], $0x4000  }
0x2d: {  	s23 =	simm.s32 $0x800;
	s22 =	simm.s32 $0x400;
	[sflag:s20] =	ssyncset.done $0x0  }
.LBB2_2:
0x2e: {  	s24 =	sshra.s32 s22, $0x2  }
0x2f: {  	[sflag:s20] =	ssyncadd.s32 $0xFFFFC000;
	s22 =	smov.u32 s23;
	s25 =	sadd.s32 $0x400, s23  }
0x30: {  	[tilespmem:s15], [sflag:$0x1] =	stream.indirect.gather [hbm4b:s4+s14], $0x80, s24, s14, $0xb8;
	[tilespmem:$0x1E800] =	vst v63  }
0x31: {  	p0 =	sne.s32 s23, $0x4C00;
	s23 =	sadd.s32 $0x80, s24  }
0x32: {  	[tilespmem:s16], [sflag:$0x2] =	stream.indirect.gather [hbm4b:s4+s14], $0x80, s23, s14, $0xb8;
	[tilespmem:$0x1E800] =	vst v63  }
0x33: {  	_ =	swait.ge [sflag:s17], $0x4000  }
0x34: {  	[sflag:s17] =	ssyncset.done $0x0  }
0x35: {  	s23 =	sadd.s32 $0x1400, s24;
	[sflag:s17] =	ssyncadd.s32 $0xFFFFC000  }
0x36: {  	[spmem:s2] =	stream.indirect.scatter.add.f32 [tilespmem:s15], [sflag:$0x3], $0x80, s23, s14, $0xb8;
	[tilespmem:$0x1E800] =	vst v63  }
0x37: {  	_ =	swait.ge [sflag:s18], $0x4000  }
0x38: {  	[sflag:s18] =	ssyncset.done $0x0  }
0x39: {  	s23 =	sadd.s32 $0x1480, s24;
	[sflag:s18] =	ssyncadd.s32 $0xFFFFC000  }
0x3a: {  	[spmem:s2] =	stream.indirect.scatter.add.f32 [tilespmem:s16], [sflag:$0x4], $0x80, s23, s14, $0xb8;
	[tilespmem:$0x1E800] =	vst v63  }
.Ltmp0:
0x3b: {  	_ =	swait.ge [sflag:s19], $0x4000;
	(pc) =	sbr.rel @p0 .LBB2_2-.Ltmp0, $4  }
0x3c: {  	[sflag:s19] =	ssyncset.done $0x0  }
0x3d: {  	[sflag:s19] =	ssyncadd.s32 $0xFFFFC000  }
0x3e: {  	_ =	swait.ge [sflag:s20], $0x4000  }
0x3f: {  	s23 =	smov.u32 s25;
	[sflag:s20] =	ssyncset.done $0x0  }
0x40: {  	s22 =	sshra.s32 s22, $0x2;
	[sflag:s20] =	ssyncadd.s32 $0xFFFFC000  }
0x41: {  	[tilespmem:s15], [sflag:$0x1] =	stream.indirect.gather [hbm4b:s4+s14], $0x80, s22, s14, $0xb8;
	[tilespmem:$0x1E800] =	vst v63  }
0x42: {  	s23 =	sadd.s32 $0x80, s22  }
0x43: {  	[tilespmem:s16], [sflag:$0x2] =	stream.indirect.gather [hbm4b:s4+s14], $0x80, s23, s14, $0xb8;
	[tilespmem:$0x1E800] =	vst v63  }
0x44: {  	_ =	swait.ge [sflag:s17], $0x4000  }
0x45: {  	[sflag:s17] =	ssyncset.done $0x0  }
0x46: {  	s31 =	sadd.s32 $0x1400, s22;
	[sflag:s17] =	ssyncadd.s32 $0xFFFFC000  }
0x47: {  	[spmem:s2] =	stream.indirect.scatter.add.f32 [tilespmem:s15], [sflag:$0x3], $0x80, s31, s14, $0xb8;
	[tilespmem:$0x1E800] =	vst v63  }
0x48: {  	_ =	swait.ge [sflag:s18], $0x4000  }
0x49: {  	[sflag:s18] =	ssyncset.done $0x0  }
0x4a: {  	s22 =	sadd.s32 $0x1480, s22;
	[sflag:s18] =	ssyncadd.s32 $0xFFFFC000  }
0x4b: {  	[spmem:s2] =	stream.indirect.scatter.add.f32 [tilespmem:s16], [sflag:$0x4], $0x80, s22, s14, $0xb8;
	[tilespmem:$0x1E800] =	vst v63  }
0x4c: {  	_ =	swait.ge [sflag:s19], $0x4000  }
0x4d: {  	[sflag:s19] =	ssyncset.done $0x0  }
0x4e: {  	[sflag:s19] =	ssyncadd.s32 $0xFFFFC000  }
0x4f: {  	_ =	swait.ge [sflag:s20], $0x4000  }
0x50: {  	s21 =	sadd.s32 $0x1, s21;
	[sflag:s20] =	ssyncset.done $0x0  }
0x51: {  	p0 =	sne.s32 s21, s9;
	[sflag:s20] =	ssyncadd.s32 $0xFFFFC000  }
.Ltmp1:
0x52: {  	[bflag:$0x0] =	sbarrier.arrive $0xFFFF;
	(pc) =	sbr.rel @p0 .LBB2_1-.Ltmp1, $4  }
0x53: {  	[hbm:s8], [sflag:s12] =	dma.local [spmem:s13], $0x2800  }
0x54: {  	_ =	swait.ge [sflag:s10], $0x2800  }
0x55: {  	[sflag:s10] =	ssyncset.done $0x0  }
0x56: {  	[sflag:s10] =	ssyncadd.s32 $0xFFFFD800  }
0x57: {  	_ =	sfence.sel $0x180000  }
0x58: {  	[bflag:$0x0] =	sbarrier.arrive $0xFFFF  }
0x59: {  	p0 =	sne.s32 s0, $0x0;
	_ =	strace $0x90000056  }
0x5a: {  	s0 =	sadd.s32 @!p0 $0x100000, s1;
	[bflag:$0x2] =	sbarrier.arrive $0xFFFF  }
0x5b: {  	[sflag:s0] =	ssyncadd.tile.s32 @!p0 $0x1;
	_ =	shalt  }
.Lfunc_end2:
_tile_overlayer_lowered:
.L_overlay_start_2:
0x5c: {  	(tag) =	ssettag $0x2  }
0x5d: {  	s0 =	rddreg [dreg:$0x0];
	s2 =	stileid.u32  }
0x5e: {  	s1 =	rddreg [dreg:$0x1];
	p0 =	sne.s32 s2, $0x0  }
0x5f: {  	s3 =	rddreg [dreg:$0x2];
	[bflag:$0x3] =	sbarrier.arrive $0xFFFF;
	s2 =	simm.s32 @!p0 $0x1C05  }
0x60: {  	[timem:s3], [sflag:s2] =	dma.local @!p0 [hbm:s0], s1  }
0x61: {  	s0 =	simm.s32 @!p0 $0x5  }
0x62: {  	_ =	swait.ge @!p0 [sflag:s0], s1  }
0x63: {  	s1 =	ssub.s32 @!p0 $0x0, s1;
	[sflag:s0] =	ssyncset.done @!p0 $0x0  }
0x64: {  	[sflag:s0] =	ssyncadd.s32 @!p0 s1  }
0x65: {  	[bflag:$0x3] =	sbarrier.arrive $0xFFFF  }
0x66: {  	_ =	shalt  }

// kernel: kernel.52.cloned.1.call-start
scs
__scs_entry_jumppad:
0x0: {  	(pc) =	sbr.rel $0x88, $3  }
0x1: {  	(tag) =	ssettag $0x0;
	lr =	simm.s32 $0x1  }
0x2: {  	[smem:$0x3F90] =	sst lr;
	_ =	strace $0xD0000000  }
0x3: {  	_ = 	snop  }
0x4: {  	_ = 	snop  }
0x5: {  	_ = 	snop  }
0x6: {  	_ = 	snop  }
0x7: {  	_ = 	snop  }
__scs_overlays_trampoline_lowered:
0x8: {  	[smem:$0x3F9F] =	sst s0  }
0x9: {  	[smem:$0x3FA0] =	sst s1  }
0xa: {  	[smem:$0x3FA1] =	sst s2  }
0xb: {  	[smem:$0x3FA2] =	sst s3  }
0xc: {  	[smem:$0x3FA3] =	sst s4  }
0xd: {  	[smem:$0x3FA4] =	sst s5  }
0xe: {  	[smem:$0x3FA5] =	sst s6  }
0xf: {  	[smem:$0x3FA6] =	sst s7  }
0x10: {  	[smem:$0x3FA7] =	sst s8  }
0x11: {  	[smem:$0x3FA8] =	sst s9;
	s0 =	simm.s32 @!p0 $0x0  }
0x12: {  	s1 =	sld [smem:$0x3F8E];
	s0 =	simm.s32 @p0 $0x1  }
0x13: {  	[smem:$0x3FA9] =	sst s0;
	s0 =	simm.s32 @!p1 $0x0  }
0x14: {  	s2 =	sld [smem:$0x3F8D];
	s0 =	simm.s32 @p1 $0x1  }
0x15: {  	[smem:$0x3FAA] =	sst s0;
	s0 =	simm.s32 @!p2 $0x0  }
0x16: {  	s3 =	sld [smem:$0x3FDB];
	s0 =	simm.s32 @p2 $0x1  }
0x17: {  	s4 =	simm.s32 $0x1BF5;
	[smem:$0x3FAC] =	sst s0  }
0x18: {  	s0 =	sld [smem:$0x3F8F];
	_ =	swait.ge [sflag:s4], $0x0  }
0x19: {  	s7 =	sld [smem:$0x3F90]  }
0x1a: {  	s8 =	sadd.s32 $0xFFFFE003, lr  }
0x1b: {  	s9 =	sadd.s32 $0xFFFFFEF7, lr;
	s5 =	simm.s32 $0xFFFFFFFF;
	p2 =	slt.u32 s8, $0xFFFFF086  }
0x1c: {  	p1 =	slt.u32 s9, $0xF7A;
	s5 =	simm.s32 @!p2 $0x0  }
0x1d: {  	s5 =	simm.s32 @p1 $0x1;
	p0 =	seq.s32 s7, s2  }
0x1e: {  	s7 =	smul.u32 @!p0 $0xF7A, s2;
	p2 =	seq.s32 @!p0 s5, $0x0  }
0x1f: {  	s9 =	smul.u32 $0xF7A, s1;
	s8 =	simm.s32 @!p0 $0x1BF5;
	p2 =	por !p2, p0  }
0x20: {  	[sflag:s8] =	ssyncset.s32 @!p0 $0xFFFFF086;
	s6 =	sadd.s32 @!p0 s3, s7;
	s7 =	simm.s32 @!p0 $0x108  }
0x21: {  	s3 =	sadd.s32 s3, s9;
	s6 =	sadd.s32 @!p0 $0x88, s6;
	s7 =	simm.s32 @p2 $0x1082  }
0x22: {  	[simem:s7], [sflag:s8] =	dma.local @!p0 [hbm:s6], $0xF7A  }
0x23: {  	s9 =	sor.u32 $0xD0000000, s2;
	s6 =	simm.s32 $0x108;
	_ =	swait.ge @!p0 [sflag:s8], $0x0  }
0x24: {  	s3 =	sadd.s32 $0x88, s3;
	s6 =	simm.s32 @!p1 $0x1082;
	[sflag:s4] =	ssyncset.s32 $0xFFFFF086  }
0x25: {  	[simem:s6], [sflag:s4] =	dma.local [hbm:s3], $0xF7A  }
0x26: {  	[smem:$0x3F90] =	sst s1;
	(tag) =	ssettag s2;
	_ =	strace s9  }
0x27: {  	s1 =	sld [smem:$0x3FA0]  }
0x28: {  	s2 =	sld [smem:$0x3FA1]  }
0x29: {  	s4 =	sld [smem:$0x3FA3]  }
0x2a: {  	p0 =	seq.s32 s5, $0x0;
	s5 =	sld [smem:$0x3FA4]  }
0x2b: {  	s6 =	sld [smem:$0x3FA5]  }
0x2c: {  	s7 =	sld [smem:$0x3FA6]  }
0x2d: {  	s3 =	simm.s32 $0x108;
	s8 =	sld [smem:$0x3FA7]  }
0x2e: {  	s3 =	simm.s32 @!p0 $0x1082;
	s9 =	sld [smem:$0x3FA8]  }
0x2f: {  	lr =	sadd.s32 s0, s3;
	s0 =	sld [smem:$0x3F9F]  }
0x30: {  	s3 =	sld [smem:$0x3FA2]  }
0x31: {  	[smem:$0x3FAB] =	sst s10  }
0x32: {  	s10 =	sld [smem:$0x3FA9];
	_ =	sdelay $0x3  }
0x33: {  	p0 =	seq.s32 s10, $0x1;
	s10 =	sld [smem:$0x3FAB];
	_ =	sdelay $0x3  }
0x34: {  	[smem:$0x3FAB] =	sst s10  }
0x35: {  	s10 =	sld [smem:$0x3FAA];
	_ =	sdelay $0x3  }
0x36: {  	p1 =	seq.s32 s10, $0x1;
	s10 =	sld [smem:$0x3FAB];
	_ =	sdelay $0x3  }
0x37: {  	[smem:$0x3FAB] =	sst s10  }
0x38: {  	s10 =	sld [smem:$0x3FAC]  }
0x39: {  	_ = 	snop;
	(pc) =	sbr.ind lr, $3  }
0x3a: {  	_ = 	snop  }
0x3b: {  	_ = 	snop  }
0x3c: {  	p2 =	seq.s32 s10, $0x1;
	s10 =	sld [smem:$0x3FAB]  }
0x3d: {  	_ =	shalt  }
0x3e: {  	_ =	shalt  }
0x3f: {  	_ =	shalt  }
0x40: {  	_ =	shalt  }
0x41: {  	_ =	shalt  }
0x42: {  	_ =	shalt  }
0x43: {  	_ =	shalt  }
0x44: {  	_ =	shalt  }
0x45: {  	_ =	shalt  }
0x46: {  	_ =	shalt  }
0x47: {  	_ =	shalt  }
0x48: {  	_ =	shalt  }
0x49: {  	_ =	shalt  }
0x4a: {  	_ =	shalt  }
0x4b: {  	_ =	shalt  }
0x4c: {  	_ =	shalt  }
0x4d: {  	_ =	shalt  }
0x4e: {  	_ =	shalt  }
0x4f: {  	_ =	shalt  }
0x50: {  	_ =	shalt  }
0x51: {  	_ =	shalt  }
0x52: {  	_ =	shalt  }
0x53: {  	_ =	shalt  }
0x54: {  	_ =	shalt  }
0x55: {  	_ =	shalt  }
0x56: {  	_ =	shalt  }
0x57: {  	_ =	shalt  }
0x58: {  	_ =	shalt  }
0x59: {  	_ =	shalt  }
0x5a: {  	_ =	shalt  }
0x5b: {  	_ =	shalt  }
0x5c: {  	_ =	shalt  }
0x5d: {  	_ =	shalt  }
0x5e: {  	_ =	shalt  }
0x5f: {  	_ =	shalt  }
0x60: {  	_ =	shalt  }
0x61: {  	_ =	shalt  }
0x62: {  	_ =	shalt  }
0x63: {  	_ =	shalt  }
0x64: {  	_ =	shalt  }
0x65: {  	_ =	shalt  }
0x66: {  	_ =	shalt  }
0x67: {  	_ =	shalt  }
0x68: {  	_ =	shalt  }
0x69: {  	_ =	shalt  }
0x6a: {  	_ =	shalt  }
0x6b: {  	_ =	shalt  }
0x6c: {  	_ =	shalt  }
0x6d: {  	_ =	shalt  }
0x6e: {  	_ =	shalt  }
0x6f: {  	_ =	shalt  }
0x70: {  	_ =	shalt  }
0x71: {  	_ =	shalt  }
0x72: {  	_ =	shalt  }
0x73: {  	_ =	shalt  }
0x74: {  	_ =	shalt  }
0x75: {  	_ =	shalt  }
0x76: {  	_ =	shalt  }
0x77: {  	_ =	shalt  }
0x78: {  	_ =	shalt  }
0x79: {  	_ =	shalt  }
0x7a: {  	_ =	shalt  }
0x7b: {  	_ =	shalt  }
0x7c: {  	_ =	shalt  }
0x7d: {  	_ =	shalt  }
0x7e: {  	_ =	shalt  }
0x7f: {  	_ =	shalt  }
0x80: {  	_ =	shalt  }
0x81: {  	_ =	shalt  }
0x82: {  	_ =	shalt  }
0x83: {  	_ =	shalt  }
0x84: {  	_ =	shalt  }
0x85: {  	_ =	shalt  }
0x86: {  	_ =	shalt  }
0x87: {  	_ =	shalt  }
.Lfunc_end0:
.L_simem_size_0:
called_computation.6_lowered:
.L_overlay_start_0:
0x88: {  	s2 =	sld [smem:$0x3FD9]  }
0x89: {  	s3 =	sld [smem:$0x3FFE];
	_ =	sdelay $0x1  }
0x8a: {  	s1 =	srdreg.scid  }
0x8b: {  	s0 =	sand.u32 $0x1, s1  }
0x8c: {  	s16 =	sshll.u32 s0, $0xA;
	s2 =	sadd.s32 s3, s2  }
0x8d: {  	s2 =	sadd.s32 s2, s16  }
0x8e: {  	[smem:$0x3FB7] =	sst s2  }
0x8f: {  	_ = 	snop  }
0x90: {  	(tm) =	ssettm $0x1  }
0x91: {  	s17 =	sld [smem:$0x3FFB];
	_ =	sdelay $0x3  }
0x92: {  	_ =	strace s17  }
0x93: {  	s2 =	sld [smem:$0x3FFC];
	_ =	sdelay $0x3  }
0x94: {  	_ =	strace s2  }
0x95: {  	s2 =	sld [smem:$0x3FFD];
	_ =	sdelay $0x3  }
0x96: {  	_ =	strace s2  }
0x97: {  	_ =	strace $0x8FFFFFFF  }
0x98: {  	s18 =	sld [smem:$0x3FDB];
	_ =	sdelay $0x1  }
0x99: {  	s19 =	simm.s32 $_scs_section_size  }
0x9a: {  	s4 =	simm.s32 $_size__tile_overlayer_lowered;
	s5 =	simm.s32 $_tile_overlayer_lowered  }
0x9b: {  	s22 =	simm.s32 $0x1BFF;
	s21 =	sshll.u32 s5, $0x1;
	s2 =	sadd.s32 s19, s18  }
0x9c: {  	s6 =	simm.s32 $0x0;
	s20 =	sshll.u32 s4, $0x1;
	s4 =	sadd.s32 s21, s2  }
0x9d: {  	[timem:s6], [sflag:s22] =	dma.local [hbm:s4], s20  }
0x9e: {  	_ =	swait.ge [sflag:s22], s20  }
0x9f: {  	s3 =	ssub.s32 $0x0, s20;
	[sflag:s22] =	ssyncset.done $0x0  }
0xa0: {  	[sflag:s22] =	ssyncadd.s32 s3;
	_ =	sdelay $0x1  }
0xa1: {  	s23 =	simm.s32 $0x1B8B  }
0xa2: {  	_ =	swait.ge [sflag:s23], $0x1  }
0xa3: {  	[sflag:s23] =	ssyncset.done $0x0  }
0xa4: {  	s25 =	simm.s32 $0x1B8E;
	s24 =	sld [smem:$0x3FFE];
	[sflag:s23] =	ssyncadd.s32 $0xFFFFFFFF  }
0xa5: {  	s26 =	simm.s32 $execute0_lowered;
	[smem:$0x3FD2] =	sst s25  }
0xa6: {  	s4 =	sshll.u32 s26, $0x1;
	_ =	strace $0x80000058;
	[dreg:$0x1] =	wrdreg $0xFFFFFFFF  }
0xa7: {  	s28 =	simm.s32 $_size_execute0_lowered;
	s2 =	sadd.s32 s2, s4;
	[dreg:$0x0] =	wrdreg $0x0  }
0xa8: {  	s4 =	sshll.u32 s28, $0x1;
	[dreg:$0x2] =	wrdreg s2  }
0xa9: {  	[dreg:$0x3] =	wrdreg s4  }
0xaa: {  	[dreg:$0x4] =	wrdreg $0xC0  }
0xab: {  	_ =	task [dreg:s6], $0x5FFFF  }
0xac: {  	[dreg:$0x1] =	wrdreg $0xFFFFFFFF  }
0xad: {  	[dreg:$0x0] =	wrdreg $0x60  }
0xae: {  	[dreg:$0x2] =	wrdreg s24  }
0xaf: {  	[dreg:$0x3] =	wrdreg $0xA8000  }
0xb0: {  	[dreg:$0x4] =	wrdreg $0x9  }
0xb1: {  	_ =	task.clear_ibuf [dreg:s6], $0x5FFFF;
	_ =	strace $0x90000058  }
0xb2: {  	s29 =	simm.s32 $0x9;
	_ =	strace $0x8000005A  }
0xb3: {  	_ =	swait.ge [sflag:s29], $0x1  }
0xb4: {  	[sflag:s29] =	ssyncadd.s32 $0xFFFFFFFF  }
0xb5: {  	_ =	strace $0x9000005A  }
0xb6: {  	_ =	sfence  }
0xb7: {  	s30 =	sld [smem:$0x0];
	_ =	sdelay $0x2  }
0xb8: {  	s31 =	sshll.u32 s1, $0xD;
	s1 =	sshrl.u32 s1, $0x2  }
0xb9: {  	s3 =	sand.u32 $0x4000, s31;
	s1 =	sadd.s32 s1, s30  }
0xba: {  	s0 =	sor.u32 s3, s0;
	s1 =	sshll.u32 s1, $0x11  }
0xbb: {  	s0 =	sor.u32 s1, s0  }
0xbc: {  	s0 =	sadd.s32 $0x8F2B, s0  }
0xbd: {  	[sflag:s0] =	ssyncadd.remote.s32 $0x1  }
0xbe: {  	_ =	sfence.sel $0xFFFF  }
0xbf: {  	[dreg:$0x0] =	wrdreg $0xFFFFFFFF;
	(pc) =	sbr.abs _section_cstart, $3  }
0xc0: {  	[dreg:$0x1] =	wrdreg $0xFFFFFFFF  }
0xc1: {  	_ =	task.clear_ibuf [dreg:s6], $0x2FFFF;
	_ =	strace $0x9FFFFFFF  }
0xc2: {  	(tm) =	ssettm $0x7FFFFFFF  }
0xc3: {  	_ =	shalt  }
tec
execute0_lowered:
.L_overlay_start_1:
0x0: {  	(tag) =	ssettag $0x1  }
0x1: {  	s6 =	rddreg [dreg:$0x0]  }
0x2: {  	s0 =	srdreg.scid;
	s2 =	rddreg [dreg:$0x1]  }
0x3: {  	s3 =	simm.s32 $0x0;
	s14 =	simm.s32 $0x80;
	s15 =	simm.s32 $0x2800  }
0x4: {  	s16 =	simm.s32 $0x6800;
	s17 =	simm.s32 $0x1;
	s18 =	simm.s32 $0x2  }
0x5: {  	s19 =	simm.s32 $0x3;
	s5 =	sand.u32 $0x1, s0;
	s0 =	stileid.u32  }
0x6: {  	s20 =	simm.s32 $0x4;
	s21 =	simm.s32 $0x0;
	s8 =	smul.u32 $0x14000, s0  }
0x7: {  	[smem:$0x7FF] =	sst s3;
	s4 =	sadd.s32 $0x86E00, s6;
	s9 =	smul.u32 $0x140000, s5  }
0x8: {  	s1 =	sshll.u32 s5, $0x4;
	s5 =	ssub.s32 $0x2, s5;
	s30 =	smul.u32 $0x50000, s0  }
0x9: {  	s12 =	sshll.u32 s0, $0x6;
	s1 =	sor.u32 s0, s1;
	s31 =	sshrl.u32 s5, $0x1  }
0xa: {  	s12 =	sor.u32 $0x1C05, s12;
	s7 =	smul.u32 $0x280, s1;
	s1 =	rddreg [dreg:$0x2]  }
0xb: {  	_ =	strace $0x80000059;
	s10 =	sshrl.u32 s8, $0x3;
	s8 =	sadd.s32 s8, s9  }
0xc: {  	s11 =	ssub.s32 s5, s31;
	s9 =	sshrl.u32 s30, $0x2;
	s8 =	sshrl.u32 s8, $0x3  }
0xd: {  	s10 =	sadd.s32 s10, s6;
	s13 =	sadd.s32 s9, s2;
	s9 =	smax.u32 s11, $0x1  }
0xe: {  	s11 =	simm.s32 $0x1400;
	s7 =	sadd.s32 s7, s6;
	s8 =	sadd.s32 s8, s6  }
0xf: {  	s13 =	sshrl.u32 s13, $0x3;
	s5 =	sadd.s32 $0x54E00, s7;
	s6 =	sadd.s32 $0x59E00, s7  }
0x10: {  	s7 =	sadd.s32 $0x5EE00, s10;
	s8 =	sadd.s32 $0xD5000, s8;
	s10 =	simm.s32 $0x5  }
.LBB2_1:
0x11: {  	[tilespmem:s3], [sflag:$0x5] =	stream.linear.gather [hbm4b:s5+s3], $0x1400, $0x38;
	[tilespmem:$0x1E800] =	vst v63  }
0x12: {  	_ =	swait.ge [sflag:s10], $0x1400  }
0x13: {  	[sflag:s10] =	ssyncset.done $0x0  }
0x14: {  	[sflag:s10] =	ssyncadd.s32 $0xFFFFEC00  }
0x15: {  	[tilespmem:s11], [sflag:$0x5] =	stream.linear.gather [hbm4b:s6+s3], $0x1400, $0x38;
	[tilespmem:$0x1E800] =	vst v63  }
0x16: {  	_ =	swait.ge [sflag:s10], $0x1400  }
0x17: {  	[sflag:s10] =	ssyncset.done $0x0  }
0x18: {  	[sflag:s10] =	ssyncadd.s32 $0xFFFFEC00  }
0x19: {  	[spmem:s13], [sflag:s12] =	dma.local [hbm:s7], $0x2800  }
0x1a: {  	_ =	swait.ge [sflag:s10], $0x2800  }
0x1b: {  	[sflag:s10] =	ssyncset.done $0x0  }
0x1c: {  	[sflag:s10] =	ssyncadd.s32 $0xFFFFD800  }
0x1d: {  	s22 =	simm.s32 $0x0;
	[bflag:$0x0] =	sbarrier.arrive $0xFFFF  }
0x1e: {  	[tilespmem:s15], [sflag:$0x1] =	stream.indirect.gather [hbm4b:s4+s14], $0x80, s22, s14, $0xb8;
	[tilespmem:$0x1E800] =	vst v63  }
0x1f: {  	s29 =	simm.s32 $0x80  }
0x20: {  	[tilespmem:s16], [sflag:$0x2] =	stream.indirect.gather [hbm4b:s4+s14], $0x80, s29, s14, $0xb8;
	[tilespmem:$0x1E800] =	vst v63  }
0x21: {  	_ =	swait.ge [sflag:s17], $0x4000  }
0x22: {  	[sflag:s17] =	ssyncset.done $0x0  }
0x23: {  	s30 =	simm.s32 $0x1400;
	[sflag:s17] =	ssyncadd.s32 $0xFFFFC000  }
0x24: {  	[spmem:s2] =	stream.indirect.scatter.add.f32 [tilespmem:s15], [sflag:$0x3], $0x80, s30, s14, $0xb8;
	[tilespmem:$0x1E800] =	vst v63  }
0x25: {  	_ =	swait.ge [sflag:s18], $0x4000  }
0x26: {  	[sflag:s18] =	ssyncset.done $0x0  }
0x27: {  	s31 =	simm.s32 $0x1480;
	[sflag:s18] =	ssyncadd.s32 $0xFFFFC000  }
0x28: {  	[spmem:s2] =	stream.indirect.scatter.add.f32 [tilespmem:s16], [sflag:$0x4], $0x80, s31, s14, $0xb8;
	[tilespmem:$0x1E800] =	vst v63  }
0x29: {  	_ =	swait.ge [sflag:s19], $0x4000  }
0x2a: {  	[sflag:s19] =	ssyncset.done $0x0  }
0x2b: {  	[sflag:s19] =	ssyncadd.s32 $0xFFFFC000  }
0x2c: {  	_ =	swait.ge [sflag:s20], $0x4000  }
0x2d: {  	s23 =	simm.s32 $0x800;
	s22 =	simm.s32 $0x400;
	[sflag:s20] =	ssyncset.done $0x0  }
.LBB2_2:
0x2e: {  	s24 =	sshra.s32 s22, $0x2  }
0x2f: {  	[sflag:s20] =	ssyncadd.s32 $0xFFFFC000;
	s22 =	smov.u32 s23;
	s25 =	sadd.s32 $0x400, s23  }
0x30: {  	[tilespmem:s15], [sflag:$0x1] =	stream.indirect.gather [hbm4b:s4+s14], $0x80, s24, s14, $0xb8;
	[tilespmem:$0x1E800] =	vst v63  }
0x31: {  	p0 =	sne.s32 s23, $0x4C00;
	s23 =	sadd.s32 $0x80, s24  }
0x32: {  	[tilespmem:s16], [sflag:$0x2] =	stream.indirect.gather [hbm4b:s4+s14], $0x80, s23, s14, $0xb8;
	[tilespmem:$0x1E800] =	vst v63  }
0x33: {  	_ =	swait.ge [sflag:s17], $0x4000  }
0x34: {  	[sflag:s17] =	ssyncset.done $0x0  }
0x35: {  	s23 =	sadd.s32 $0x1400, s24;
	[sflag:s17] =	ssyncadd.s32 $0xFFFFC000  }
0x36: {  	[spmem:s2] =	stream.indirect.scatter.add.f32 [tilespmem:s15], [sflag:$0x3], $0x80, s23, s14, $0xb8;
	[tilespmem:$0x1E800] =	vst v63  }
0x37: {  	_ =	swait.ge [sflag:s18], $0x4000  }
0x38: {  	[sflag:s18] =	ssyncset.done $0x0  }
0x39: {  	s23 =	sadd.s32 $0x1480, s24;
	[sflag:s18] =	ssyncadd.s32 $0xFFFFC000  }
0x3a: {  	[spmem:s2] =	stream.indirect.scatter.add.f32 [tilespmem:s16], [sflag:$0x4], $0x80, s23, s14, $0xb8;
	[tilespmem:$0x1E800] =	vst v63  }
.Ltmp0:
0x3b: {  	_ =	swait.ge [sflag:s19], $0x4000;
	(pc) =	sbr.rel @p0 .LBB2_2-.Ltmp0, $4  }
0x3c: {  	[sflag:s19] =	ssyncset.done $0x0  }
0x3d: {  	[sflag:s19] =	ssyncadd.s32 $0xFFFFC000  }
0x3e: {  	_ =	swait.ge [sflag:s20], $0x4000  }
0x3f: {  	s23 =	smov.u32 s25;
	[sflag:s20] =	ssyncset.done $0x0  }
0x40: {  	s22 =	sshra.s32 s22, $0x2;
	[sflag:s20] =	ssyncadd.s32 $0xFFFFC000  }
0x41: {  	[tilespmem:s15], [sflag:$0x1] =	stream.indirect.gather [hbm4b:s4+s14], $0x80, s22, s14, $0xb8;
	[tilespmem:$0x1E800] =	vst v63  }
0x42: {  	s23 =	sadd.s32 $0x80, s22  }
0x43: {  	[tilespmem:s16], [sflag:$0x2] =	stream.indirect.gather [hbm4b:s4+s14], $0x80, s23, s14, $0xb8;
	[tilespmem:$0x1E800] =	vst v63  }
0x44: {  	_ =	swait.ge [sflag:s17], $0x4000  }
0x45: {  	[sflag:s17] =	ssyncset.done $0x0  }
0x46: {  	s31 =	sadd.s32 $0x1400, s22;
	[sflag:s17] =	ssyncadd.s32 $0xFFFFC000  }
0x47: {  	[spmem:s2] =	stream.indirect.scatter.add.f32 [tilespmem:s15], [sflag:$0x3], $0x80, s31, s14, $0xb8;
	[tilespmem:$0x1E800] =	vst v63  }
0x48: {  	_ =	swait.ge [sflag:s18], $0x4000  }
0x49: {  	[sflag:s18] =	ssyncset.done $0x0  }
0x4a: {  	s22 =	sadd.s32 $0x1480, s22;
	[sflag:s18] =	ssyncadd.s32 $0xFFFFC000  }
0x4b: {  	[spmem:s2] =	stream.indirect.scatter.add.f32 [tilespmem:s16], [sflag:$0x4], $0x80, s22, s14, $0xb8;
	[tilespmem:$0x1E800] =	vst v63  }
0x4c: {  	_ =	swait.ge [sflag:s19], $0x4000  }
0x4d: {  	[sflag:s19] =	ssyncset.done $0x0  }
0x4e: {  	[sflag:s19] =	ssyncadd.s32 $0xFFFFC000  }
0x4f: {  	_ =	swait.ge [sflag:s20], $0x4000  }
0x50: {  	s21 =	sadd.s32 $0x1, s21;
	[sflag:s20] =	ssyncset.done $0x0  }
0x51: {  	p0 =	sne.s32 s21, s9;
	[sflag:s20] =	ssyncadd.s32 $0xFFFFC000  }
.Ltmp1:
0x52: {  	[bflag:$0x0] =	sbarrier.arrive $0xFFFF;
	(pc) =	sbr.rel @p0 .LBB2_1-.Ltmp1, $4  }
0x53: {  	[hbm:s8], [sflag:s12] =	dma.local [spmem:s13], $0x2800  }
0x54: {  	_ =	swait.ge [sflag:s10], $0x2800  }
0x55: {  	[sflag:s10] =	ssyncset.done $0x0  }
0x56: {  	[sflag:s10] =	ssyncadd.s32 $0xFFFFD800  }
0x57: {  	_ =	sfence.sel $0x180000  }
0x58: {  	[bflag:$0x0] =	sbarrier.arrive $0xFFFF  }
0x59: {  	p0 =	sne.s32 s0, $0x0;
	_ =	strace $0x90000059  }
0x5a: {  	s0 =	sadd.s32 @!p0 $0x100000, s1;
	[bflag:$0x2] =	sbarrier.arrive $0xFFFF  }
0x5b: {  	[sflag:s0] =	ssyncadd.tile.s32 @!p0 $0x1;
	_ =	shalt  }
.Lfunc_end2:
_tile_overlayer_lowered:
.L_overlay_start_2:
0x5c: {  	(tag) =	ssettag $0x2  }
0x5d: {  	s0 =	rddreg [dreg:$0x0];
	s2 =	stileid.u32  }
0x5e: {  	s1 =	rddreg [dreg:$0x1];
	p0 =	sne.s32 s2, $0x0  }
0x5f: {  	s3 =	rddreg [dreg:$0x2];
	[bflag:$0x3] =	sbarrier.arrive $0xFFFF;
	s2 =	simm.s32 @!p0 $0x1C05  }
0x60: {  	[timem:s3], [sflag:s2] =	dma.local @!p0 [hbm:s0], s1  }
0x61: {  	s0 =	simm.s32 @!p0 $0x5  }
0x62: {  	_ =	swait.ge @!p0 [sflag:s0], s1  }
0x63: {  	s1 =	ssub.s32 @!p0 $0x0, s1;
	[sflag:s0] =	ssyncset.done @!p0 $0x0  }
0x64: {  	[sflag:s0] =	ssyncadd.s32 @!p0 s1  }
0x65: {  	[bflag:$0x3] =	sbarrier.arrive $0xFFFF  }
0x66: {  	_ =	shalt  }

// kernel: kernel.55.cloned.1.call-start
scs
__scs_entry_jumppad:
0x0: {  	(pc) =	sbr.rel $0x88, $3  }
0x1: {  	(tag) =	ssettag $0x0;
	lr =	simm.s32 $0x1  }
0x2: {  	[smem:$0x3F90] =	sst lr;
	_ =	strace $0xD0000000  }
0x3: {  	_ = 	snop  }
0x4: {  	_ = 	snop  }
0x5: {  	_ = 	snop  }
0x6: {  	_ = 	snop  }
0x7: {  	_ = 	snop  }
__scs_overlays_trampoline_lowered:
0x8: {  	[smem:$0x3F9F] =	sst s0  }
0x9: {  	[smem:$0x3FA0] =	sst s1  }
0xa: {  	[smem:$0x3FA1] =	sst s2  }
0xb: {  	[smem:$0x3FA2] =	sst s3  }
0xc: {  	[smem:$0x3FA3] =	sst s4  }
0xd: {  	[smem:$0x3FA4] =	sst s5  }
0xe: {  	[smem:$0x3FA5] =	sst s6  }
0xf: {  	[smem:$0x3FA6] =	sst s7  }
0x10: {  	[smem:$0x3FA7] =	sst s8  }
0x11: {  	[smem:$0x3FA8] =	sst s9;
	s0 =	simm.s32 @!p0 $0x0  }
0x12: {  	s1 =	sld [smem:$0x3F8E];
	s0 =	simm.s32 @p0 $0x1  }
0x13: {  	[smem:$0x3FA9] =	sst s0;
	s0 =	simm.s32 @!p1 $0x0  }
0x14: {  	s2 =	sld [smem:$0x3F8D];
	s0 =	simm.s32 @p1 $0x1  }
0x15: {  	[smem:$0x3FAA] =	sst s0;
	s0 =	simm.s32 @!p2 $0x0  }
0x16: {  	s3 =	sld [smem:$0x3FDB];
	s0 =	simm.s32 @p2 $0x1  }
0x17: {  	s4 =	simm.s32 $0x1BF5;
	[smem:$0x3FAC] =	sst s0  }
0x18: {  	s0 =	sld [smem:$0x3F8F];
	_ =	swait.ge [sflag:s4], $0x0  }
0x19: {  	s7 =	sld [smem:$0x3F90]  }
0x1a: {  	s8 =	sadd.s32 $0xFFFFE003, lr  }
0x1b: {  	s9 =	sadd.s32 $0xFFFFFEF7, lr;
	s5 =	simm.s32 $0xFFFFFFFF;
	p2 =	slt.u32 s8, $0xFFFFF086  }
0x1c: {  	p1 =	slt.u32 s9, $0xF7A;
	s5 =	simm.s32 @!p2 $0x0  }
0x1d: {  	s5 =	simm.s32 @p1 $0x1;
	p0 =	seq.s32 s7, s2  }
0x1e: {  	s7 =	smul.u32 @!p0 $0xF7A, s2;
	p2 =	seq.s32 @!p0 s5, $0x0  }
0x1f: {  	s9 =	smul.u32 $0xF7A, s1;
	s8 =	simm.s32 @!p0 $0x1BF5;
	p2 =	por !p2, p0  }
0x20: {  	[sflag:s8] =	ssyncset.s32 @!p0 $0xFFFFF086;
	s6 =	sadd.s32 @!p0 s3, s7;
	s7 =	simm.s32 @!p0 $0x108  }
0x21: {  	s3 =	sadd.s32 s3, s9;
	s6 =	sadd.s32 @!p0 $0x88, s6;
	s7 =	simm.s32 @p2 $0x1082  }
0x22: {  	[simem:s7], [sflag:s8] =	dma.local @!p0 [hbm:s6], $0xF7A  }
0x23: {  	s9 =	sor.u32 $0xD0000000, s2;
	s6 =	simm.s32 $0x108;
	_ =	swait.ge @!p0 [sflag:s8], $0x0  }
0x24: {  	s3 =	sadd.s32 $0x88, s3;
	s6 =	simm.s32 @!p1 $0x1082;
	[sflag:s4] =	ssyncset.s32 $0xFFFFF086  }
0x25: {  	[simem:s6], [sflag:s4] =	dma.local [hbm:s3], $0xF7A  }
0x26: {  	[smem:$0x3F90] =	sst s1;
	(tag) =	ssettag s2;
	_ =	strace s9  }
0x27: {  	s1 =	sld [smem:$0x3FA0]  }
0x28: {  	s2 =	sld [smem:$0x3FA1]  }
0x29: {  	s4 =	sld [smem:$0x3FA3]  }
0x2a: {  	p0 =	seq.s32 s5, $0x0;
	s5 =	sld [smem:$0x3FA4]  }
0x2b: {  	s6 =	sld [smem:$0x3FA5]  }
0x2c: {  	s7 =	sld [smem:$0x3FA6]  }
0x2d: {  	s3 =	simm.s32 $0x108;
	s8 =	sld [smem:$0x3FA7]  }
0x2e: {  	s3 =	simm.s32 @!p0 $0x1082;
	s9 =	sld [smem:$0x3FA8]  }
0x2f: {  	lr =	sadd.s32 s0, s3;
	s0 =	sld [smem:$0x3F9F]  }
0x30: {  	s3 =	sld [smem:$0x3FA2]  }
0x31: {  	[smem:$0x3FAB] =	sst s10  }
0x32: {  	s10 =	sld [smem:$0x3FA9];
	_ =	sdelay $0x3  }
0x33: {  	p0 =	seq.s32 s10, $0x1;
	s10 =	sld [smem:$0x3FAB];
	_ =	sdelay $0x3  }
0x34: {  	[smem:$0x3FAB] =	sst s10  }
0x35: {  	s10 =	sld [smem:$0x3FAA];
	_ =	sdelay $0x3  }
0x36: {  	p1 =	seq.s32 s10, $0x1;
	s10 =	sld [smem:$0x3FAB];
	_ =	sdelay $0x3  }
0x37: {  	[smem:$0x3FAB] =	sst s10  }
0x38: {  	s10 =	sld [smem:$0x3FAC]  }
0x39: {  	_ = 	snop;
	(pc) =	sbr.ind lr, $3  }
0x3a: {  	_ = 	snop  }
0x3b: {  	_ = 	snop  }
0x3c: {  	p2 =	seq.s32 s10, $0x1;
	s10 =	sld [smem:$0x3FAB]  }
0x3d: {  	_ =	shalt  }
0x3e: {  	_ =	shalt  }
0x3f: {  	_ =	shalt  }
0x40: {  	_ =	shalt  }
0x41: {  	_ =	shalt  }
0x42: {  	_ =	shalt  }
0x43: {  	_ =	shalt  }
0x44: {  	_ =	shalt  }
0x45: {  	_ =	shalt  }
0x46: {  	_ =	shalt  }
0x47: {  	_ =	shalt  }
0x48: {  	_ =	shalt  }
0x49: {  	_ =	shalt  }
0x4a: {  	_ =	shalt  }
0x4b: {  	_ =	shalt  }
0x4c: {  	_ =	shalt  }
0x4d: {  	_ =	shalt  }
0x4e: {  	_ =	shalt  }
0x4f: {  	_ =	shalt  }
0x50: {  	_ =	shalt  }
0x51: {  	_ =	shalt  }
0x52: {  	_ =	shalt  }
0x53: {  	_ =	shalt  }
0x54: {  	_ =	shalt  }
0x55: {  	_ =	shalt  }
0x56: {  	_ =	shalt  }
0x57: {  	_ =	shalt  }
0x58: {  	_ =	shalt  }
0x59: {  	_ =	shalt  }
0x5a: {  	_ =	shalt  }
0x5b: {  	_ =	shalt  }
0x5c: {  	_ =	shalt  }
0x5d: {  	_ =	shalt  }
0x5e: {  	_ =	shalt  }
0x5f: {  	_ =	shalt  }
0x60: {  	_ =	shalt  }
0x61: {  	_ =	shalt  }
0x62: {  	_ =	shalt  }
0x63: {  	_ =	shalt  }
0x64: {  	_ =	shalt  }
0x65: {  	_ =	shalt  }
0x66: {  	_ =	shalt  }
0x67: {  	_ =	shalt  }
0x68: {  	_ =	shalt  }
0x69: {  	_ =	shalt  }
0x6a: {  	_ =	shalt  }
0x6b: {  	_ =	shalt  }
0x6c: {  	_ =	shalt  }
0x6d: {  	_ =	shalt  }
0x6e: {  	_ =	shalt  }
0x6f: {  	_ =	shalt  }
0x70: {  	_ =	shalt  }
0x71: {  	_ =	shalt  }
0x72: {  	_ =	shalt  }
0x73: {  	_ =	shalt  }
0x74: {  	_ =	shalt  }
0x75: {  	_ =	shalt  }
0x76: {  	_ =	shalt  }
0x77: {  	_ =	shalt  }
0x78: {  	_ =	shalt  }
0x79: {  	_ =	shalt  }
0x7a: {  	_ =	shalt  }
0x7b: {  	_ =	shalt  }
0x7c: {  	_ =	shalt  }
0x7d: {  	_ =	shalt  }
0x7e: {  	_ =	shalt  }
0x7f: {  	_ =	shalt  }
0x80: {  	_ =	shalt  }
0x81: {  	_ =	shalt  }
0x82: {  	_ =	shalt  }
0x83: {  	_ =	shalt  }
0x84: {  	_ =	shalt  }
0x85: {  	_ =	shalt  }
0x86: {  	_ =	shalt  }
0x87: {  	_ =	shalt  }
.Lfunc_end0:
.L_simem_size_0:
called_computation.7_lowered:
.L_overlay_start_0:
0x88: {  	s2 =	sld [smem:$0x3FD9]  }
0x89: {  	s3 =	sld [smem:$0x3FFE];
	_ =	sdelay $0x1  }
0x8a: {  	s1 =	srdreg.scid  }
0x8b: {  	s0 =	sand.u32 $0x1, s1  }
0x8c: {  	s16 =	sshll.u32 s0, $0xA;
	s2 =	sadd.s32 s3, s2  }
0x8d: {  	s2 =	sadd.s32 s2, s16  }
0x8e: {  	[smem:$0x3FB7] =	sst s2  }
0x8f: {  	_ = 	snop  }
0x90: {  	(tm) =	ssettm $0x1  }
0x91: {  	s17 =	sld [smem:$0x3FFB];
	_ =	sdelay $0x3  }
0x92: {  	_ =	strace s17  }
0x93: {  	s2 =	sld [smem:$0x3FFC];
	_ =	sdelay $0x3  }
0x94: {  	_ =	strace s2  }
0x95: {  	s2 =	sld [smem:$0x3FFD];
	_ =	sdelay $0x3  }
0x96: {  	_ =	strace s2  }
0x97: {  	_ =	strace $0x8FFFFFFF  }
0x98: {  	s18 =	sld [smem:$0x3FDB];
	_ =	sdelay $0x1  }
0x99: {  	s19 =	simm.s32 $_scs_section_size  }
0x9a: {  	s4 =	simm.s32 $_size__tile_overlayer_lowered;
	s5 =	simm.s32 $_tile_overlayer_lowered  }
0x9b: {  	s22 =	simm.s32 $0x1BFF;
	s21 =	sshll.u32 s5, $0x1;
	s2 =	sadd.s32 s19, s18  }
0x9c: {  	s6 =	simm.s32 $0x0;
	s20 =	sshll.u32 s4, $0x1;
	s4 =	sadd.s32 s21, s2  }
0x9d: {  	[timem:s6], [sflag:s22] =	dma.local [hbm:s4], s20  }
0x9e: {  	_ =	swait.ge [sflag:s22], s20  }
0x9f: {  	s3 =	ssub.s32 $0x0, s20;
	[sflag:s22] =	ssyncset.done $0x0  }
0xa0: {  	[sflag:s22] =	ssyncadd.s32 s3;
	_ =	sdelay $0x1  }
0xa1: {  	s23 =	simm.s32 $0x1B8B  }
0xa2: {  	_ =	swait.ge [sflag:s23], $0x1  }
0xa3: {  	[sflag:s23] =	ssyncset.done $0x0  }
0xa4: {  	s25 =	simm.s32 $0x1B8E;
	s24 =	sld [smem:$0x3FFE];
	[sflag:s23] =	ssyncadd.s32 $0xFFFFFFFF  }
0xa5: {  	s26 =	simm.s32 $execute0_lowered;
	[smem:$0x3FD2] =	sst s25  }
0xa6: {  	s4 =	sshll.u32 s26, $0x1;
	_ =	strace $0x8000005B;
	[dreg:$0x1] =	wrdreg $0xFFFFFFFF  }
0xa7: {  	s28 =	simm.s32 $_size_execute0_lowered;
	s2 =	sadd.s32 s2, s4;
	[dreg:$0x0] =	wrdreg $0x0  }
0xa8: {  	s4 =	sshll.u32 s28, $0x1;
	[dreg:$0x2] =	wrdreg s2  }
0xa9: {  	[dreg:$0x3] =	wrdreg s4  }
0xaa: {  	[dreg:$0x4] =	wrdreg $0xC0  }
0xab: {  	_ =	task [dreg:s6], $0x5FFFF  }
0xac: {  	[dreg:$0x1] =	wrdreg $0xFFFFFFFF  }
0xad: {  	[dreg:$0x0] =	wrdreg $0x60  }
0xae: {  	[dreg:$0x2] =	wrdreg s24  }
0xaf: {  	[dreg:$0x3] =	wrdreg $0xA8000  }
0xb0: {  	[dreg:$0x4] =	wrdreg $0x9  }
0xb1: {  	_ =	task.clear_ibuf [dreg:s6], $0x5FFFF;
	_ =	strace $0x9000005B  }
0xb2: {  	s29 =	simm.s32 $0x9;
	_ =	strace $0x8000005D  }
0xb3: {  	_ =	swait.ge [sflag:s29], $0x1  }
0xb4: {  	[sflag:s29] =	ssyncadd.s32 $0xFFFFFFFF  }
0xb5: {  	_ =	strace $0x9000005D  }
0xb6: {  	_ =	sfence  }
0xb7: {  	s30 =	sld [smem:$0x0];
	_ =	sdelay $0x2  }
0xb8: {  	s31 =	sshll.u32 s1, $0xD;
	s1 =	sshrl.u32 s1, $0x2  }
0xb9: {  	s3 =	sand.u32 $0x4000, s31;
	s1 =	sadd.s32 s1, s30  }
0xba: {  	s0 =	sor.u32 s3, s0;
	s1 =	sshll.u32 s1, $0x11  }
0xbb: {  	s0 =	sor.u32 s1, s0  }
0xbc: {  	s0 =	sadd.s32 $0x8F2B, s0  }
0xbd: {  	[sflag:s0] =	ssyncadd.remote.s32 $0x1  }
0xbe: {  	_ =	sfence.sel $0xFFFF  }
0xbf: {  	[dreg:$0x0] =	wrdreg $0xFFFFFFFF;
	(pc) =	sbr.abs _section_cstart, $3  }
0xc0: {  	[dreg:$0x1] =	wrdreg $0xFFFFFFFF  }
0xc1: {  	_ =	task.clear_ibuf [dreg:s6], $0x2FFFF;
	_ =	strace $0x9FFFFFFF  }
0xc2: {  	(tm) =	ssettm $0x7FFFFFFF  }
0xc3: {  	_ =	shalt  }
tec
execute0_lowered:
.L_overlay_start_1:
0x0: {  	(tag) =	ssettag $0x1  }
0x1: {  	s6 =	rddreg [dreg:$0x0]  }
0x2: {  	s0 =	srdreg.scid;
	s2 =	rddreg [dreg:$0x1]  }
0x3: {  	s3 =	simm.s32 $0x0;
	s14 =	simm.s32 $0x80;
	s15 =	simm.s32 $0x2800  }
0x4: {  	s16 =	simm.s32 $0x6800;
	s17 =	simm.s32 $0x1;
	s18 =	simm.s32 $0x2  }
0x5: {  	s19 =	simm.s32 $0x3;
	s5 =	sand.u32 $0x1, s0;
	s0 =	stileid.u32  }
0x6: {  	s20 =	simm.s32 $0x4;
	s21 =	simm.s32 $0x0;
	s8 =	smul.u32 $0x14000, s0  }
0x7: {  	[smem:$0x7FF] =	sst s3;
	s4 =	sadd.s32 $0x86E00, s6;
	s9 =	smul.u32 $0x140000, s5  }
0x8: {  	s1 =	sshll.u32 s5, $0x4;
	s5 =	ssub.s32 $0x2, s5;
	s30 =	smul.u32 $0x50000, s0  }
0x9: {  	s12 =	sshll.u32 s0, $0x6;
	s1 =	sor.u32 s0, s1;
	s31 =	sshrl.u32 s5, $0x1  }
0xa: {  	s12 =	sor.u32 $0x1C05, s12;
	s7 =	smul.u32 $0x280, s1;
	s1 =	rddreg [dreg:$0x2]  }
0xb: {  	_ =	strace $0x8000005C;
	s10 =	sshrl.u32 s8, $0x3;
	s8 =	sadd.s32 s8, s9  }
0xc: {  	s11 =	ssub.s32 s5, s31;
	s9 =	sshrl.u32 s30, $0x2;
	s8 =	sshrl.u32 s8, $0x3  }
0xd: {  	s10 =	sadd.s32 s10, s6;
	s13 =	sadd.s32 s9, s2;
	s9 =	smax.u32 s11, $0x1  }
0xe: {  	s11 =	simm.s32 $0x1400;
	s7 =	sadd.s32 s7, s6;
	s8 =	sadd.s32 s8, s6  }
0xf: {  	s13 =	sshrl.u32 s13, $0x3;
	s5 =	sadd.s32 $0x54E00, s7;
	s6 =	sadd.s32 $0x59E00, s7  }
0x10: {  	s7 =	sadd.s32 $0x5EE00, s10;
	s8 =	sadd.s32 $0xD5000, s8;
	s10 =	simm.s32 $0x5  }
.LBB2_1:
0x11: {  	[tilespmem:s3], [sflag:$0x5] =	stream.linear.gather [hbm4b:s5+s3], $0x1400, $0x38;
	[tilespmem:$0x1E800] =	vst v63  }
0x12: {  	_ =	swait.ge [sflag:s10], $0x1400  }
0x13: {  	[sflag:s10] =	ssyncset.done $0x0  }
0x14: {  	[sflag:s10] =	ssyncadd.s32 $0xFFFFEC00  }
0x15: {  	[tilespmem:s11], [sflag:$0x5] =	stream.linear.gather [hbm4b:s6+s3], $0x1400, $0x38;
	[tilespmem:$0x1E800] =	vst v63  }
0x16: {  	_ =	swait.ge [sflag:s10], $0x1400  }
0x17: {  	[sflag:s10] =	ssyncset.done $0x0  }
0x18: {  	[sflag:s10] =	ssyncadd.s32 $0xFFFFEC00  }
0x19: {  	[spmem:s13], [sflag:s12] =	dma.local [hbm:s7], $0x2800  }
0x1a: {  	_ =	swait.ge [sflag:s10], $0x2800  }
0x1b: {  	[sflag:s10] =	ssyncset.done $0x0  }
0x1c: {  	[sflag:s10] =	ssyncadd.s32 $0xFFFFD800  }
0x1d: {  	s22 =	simm.s32 $0x0;
	[bflag:$0x0] =	sbarrier.arrive $0xFFFF  }
0x1e: {  	[tilespmem:s15], [sflag:$0x1] =	stream.indirect.gather [hbm4b:s4+s14], $0x80, s22, s14, $0xb8;
	[tilespmem:$0x1E800] =	vst v63  }
0x1f: {  	s29 =	simm.s32 $0x80  }
0x20: {  	[tilespmem:s16], [sflag:$0x2] =	stream.indirect.gather [hbm4b:s4+s14], $0x80, s29, s14, $0xb8;
	[tilespmem:$0x1E800] =	vst v63  }
0x21: {  	_ =	swait.ge [sflag:s17], $0x4000  }
0x22: {  	[sflag:s17] =	ssyncset.done $0x0  }
0x23: {  	s30 =	simm.s32 $0x1400;
	[sflag:s17] =	ssyncadd.s32 $0xFFFFC000  }
0x24: {  	[spmem:s2] =	stream.indirect.scatter.add.f32 [tilespmem:s15], [sflag:$0x3], $0x80, s30, s14, $0xb8;
	[tilespmem:$0x1E800] =	vst v63  }
0x25: {  	_ =	swait.ge [sflag:s18], $0x4000  }
0x26: {  	[sflag:s18] =	ssyncset.done $0x0  }
0x27: {  	s31 =	simm.s32 $0x1480;
	[sflag:s18] =	ssyncadd.s32 $0xFFFFC000  }
0x28: {  	[spmem:s2] =	stream.indirect.scatter.add.f32 [tilespmem:s16], [sflag:$0x4], $0x80, s31, s14, $0xb8;
	[tilespmem:$0x1E800] =	vst v63  }
0x29: {  	_ =	swait.ge [sflag:s19], $0x4000  }
0x2a: {  	[sflag:s19] =	ssyncset.done $0x0  }
0x2b: {  	[sflag:s19] =	ssyncadd.s32 $0xFFFFC000  }
0x2c: {  	_ =	swait.ge [sflag:s20], $0x4000  }
0x2d: {  	s23 =	simm.s32 $0x800;
	s22 =	simm.s32 $0x400;
	[sflag:s20] =	ssyncset.done $0x0  }
.LBB2_2:
0x2e: {  	s24 =	sshra.s32 s22, $0x2  }
0x2f: {  	[sflag:s20] =	ssyncadd.s32 $0xFFFFC000;
	s22 =	smov.u32 s23;
	s25 =	sadd.s32 $0x400, s23  }
0x30: {  	[tilespmem:s15], [sflag:$0x1] =	stream.indirect.gather [hbm4b:s4+s14], $0x80, s24, s14, $0xb8;
	[tilespmem:$0x1E800] =	vst v63  }
0x31: {  	p0 =	sne.s32 s23, $0x4C00;
	s23 =	sadd.s32 $0x80, s24  }
0x32: {  	[tilespmem:s16], [sflag:$0x2] =	stream.indirect.gather [hbm4b:s4+s14], $0x80, s23, s14, $0xb8;
	[tilespmem:$0x1E800] =	vst v63  }
0x33: {  	_ =	swait.ge [sflag:s17], $0x4000  }
0x34: {  	[sflag:s17] =	ssyncset.done $0x0  }
0x35: {  	s23 =	sadd.s32 $0x1400, s24;
	[sflag:s17] =	ssyncadd.s32 $0xFFFFC000  }
0x36: {  	[spmem:s2] =	stream.indirect.scatter.add.f32 [tilespmem:s15], [sflag:$0x3], $0x80, s23, s14, $0xb8;
	[tilespmem:$0x1E800] =	vst v63  }
0x37: {  	_ =	swait.ge [sflag:s18], $0x4000  }
0x38: {  	[sflag:s18] =	ssyncset.done $0x0  }
0x39: {  	s23 =	sadd.s32 $0x1480, s24;
	[sflag:s18] =	ssyncadd.s32 $0xFFFFC000  }
0x3a: {  	[spmem:s2] =	stream.indirect.scatter.add.f32 [tilespmem:s16], [sflag:$0x4], $0x80, s23, s14, $0xb8;
	[tilespmem:$0x1E800] =	vst v63  }
.Ltmp0:
0x3b: {  	_ =	swait.ge [sflag:s19], $0x4000;
	(pc) =	sbr.rel @p0 .LBB2_2-.Ltmp0, $4  }
0x3c: {  	[sflag:s19] =	ssyncset.done $0x0  }
0x3d: {  	[sflag:s19] =	ssyncadd.s32 $0xFFFFC000  }
0x3e: {  	_ =	swait.ge [sflag:s20], $0x4000  }
0x3f: {  	s23 =	smov.u32 s25;
	[sflag:s20] =	ssyncset.done $0x0  }
0x40: {  	s22 =	sshra.s32 s22, $0x2;
	[sflag:s20] =	ssyncadd.s32 $0xFFFFC000  }
0x41: {  	[tilespmem:s15], [sflag:$0x1] =	stream.indirect.gather [hbm4b:s4+s14], $0x80, s22, s14, $0xb8;
	[tilespmem:$0x1E800] =	vst v63  }
0x42: {  	s23 =	sadd.s32 $0x80, s22  }
0x43: {  	[tilespmem:s16], [sflag:$0x2] =	stream.indirect.gather [hbm4b:s4+s14], $0x80, s23, s14, $0xb8;
	[tilespmem:$0x1E800] =	vst v63  }
0x44: {  	_ =	swait.ge [sflag:s17], $0x4000  }
0x45: {  	[sflag:s17] =	ssyncset.done $0x0  }
0x46: {  	s31 =	sadd.s32 $0x1400, s22;
	[sflag:s17] =	ssyncadd.s32 $0xFFFFC000  }
0x47: {  	[spmem:s2] =	stream.indirect.scatter.add.f32 [tilespmem:s15], [sflag:$0x3], $0x80, s31, s14, $0xb8;
	[tilespmem:$0x1E800] =	vst v63  }
0x48: {  	_ =	swait.ge [sflag:s18], $0x4000  }
0x49: {  	[sflag:s18] =	ssyncset.done $0x0  }
0x4a: {  	s22 =	sadd.s32 $0x1480, s22;
	[sflag:s18] =	ssyncadd.s32 $0xFFFFC000  }
0x4b: {  	[spmem:s2] =	stream.indirect.scatter.add.f32 [tilespmem:s16], [sflag:$0x4], $0x80, s22, s14, $0xb8;
	[tilespmem:$0x1E800] =	vst v63  }
0x4c: {  	_ =	swait.ge [sflag:s19], $0x4000  }
0x4d: {  	[sflag:s19] =	ssyncset.done $0x0  }
0x4e: {  	[sflag:s19] =	ssyncadd.s32 $0xFFFFC000  }
0x4f: {  	_ =	swait.ge [sflag:s20], $0x4000  }
0x50: {  	s21 =	sadd.s32 $0x1, s21;
	[sflag:s20] =	ssyncset.done $0x0  }
0x51: {  	p0 =	sne.s32 s21, s9;
	[sflag:s20] =	ssyncadd.s32 $0xFFFFC000  }
.Ltmp1:
0x52: {  	[bflag:$0x0] =	sbarrier.arrive $0xFFFF;
	(pc) =	sbr.rel @p0 .LBB2_1-.Ltmp1, $4  }
0x53: {  	[hbm:s8], [sflag:s12] =	dma.local [spmem:s13], $0x2800  }
0x54: {  	_ =	swait.ge [sflag:s10], $0x2800  }
0x55: {  	[sflag:s10] =	ssyncset.done $0x0  }
0x56: {  	[sflag:s10] =	ssyncadd.s32 $0xFFFFD800  }
0x57: {  	_ =	sfence.sel $0x180000  }
0x58: {  	[bflag:$0x0] =	sbarrier.arrive $0xFFFF  }
0x59: {  	p0 =	sne.s32 s0, $0x0;
	_ =	strace $0x9000005C  }
0x5a: {  	s0 =	sadd.s32 @!p0 $0x100000, s1;
	[bflag:$0x2] =	sbarrier.arrive $0xFFFF  }
0x5b: {  	[sflag:s0] =	ssyncadd.tile.s32 @!p0 $0x1;
	_ =	shalt  }
.Lfunc_end2:
_tile_overlayer_lowered:
.L_overlay_start_2:
0x5c: {  	(tag) =	ssettag $0x2  }
0x5d: {  	s0 =	rddreg [dreg:$0x0];
	s2 =	stileid.u32  }
0x5e: {  	s1 =	rddreg [dreg:$0x1];
	p0 =	sne.s32 s2, $0x0  }
0x5f: {  	s3 =	rddreg [dreg:$0x2];
	[bflag:$0x3] =	sbarrier.arrive $0xFFFF;
	s2 =	simm.s32 @!p0 $0x1C05  }
0x60: {  	[timem:s3], [sflag:s2] =	dma.local @!p0 [hbm:s0], s1  }
0x61: {  	s0 =	simm.s32 @!p0 $0x5  }
0x62: {  	_ =	swait.ge @!p0 [sflag:s0], s1  }
0x63: {  	s1 =	ssub.s32 @!p0 $0x0, s1;
	[sflag:s0] =	ssyncset.done @!p0 $0x0  }
0x64: {  	[sflag:s0] =	ssyncadd.s32 @!p0 s1  }
0x65: {  	[bflag:$0x3] =	sbarrier.arrive $0xFFFF  }
0x66: {  	_ =	shalt  }

</sc_bundles>
